<compile_context>
chip_gen: v7x
topology: tpu7x:2x2x1
jax: 0.10.2.dev20260603
libtpu: 0.0.44.dev20260713+nightly
codegen_flags: <defaults>
</compile_context>

<pallas_src>
import functools

import jax
import jax.numpy as jnp
from jax import lax
from jax.experimental import pallas as pl
from jax.experimental.pallas import tpu as pltpu
from jax.experimental.pallas import tpu_sc as plsc

NC, NS, L = 2, 16, 16
NW = NC * NS
B, H, D = 4096, 200, 64
RPW = B // NW
EPW = RPW * H
CH = 128
NCHUNK = EPW // CH
NBUF = 8
LA = NBUF - 2
ACC_ROWS = NS * RPW
TRASH0 = ACC_ROWS


def _iota16():
    return lax.broadcasted_iota(jnp.int32, (L,), 0)


def _body(ids_hbm, mask_hbm, table_hbm, out_hbm,
          ids_v, mask_v, inv_v, blk_v, acc_sh, *ring):
    gbufs = ring[:NBUF]
    dsts = ring[NBUF:2 * NBUF]
    sem_g = ring[2 * NBUF:3 * NBUF]
    sem_s = ring[3 * NBUF:4 * NBUF]

    c = lax.axis_index("c")
    s = lax.axis_index("s")
    wid = c * NS + s
    ebase = wid * EPW
    row_base = wid * RPW
    slot_base = s * RPW
    trash = TRASH0 + s

    pltpu.sync_copy(ids_hbm.at[pl.ds(ebase, EPW)], ids_v)
    pltpu.sync_copy(mask_hbm.at[pl.ds(ebase, EPW)], mask_v.at[pl.ds(0, EPW)])

    zeros = jnp.zeros((L,), jnp.float32)
    for i in range(L):
        for j in range(D // L):
            blk_v[i, pl.ds(j * L, L)] = zeros

    def zero_body(g, _):
        pltpu.sync_copy(blk_v, acc_sh.at[pl.ds(slot_base + g * L, L)])
        return 0
    lax.fori_loop(0, RPW // L, zero_body, 0)

    def inv_body(r, _):
        cntv = jnp.zeros((L,), jnp.int32)
        for k in range(H // L):
            mb = mask_v[pl.ds(r * H + k * L, L)] > 0
            cntv = cntv + plsc.all_reduce_population_count(mb)
        tail = mask_v[pl.ds(r * H + (H // L) * L, L)] > 0
        tail = jnp.logical_and(tail, _iota16() < (H % L))
        cntv = cntv + plsc.all_reduce_population_count(tail)
        cf = jnp.maximum(cntv.astype(jnp.float32), 1.0)
        inv_v[pl.ds(r * L, L)] = 1.0 / cf
        return 0
    lax.fori_loop(0, RPW, inv_body, 0)

    def gather_desc(g, b):
        return pltpu.make_async_copy(
            table_hbm.at[ids_v.at[pl.ds(g * CH, CH)]], gbufs[b], sem_g[b])

    def scatter_start(b):
        pltpu.async_copy(gbufs[b], acc_sh.at[dsts[b]], sem_s[b], add=True)

    def scatter_wait(b):
        pltpu.make_async_copy(gbufs[b], acc_sh.at[dsts[b]], sem_s[b]).wait()

    for g0 in range(LA):
        gather_desc(g0, g0).start()

    def ring_body(i, _):
        for b in range(NBUF):
            g = i * NBUF + b
            b2 = (b - 2) % NBUF

            @pl.when(g >= 2)
            def _():
                scatter_wait(b2)

            @pl.when(g + LA < NCHUNK)
            def _():
                gather_desc(g + LA, b2).start()

            off = g * CH
            db = dsts[b]
            for j in range(CH // L):
                m = mask_v[pl.ds(off + j * L, L)]
                e = off + j * L + _iota16()
                slot = slot_base + e // H
                db[pl.ds(j * L, L)] = jnp.where(m > 0, slot, trash)
            gather_desc(g, b).wait()
            scatter_start(b)
        return 0
    lax.fori_loop(0, NCHUNK // NBUF, ring_body, 0)

    scatter_wait((NCHUNK - 2) % NBUF)
    scatter_wait((NCHUNK - 1) % NBUF)

    def out_body(gb, _):
        pltpu.sync_copy(acc_sh.at[pl.ds(slot_base + gb * L, L)], blk_v)
        for i in range(L):
            inv = inv_v[pl.ds(gb * (L * L) + i * L, L)]
            for j in range(D // L):
                blk_v[i, pl.ds(j * L, L)] = blk_v[i, pl.ds(j * L, L)] * inv
        pltpu.sync_copy(blk_v, out_hbm.at[pl.ds(row_base + gb * L, L)])
        return 0
    lax.fori_loop(0, RPW // L, out_body, 0)


@jax.jit
def _sc_pool(ids_flat, mask_flat, table):
    mesh = plsc.VectorSubcoreMesh(core_axis_name="c", subcore_axis_name="s")
    f = pl.kernel(
        _body,
        out_type=jax.ShapeDtypeStruct((B, D), jnp.float32),
        mesh=mesh,
        compiler_params=pltpu.CompilerParams(needs_layout_passes=False,
                                             use_tc_tiling_on_sc=False),
        scratch_types=(
            [
                pltpu.VMEM((EPW,), jnp.int32),
                pltpu.VMEM((EPW + L,), jnp.int32),
                pltpu.VMEM((RPW * L,), jnp.float32),
                pltpu.VMEM((L, D), jnp.float32),
                pltpu.VMEM_SHARED((ACC_ROWS + NS, D), jnp.float32),
            ]
            + [pltpu.VMEM((CH, D), jnp.float32)] * NBUF
            + [pltpu.VMEM((CH,), jnp.int32)] * NBUF
            + [pltpu.SemaphoreType.DMA] * (2 * NBUF)
        ),
    )
    return f(ids_flat, mask_flat, table)


def kernel(input_ids, attention_mask, table):
    ids_flat = input_ids.reshape(-1)
    mask_flat = attention_mask.reshape(-1)
    return _sc_pool(ids_flat, mask_flat, table)

# --- scband reference (transcript-rebuilt; emitter-appended) ---
"""Pipeline reference for scband-feature-extractor-44985487459078 (READ-ONLY COPY).

The authoritative reference and input builder live on the scoring server;
editing this copy changes nothing except your own understanding.
"""

import jax, jax.numpy as jnp
import numpy as np

NUM_EMBEDDINGS = 1000000
EMBED_DIM = 64
BATCH = 4096
HIST_LEN = 200


def setup_inputs(seed: int = 0) -> dict:
    key = jax.random.key(seed)
    k1, k2, k3 = jax.random.split(key, 3)
    input_ids = jax.random.randint(k1, (BATCH, HIST_LEN), 0, NUM_EMBEDDINGS, dtype=jnp.int64 if jax.config.jax_enable_x64 else jnp.int32).astype(jnp.int32)
    attention_mask = jax.random.randint(k2, (BATCH, HIST_LEN), 0, 2, dtype=jnp.int32)
    table = jax.random.normal(k3, (NUM_EMBEDDINGS, EMBED_DIM), dtype=jnp.float32)
    return {"input_ids": input_ids, "attention_mask": attention_mask, "table": table}


def reference(input_ids, attention_mask, table):
    # E = self.embed(input_ids)
    E = jnp.take(table, input_ids, axis=0)  # [B, L, D]
    # masked mean-pool over the sequence dimension
    mask = attention_mask[..., None].astype(jnp.float32)  # [B, L, 1]
    summed = (E * mask).sum(axis=1)  # [B, D]
    count = jnp.clip(mask.sum(axis=1), 1.0, None)  # [B, 1], clamp_min(1.0)
    feat = summed / count
    return feat

if __name__ == "__main__":
    import jax
    _d = setup_inputs()
    print(jax.jit(kernel)(*tuple(_d.values())))

</pallas_src>

<mosaic_0001>
#map = affine_map<(d0, d1) -> (0)>
#map1 = affine_map<(d0, d1) -> (0, 0)>
module attributes {stable_mosaic.version = 14 : i64} {
  func.func @_body(%arg0: i32, %arg1: i32, %arg2: memref<819200xi32, #tpu.memory_space<hbm>>, %arg3: memref<819200xi32, #tpu.memory_space<hbm>>, %arg4: memref<1000000x64xf32, #tpu.memory_space<hbm>>, %arg5: memref<4096x64xf32, #tpu.memory_space<hbm>>, %arg6: memref<25600xi32, #tpu.memory_space<vmem>>, %arg7: memref<25616xi32, #tpu.memory_space<vmem>>, %arg8: memref<2048xf32, #tpu.memory_space<vmem>>, %arg9: memref<16x64xf32, #tpu.memory_space<vmem>>, %arg10: memref<2064x64xf32, #tpu.memory_space<vmem_shared>>, %arg11: memref<128x64xf32, #tpu.memory_space<vmem>>, %arg12: memref<128x64xf32, #tpu.memory_space<vmem>>, %arg13: memref<128x64xf32, #tpu.memory_space<vmem>>, %arg14: memref<128x64xf32, #tpu.memory_space<vmem>>, %arg15: memref<128x64xf32, #tpu.memory_space<vmem>>, %arg16: memref<128x64xf32, #tpu.memory_space<vmem>>, %arg17: memref<128x64xf32, #tpu.memory_space<vmem>>, %arg18: memref<128x64xf32, #tpu.memory_space<vmem>>, %arg19: memref<128xi32, #tpu.memory_space<vmem>>, %arg20: memref<128xi32, #tpu.memory_space<vmem>>, %arg21: memref<128xi32, #tpu.memory_space<vmem>>, %arg22: memref<128xi32, #tpu.memory_space<vmem>>, %arg23: memref<128xi32, #tpu.memory_space<vmem>>, %arg24: memref<128xi32, #tpu.memory_space<vmem>>, %arg25: memref<128xi32, #tpu.memory_space<vmem>>, %arg26: memref<128xi32, #tpu.memory_space<vmem>>, %arg27: memref<!tpu.dma_semaphore, #tpu.memory_space<semaphore_mem>>, %arg28: memref<!tpu.dma_semaphore, #tpu.memory_space<semaphore_mem>>, %arg29: memref<!tpu.dma_semaphore, #tpu.memory_space<semaphore_mem>>, %arg30: memref<!tpu.dma_semaphore, #tpu.memory_space<semaphore_mem>>, %arg31: memref<!tpu.dma_semaphore, #tpu.memory_space<semaphore_mem>>, %arg32: memref<!tpu.dma_semaphore, #tpu.memory_space<semaphore_mem>>, %arg33: memref<!tpu.dma_semaphore, #tpu.memory_space<semaphore_mem>>, %arg34: memref<!tpu.dma_semaphore, #tpu.memory_space<semaphore_mem>>, %arg35: memref<!tpu.dma_semaphore, #tpu.memory_space<semaphore_mem>>, %arg36: memref<!tpu.dma_semaphore, #tpu.memory_space<semaphore_mem>>, %arg37: memref<!tpu.dma_semaphore, #tpu.memory_space<semaphore_mem>>, %arg38: memref<!tpu.dma_semaphore, #tpu.memory_space<semaphore_mem>>, %arg39: memref<!tpu.dma_semaphore, #tpu.memory_space<semaphore_mem>>, %arg40: memref<!tpu.dma_semaphore, #tpu.memory_space<semaphore_mem>>, %arg41: memref<!tpu.dma_semaphore, #tpu.memory_space<semaphore_mem>>, %arg42: memref<!tpu.dma_semaphore, #tpu.memory_space<semaphore_mem>>) attributes {dimension_semantics = [#tpu.dimension_semantics<core_parallel>, #tpu.dimension_semantics<subcore_parallel>], iteration_bounds = array<i64: 2, 16>, scalar_prefetch = 0 : i64, scratch_operands = 37 : i64, tpu.core_type = #tpu.core_type<sc_vector_subcore>, window_params = [{transform_indices = #map}, {transform_indices = #map}, {transform_indices = #map1}, {transform_indices = #map1}]} {
    %mul3A = arith.constant 16 : i32
    %mul3A_0 = arith.muli %arg0, %mul3A : i32
    %add3A = arith.addi %mul3A_0, %arg1 : i32
    %mul3A_1 = arith.constant 25600 : i32
    %mul3A_2 = arith.muli %add3A, %mul3A_1 : i32
    %mul3A_3 = arith.constant 128 : i32
    %mul3A_4 = arith.muli %add3A, %mul3A_3 : i32
    %mul3A_5 = arith.constant 128 : i32
    %mul3A_6 = arith.muli %arg1, %mul3A_5 : i32
    %add3A_7 = arith.constant 2048 : i32
    %add3A_8 = arith.addi %add3A_7, %arg1 : i32
    "tpu.region"() ({
      %run_scoped3A = tpu.sem_alloc : memref<!tpu.dma_semaphore, #tpu.memory_space<semaphore_mem>>
      %dma_start3A_326 = tpu.memref_slice %arg2[%mul3A_2] : memref<819200xi32, #tpu.memory_space<hbm>> -> memref<25600xi32, #tpu.memory_space<hbm>>
      %dma_start3A_327 = tpu.memref_slice %arg2[%mul3A_2] : memref<819200xi32, #tpu.memory_space<hbm>> -> memref<25600xi32, #tpu.memory_space<hbm>>
      tpu.enqueue_dma source(%dma_start3A_327 : memref<25600xi32, #tpu.memory_space<hbm>>) target(%arg6 : memref<25600xi32, #tpu.memory_space<vmem>>) target_semaphore(%run_scoped3A : memref<!tpu.dma_semaphore, #tpu.memory_space<semaphore_mem>>)
      %dma_wait3A_328 = tpu.memref_slice %arg2[%mul3A_2] : memref<819200xi32, #tpu.memory_space<hbm>> -> memref<25600xi32, #tpu.memory_space<hbm>>
      %dma_wait3A_329 = tpu.memref_slice %arg2[%mul3A_2] : memref<819200xi32, #tpu.memory_space<hbm>> -> memref<25600xi32, #tpu.memory_space<hbm>>
      tpu.wait_dma2 semaphore(%run_scoped3A : memref<!tpu.dma_semaphore, #tpu.memory_space<semaphore_mem>>) src(%dma_wait3A_329 : memref<25600xi32, #tpu.memory_space<hbm>>) dst(%arg6 : memref<25600xi32, #tpu.memory_space<vmem>>)
      tpu.yield
    }) : () -> ()
    "tpu.region"() ({
      %run_scoped3A = tpu.sem_alloc : memref<!tpu.dma_semaphore, #tpu.memory_space<semaphore_mem>>
      %dma_start3A_326 = arith.constant 0 : i32
      %dma_start3A_327 = tpu.memref_slice %arg7[%dma_start3A_326] : memref<25616xi32, #tpu.memory_space<vmem>> -> memref<25600xi32, #tpu.memory_space<vmem>>
      %dma_start3A_328 = tpu.memref_slice %arg3[%mul3A_2] : memref<819200xi32, #tpu.memory_space<hbm>> -> memref<25600xi32, #tpu.memory_space<hbm>>
      %dma_start3A_329 = arith.constant 0 : i32
      %dma_start3A_330 = tpu.memref_slice %arg7[%dma_start3A_329] : memref<25616xi32, #tpu.memory_space<vmem>> -> memref<25600xi32, #tpu.memory_space<vmem>>
      %dma_start3A_331 = tpu.memref_slice %arg3[%mul3A_2] : memref<819200xi32, #tpu.memory_space<hbm>> -> memref<25600xi32, #tpu.memory_space<hbm>>
      tpu.enqueue_dma source(%dma_start3A_331 : memref<25600xi32, #tpu.memory_space<hbm>>) target(%dma_start3A_330 : memref<25600xi32, #tpu.memory_space<vmem>>) target_semaphore(%run_scoped3A : memref<!tpu.dma_semaphore, #tpu.memory_space<semaphore_mem>>)
      %dma_wait3A_332 = arith.constant 0 : i32
      %dma_wait3A_333 = tpu.memref_slice %arg7[%dma_wait3A_332] : memref<25616xi32, #tpu.memory_space<vmem>> -> memref<25600xi32, #tpu.memory_space<vmem>>
      %dma_wait3A_334 = tpu.memref_slice %arg3[%mul3A_2] : memref<819200xi32, #tpu.memory_space<hbm>> -> memref<25600xi32, #tpu.memory_space<hbm>>
      %dma_wait3A_335 = arith.constant 0 : i32
      %dma_wait3A_336 = tpu.memref_slice %arg7[%dma_wait3A_335] : memref<25616xi32, #tpu.memory_space<vmem>> -> memref<25600xi32, #tpu.memory_space<vmem>>
      %dma_wait3A_337 = tpu.memref_slice %arg3[%mul3A_2] : memref<819200xi32, #tpu.memory_space<hbm>> -> memref<25600xi32, #tpu.memory_space<hbm>>
      tpu.wait_dma2 semaphore(%run_scoped3A : memref<!tpu.dma_semaphore, #tpu.memory_space<semaphore_mem>>) src(%dma_wait3A_337 : memref<25600xi32, #tpu.memory_space<hbm>>) dst(%dma_wait3A_336 : memref<25600xi32, #tpu.memory_space<vmem>>)
      tpu.yield
    }) : () -> ()
    %broadcast_in_dim3A = arith.constant 0.000000e+00 : f32
    %broadcast_in_dim3A_9 = vector.broadcast %broadcast_in_dim3A : f32 to vector<16xf32>
    %swap3A = arith.constant 0 : i32
    %swap3A_10 = arith.index_cast %swap3A : i32 to index
    %swap3A_11 = arith.constant 0 : index
    %swap3A_12 = tpu.vector_load %arg9[%swap3A_10, %swap3A_11] {strides = array<i32>} : memref<16x64xf32, #tpu.memory_space<vmem>>, vector<16xf32>,
    tpu.vector_store %arg9[%swap3A_10, %swap3A_11], %broadcast_in_dim3A_9 {strides = array<i32>} : memref<16x64xf32, #tpu.memory_space<vmem>>, vector<16xf32>,
    %swap3A_13 = arith.constant 0 : i32
    %swap3A_14 = arith.index_cast %swap3A_13 : i32 to index
    %swap3A_15 = arith.constant 16 : index
    %swap3A_16 = tpu.vector_load %arg9[%swap3A_14, %swap3A_15] {strides = array<i32>} : memref<16x64xf32, #tpu.memory_space<vmem>>, vector<16xf32>,
    tpu.vector_store %arg9[%swap3A_14, %swap3A_15], %broadcast_in_dim3A_9 {strides = array<i32>} : memref<16x64xf32, #tpu.memory_space<vmem>>, vector<16xf32>,
    %swap3A_17 = arith.constant 0 : i32
    %swap3A_18 = arith.index_cast %swap3A_17 : i32 to index
    %swap3A_19 = arith.constant 32 : index
    %swap3A_20 = tpu.vector_load %arg9[%swap3A_18, %swap3A_19] {strides = array<i32>} : memref<16x64xf32, #tpu.memory_space<vmem>>, vector<16xf32>,
    tpu.vector_store %arg9[%swap3A_18, %swap3A_19], %broadcast_in_dim3A_9 {strides = array<i32>} : memref<16x64xf32, #tpu.memory_space<vmem>>, vector<16xf32>,
    %swap3A_21 = arith.constant 0 : i32
    %swap3A_22 = arith.index_cast %swap3A_21 : i32 to index
    %swap3A_23 = arith.constant 48 : index
    %swap3A_24 = tpu.vector_load %arg9[%swap3A_22, %swap3A_23] {strides = array<i32>} : memref<16x64xf32, #tpu.memory_space<vmem>>, vector<16xf32>,
    tpu.vector_store %arg9[%swap3A_22, %swap3A_23], %broadcast_in_dim3A_9 {strides = array<i32>} : memref<16x64xf32, #tpu.memory_space<vmem>>, vector<16xf32>,
    %swap3A_25 = arith.constant 1 : i32
    %swap3A_26 = arith.index_cast %swap3A_25 : i32 to index
    %swap3A_27 = arith.constant 0 : index
    %swap3A_28 = tpu.vector_load %arg9[%swap3A_26, %swap3A_27] {strides = array<i32>} : memref<16x64xf32, #tpu.memory_space<vmem>>, vector<16xf32>,
    tpu.vector_store %arg9[%swap3A_26, %swap3A_27], %broadcast_in_dim3A_9 {strides = array<i32>} : memref<16x64xf32, #tpu.memory_space<vmem>>, vector<16xf32>,
    %swap3A_29 = arith.constant 1 : i32
    %swap3A_30 = arith.index_cast %swap3A_29 : i32 to index
    %swap3A_31 = arith.constant 16 : index
    %swap3A_32 = tpu.vector_load %arg9[%swap3A_30, %swap3A_31] {strides = array<i32>} : memref<16x64xf32, #tpu.memory_space<vmem>>, vector<16xf32>,
    tpu.vector_store %arg9[%swap3A_30, %swap3A_31], %broadcast_in_dim3A_9 {strides = array<i32>} : memref<16x64xf32, #tpu.memory_space<vmem>>, vector<16xf32>,
    %swap3A_33 = arith.constant 1 : i32
    %swap3A_34 = arith.index_cast %swap3A_33 : i32 to index
    %swap3A_35 = arith.constant 32 : index
    %swap3A_36 = tpu.vector_load %arg9[%swap3A_34, %swap3A_35] {strides = array<i32>} : memref<16x64xf32, #tpu.memory_space<vmem>>, vector<16xf32>,
    tpu.vector_store %arg9[%swap3A_34, %swap3A_35], %broadcast_in_dim3A_9 {strides = array<i32>} : memref<16x64xf32, #tpu.memory_space<vmem>>, vector<16xf32>,
    %swap3A_37 = arith.constant 1 : i32
    %swap3A_38 = arith.index_cast %swap3A_37 : i32 to index
    %swap3A_39 = arith.constant 48 : index
    %swap3A_40 = tpu.vector_load %arg9[%swap3A_38, %swap3A_39] {strides = array<i32>} : memref<16x64xf32, #tpu.memory_space<vmem>>, vector<16xf32>,
    tpu.vector_store %arg9[%swap3A_38, %swap3A_39], %broadcast_in_dim3A_9 {strides = array<i32>} : memref<16x64xf32, #tpu.memory_space<vmem>>, vector<16xf32>,
    %swap3A_41 = arith.constant 2 : i32
    %swap3A_42 = arith.index_cast %swap3A_41 : i32 to index
    %swap3A_43 = arith.constant 0 : index
    %swap3A_44 = tpu.vector_load %arg9[%swap3A_42, %swap3A_43] {strides = array<i32>} : memref<16x64xf32, #tpu.memory_space<vmem>>, vector<16xf32>,
    tpu.vector_store %arg9[%swap3A_42, %swap3A_43], %broadcast_in_dim3A_9 {strides = array<i32>} : memref<16x64xf32, #tpu.memory_space<vmem>>, vector<16xf32>,
    %swap3A_45 = arith.constant 2 : i32
    %swap3A_46 = arith.index_cast %swap3A_45 : i32 to index
    %swap3A_47 = arith.constant 16 : index
    %swap3A_48 = tpu.vector_load %arg9[%swap3A_46, %swap3A_47] {strides = array<i32>} : memref<16x64xf32, #tpu.memory_space<vmem>>, vector<16xf32>,
    tpu.vector_store %arg9[%swap3A_46, %swap3A_47], %broadcast_in_dim3A_9 {strides = array<i32>} : memref<16x64xf32, #tpu.memory_space<vmem>>, vector<16xf32>,
    %swap3A_49 = arith.constant 2 : i32
    %swap3A_50 = arith.index_cast %swap3A_49 : i32 to index
    %swap3A_51 = arith.constant 32 : index
    %swap3A_52 = tpu.vector_load %arg9[%swap3A_50, %swap3A_51] {strides = array<i32>} : memref<16x64xf32, #tpu.memory_space<vmem>>, vector<16xf32>,
    tpu.vector_store %arg9[%swap3A_50, %swap3A_51], %broadcast_in_dim3A_9 {strides = array<i32>} : memref<16x64xf32, #tpu.memory_space<vmem>>, vector<16xf32>,
    %swap3A_53 = arith.constant 2 : i32
    %swap3A_54 = arith.index_cast %swap3A_53 : i32 to index
    %swap3A_55 = arith.constant 48 : index
    %swap3A_56 = tpu.vector_load %arg9[%swap3A_54, %swap3A_55] {strides = array<i32>} : memref<16x64xf32, #tpu.memory_space<vmem>>, vector<16xf32>,
    tpu.vector_store %arg9[%swap3A_54, %swap3A_55], %broadcast_in_dim3A_9 {strides = array<i32>} : memref<16x64xf32, #tpu.memory_space<vmem>>, vector<16xf32>,
    %swap3A_57 = arith.constant 3 : i32
    %swap3A_58 = arith.index_cast %swap3A_57 : i32 to index
    %swap3A_59 = arith.constant 0 : index
    %swap3A_60 = tpu.vector_load %arg9[%swap3A_58, %swap3A_59] {strides = array<i32>} : memref<16x64xf32, #tpu.memory_space<vmem>>, vector<16xf32>,
    tpu.vector_store %arg9[%swap3A_58, %swap3A_59], %broadcast_in_dim3A_9 {strides = array<i32>} : memref<16x64xf32, #tpu.memory_space<vmem>>, vector<16xf32>,
    %swap3A_61 = arith.constant 3 : i32
    %swap3A_62 = arith.index_cast %swap3A_61 : i32 to index
    %swap3A_63 = arith.constant 16 : index
    %swap3A_64 = tpu.vector_load %arg9[%swap3A_62, %swap3A_63] {strides = array<i32>} : memref<16x64xf32, #tpu.memory_space<vmem>>, vector<16xf32>,
    tpu.vector_store %arg9[%swap3A_62, %swap3A_63], %broadcast_in_dim3A_9 {strides = array<i32>} : memref<16x64xf32, #tpu.memory_space<vmem>>, vector<16xf32>,
    %swap3A_65 = arith.constant 3 : i32
    %swap3A_66 = arith.index_cast %swap3A_65 : i32 to index
    %swap3A_67 = arith.constant 32 : index
    %swap3A_68 = tpu.vector_load %arg9[%swap3A_66, %swap3A_67] {strides = array<i32>} : memref<16x64xf32, #tpu.memory_space<vmem>>, vector<16xf32>,
    tpu.vector_store %arg9[%swap3A_66, %swap3A_67], %broadcast_in_dim3A_9 {strides = array<i32>} : memref<16x64xf32, #tpu.memory_space<vmem>>, vector<16xf32>,
    %swap3A_69 = arith.constant 3 : i32
    %swap3A_70 = arith.index_cast %swap3A_69 : i32 to index
    %swap3A_71 = arith.constant 48 : index
    %swap3A_72 = tpu.vector_load %arg9[%swap3A_70, %swap3A_71] {strides = array<i32>} : memref<16x64xf32, #tpu.memory_space<vmem>>, vector<16xf32>,
    tpu.vector_store %arg9[%swap3A_70, %swap3A_71], %broadcast_in_dim3A_9 {strides = array<i32>} : memref<16x64xf32, #tpu.memory_space<vmem>>, vector<16xf32>,
    %swap3A_73 = arith.constant 4 : i32
    %swap3A_74 = arith.index_cast %swap3A_73 : i32 to index
    %swap3A_75 = arith.constant 0 : index
    %swap3A_76 = tpu.vector_load %arg9[%swap3A_74, %swap3A_75] {strides = array<i32>} : memref<16x64xf32, #tpu.memory_space<vmem>>, vector<16xf32>,
    tpu.vector_store %arg9[%swap3A_74, %swap3A_75], %broadcast_in_dim3A_9 {strides = array<i32>} : memref<16x64xf32, #tpu.memory_space<vmem>>, vector<16xf32>,
    %swap3A_77 = arith.constant 4 : i32
    %swap3A_78 = arith.index_cast %swap3A_77 : i32 to index
    %swap3A_79 = arith.constant 16 : index
    %swap3A_80 = tpu.vector_load %arg9[%swap3A_78, %swap3A_79] {strides = array<i32>} : memref<16x64xf32, #tpu.memory_space<vmem>>, vector<16xf32>,
    tpu.vector_store %arg9[%swap3A_78, %swap3A_79], %broadcast_in_dim3A_9 {strides = array<i32>} : memref<16x64xf32, #tpu.memory_space<vmem>>, vector<16xf32>,
    %swap3A_81 = arith.constant 4 : i32
    %swap3A_82 = arith.index_cast %swap3A_81 : i32 to index
    %swap3A_83 = arith.constant 32 : index
    %swap3A_84 = tpu.vector_load %arg9[%swap3A_82, %swap3A_83] {strides = array<i32>} : memref<16x64xf32, #tpu.memory_space<vmem>>, vector<16xf32>,
    tpu.vector_store %arg9[%swap3A_82, %swap3A_83], %broadcast_in_dim3A_9 {strides = array<i32>} : memref<16x64xf32, #tpu.memory_space<vmem>>, vector<16xf32>,
    %swap3A_85 = arith.constant 4 : i32
    %swap3A_86 = arith.index_cast %swap3A_85 : i32 to index
    %swap3A_87 = arith.constant 48 : index
    %swap3A_88 = tpu.vector_load %arg9[%swap3A_86, %swap3A_87] {strides = array<i32>} : memref<16x64xf32, #tpu.memory_space<vmem>>, vector<16xf32>,
    tpu.vector_store %arg9[%swap3A_86, %swap3A_87], %broadcast_in_dim3A_9 {strides = array<i32>} : memref<16x64xf32, #tpu.memory_space<vmem>>, vector<16xf32>,
    %swap3A_89 = arith.constant 5 : i32
    %swap3A_90 = arith.index_cast %swap3A_89 : i32 to index
    %swap3A_91 = arith.constant 0 : index
    %swap3A_92 = tpu.vector_load %arg9[%swap3A_90, %swap3A_91] {strides = array<i32>} : memref<16x64xf32, #tpu.memory_space<vmem>>, vector<16xf32>,
    tpu.vector_store %arg9[%swap3A_90, %swap3A_91], %broadcast_in_dim3A_9 {strides = array<i32>} : memref<16x64xf32, #tpu.memory_space<vmem>>, vector<16xf32>,
    %swap3A_93 = arith.constant 5 : i32
    %swap3A_94 = arith.index_cast %swap3A_93 : i32 to index
    %swap3A_95 = arith.constant 16 : index
    %swap3A_96 = tpu.vector_load %arg9[%swap3A_94, %swap3A_95] {strides = array<i32>} : memref<16x64xf32, #tpu.memory_space<vmem>>, vector<16xf32>,
    tpu.vector_store %arg9[%swap3A_94, %swap3A_95], %broadcast_in_dim3A_9 {strides = array<i32>} : memref<16x64xf32, #tpu.memory_space<vmem>>, vector<16xf32>,
    %swap3A_97 = arith.constant 5 : i32
    %swap3A_98 = arith.index_cast %swap3A_97 : i32 to index
    %swap3A_99 = arith.constant 32 : index
    %swap3A_100 = tpu.vector_load %arg9[%swap3A_98, %swap3A_99] {strides = array<i32>} : memref<16x64xf32, #tpu.memory_space<vmem>>, vector<16xf32>,
    tpu.vector_store %arg9[%swap3A_98, %swap3A_99], %broadcast_in_dim3A_9 {strides = array<i32>} : memref<16x64xf32, #tpu.memory_space<vmem>>, vector<16xf32>,
    %swap3A_101 = arith.constant 5 : i32
    %swap3A_102 = arith.index_cast %swap3A_101 : i32 to index
    %swap3A_103 = arith.constant 48 : index
    %swap3A_104 = tpu.vector_load %arg9[%swap3A_102, %swap3A_103] {strides = array<i32>} : memref<16x64xf32, #tpu.memory_space<vmem>>, vector<16xf32>,
    tpu.vector_store %arg9[%swap3A_102, %swap3A_103], %broadcast_in_dim3A_9 {strides = array<i32>} : memref<16x64xf32, #tpu.memory_space<vmem>>, vector<16xf32>,
    %swap3A_105 = arith.constant 6 : i32
    %swap3A_106 = arith.index_cast %swap3A_105 : i32 to index
    %swap3A_107 = arith.constant 0 : index
    %swap3A_108 = tpu.vector_load %arg9[%swap3A_106, %swap3A_107] {strides = array<i32>} : memref<16x64xf32, #tpu.memory_space<vmem>>, vector<16xf32>,
    tpu.vector_store %arg9[%swap3A_106, %swap3A_107], %broadcast_in_dim3A_9 {strides = array<i32>} : memref<16x64xf32, #tpu.memory_space<vmem>>, vector<16xf32>,
    %swap3A_109 = arith.constant 6 : i32
    %swap3A_110 = arith.index_cast %swap3A_109 : i32 to index
    %swap3A_111 = arith.constant 16 : index
    %swap3A_112 = tpu.vector_load %arg9[%swap3A_110, %swap3A_111] {strides = array<i32>} : memref<16x64xf32, #tpu.memory_space<vmem>>, vector<16xf32>,
    tpu.vector_store %arg9[%swap3A_110, %swap3A_111], %broadcast_in_dim3A_9 {strides = array<i32>} : memref<16x64xf32, #tpu.memory_space<vmem>>, vector<16xf32>,
    %swap3A_113 = arith.constant 6 : i32
    %swap3A_114 = arith.index_cast %swap3A_113 : i32 to index
    %swap3A_115 = arith.constant 32 : index
    %swap3A_116 = tpu.vector_load %arg9[%swap3A_114, %swap3A_115] {strides = array<i32>} : memref<16x64xf32, #tpu.memory_space<vmem>>, vector<16xf32>,
    tpu.vector_store %arg9[%swap3A_114, %swap3A_115], %broadcast_in_dim3A_9 {strides = array<i32>} : memref<16x64xf32, #tpu.memory_space<vmem>>, vector<16xf32>,
    %swap3A_117 = arith.constant 6 : i32
    %swap3A_118 = arith.index_cast %swap3A_117 : i32 to index
    %swap3A_119 = arith.constant 48 : index
    %swap3A_120 = tpu.vector_load %arg9[%swap3A_118, %swap3A_119] {strides = array<i32>} : memref<16x64xf32, #tpu.memory_space<vmem>>, vector<16xf32>,
    tpu.vector_store %arg9[%swap3A_118, %swap3A_119], %broadcast_in_dim3A_9 {strides = array<i32>} : memref<16x64xf32, #tpu.memory_space<vmem>>, vector<16xf32>,
    %swap3A_121 = arith.constant 7 : i32
    %swap3A_122 = arith.index_cast %swap3A_121 : i32 to index
    %swap3A_123 = arith.constant 0 : index
    %swap3A_124 = tpu.vector_load %arg9[%swap3A_122, %swap3A_123] {strides = array<i32>} : memref<16x64xf32, #tpu.memory_space<vmem>>, vector<16xf32>,
    tpu.vector_store %arg9[%swap3A_122, %swap3A_123], %broadcast_in_dim3A_9 {strides = array<i32>} : memref<16x64xf32, #tpu.memory_space<vmem>>, vector<16xf32>,
    %swap3A_125 = arith.constant 7 : i32
    %swap3A_126 = arith.index_cast %swap3A_125 : i32 to index
    %swap3A_127 = arith.constant 16 : index
    %swap3A_128 = tpu.vector_load %arg9[%swap3A_126, %swap3A_127] {strides = array<i32>} : memref<16x64xf32, #tpu.memory_space<vmem>>, vector<16xf32>,
    tpu.vector_store %arg9[%swap3A_126, %swap3A_127], %broadcast_in_dim3A_9 {strides = array<i32>} : memref<16x64xf32, #tpu.memory_space<vmem>>, vector<16xf32>,
    %swap3A_129 = arith.constant 7 : i32
    %swap3A_130 = arith.index_cast %swap3A_129 : i32 to index
    %swap3A_131 = arith.constant 32 : index
    %swap3A_132 = tpu.vector_load %arg9[%swap3A_130, %swap3A_131] {strides = array<i32>} : memref<16x64xf32, #tpu.memory_space<vmem>>, vector<16xf32>,
    tpu.vector_store %arg9[%swap3A_130, %swap3A_131], %broadcast_in_dim3A_9 {strides = array<i32>} : memref<16x64xf32, #tpu.memory_space<vmem>>, vector<16xf32>,
    %swap3A_133 = arith.constant 7 : i32
    %swap3A_134 = arith.index_cast %swap3A_133 : i32 to index
    %swap3A_135 = arith.constant 48 : index
    %swap3A_136 = tpu.vector_load %arg9[%swap3A_134, %swap3A_135] {strides = array<i32>} : memref<16x64xf32, #tpu.memory_space<vmem>>, vector<16xf32>,
    tpu.vector_store %arg9[%swap3A_134, %swap3A_135], %broadcast_in_dim3A_9 {strides = array<i32>} : memref<16x64xf32, #tpu.memory_space<vmem>>, vector<16xf32>,
    %swap3A_137 = arith.constant 8 : i32
    %swap3A_138 = arith.index_cast %swap3A_137 : i32 to index
    %swap3A_139 = arith.constant 0 : index
    %swap3A_140 = tpu.vector_load %arg9[%swap3A_138, %swap3A_139] {strides = array<i32>} : memref<16x64xf32, #tpu.memory_space<vmem>>, vector<16xf32>,
    tpu.vector_store %arg9[%swap3A_138, %swap3A_139], %broadcast_in_dim3A_9 {strides = array<i32>} : memref<16x64xf32, #tpu.memory_space<vmem>>, vector<16xf32>,
    %swap3A_141 = arith.constant 8 : i32
    %swap3A_142 = arith.index_cast %swap3A_141 : i32 to index
    %swap3A_143 = arith.constant 16 : index
    %swap3A_144 = tpu.vector_load %arg9[%swap3A_142, %swap3A_143] {strides = array<i32>} : memref<16x64xf32, #tpu.memory_space<vmem>>, vector<16xf32>,
    tpu.vector_store %arg9[%swap3A_142, %swap3A_143], %broadcast_in_dim3A_9 {strides = array<i32>} : memref<16x64xf32, #tpu.memory_space<vmem>>, vector<16xf32>,
    %swap3A_145 = arith.constant 8 : i32
    %swap3A_146 = arith.index_cast %swap3A_145 : i32 to index
    %swap3A_147 = arith.constant 32 : index
    %swap3A_148 = tpu.vector_load %arg9[%swap3A_146, %swap3A_147] {strides = array<i32>} : memref<16x64xf32, #tpu.memory_space<vmem>>, vector<16xf32>,
    tpu.vector_store %arg9[%swap3A_146, %swap3A_147], %broadcast_in_dim3A_9 {strides = array<i32>} : memref<16x64xf32, #tpu.memory_space<vmem>>, vector<16xf32>,
    %swap3A_149 = arith.constant 8 : i32
    %swap3A_150 = arith.index_cast %swap3A_149 : i32 to index
    %swap3A_151 = arith.constant 48 : index
    %swap3A_152 = tpu.vector_load %arg9[%swap3A_150, %swap3A_151] {strides = array<i32>} : memref<16x64xf32, #tpu.memory_space<vmem>>, vector<16xf32>,
    tpu.vector_store %arg9[%swap3A_150, %swap3A_151], %broadcast_in_dim3A_9 {strides = array<i32>} : memref<16x64xf32, #tpu.memory_space<vmem>>, vector<16xf32>,
    %swap3A_153 = arith.constant 9 : i32
    %swap3A_154 = arith.index_cast %swap3A_153 : i32 to index
    %swap3A_155 = arith.constant 0 : index
    %swap3A_156 = tpu.vector_load %arg9[%swap3A_154, %swap3A_155] {strides = array<i32>} : memref<16x64xf32, #tpu.memory_space<vmem>>, vector<16xf32>,
    tpu.vector_store %arg9[%swap3A_154, %swap3A_155], %broadcast_in_dim3A_9 {strides = array<i32>} : memref<16x64xf32, #tpu.memory_space<vmem>>, vector<16xf32>,
    %swap3A_157 = arith.constant 9 : i32
    %swap3A_158 = arith.index_cast %swap3A_157 : i32 to index
    %swap3A_159 = arith.constant 16 : index
    %swap3A_160 = tpu.vector_load %arg9[%swap3A_158, %swap3A_159] {strides = array<i32>} : memref<16x64xf32, #tpu.memory_space<vmem>>, vector<16xf32>,
    tpu.vector_store %arg9[%swap3A_158, %swap3A_159], %broadcast_in_dim3A_9 {strides = array<i32>} : memref<16x64xf32, #tpu.memory_space<vmem>>, vector<16xf32>,
    %swap3A_161 = arith.constant 9 : i32
    %swap3A_162 = arith.index_cast %swap3A_161 : i32 to index
    %swap3A_163 = arith.constant 32 : index
    %swap3A_164 = tpu.vector_load %arg9[%swap3A_162, %swap3A_163] {strides = array<i32>} : memref<16x64xf32, #tpu.memory_space<vmem>>, vector<16xf32>,
    tpu.vector_store %arg9[%swap3A_162, %swap3A_163], %broadcast_in_dim3A_9 {strides = array<i32>} : memref<16x64xf32, #tpu.memory_space<vmem>>, vector<16xf32>,
    %swap3A_165 = arith.constant 9 : i32
    %swap3A_166 = arith.index_cast %swap3A_165 : i32 to index
    %swap3A_167 = arith.constant 48 : index
    %swap3A_168 = tpu.vector_load %arg9[%swap3A_166, %swap3A_167] {strides = array<i32>} : memref<16x64xf32, #tpu.memory_space<vmem>>, vector<16xf32>,
    tpu.vector_store %arg9[%swap3A_166, %swap3A_167], %broadcast_in_dim3A_9 {strides = array<i32>} : memref<16x64xf32, #tpu.memory_space<vmem>>, vector<16xf32>,
    %swap3A_169 = arith.constant 10 : i32
    %swap3A_170 = arith.index_cast %swap3A_169 : i32 to index
    %swap3A_171 = arith.constant 0 : index
    %swap3A_172 = tpu.vector_load %arg9[%swap3A_170, %swap3A_171] {strides = array<i32>} : memref<16x64xf32, #tpu.memory_space<vmem>>, vector<16xf32>,
    tpu.vector_store %arg9[%swap3A_170, %swap3A_171], %broadcast_in_dim3A_9 {strides = array<i32>} : memref<16x64xf32, #tpu.memory_space<vmem>>, vector<16xf32>,
    %swap3A_173 = arith.constant 10 : i32
    %swap3A_174 = arith.index_cast %swap3A_173 : i32 to index
    %swap3A_175 = arith.constant 16 : index
    %swap3A_176 = tpu.vector_load %arg9[%swap3A_174, %swap3A_175] {strides = array<i32>} : memref<16x64xf32, #tpu.memory_space<vmem>>, vector<16xf32>,
    tpu.vector_store %arg9[%swap3A_174, %swap3A_175], %broadcast_in_dim3A_9 {strides = array<i32>} : memref<16x64xf32, #tpu.memory_space<vmem>>, vector<16xf32>,
    %swap3A_177 = arith.constant 10 : i32
    %swap3A_178 = arith.index_cast %swap3A_177 : i32 to index
    %swap3A_179 = arith.constant 32 : index
    %swap3A_180 = tpu.vector_load %arg9[%swap3A_178, %swap3A_179] {strides = array<i32>} : memref<16x64xf32, #tpu.memory_space<vmem>>, vector<16xf32>,
    tpu.vector_store %arg9[%swap3A_178, %swap3A_179], %broadcast_in_dim3A_9 {strides = array<i32>} : memref<16x64xf32, #tpu.memory_space<vmem>>, vector<16xf32>,
    %swap3A_181 = arith.constant 10 : i32
    %swap3A_182 = arith.index_cast %swap3A_181 : i32 to index
    %swap3A_183 = arith.constant 48 : index
    %swap3A_184 = tpu.vector_load %arg9[%swap3A_182, %swap3A_183] {strides = array<i32>} : memref<16x64xf32, #tpu.memory_space<vmem>>, vector<16xf32>,
    tpu.vector_store %arg9[%swap3A_182, %swap3A_183], %broadcast_in_dim3A_9 {strides = array<i32>} : memref<16x64xf32, #tpu.memory_space<vmem>>, vector<16xf32>,
    %swap3A_185 = arith.constant 11 : i32
    %swap3A_186 = arith.index_cast %swap3A_185 : i32 to index
    %swap3A_187 = arith.constant 0 : index
    %swap3A_188 = tpu.vector_load %arg9[%swap3A_186, %swap3A_187] {strides = array<i32>} : memref<16x64xf32, #tpu.memory_space<vmem>>, vector<16xf32>,
    tpu.vector_store %arg9[%swap3A_186, %swap3A_187], %broadcast_in_dim3A_9 {strides = array<i32>} : memref<16x64xf32, #tpu.memory_space<vmem>>, vector<16xf32>,
    %swap3A_189 = arith.constant 11 : i32
    %swap3A_190 = arith.index_cast %swap3A_189 : i32 to index
    %swap3A_191 = arith.constant 16 : index
    %swap3A_192 = tpu.vector_load %arg9[%swap3A_190, %swap3A_191] {strides = array<i32>} : memref<16x64xf32, #tpu.memory_space<vmem>>, vector<16xf32>,
    tpu.vector_store %arg9[%swap3A_190, %swap3A_191], %broadcast_in_dim3A_9 {strides = array<i32>} : memref<16x64xf32, #tpu.memory_space<vmem>>, vector<16xf32>,
    %swap3A_193 = arith.constant 11 : i32
    %swap3A_194 = arith.index_cast %swap3A_193 : i32 to index
    %swap3A_195 = arith.constant 32 : index
    %swap3A_196 = tpu.vector_load %arg9[%swap3A_194, %swap3A_195] {strides = array<i32>} : memref<16x64xf32, #tpu.memory_space<vmem>>, vector<16xf32>,
    tpu.vector_store %arg9[%swap3A_194, %swap3A_195], %broadcast_in_dim3A_9 {strides = array<i32>} : memref<16x64xf32, #tpu.memory_space<vmem>>, vector<16xf32>,
    %swap3A_197 = arith.constant 11 : i32
    %swap3A_198 = arith.index_cast %swap3A_197 : i32 to index
    %swap3A_199 = arith.constant 48 : index
    %swap3A_200 = tpu.vector_load %arg9[%swap3A_198, %swap3A_199] {strides = array<i32>} : memref<16x64xf32, #tpu.memory_space<vmem>>, vector<16xf32>,
    tpu.vector_store %arg9[%swap3A_198, %swap3A_199], %broadcast_in_dim3A_9 {strides = array<i32>} : memref<16x64xf32, #tpu.memory_space<vmem>>, vector<16xf32>,
    %swap3A_201 = arith.constant 12 : i32
    %swap3A_202 = arith.index_cast %swap3A_201 : i32 to index
    %swap3A_203 = arith.constant 0 : index
    %swap3A_204 = tpu.vector_load %arg9[%swap3A_202, %swap3A_203] {strides = array<i32>} : memref<16x64xf32, #tpu.memory_space<vmem>>, vector<16xf32>,
    tpu.vector_store %arg9[%swap3A_202, %swap3A_203], %broadcast_in_dim3A_9 {strides = array<i32>} : memref<16x64xf32, #tpu.memory_space<vmem>>, vector<16xf32>,
    %swap3A_205 = arith.constant 12 : i32
    %swap3A_206 = arith.index_cast %swap3A_205 : i32 to index
    %swap3A_207 = arith.constant 16 : index
    %swap3A_208 = tpu.vector_load %arg9[%swap3A_206, %swap3A_207] {strides = array<i32>} : memref<16x64xf32, #tpu.memory_space<vmem>>, vector<16xf32>,
    tpu.vector_store %arg9[%swap3A_206, %swap3A_207], %broadcast_in_dim3A_9 {strides = array<i32>} : memref<16x64xf32, #tpu.memory_space<vmem>>, vector<16xf32>,
    %swap3A_209 = arith.constant 12 : i32
    %swap3A_210 = arith.index_cast %swap3A_209 : i32 to index
    %swap3A_211 = arith.constant 32 : index
    %swap3A_212 = tpu.vector_load %arg9[%swap3A_210, %swap3A_211] {strides = array<i32>} : memref<16x64xf32, #tpu.memory_space<vmem>>, vector<16xf32>,
    tpu.vector_store %arg9[%swap3A_210, %swap3A_211], %broadcast_in_dim3A_9 {strides = array<i32>} : memref<16x64xf32, #tpu.memory_space<vmem>>, vector<16xf32>,
    %swap3A_213 = arith.constant 12 : i32
    %swap3A_214 = arith.index_cast %swap3A_213 : i32 to index
    %swap3A_215 = arith.constant 48 : index
    %swap3A_216 = tpu.vector_load %arg9[%swap3A_214, %swap3A_215] {strides = array<i32>} : memref<16x64xf32, #tpu.memory_space<vmem>>, vector<16xf32>,
    tpu.vector_store %arg9[%swap3A_214, %swap3A_215], %broadcast_in_dim3A_9 {strides = array<i32>} : memref<16x64xf32, #tpu.memory_space<vmem>>, vector<16xf32>,
    %swap3A_217 = arith.constant 13 : i32
    %swap3A_218 = arith.index_cast %swap3A_217 : i32 to index
    %swap3A_219 = arith.constant 0 : index
    %swap3A_220 = tpu.vector_load %arg9[%swap3A_218, %swap3A_219] {strides = array<i32>} : memref<16x64xf32, #tpu.memory_space<vmem>>, vector<16xf32>,
    tpu.vector_store %arg9[%swap3A_218, %swap3A_219], %broadcast_in_dim3A_9 {strides = array<i32>} : memref<16x64xf32, #tpu.memory_space<vmem>>, vector<16xf32>,
    %swap3A_221 = arith.constant 13 : i32
    %swap3A_222 = arith.index_cast %swap3A_221 : i32 to index
    %swap3A_223 = arith.constant 16 : index
    %swap3A_224 = tpu.vector_load %arg9[%swap3A_222, %swap3A_223] {strides = array<i32>} : memref<16x64xf32, #tpu.memory_space<vmem>>, vector<16xf32>,
    tpu.vector_store %arg9[%swap3A_222, %swap3A_223], %broadcast_in_dim3A_9 {strides = array<i32>} : memref<16x64xf32, #tpu.memory_space<vmem>>, vector<16xf32>,
    %swap3A_225 = arith.constant 13 : i32
    %swap3A_226 = arith.index_cast %swap3A_225 : i32 to index
    %swap3A_227 = arith.constant 32 : index
    %swap3A_228 = tpu.vector_load %arg9[%swap3A_226, %swap3A_227] {strides = array<i32>} : memref<16x64xf32, #tpu.memory_space<vmem>>, vector<16xf32>,
    tpu.vector_store %arg9[%swap3A_226, %swap3A_227], %broadcast_in_dim3A_9 {strides = array<i32>} : memref<16x64xf32, #tpu.memory_space<vmem>>, vector<16xf32>,
    %swap3A_229 = arith.constant 13 : i32
    %swap3A_230 = arith.index_cast %swap3A_229 : i32 to index
    %swap3A_231 = arith.constant 48 : index
    %swap3A_232 = tpu.vector_load %arg9[%swap3A_230, %swap3A_231] {strides = array<i32>} : memref<16x64xf32, #tpu.memory_space<vmem>>, vector<16xf32>,
    tpu.vector_store %arg9[%swap3A_230, %swap3A_231], %broadcast_in_dim3A_9 {strides = array<i32>} : memref<16x64xf32, #tpu.memory_space<vmem>>, vector<16xf32>,
    %swap3A_233 = arith.constant 14 : i32
    %swap3A_234 = arith.index_cast %swap3A_233 : i32 to index
    %swap3A_235 = arith.constant 0 : index
    %swap3A_236 = tpu.vector_load %arg9[%swap3A_234, %swap3A_235] {strides = array<i32>} : memref<16x64xf32, #tpu.memory_space<vmem>>, vector<16xf32>,
    tpu.vector_store %arg9[%swap3A_234, %swap3A_235], %broadcast_in_dim3A_9 {strides = array<i32>} : memref<16x64xf32, #tpu.memory_space<vmem>>, vector<16xf32>,
    %swap3A_237 = arith.constant 14 : i32
    %swap3A_238 = arith.index_cast %swap3A_237 : i32 to index
    %swap3A_239 = arith.constant 16 : index
    %swap3A_240 = tpu.vector_load %arg9[%swap3A_238, %swap3A_239] {strides = array<i32>} : memref<16x64xf32, #tpu.memory_space<vmem>>, vector<16xf32>,
    tpu.vector_store %arg9[%swap3A_238, %swap3A_239], %broadcast_in_dim3A_9 {strides = array<i32>} : memref<16x64xf32, #tpu.memory_space<vmem>>, vector<16xf32>,
    %swap3A_241 = arith.constant 14 : i32
    %swap3A_242 = arith.index_cast %swap3A_241 : i32 to index
    %swap3A_243 = arith.constant 32 : index
    %swap3A_244 = tpu.vector_load %arg9[%swap3A_242, %swap3A_243] {strides = array<i32>} : memref<16x64xf32, #tpu.memory_space<vmem>>, vector<16xf32>,
    tpu.vector_store %arg9[%swap3A_242, %swap3A_243], %broadcast_in_dim3A_9 {strides = array<i32>} : memref<16x64xf32, #tpu.memory_space<vmem>>, vector<16xf32>,
    %swap3A_245 = arith.constant 14 : i32
    %swap3A_246 = arith.index_cast %swap3A_245 : i32 to index
    %swap3A_247 = arith.constant 48 : index
    %swap3A_248 = tpu.vector_load %arg9[%swap3A_246, %swap3A_247] {strides = array<i32>} : memref<16x64xf32, #tpu.memory_space<vmem>>, vector<16xf32>,
    tpu.vector_store %arg9[%swap3A_246, %swap3A_247], %broadcast_in_dim3A_9 {strides = array<i32>} : memref<16x64xf32, #tpu.memory_space<vmem>>, vector<16xf32>,
    %swap3A_249 = arith.constant 15 : i32
    %swap3A_250 = arith.index_cast %swap3A_249 : i32 to index
    %swap3A_251 = arith.constant 0 : index
    %swap3A_252 = tpu.vector_load %arg9[%swap3A_250, %swap3A_251] {strides = array<i32>} : memref<16x64xf32, #tpu.memory_space<vmem>>, vector<16xf32>,
    tpu.vector_store %arg9[%swap3A_250, %swap3A_251], %broadcast_in_dim3A_9 {strides = array<i32>} : memref<16x64xf32, #tpu.memory_space<vmem>>, vector<16xf32>,
    %swap3A_253 = arith.constant 15 : i32
    %swap3A_254 = arith.index_cast %swap3A_253 : i32 to index
    %swap3A_255 = arith.constant 16 : index
    %swap3A_256 = tpu.vector_load %arg9[%swap3A_254, %swap3A_255] {strides = array<i32>} : memref<16x64xf32, #tpu.memory_space<vmem>>, vector<16xf32>,
    tpu.vector_store %arg9[%swap3A_254, %swap3A_255], %broadcast_in_dim3A_9 {strides = array<i32>} : memref<16x64xf32, #tpu.memory_space<vmem>>, vector<16xf32>,
    %swap3A_257 = arith.constant 15 : i32
    %swap3A_258 = arith.index_cast %swap3A_257 : i32 to index
    %swap3A_259 = arith.constant 32 : index
    %swap3A_260 = tpu.vector_load %arg9[%swap3A_258, %swap3A_259] {strides = array<i32>} : memref<16x64xf32, #tpu.memory_space<vmem>>, vector<16xf32>,
    tpu.vector_store %arg9[%swap3A_258, %swap3A_259], %broadcast_in_dim3A_9 {strides = array<i32>} : memref<16x64xf32, #tpu.memory_space<vmem>>, vector<16xf32>,
    %swap3A_261 = arith.constant 15 : i32
    %swap3A_262 = arith.index_cast %swap3A_261 : i32 to index
    %swap3A_263 = arith.constant 48 : index
    %swap3A_264 = tpu.vector_load %arg9[%swap3A_262, %swap3A_263] {strides = array<i32>} : memref<16x64xf32, #tpu.memory_space<vmem>>, vector<16xf32>,
    tpu.vector_store %arg9[%swap3A_262, %swap3A_263], %broadcast_in_dim3A_9 {strides = array<i32>} : memref<16x64xf32, #tpu.memory_space<vmem>>, vector<16xf32>,
    %scan3A = arith.constant 0 : i32
    %scan3A_265 = arith.constant 0 : i32
    %scan3A_266 = arith.constant 8 : i32
    %scan3A_267 = arith.addi %scan3A_265, %scan3A_266 : i32
    %scan3A_268 = arith.constant 1 : i32
    %scan3A_269 = scf.for %scan3A_326 = %scan3A_265 to %scan3A_267 step %scan3A_268 iter_args(%scan3A_327 = %scan3A) -> (i32)  : i32 {
      %mul3A_328 = arith.constant 16 : i32
      %mul3A_329 = arith.muli %scan3A_326, %mul3A_328 : i32
      %add3A_330 = arith.addi %mul3A_6, %mul3A_329 : i32
      "tpu.region"() ({
        %run_scoped3A = tpu.sem_alloc : memref<!tpu.dma_semaphore, #tpu.memory_space<semaphore_mem>>
        %dma_start3A_332 = arith.constant 0 : i32
        %dma_start3A_333 = tpu.memref_slice %arg10[%add3A_330, %dma_start3A_332] : memref<2064x64xf32, #tpu.memory_space<vmem_shared>> -> memref<16x64xf32, #tpu.memory_space<vmem_shared>>
        %dma_start3A_334 = arith.constant 0 : i32
        %dma_start3A_335 = tpu.memref_slice %arg10[%add3A_330, %dma_start3A_334] : memref<2064x64xf32, #tpu.memory_space<vmem_shared>> -> memref<16x64xf32, #tpu.memory_space<vmem_shared>>
        tpu.enqueue_dma source(%arg9 : memref<16x64xf32, #tpu.memory_space<vmem>>) target(%dma_start3A_335 : memref<16x64xf32, #tpu.memory_space<vmem_shared>>) target_semaphore(%run_scoped3A : memref<!tpu.dma_semaphore, #tpu.memory_space<semaphore_mem>>)
        %dma_wait3A_336 = arith.constant 0 : i32
        %dma_wait3A_337 = tpu.memref_slice %arg10[%add3A_330, %dma_wait3A_336] : memref<2064x64xf32, #tpu.memory_space<vmem_shared>> -> memref<16x64xf32, #tpu.memory_space<vmem_shared>>
        %dma_wait3A_338 = arith.constant 0 : i32
        %dma_wait3A_339 = tpu.memref_slice %arg10[%add3A_330, %dma_wait3A_338] : memref<2064x64xf32, #tpu.memory_space<vmem_shared>> -> memref<16x64xf32, #tpu.memory_space<vmem_shared>>
        tpu.wait_dma2 semaphore(%run_scoped3A : memref<!tpu.dma_semaphore, #tpu.memory_space<semaphore_mem>>) src(%arg9 : memref<16x64xf32, #tpu.memory_space<vmem>>) dst(%dma_wait3A_339 : memref<16x64xf32, #tpu.memory_space<vmem_shared>>)
        tpu.yield
      }) : () -> ()
      %scan3A_331 = arith.constant 0 : i32
      scf.yield %scan3A_331 : i32
    }
    %scan3A_270 = arith.constant 8 : i32
    %scan3A_271 = arith.constant 0 : i32
    %scan3A_272 = arith.constant 0 : i32
    %scan3A_273 = arith.constant 128 : i32
    %scan3A_274 = arith.addi %scan3A_272, %scan3A_273 : i32
    %scan3A_275 = arith.constant 1 : i32
    %scan3A_276 = scf.for %scan3A_326 = %scan3A_272 to %scan3A_274 step %scan3A_275 iter_args(%scan3A_327 = %scan3A_271) -> (i32)  : i32 {
      %broadcast_in_dim3A_328 = arith.constant 0 : i32
      %broadcast_in_dim3A_329 = vector.broadcast %broadcast_in_dim3A_328 : i32 to vector<16xi32>
      %mul3A_330 = arith.constant 200 : i32
      %mul3A_331 = arith.muli %scan3A_326, %mul3A_330 : i32
      %add3A_332 = arith.constant 0 : i32
      %add3A_333 = arith.addi %mul3A_331, %add3A_332 : i32
      %get3A = arith.index_cast %add3A_333 : i32 to index
      %get3A_334 = tpu.vector_load %arg7[%get3A] {strides = array<i32>} : memref<25616xi32, #tpu.memory_space<vmem>>, vector<16xi32>,
      %gt3A = arith.constant 0 : i32
      %gt3A_335 = vector.broadcast %gt3A : i32 to vector<16xi32>
      %gt3A_336 = arith.cmpi sgt, %get3A_334, %gt3A_335 : vector<16xi32>
      %all_reduce_population_count3A = tpu.all_reduce %gt3A_336 {dim = 0 : i64, kind = #tpu.reduction_kind<sum>} : vector<16xi1> -> vector<16xi32>
      %add3A_337 = arith.addi %broadcast_in_dim3A_329, %all_reduce_population_count3A : vector<16xi32>
      %mul3A_338 = arith.constant 200 : i32
      %mul3A_339 = arith.muli %scan3A_326, %mul3A_338 : i32
      %add3A_340 = arith.constant 16 : i32
      %add3A_341 = arith.addi %mul3A_339, %add3A_340 : i32
      %get3A_342 = arith.index_cast %add3A_341 : i32 to index
      %get3A_343 = tpu.vector_load %arg7[%get3A_342] {strides = array<i32>} : memref<25616xi32, #tpu.memory_space<vmem>>, vector<16xi32>,
      %gt3A_344 = arith.constant 0 : i32
      %gt3A_345 = vector.broadcast %gt3A_344 : i32 to vector<16xi32>
      %gt3A_346 = arith.cmpi sgt, %get3A_343, %gt3A_345 : vector<16xi32>
      %all_reduce_population_count3A_347 = tpu.all_reduce %gt3A_346 {dim = 0 : i64, kind = #tpu.reduction_kind<sum>} : vector<16xi1> -> vector<16xi32>
      %add3A_348 = arith.addi %add3A_337, %all_reduce_population_count3A_347 : vector<16xi32>
      %mul3A_349 = arith.constant 200 : i32
      %mul3A_350 = arith.muli %scan3A_326, %mul3A_349 : i32
      %add3A_351 = arith.constant 32 : i32
      %add3A_352 = arith.addi %mul3A_350, %add3A_351 : i32
      %get3A_353 = arith.index_cast %add3A_352 : i32 to index
      %get3A_354 = tpu.vector_load %arg7[%get3A_353] {strides = array<i32>} : memref<25616xi32, #tpu.memory_space<vmem>>, vector<16xi32>,
      %gt3A_355 = arith.constant 0 : i32
      %gt3A_356 = vector.broadcast %gt3A_355 : i32 to vector<16xi32>
      %gt3A_357 = arith.cmpi sgt, %get3A_354, %gt3A_356 : vector<16xi32>
      %all_reduce_population_count3A_358 = tpu.all_reduce %gt3A_357 {dim = 0 : i64, kind = #tpu.reduction_kind<sum>} : vector<16xi1> -> vector<16xi32>
      %add3A_359 = arith.addi %add3A_348, %all_reduce_population_count3A_358 : vector<16xi32>
      %mul3A_360 = arith.constant 200 : i32
      %mul3A_361 = arith.muli %scan3A_326, %mul3A_360 : i32
      %add3A_362 = arith.constant 48 : i32
      %add3A_363 = arith.addi %mul3A_361, %add3A_362 : i32
      %get3A_364 = arith.index_cast %add3A_363 : i32 to index
      %get3A_365 = tpu.vector_load %arg7[%get3A_364] {strides = array<i32>} : memref<25616xi32, #tpu.memory_space<vmem>>, vector<16xi32>,
      %gt3A_366 = arith.constant 0 : i32
      %gt3A_367 = vector.broadcast %gt3A_366 : i32 to vector<16xi32>
      %gt3A_368 = arith.cmpi sgt, %get3A_365, %gt3A_367 : vector<16xi32>
      %all_reduce_population_count3A_369 = tpu.all_reduce %gt3A_368 {dim = 0 : i64, kind = #tpu.reduction_kind<sum>} : vector<16xi1> -> vector<16xi32>
      %add3A_370 = arith.addi %add3A_359, %all_reduce_population_count3A_369 : vector<16xi32>
      %mul3A_371 = arith.constant 200 : i32
      %mul3A_372 = arith.muli %scan3A_326, %mul3A_371 : i32
      %add3A_373 = arith.constant 64 : i32
      %add3A_374 = arith.addi %mul3A_372, %add3A_373 : i32
      %get3A_375 = arith.index_cast %add3A_374 : i32 to index
      %get3A_376 = tpu.vector_load %arg7[%get3A_375] {strides = array<i32>} : memref<25616xi32, #tpu.memory_space<vmem>>, vector<16xi32>,
      %gt3A_377 = arith.constant 0 : i32
      %gt3A_378 = vector.broadcast %gt3A_377 : i32 to vector<16xi32>
      %gt3A_379 = arith.cmpi sgt, %get3A_376, %gt3A_378 : vector<16xi32>
      %all_reduce_population_count3A_380 = tpu.all_reduce %gt3A_379 {dim = 0 : i64, kind = #tpu.reduction_kind<sum>} : vector<16xi1> -> vector<16xi32>
      %add3A_381 = arith.addi %add3A_370, %all_reduce_population_count3A_380 : vector<16xi32>
      %mul3A_382 = arith.constant 200 : i32
      %mul3A_383 = arith.muli %scan3A_326, %mul3A_382 : i32
      %add3A_384 = arith.constant 80 : i32
      %add3A_385 = arith.addi %mul3A_383, %add3A_384 : i32
      %get3A_386 = arith.index_cast %add3A_385 : i32 to index
      %get3A_387 = tpu.vector_load %arg7[%get3A_386] {strides = array<i32>} : memref<25616xi32, #tpu.memory_space<vmem>>, vector<16xi32>,
      %gt3A_388 = arith.constant 0 : i32
      %gt3A_389 = vector.broadcast %gt3A_388 : i32 to vector<16xi32>
      %gt3A_390 = arith.cmpi sgt, %get3A_387, %gt3A_389 : vector<16xi32>
      %all_reduce_population_count3A_391 = tpu.all_reduce %gt3A_390 {dim = 0 : i64, kind = #tpu.reduction_kind<sum>} : vector<16xi1> -> vector<16xi32>
      %add3A_392 = arith.addi %add3A_381, %all_reduce_population_count3A_391 : vector<16xi32>
      %mul3A_393 = arith.constant 200 : i32
      %mul3A_394 = arith.muli %scan3A_326, %mul3A_393 : i32
      %add3A_395 = arith.constant 96 : i32
      %add3A_396 = arith.addi %mul3A_394, %add3A_395 : i32
      %get3A_397 = arith.index_cast %add3A_396 : i32 to index
      %get3A_398 = tpu.vector_load %arg7[%get3A_397] {strides = array<i32>} : memref<25616xi32, #tpu.memory_space<vmem>>, vector<16xi32>,
      %gt3A_399 = arith.constant 0 : i32
      %gt3A_400 = vector.broadcast %gt3A_399 : i32 to vector<16xi32>
      %gt3A_401 = arith.cmpi sgt, %get3A_398, %gt3A_400 : vector<16xi32>
      %all_reduce_population_count3A_402 = tpu.all_reduce %gt3A_401 {dim = 0 : i64, kind = #tpu.reduction_kind<sum>} : vector<16xi1> -> vector<16xi32>
      %add3A_403 = arith.addi %add3A_392, %all_reduce_population_count3A_402 : vector<16xi32>
      %mul3A_404 = arith.constant 200 : i32
      %mul3A_405 = arith.muli %scan3A_326, %mul3A_404 : i32
      %add3A_406 = arith.constant 112 : i32
      %add3A_407 = arith.addi %mul3A_405, %add3A_406 : i32
      %get3A_408 = arith.index_cast %add3A_407 : i32 to index
      %get3A_409 = tpu.vector_load %arg7[%get3A_408] {strides = array<i32>} : memref<25616xi32, #tpu.memory_space<vmem>>, vector<16xi32>,
      %gt3A_410 = arith.constant 0 : i32
      %gt3A_411 = vector.broadcast %gt3A_410 : i32 to vector<16xi32>
      %gt3A_412 = arith.cmpi sgt, %get3A_409, %gt3A_411 : vector<16xi32>
      %all_reduce_population_count3A_413 = tpu.all_reduce %gt3A_412 {dim = 0 : i64, kind = #tpu.reduction_kind<sum>} : vector<16xi1> -> vector<16xi32>
      %add3A_414 = arith.addi %add3A_403, %all_reduce_population_count3A_413 : vector<16xi32>
      %mul3A_415 = arith.constant 200 : i32
      %mul3A_416 = arith.muli %scan3A_326, %mul3A_415 : i32
      %add3A_417 = arith.constant 128 : i32
      %add3A_418 = arith.addi %mul3A_416, %add3A_417 : i32
      %get3A_419 = arith.index_cast %add3A_418 : i32 to index
      %get3A_420 = tpu.vector_load %arg7[%get3A_419] {strides = array<i32>} : memref<25616xi32, #tpu.memory_space<vmem>>, vector<16xi32>,
      %gt3A_421 = arith.constant 0 : i32
      %gt3A_422 = vector.broadcast %gt3A_421 : i32 to vector<16xi32>
      %gt3A_423 = arith.cmpi sgt, %get3A_420, %gt3A_422 : vector<16xi32>
      %all_reduce_population_count3A_424 = tpu.all_reduce %gt3A_423 {dim = 0 : i64, kind = #tpu.reduction_kind<sum>} : vector<16xi1> -> vector<16xi32>
      %add3A_425 = arith.addi %add3A_414, %all_reduce_population_count3A_424 : vector<16xi32>
      %mul3A_426 = arith.constant 200 : i32
      %mul3A_427 = arith.muli %scan3A_326, %mul3A_426 : i32
      %add3A_428 = arith.constant 144 : i32
      %add3A_429 = arith.addi %mul3A_427, %add3A_428 : i32
      %get3A_430 = arith.index_cast %add3A_429 : i32 to index
      %get3A_431 = tpu.vector_load %arg7[%get3A_430] {strides = array<i32>} : memref<25616xi32, #tpu.memory_space<vmem>>, vector<16xi32>,
      %gt3A_432 = arith.constant 0 : i32
      %gt3A_433 = vector.broadcast %gt3A_432 : i32 to vector<16xi32>
      %gt3A_434 = arith.cmpi sgt, %get3A_431, %gt3A_433 : vector<16xi32>
      %all_reduce_population_count3A_435 = tpu.all_reduce %gt3A_434 {dim = 0 : i64, kind = #tpu.reduction_kind<sum>} : vector<16xi1> -> vector<16xi32>
      %add3A_436 = arith.addi %add3A_425, %all_reduce_population_count3A_435 : vector<16xi32>
      %mul3A_437 = arith.constant 200 : i32
      %mul3A_438 = arith.muli %scan3A_326, %mul3A_437 : i32
      %add3A_439 = arith.constant 160 : i32
      %add3A_440 = arith.addi %mul3A_438, %add3A_439 : i32
      %get3A_441 = arith.index_cast %add3A_440 : i32 to index
      %get3A_442 = tpu.vector_load %arg7[%get3A_441] {strides = array<i32>} : memref<25616xi32, #tpu.memory_space<vmem>>, vector<16xi32>,
      %gt3A_443 = arith.constant 0 : i32
      %gt3A_444 = vector.broadcast %gt3A_443 : i32 to vector<16xi32>
      %gt3A_445 = arith.cmpi sgt, %get3A_442, %gt3A_444 : vector<16xi32>
      %all_reduce_population_count3A_446 = tpu.all_reduce %gt3A_445 {dim = 0 : i64, kind = #tpu.reduction_kind<sum>} : vector<16xi1> -> vector<16xi32>
      %add3A_447 = arith.addi %add3A_436, %all_reduce_population_count3A_446 : vector<16xi32>
      %mul3A_448 = arith.constant 200 : i32
      %mul3A_449 = arith.muli %scan3A_326, %mul3A_448 : i32
      %add3A_450 = arith.constant 176 : i32
      %add3A_451 = arith.addi %mul3A_449, %add3A_450 : i32
      %get3A_452 = arith.index_cast %add3A_451 : i32 to index
      %get3A_453 = tpu.vector_load %arg7[%get3A_452] {strides = array<i32>} : memref<25616xi32, #tpu.memory_space<vmem>>, vector<16xi32>,
      %gt3A_454 = arith.constant 0 : i32
      %gt3A_455 = vector.broadcast %gt3A_454 : i32 to vector<16xi32>
      %gt3A_456 = arith.cmpi sgt, %get3A_453, %gt3A_455 : vector<16xi32>
      %all_reduce_population_count3A_457 = tpu.all_reduce %gt3A_456 {dim = 0 : i64, kind = #tpu.reduction_kind<sum>} : vector<16xi1> -> vector<16xi32>
      %add3A_458 = arith.addi %add3A_447, %all_reduce_population_count3A_457 : vector<16xi32>
      %mul3A_459 = arith.constant 200 : i32
      %mul3A_460 = arith.muli %scan3A_326, %mul3A_459 : i32
      %add3A_461 = arith.constant 192 : i32
      %add3A_462 = arith.addi %mul3A_460, %add3A_461 : i32
      %get3A_463 = arith.index_cast %add3A_462 : i32 to index
      %get3A_464 = tpu.vector_load %arg7[%get3A_463] {strides = array<i32>} : memref<25616xi32, #tpu.memory_space<vmem>>, vector<16xi32>,
      %gt3A_465 = arith.constant 0 : i32
      %gt3A_466 = vector.broadcast %gt3A_465 : i32 to vector<16xi32>
      %gt3A_467 = arith.cmpi sgt, %get3A_464, %gt3A_466 : vector<16xi32>
      %iota3A = tpu.iota {dimensions = array<i32: 0>} : vector<16xi32>
      %lt3A = arith.constant 8 : i32
      %lt3A_468 = vector.broadcast %lt3A : i32 to vector<16xi32>
      %lt3A_469 = arith.cmpi slt, %iota3A, %lt3A_468 : vector<16xi32>
      %and3A = arith.andi %gt3A_467, %lt3A_469 : vector<16xi1>
      %all_reduce_population_count3A_470 = tpu.all_reduce %and3A {dim = 0 : i64, kind = #tpu.reduction_kind<sum>} : vector<16xi1> -> vector<16xi32>
      %add3A_471 = arith.addi %add3A_458, %all_reduce_population_count3A_470 : vector<16xi32>
      %convert_element_type3A = arith.sitofp %add3A_471 : vector<16xi32> to vector<16xf32>
      %max3A = arith.constant 1.000000e+00 : f32
      %max3A_472 = vector.broadcast %max3A : f32 to vector<16xf32>
      %max3A_473 = arith.maximumf %convert_element_type3A, %max3A_472 : vector<16xf32>
      %div3A = arith.constant 1.000000e+00 : f32
      %div3A_474 = vector.broadcast %div3A : f32 to vector<16xf32>
      %div3A_475 = arith.divf %div3A_474, %max3A_473 : vector<16xf32>
      %mul3A_476 = arith.constant 16 : i32
      %mul3A_477 = arith.muli %scan3A_326, %mul3A_476 : i32
      %swap3A_478 = arith.index_cast %mul3A_477 : i32 to index
      %swap3A_479 = tpu.vector_load %arg8[%swap3A_478] {strides = array<i32>} : memref<2048xf32, #tpu.memory_space<vmem>>, vector<16xf32>,
      tpu.vector_store %arg8[%swap3A_478], %div3A_475 {strides = array<i32>} : memref<2048xf32, #tpu.memory_space<vmem>>, vector<16xf32>,
      %scan3A_480 = arith.constant 0 : i32
      scf.yield %scan3A_480 : i32
    }
    %scan3A_277 = arith.constant 128 : i32
    %dma_start3A = arith.constant 0 : i32
    %dma_start3A_278 = tpu.memref_slice %arg6[%dma_start3A] : memref<25600xi32, #tpu.memory_space<vmem>> -> memref<128xi32, #tpu.memory_space<vmem>>
    %dma_start3A_279 = arith.constant 0 : i32
    %dma_start3A_280 = arith.constant 0 : i32
    %dma_start3A_281 = tpu.memref_slice %arg4[%dma_start3A_279, %dma_start3A_280] : memref<1000000x64xf32, #tpu.memory_space<hbm>> -> memref<1000000x64xf32, #tpu.memory_space<hbm>>
    tpu.enqueue_indirect_dma source(%dma_start3A_281 : memref<1000000x64xf32, #tpu.memory_space<hbm>>) target(%arg11 : memref<128x64xf32, #tpu.memory_space<vmem>>) offsets(%dma_start3A_278 : memref<128xi32, #tpu.memory_space<vmem>>) semaphore(%arg27 : memref<!tpu.dma_semaphore, #tpu.memory_space<semaphore_mem>>)
    %dma_start3A_282 = arith.constant 128 : i32
    %dma_start3A_283 = tpu.memref_slice %arg6[%dma_start3A_282] : memref<25600xi32, #tpu.memory_space<vmem>> -> memref<128xi32, #tpu.memory_space<vmem>>
    %dma_start3A_284 = arith.constant 0 : i32
    %dma_start3A_285 = arith.constant 0 : i32
    %dma_start3A_286 = tpu.memref_slice %arg4[%dma_start3A_284, %dma_start3A_285] : memref<1000000x64xf32, #tpu.memory_space<hbm>> -> memref<1000000x64xf32, #tpu.memory_space<hbm>>
    tpu.enqueue_indirect_dma source(%dma_start3A_286 : memref<1000000x64xf32, #tpu.memory_space<hbm>>) target(%arg12 : memref<128x64xf32, #tpu.memory_space<vmem>>) offsets(%dma_start3A_283 : memref<128xi32, #tpu.memory_space<vmem>>) semaphore(%arg28 : memref<!tpu.dma_semaphore, #tpu.memory_space<semaphore_mem>>)
    %dma_start3A_287 = arith.constant 256 : i32
    %dma_start3A_288 = tpu.memref_slice %arg6[%dma_start3A_287] : memref<25600xi32, #tpu.memory_space<vmem>> -> memref<128xi32, #tpu.memory_space<vmem>>
    %dma_start3A_289 = arith.constant 0 : i32
    %dma_start3A_290 = arith.constant 0 : i32
    %dma_start3A_291 = tpu.memref_slice %arg4[%dma_start3A_289, %dma_start3A_290] : memref<1000000x64xf32, #tpu.memory_space<hbm>> -> memref<1000000x64xf32, #tpu.memory_space<hbm>>
    tpu.enqueue_indirect_dma source(%dma_start3A_291 : memref<1000000x64xf32, #tpu.memory_space<hbm>>) target(%arg13 : memref<128x64xf32, #tpu.memory_space<vmem>>) offsets(%dma_start3A_288 : memref<128xi32, #tpu.memory_space<vmem>>) semaphore(%arg29 : memref<!tpu.dma_semaphore, #tpu.memory_space<semaphore_mem>>)
    %dma_start3A_292 = arith.constant 384 : i32
    %dma_start3A_293 = tpu.memref_slice %arg6[%dma_start3A_292] : memref<25600xi32, #tpu.memory_space<vmem>> -> memref<128xi32, #tpu.memory_space<vmem>>
    %dma_start3A_294 = arith.constant 0 : i32
    %dma_start3A_295 = arith.constant 0 : i32
    %dma_start3A_296 = tpu.memref_slice %arg4[%dma_start3A_294, %dma_start3A_295] : memref<1000000x64xf32, #tpu.memory_space<hbm>> -> memref<1000000x64xf32, #tpu.memory_space<hbm>>
    tpu.enqueue_indirect_dma source(%dma_start3A_296 : memref<1000000x64xf32, #tpu.memory_space<hbm>>) target(%arg14 : memref<128x64xf32, #tpu.memory_space<vmem>>) offsets(%dma_start3A_293 : memref<128xi32, #tpu.memory_space<vmem>>) semaphore(%arg30 : memref<!tpu.dma_semaphore, #tpu.memory_space<semaphore_mem>>)
    %dma_start3A_297 = arith.constant 512 : i32
    %dma_start3A_298 = tpu.memref_slice %arg6[%dma_start3A_297] : memref<25600xi32, #tpu.memory_space<vmem>> -> memref<128xi32, #tpu.memory_space<vmem>>
    %dma_start3A_299 = arith.constant 0 : i32
    %dma_start3A_300 = arith.constant 0 : i32
    %dma_start3A_301 = tpu.memref_slice %arg4[%dma_start3A_299, %dma_start3A_300] : memref<1000000x64xf32, #tpu.memory_space<hbm>> -> memref<1000000x64xf32, #tpu.memory_space<hbm>>
    tpu.enqueue_indirect_dma source(%dma_start3A_301 : memref<1000000x64xf32, #tpu.memory_space<hbm>>) target(%arg15 : memref<128x64xf32, #tpu.memory_space<vmem>>) offsets(%dma_start3A_298 : memref<128xi32, #tpu.memory_space<vmem>>) semaphore(%arg31 : memref<!tpu.dma_semaphore, #tpu.memory_space<semaphore_mem>>)
    %dma_start3A_302 = arith.constant 640 : i32
    %dma_start3A_303 = tpu.memref_slice %arg6[%dma_start3A_302] : memref<25600xi32, #tpu.memory_space<vmem>> -> memref<128xi32, #tpu.memory_space<vmem>>
    %dma_start3A_304 = arith.constant 0 : i32
    %dma_start3A_305 = arith.constant 0 : i32
    %dma_start3A_306 = tpu.memref_slice %arg4[%dma_start3A_304, %dma_start3A_305] : memref<1000000x64xf32, #tpu.memory_space<hbm>> -> memref<1000000x64xf32, #tpu.memory_space<hbm>>
    tpu.enqueue_indirect_dma source(%dma_start3A_306 : memref<1000000x64xf32, #tpu.memory_space<hbm>>) target(%arg16 : memref<128x64xf32, #tpu.memory_space<vmem>>) offsets(%dma_start3A_303 : memref<128xi32, #tpu.memory_space<vmem>>) semaphore(%arg32 : memref<!tpu.dma_semaphore, #tpu.memory_space<semaphore_mem>>)
    %scan3A_307 = arith.constant 0 : i32
    %scan3A_308 = arith.constant 0 : i32
    %scan3A_309 = arith.constant 25 : i32
    %scan3A_310 = arith.addi %scan3A_308, %scan3A_309 : i32
    %scan3A_311 = arith.constant 1 : i32
    %scan3A_312 = scf.for %scan3A_326 = %scan3A_308 to %scan3A_310 step %scan3A_311 iter_args(%scan3A_327 = %scan3A_307) -> (i32)  : i32 {
      %mul3A_328 = arith.constant 8 : i32
      %mul3A_329 = arith.muli %scan3A_326, %mul3A_328 : i32
      %add3A_330 = arith.constant 0 : i32
      %add3A_331 = arith.addi %mul3A_329, %add3A_330 : i32
      %ge3A = arith.constant 2 : i32
      %ge3A_332 = arith.cmpi sge, %add3A_331, %ge3A : i32
      %convert_element_type3A = arith.extui %ge3A_332 : i1 to i32
      %cond3A = arith.constant 0 : i32
      %cond3A_333 = arith.cmpi ne, %convert_element_type3A, %cond3A : i32
      scf.if %cond3A_333 {
        %dma_wait3A_3666 = arith.constant 0 : i32
        %dma_wait3A_3667 = arith.constant 0 : i32
        %dma_wait3A_3668 = tpu.memref_slice %arg10[%dma_wait3A_3666, %dma_wait3A_3667] : memref<2064x64xf32, #tpu.memory_space<vmem_shared>> -> memref<2064x64xf32, #tpu.memory_space<vmem_shared>>
        tpu.wait_indirect_dma semaphore(%arg41 : memref<!tpu.dma_semaphore, #tpu.memory_space<semaphore_mem>>) src(%arg17 : memref<128x64xf32, #tpu.memory_space<vmem>>) dst(%dma_wait3A_3668 : memref<2064x64xf32, #tpu.memory_space<vmem_shared>>)
      } else {
      }
      %add3A_334 = arith.constant 6 : i32
      %add3A_335 = arith.addi %add3A_331, %add3A_334 : i32
      %lt3A = arith.constant 200 : i32
      %lt3A_336 = arith.cmpi slt, %add3A_335, %lt3A : i32
      %convert_element_type3A_337 = arith.extui %lt3A_336 : i1 to i32
      %cond3A_338 = arith.constant 0 : i32
      %cond3A_339 = arith.cmpi ne, %convert_element_type3A_337, %cond3A_338 : i32
      scf.if %cond3A_339 {
        %add3A_3666 = arith.constant 6 : i32
        %add3A_3667 = arith.addi %add3A_331, %add3A_3666 : i32
        %mul3A_3668 = arith.constant 128 : i32
        %mul3A_3669 = arith.muli %add3A_3667, %mul3A_3668 : i32
        %dma_start3A_3670 = tpu.memref_slice %arg6[%mul3A_3669] : memref<25600xi32, #tpu.memory_space<vmem>> -> memref<128xi32, #tpu.memory_space<vmem>>
        %dma_start3A_3671 = arith.constant 0 : i32
        %dma_start3A_3672 = arith.constant 0 : i32
        %dma_start3A_3673 = tpu.memref_slice %arg4[%dma_start3A_3671, %dma_start3A_3672] : memref<1000000x64xf32, #tpu.memory_space<hbm>> -> memref<1000000x64xf32, #tpu.memory_space<hbm>>
        tpu.enqueue_indirect_dma source(%dma_start3A_3673 : memref<1000000x64xf32, #tpu.memory_space<hbm>>) target(%arg17 : memref<128x64xf32, #tpu.memory_space<vmem>>) offsets(%dma_start3A_3670 : memref<128xi32, #tpu.memory_space<vmem>>) semaphore(%arg33 : memref<!tpu.dma_semaphore, #tpu.memory_space<semaphore_mem>>)
      } else {
      }
      %mul3A_340 = arith.constant 128 : i32
      %mul3A_341 = arith.muli %add3A_331, %mul3A_340 : i32
      %add3A_342 = arith.constant 0 : i32
      %add3A_343 = arith.addi %mul3A_341, %add3A_342 : i32
      %get3A = arith.index_cast %add3A_343 : i32 to index
      %get3A_344 = tpu.vector_load %arg7[%get3A] {strides = array<i32>} : memref<25616xi32, #tpu.memory_space<vmem>>, vector<16xi32>,
      %add3A_345 = arith.constant 0 : i32
      %add3A_346 = arith.addi %mul3A_341, %add3A_345 : i32
      %iota3A = tpu.iota {dimensions = array<i32: 0>} : vector<16xi32>
      %add3A_347 = vector.broadcast %add3A_346 : i32 to vector<16xi32>
      %add3A_348 = arith.addi %add3A_347, %iota3A : vector<16xi32>
      %jit3A = arith.constant 200 : i32
      %div3A = vector.broadcast %jit3A : i32 to vector<16xi32>
      %div3A_349 = arith.divsi %add3A_348, %div3A : vector<16xi32>
      %sign3A = arith.constant 0 : i32
      %sign3A_350 = vector.broadcast %sign3A : i32 to vector<16xi32>
      %sign3A_351 = arith.cmpi sgt, %add3A_348, %sign3A_350 : vector<16xi32>
      %sign3A_352 = arith.extui %sign3A_351 : vector<16xi1> to vector<16xi32>
      %sign3A_353 = arith.constant 0 : i32
      %sign3A_354 = vector.broadcast %sign3A_353 : i32 to vector<16xi32>
      %sign3A_355 = arith.cmpi slt, %add3A_348, %sign3A_354 : vector<16xi32>
      %sign3A_356 = arith.extui %sign3A_355 : vector<16xi1> to vector<16xi32>
      %sign3A_357 = arith.subi %sign3A_352, %sign3A_356 : vector<16xi32>
      %sign3A_358 = arith.constant 0 : i32
      %sign3A_359 = arith.cmpi sgt, %jit3A, %sign3A_358 : i32
      %sign3A_360 = arith.extui %sign3A_359 : i1 to i32
      %sign3A_361 = arith.constant 0 : i32
      %sign3A_362 = arith.cmpi slt, %jit3A, %sign3A_361 : i32
      %sign3A_363 = arith.extui %sign3A_362 : i1 to i32
      %sign3A_364 = arith.subi %sign3A_360, %sign3A_363 : i32
      %ne3A = vector.broadcast %sign3A_364 : i32 to vector<16xi32>
      %ne3A_365 = arith.cmpi ne, %sign3A_357, %ne3A : vector<16xi32>
      %rem3A = vector.broadcast %jit3A : i32 to vector<16xi32>
      %rem3A_366 = arith.remsi %add3A_348, %rem3A : vector<16xi32>
      %ne3A_367 = arith.constant 0 : i32
      %ne3A_368 = vector.broadcast %ne3A_367 : i32 to vector<16xi32>
      %ne3A_369 = arith.cmpi ne, %rem3A_366, %ne3A_368 : vector<16xi32>
      %and3A = arith.andi %ne3A_365, %ne3A_369 : vector<16xi1>
      %sub3A = arith.constant 1 : i32
      %sub3A_370 = vector.broadcast %sub3A : i32 to vector<16xi32>
      %sub3A_371 = arith.subi %div3A_349, %sub3A_370 : vector<16xi32>
      %select_n3A = arith.select %and3A, %sub3A_371, %div3A_349 : vector<16xi1>, vector<16xi32>
      %add3A_372 = vector.broadcast %mul3A_6 : i32 to vector<16xi32>
      %add3A_373 = arith.addi %add3A_372, %select_n3A : vector<16xi32>
      %gt3A = arith.constant 0 : i32
      %gt3A_374 = vector.broadcast %gt3A : i32 to vector<16xi32>
      %gt3A_375 = arith.cmpi sgt, %get3A_344, %gt3A_374 : vector<16xi32>
      %broadcast_in_dim3A_376 = vector.broadcast %add3A_8 : i32 to vector<16xi32>
      %select_n3A_377 = arith.select %gt3A_375, %add3A_373, %broadcast_in_dim3A_376 : vector<16xi1>, vector<16xi32>
      %swap3A_378 = arith.constant 0 : index
      %swap3A_379 = tpu.vector_load %arg19[%swap3A_378] {strides = array<i32>} : memref<128xi32, #tpu.memory_space<vmem>>, vector<16xi32>,
      tpu.vector_store %arg19[%swap3A_378], %select_n3A_377 {strides = array<i32>} : memref<128xi32, #tpu.memory_space<vmem>>, vector<16xi32>,
      %add3A_380 = arith.constant 16 : i32
      %add3A_381 = arith.addi %mul3A_341, %add3A_380 : i32
      %get3A_382 = arith.index_cast %add3A_381 : i32 to index
      %get3A_383 = tpu.vector_load %arg7[%get3A_382] {strides = array<i32>} : memref<25616xi32, #tpu.memory_space<vmem>>, vector<16xi32>,
      %add3A_384 = arith.constant 16 : i32
      %add3A_385 = arith.addi %mul3A_341, %add3A_384 : i32
      %iota3A_386 = tpu.iota {dimensions = array<i32: 0>} : vector<16xi32>
      %add3A_387 = vector.broadcast %add3A_385 : i32 to vector<16xi32>
      %add3A_388 = arith.addi %add3A_387, %iota3A_386 : vector<16xi32>
      %jit3A_389 = arith.constant 200 : i32
      %div3A_390 = vector.broadcast %jit3A_389 : i32 to vector<16xi32>
      %div3A_391 = arith.divsi %add3A_388, %div3A_390 : vector<16xi32>
      %sign3A_392 = arith.constant 0 : i32
      %sign3A_393 = vector.broadcast %sign3A_392 : i32 to vector<16xi32>
      %sign3A_394 = arith.cmpi sgt, %add3A_388, %sign3A_393 : vector<16xi32>
      %sign3A_395 = arith.extui %sign3A_394 : vector<16xi1> to vector<16xi32>
      %sign3A_396 = arith.constant 0 : i32
      %sign3A_397 = vector.broadcast %sign3A_396 : i32 to vector<16xi32>
      %sign3A_398 = arith.cmpi slt, %add3A_388, %sign3A_397 : vector<16xi32>
      %sign3A_399 = arith.extui %sign3A_398 : vector<16xi1> to vector<16xi32>
      %sign3A_400 = arith.subi %sign3A_395, %sign3A_399 : vector<16xi32>
      %sign3A_401 = arith.constant 0 : i32
      %sign3A_402 = arith.cmpi sgt, %jit3A_389, %sign3A_401 : i32
      %sign3A_403 = arith.extui %sign3A_402 : i1 to i32
      %sign3A_404 = arith.constant 0 : i32
      %sign3A_405 = arith.cmpi slt, %jit3A_389, %sign3A_404 : i32
      %sign3A_406 = arith.extui %sign3A_405 : i1 to i32
      %sign3A_407 = arith.subi %sign3A_403, %sign3A_406 : i32
      %ne3A_408 = vector.broadcast %sign3A_407 : i32 to vector<16xi32>
      %ne3A_409 = arith.cmpi ne, %sign3A_400, %ne3A_408 : vector<16xi32>
      %rem3A_410 = vector.broadcast %jit3A_389 : i32 to vector<16xi32>
      %rem3A_411 = arith.remsi %add3A_388, %rem3A_410 : vector<16xi32>
      %ne3A_412 = arith.constant 0 : i32
      %ne3A_413 = vector.broadcast %ne3A_412 : i32 to vector<16xi32>
      %ne3A_414 = arith.cmpi ne, %rem3A_411, %ne3A_413 : vector<16xi32>
      %and3A_415 = arith.andi %ne3A_409, %ne3A_414 : vector<16xi1>
      %sub3A_416 = arith.constant 1 : i32
      %sub3A_417 = vector.broadcast %sub3A_416 : i32 to vector<16xi32>
      %sub3A_418 = arith.subi %div3A_391, %sub3A_417 : vector<16xi32>
      %select_n3A_419 = arith.select %and3A_415, %sub3A_418, %div3A_391 : vector<16xi1>, vector<16xi32>
      %add3A_420 = vector.broadcast %mul3A_6 : i32 to vector<16xi32>
      %add3A_421 = arith.addi %add3A_420, %select_n3A_419 : vector<16xi32>
      %gt3A_422 = arith.constant 0 : i32
      %gt3A_423 = vector.broadcast %gt3A_422 : i32 to vector<16xi32>
      %gt3A_424 = arith.cmpi sgt, %get3A_383, %gt3A_423 : vector<16xi32>
      %broadcast_in_dim3A_425 = vector.broadcast %add3A_8 : i32 to vector<16xi32>
      %select_n3A_426 = arith.select %gt3A_424, %add3A_421, %broadcast_in_dim3A_425 : vector<16xi1>, vector<16xi32>
      %swap3A_427 = arith.constant 16 : index
      %swap3A_428 = tpu.vector_load %arg19[%swap3A_427] {strides = array<i32>} : memref<128xi32, #tpu.memory_space<vmem>>, vector<16xi32>,
      tpu.vector_store %arg19[%swap3A_427], %select_n3A_426 {strides = array<i32>} : memref<128xi32, #tpu.memory_space<vmem>>, vector<16xi32>,
      %add3A_429 = arith.constant 32 : i32
      %add3A_430 = arith.addi %mul3A_341, %add3A_429 : i32
      %get3A_431 = arith.index_cast %add3A_430 : i32 to index
      %get3A_432 = tpu.vector_load %arg7[%get3A_431] {strides = array<i32>} : memref<25616xi32, #tpu.memory_space<vmem>>, vector<16xi32>,
      %add3A_433 = arith.constant 32 : i32
      %add3A_434 = arith.addi %mul3A_341, %add3A_433 : i32
      %iota3A_435 = tpu.iota {dimensions = array<i32: 0>} : vector<16xi32>
      %add3A_436 = vector.broadcast %add3A_434 : i32 to vector<16xi32>
      %add3A_437 = arith.addi %add3A_436, %iota3A_435 : vector<16xi32>
      %jit3A_438 = arith.constant 200 : i32
      %div3A_439 = vector.broadcast %jit3A_438 : i32 to vector<16xi32>
      %div3A_440 = arith.divsi %add3A_437, %div3A_439 : vector<16xi32>
      %sign3A_441 = arith.constant 0 : i32
      %sign3A_442 = vector.broadcast %sign3A_441 : i32 to vector<16xi32>
      %sign3A_443 = arith.cmpi sgt, %add3A_437, %sign3A_442 : vector<16xi32>
      %sign3A_444 = arith.extui %sign3A_443 : vector<16xi1> to vector<16xi32>
      %sign3A_445 = arith.constant 0 : i32
      %sign3A_446 = vector.broadcast %sign3A_445 : i32 to vector<16xi32>
      %sign3A_447 = arith.cmpi slt, %add3A_437, %sign3A_446 : vector<16xi32>
      %sign3A_448 = arith.extui %sign3A_447 : vector<16xi1> to vector<16xi32>
      %sign3A_449 = arith.subi %sign3A_444, %sign3A_448 : vector<16xi32>
      %sign3A_450 = arith.constant 0 : i32
      %sign3A_451 = arith.cmpi sgt, %jit3A_438, %sign3A_450 : i32
      %sign3A_452 = arith.extui %sign3A_451 : i1 to i32
      %sign3A_453 = arith.constant 0 : i32
      %sign3A_454 = arith.cmpi slt, %jit3A_438, %sign3A_453 : i32
      %sign3A_455 = arith.extui %sign3A_454 : i1 to i32
      %sign3A_456 = arith.subi %sign3A_452, %sign3A_455 : i32
      %ne3A_457 = vector.broadcast %sign3A_456 : i32 to vector<16xi32>
      %ne3A_458 = arith.cmpi ne, %sign3A_449, %ne3A_457 : vector<16xi32>
      %rem3A_459 = vector.broadcast %jit3A_438 : i32 to vector<16xi32>
      %rem3A_460 = arith.remsi %add3A_437, %rem3A_459 : vector<16xi32>
      %ne3A_461 = arith.constant 0 : i32
      %ne3A_462 = vector.broadcast %ne3A_461 : i32 to vector<16xi32>
      %ne3A_463 = arith.cmpi ne, %rem3A_460, %ne3A_462 : vector<16xi32>
      %and3A_464 = arith.andi %ne3A_458, %ne3A_463 : vector<16xi1>
      %sub3A_465 = arith.constant 1 : i32
      %sub3A_466 = vector.broadcast %sub3A_465 : i32 to vector<16xi32>
      %sub3A_467 = arith.subi %div3A_440, %sub3A_466 : vector<16xi32>
      %select_n3A_468 = arith.select %and3A_464, %sub3A_467, %div3A_440 : vector<16xi1>, vector<16xi32>
      %add3A_469 = vector.broadcast %mul3A_6 : i32 to vector<16xi32>
      %add3A_470 = arith.addi %add3A_469, %select_n3A_468 : vector<16xi32>
      %gt3A_471 = arith.constant 0 : i32
      %gt3A_472 = vector.broadcast %gt3A_471 : i32 to vector<16xi32>
      %gt3A_473 = arith.cmpi sgt, %get3A_432, %gt3A_472 : vector<16xi32>
      %broadcast_in_dim3A_474 = vector.broadcast %add3A_8 : i32 to vector<16xi32>
      %select_n3A_475 = arith.select %gt3A_473, %add3A_470, %broadcast_in_dim3A_474 : vector<16xi1>, vector<16xi32>
      %swap3A_476 = arith.constant 32 : index
      %swap3A_477 = tpu.vector_load %arg19[%swap3A_476] {strides = array<i32>} : memref<128xi32, #tpu.memory_space<vmem>>, vector<16xi32>,
      tpu.vector_store %arg19[%swap3A_476], %select_n3A_475 {strides = array<i32>} : memref<128xi32, #tpu.memory_space<vmem>>, vector<16xi32>,
      %add3A_478 = arith.constant 48 : i32
      %add3A_479 = arith.addi %mul3A_341, %add3A_478 : i32
      %get3A_480 = arith.index_cast %add3A_479 : i32 to index
      %get3A_481 = tpu.vector_load %arg7[%get3A_480] {strides = array<i32>} : memref<25616xi32, #tpu.memory_space<vmem>>, vector<16xi32>,
      %add3A_482 = arith.constant 48 : i32
      %add3A_483 = arith.addi %mul3A_341, %add3A_482 : i32
      %iota3A_484 = tpu.iota {dimensions = array<i32: 0>} : vector<16xi32>
      %add3A_485 = vector.broadcast %add3A_483 : i32 to vector<16xi32>
      %add3A_486 = arith.addi %add3A_485, %iota3A_484 : vector<16xi32>
      %jit3A_487 = arith.constant 200 : i32
      %div3A_488 = vector.broadcast %jit3A_487 : i32 to vector<16xi32>
      %div3A_489 = arith.divsi %add3A_486, %div3A_488 : vector<16xi32>
      %sign3A_490 = arith.constant 0 : i32
      %sign3A_491 = vector.broadcast %sign3A_490 : i32 to vector<16xi32>
      %sign3A_492 = arith.cmpi sgt, %add3A_486, %sign3A_491 : vector<16xi32>
      %sign3A_493 = arith.extui %sign3A_492 : vector<16xi1> to vector<16xi32>
      %sign3A_494 = arith.constant 0 : i32
      %sign3A_495 = vector.broadcast %sign3A_494 : i32 to vector<16xi32>
      %sign3A_496 = arith.cmpi slt, %add3A_486, %sign3A_495 : vector<16xi32>
      %sign3A_497 = arith.extui %sign3A_496 : vector<16xi1> to vector<16xi32>
      %sign3A_498 = arith.subi %sign3A_493, %sign3A_497 : vector<16xi32>
      %sign3A_499 = arith.constant 0 : i32
      %sign3A_500 = arith.cmpi sgt, %jit3A_487, %sign3A_499 : i32
      %sign3A_501 = arith.extui %sign3A_500 : i1 to i32
      %sign3A_502 = arith.constant 0 : i32
      %sign3A_503 = arith.cmpi slt, %jit3A_487, %sign3A_502 : i32
      %sign3A_504 = arith.extui %sign3A_503 : i1 to i32
      %sign3A_505 = arith.subi %sign3A_501, %sign3A_504 : i32
      %ne3A_506 = vector.broadcast %sign3A_505 : i32 to vector<16xi32>
      %ne3A_507 = arith.cmpi ne, %sign3A_498, %ne3A_506 : vector<16xi32>
      %rem3A_508 = vector.broadcast %jit3A_487 : i32 to vector<16xi32>
      %rem3A_509 = arith.remsi %add3A_486, %rem3A_508 : vector<16xi32>
      %ne3A_510 = arith.constant 0 : i32
      %ne3A_511 = vector.broadcast %ne3A_510 : i32 to vector<16xi32>
      %ne3A_512 = arith.cmpi ne, %rem3A_509, %ne3A_511 : vector<16xi32>
      %and3A_513 = arith.andi %ne3A_507, %ne3A_512 : vector<16xi1>
      %sub3A_514 = arith.constant 1 : i32
      %sub3A_515 = vector.broadcast %sub3A_514 : i32 to vector<16xi32>
      %sub3A_516 = arith.subi %div3A_489, %sub3A_515 : vector<16xi32>
      %select_n3A_517 = arith.select %and3A_513, %sub3A_516, %div3A_489 : vector<16xi1>, vector<16xi32>
      %add3A_518 = vector.broadcast %mul3A_6 : i32 to vector<16xi32>
      %add3A_519 = arith.addi %add3A_518, %select_n3A_517 : vector<16xi32>
      %gt3A_520 = arith.constant 0 : i32
      %gt3A_521 = vector.broadcast %gt3A_520 : i32 to vector<16xi32>
      %gt3A_522 = arith.cmpi sgt, %get3A_481, %gt3A_521 : vector<16xi32>
      %broadcast_in_dim3A_523 = vector.broadcast %add3A_8 : i32 to vector<16xi32>
      %select_n3A_524 = arith.select %gt3A_522, %add3A_519, %broadcast_in_dim3A_523 : vector<16xi1>, vector<16xi32>
      %swap3A_525 = arith.constant 48 : index
      %swap3A_526 = tpu.vector_load %arg19[%swap3A_525] {strides = array<i32>} : memref<128xi32, #tpu.memory_space<vmem>>, vector<16xi32>,
      tpu.vector_store %arg19[%swap3A_525], %select_n3A_524 {strides = array<i32>} : memref<128xi32, #tpu.memory_space<vmem>>, vector<16xi32>,
      %add3A_527 = arith.constant 64 : i32
      %add3A_528 = arith.addi %mul3A_341, %add3A_527 : i32
      %get3A_529 = arith.index_cast %add3A_528 : i32 to index
      %get3A_530 = tpu.vector_load %arg7[%get3A_529] {strides = array<i32>} : memref<25616xi32, #tpu.memory_space<vmem>>, vector<16xi32>,
      %add3A_531 = arith.constant 64 : i32
      %add3A_532 = arith.addi %mul3A_341, %add3A_531 : i32
      %iota3A_533 = tpu.iota {dimensions = array<i32: 0>} : vector<16xi32>
      %add3A_534 = vector.broadcast %add3A_532 : i32 to vector<16xi32>
      %add3A_535 = arith.addi %add3A_534, %iota3A_533 : vector<16xi32>
      %jit3A_536 = arith.constant 200 : i32
      %div3A_537 = vector.broadcast %jit3A_536 : i32 to vector<16xi32>
      %div3A_538 = arith.divsi %add3A_535, %div3A_537 : vector<16xi32>
      %sign3A_539 = arith.constant 0 : i32
      %sign3A_540 = vector.broadcast %sign3A_539 : i32 to vector<16xi32>
      %sign3A_541 = arith.cmpi sgt, %add3A_535, %sign3A_540 : vector<16xi32>
      %sign3A_542 = arith.extui %sign3A_541 : vector<16xi1> to vector<16xi32>
      %sign3A_543 = arith.constant 0 : i32
      %sign3A_544 = vector.broadcast %sign3A_543 : i32 to vector<16xi32>
      %sign3A_545 = arith.cmpi slt, %add3A_535, %sign3A_544 : vector<16xi32>
      %sign3A_546 = arith.extui %sign3A_545 : vector<16xi1> to vector<16xi32>
      %sign3A_547 = arith.subi %sign3A_542, %sign3A_546 : vector<16xi32>
      %sign3A_548 = arith.constant 0 : i32
      %sign3A_549 = arith.cmpi sgt, %jit3A_536, %sign3A_548 : i32
      %sign3A_550 = arith.extui %sign3A_549 : i1 to i32
      %sign3A_551 = arith.constant 0 : i32
      %sign3A_552 = arith.cmpi slt, %jit3A_536, %sign3A_551 : i32
      %sign3A_553 = arith.extui %sign3A_552 : i1 to i32
      %sign3A_554 = arith.subi %sign3A_550, %sign3A_553 : i32
      %ne3A_555 = vector.broadcast %sign3A_554 : i32 to vector<16xi32>
      %ne3A_556 = arith.cmpi ne, %sign3A_547, %ne3A_555 : vector<16xi32>
      %rem3A_557 = vector.broadcast %jit3A_536 : i32 to vector<16xi32>
      %rem3A_558 = arith.remsi %add3A_535, %rem3A_557 : vector<16xi32>
      %ne3A_559 = arith.constant 0 : i32
      %ne3A_560 = vector.broadcast %ne3A_559 : i32 to vector<16xi32>
      %ne3A_561 = arith.cmpi ne, %rem3A_558, %ne3A_560 : vector<16xi32>
      %and3A_562 = arith.andi %ne3A_556, %ne3A_561 : vector<16xi1>
      %sub3A_563 = arith.constant 1 : i32
      %sub3A_564 = vector.broadcast %sub3A_563 : i32 to vector<16xi32>
      %sub3A_565 = arith.subi %div3A_538, %sub3A_564 : vector<16xi32>
      %select_n3A_566 = arith.select %and3A_562, %sub3A_565, %div3A_538 : vector<16xi1>, vector<16xi32>
      %add3A_567 = vector.broadcast %mul3A_6 : i32 to vector<16xi32>
      %add3A_568 = arith.addi %add3A_567, %select_n3A_566 : vector<16xi32>
      %gt3A_569 = arith.constant 0 : i32
      %gt3A_570 = vector.broadcast %gt3A_569 : i32 to vector<16xi32>
      %gt3A_571 = arith.cmpi sgt, %get3A_530, %gt3A_570 : vector<16xi32>
      %broadcast_in_dim3A_572 = vector.broadcast %add3A_8 : i32 to vector<16xi32>
      %select_n3A_573 = arith.select %gt3A_571, %add3A_568, %broadcast_in_dim3A_572 : vector<16xi1>, vector<16xi32>
      %swap3A_574 = arith.constant 64 : index
      %swap3A_575 = tpu.vector_load %arg19[%swap3A_574] {strides = array<i32>} : memref<128xi32, #tpu.memory_space<vmem>>, vector<16xi32>,
      tpu.vector_store %arg19[%swap3A_574], %select_n3A_573 {strides = array<i32>} : memref<128xi32, #tpu.memory_space<vmem>>, vector<16xi32>,
      %add3A_576 = arith.constant 80 : i32
      %add3A_577 = arith.addi %mul3A_341, %add3A_576 : i32
      %get3A_578 = arith.index_cast %add3A_577 : i32 to index
      %get3A_579 = tpu.vector_load %arg7[%get3A_578] {strides = array<i32>} : memref<25616xi32, #tpu.memory_space<vmem>>, vector<16xi32>,
      %add3A_580 = arith.constant 80 : i32
      %add3A_581 = arith.addi %mul3A_341, %add3A_580 : i32
      %iota3A_582 = tpu.iota {dimensions = array<i32: 0>} : vector<16xi32>
      %add3A_583 = vector.broadcast %add3A_581 : i32 to vector<16xi32>
      %add3A_584 = arith.addi %add3A_583, %iota3A_582 : vector<16xi32>
      %jit3A_585 = arith.constant 200 : i32
      %div3A_586 = vector.broadcast %jit3A_585 : i32 to vector<16xi32>
      %div3A_587 = arith.divsi %add3A_584, %div3A_586 : vector<16xi32>
      %sign3A_588 = arith.constant 0 : i32
      %sign3A_589 = vector.broadcast %sign3A_588 : i32 to vector<16xi32>
      %sign3A_590 = arith.cmpi sgt, %add3A_584, %sign3A_589 : vector<16xi32>
      %sign3A_591 = arith.extui %sign3A_590 : vector<16xi1> to vector<16xi32>
      %sign3A_592 = arith.constant 0 : i32
      %sign3A_593 = vector.broadcast %sign3A_592 : i32 to vector<16xi32>
      %sign3A_594 = arith.cmpi slt, %add3A_584, %sign3A_593 : vector<16xi32>
      %sign3A_595 = arith.extui %sign3A_594 : vector<16xi1> to vector<16xi32>
      %sign3A_596 = arith.subi %sign3A_591, %sign3A_595 : vector<16xi32>
      %sign3A_597 = arith.constant 0 : i32
      %sign3A_598 = arith.cmpi sgt, %jit3A_585, %sign3A_597 : i32
      %sign3A_599 = arith.extui %sign3A_598 : i1 to i32
      %sign3A_600 = arith.constant 0 : i32
      %sign3A_601 = arith.cmpi slt, %jit3A_585, %sign3A_600 : i32
      %sign3A_602 = arith.extui %sign3A_601 : i1 to i32
      %sign3A_603 = arith.subi %sign3A_599, %sign3A_602 : i32
      %ne3A_604 = vector.broadcast %sign3A_603 : i32 to vector<16xi32>
      %ne3A_605 = arith.cmpi ne, %sign3A_596, %ne3A_604 : vector<16xi32>
      %rem3A_606 = vector.broadcast %jit3A_585 : i32 to vector<16xi32>
      %rem3A_607 = arith.remsi %add3A_584, %rem3A_606 : vector<16xi32>
      %ne3A_608 = arith.constant 0 : i32
      %ne3A_609 = vector.broadcast %ne3A_608 : i32 to vector<16xi32>
      %ne3A_610 = arith.cmpi ne, %rem3A_607, %ne3A_609 : vector<16xi32>
      %and3A_611 = arith.andi %ne3A_605, %ne3A_610 : vector<16xi1>
      %sub3A_612 = arith.constant 1 : i32
      %sub3A_613 = vector.broadcast %sub3A_612 : i32 to vector<16xi32>
      %sub3A_614 = arith.subi %div3A_587, %sub3A_613 : vector<16xi32>
      %select_n3A_615 = arith.select %and3A_611, %sub3A_614, %div3A_587 : vector<16xi1>, vector<16xi32>
      %add3A_616 = vector.broadcast %mul3A_6 : i32 to vector<16xi32>
      %add3A_617 = arith.addi %add3A_616, %select_n3A_615 : vector<16xi32>
      %gt3A_618 = arith.constant 0 : i32
      %gt3A_619 = vector.broadcast %gt3A_618 : i32 to vector<16xi32>
      %gt3A_620 = arith.cmpi sgt, %get3A_579, %gt3A_619 : vector<16xi32>
      %broadcast_in_dim3A_621 = vector.broadcast %add3A_8 : i32 to vector<16xi32>
      %select_n3A_622 = arith.select %gt3A_620, %add3A_617, %broadcast_in_dim3A_621 : vector<16xi1>, vector<16xi32>
      %swap3A_623 = arith.constant 80 : index
      %swap3A_624 = tpu.vector_load %arg19[%swap3A_623] {strides = array<i32>} : memref<128xi32, #tpu.memory_space<vmem>>, vector<16xi32>,
      tpu.vector_store %arg19[%swap3A_623], %select_n3A_622 {strides = array<i32>} : memref<128xi32, #tpu.memory_space<vmem>>, vector<16xi32>,
      %add3A_625 = arith.constant 96 : i32
      %add3A_626 = arith.addi %mul3A_341, %add3A_625 : i32
      %get3A_627 = arith.index_cast %add3A_626 : i32 to index
      %get3A_628 = tpu.vector_load %arg7[%get3A_627] {strides = array<i32>} : memref<25616xi32, #tpu.memory_space<vmem>>, vector<16xi32>,
      %add3A_629 = arith.constant 96 : i32
      %add3A_630 = arith.addi %mul3A_341, %add3A_629 : i32
      %iota3A_631 = tpu.iota {dimensions = array<i32: 0>} : vector<16xi32>
      %add3A_632 = vector.broadcast %add3A_630 : i32 to vector<16xi32>
      %add3A_633 = arith.addi %add3A_632, %iota3A_631 : vector<16xi32>
      %jit3A_634 = arith.constant 200 : i32
      %div3A_635 = vector.broadcast %jit3A_634 : i32 to vector<16xi32>
      %div3A_636 = arith.divsi %add3A_633, %div3A_635 : vector<16xi32>
      %sign3A_637 = arith.constant 0 : i32
      %sign3A_638 = vector.broadcast %sign3A_637 : i32 to vector<16xi32>
      %sign3A_639 = arith.cmpi sgt, %add3A_633, %sign3A_638 : vector<16xi32>
      %sign3A_640 = arith.extui %sign3A_639 : vector<16xi1> to vector<16xi32>
      %sign3A_641 = arith.constant 0 : i32
      %sign3A_642 = vector.broadcast %sign3A_641 : i32 to vector<16xi32>
      %sign3A_643 = arith.cmpi slt, %add3A_633, %sign3A_642 : vector<16xi32>
      %sign3A_644 = arith.extui %sign3A_643 : vector<16xi1> to vector<16xi32>
      %sign3A_645 = arith.subi %sign3A_640, %sign3A_644 : vector<16xi32>
      %sign3A_646 = arith.constant 0 : i32
      %sign3A_647 = arith.cmpi sgt, %jit3A_634, %sign3A_646 : i32
      %sign3A_648 = arith.extui %sign3A_647 : i1 to i32
      %sign3A_649 = arith.constant 0 : i32
      %sign3A_650 = arith.cmpi slt, %jit3A_634, %sign3A_649 : i32
      %sign3A_651 = arith.extui %sign3A_650 : i1 to i32
      %sign3A_652 = arith.subi %sign3A_648, %sign3A_651 : i32
      %ne3A_653 = vector.broadcast %sign3A_652 : i32 to vector<16xi32>
      %ne3A_654 = arith.cmpi ne, %sign3A_645, %ne3A_653 : vector<16xi32>
      %rem3A_655 = vector.broadcast %jit3A_634 : i32 to vector<16xi32>
      %rem3A_656 = arith.remsi %add3A_633, %rem3A_655 : vector<16xi32>
      %ne3A_657 = arith.constant 0 : i32
      %ne3A_658 = vector.broadcast %ne3A_657 : i32 to vector<16xi32>
      %ne3A_659 = arith.cmpi ne, %rem3A_656, %ne3A_658 : vector<16xi32>
      %and3A_660 = arith.andi %ne3A_654, %ne3A_659 : vector<16xi1>
      %sub3A_661 = arith.constant 1 : i32
      %sub3A_662 = vector.broadcast %sub3A_661 : i32 to vector<16xi32>
      %sub3A_663 = arith.subi %div3A_636, %sub3A_662 : vector<16xi32>
      %select_n3A_664 = arith.select %and3A_660, %sub3A_663, %div3A_636 : vector<16xi1>, vector<16xi32>
      %add3A_665 = vector.broadcast %mul3A_6 : i32 to vector<16xi32>
      %add3A_666 = arith.addi %add3A_665, %select_n3A_664 : vector<16xi32>
      %gt3A_667 = arith.constant 0 : i32
      %gt3A_668 = vector.broadcast %gt3A_667 : i32 to vector<16xi32>
      %gt3A_669 = arith.cmpi sgt, %get3A_628, %gt3A_668 : vector<16xi32>
      %broadcast_in_dim3A_670 = vector.broadcast %add3A_8 : i32 to vector<16xi32>
      %select_n3A_671 = arith.select %gt3A_669, %add3A_666, %broadcast_in_dim3A_670 : vector<16xi1>, vector<16xi32>
      %swap3A_672 = arith.constant 96 : index
      %swap3A_673 = tpu.vector_load %arg19[%swap3A_672] {strides = array<i32>} : memref<128xi32, #tpu.memory_space<vmem>>, vector<16xi32>,
      tpu.vector_store %arg19[%swap3A_672], %select_n3A_671 {strides = array<i32>} : memref<128xi32, #tpu.memory_space<vmem>>, vector<16xi32>,
      %add3A_674 = arith.constant 112 : i32
      %add3A_675 = arith.addi %mul3A_341, %add3A_674 : i32
      %get3A_676 = arith.index_cast %add3A_675 : i32 to index
      %get3A_677 = tpu.vector_load %arg7[%get3A_676] {strides = array<i32>} : memref<25616xi32, #tpu.memory_space<vmem>>, vector<16xi32>,
      %add3A_678 = arith.constant 112 : i32
      %add3A_679 = arith.addi %mul3A_341, %add3A_678 : i32
      %iota3A_680 = tpu.iota {dimensions = array<i32: 0>} : vector<16xi32>
      %add3A_681 = vector.broadcast %add3A_679 : i32 to vector<16xi32>
      %add3A_682 = arith.addi %add3A_681, %iota3A_680 : vector<16xi32>
      %jit3A_683 = arith.constant 200 : i32
      %div3A_684 = vector.broadcast %jit3A_683 : i32 to vector<16xi32>
      %div3A_685 = arith.divsi %add3A_682, %div3A_684 : vector<16xi32>
      %sign3A_686 = arith.constant 0 : i32
      %sign3A_687 = vector.broadcast %sign3A_686 : i32 to vector<16xi32>
      %sign3A_688 = arith.cmpi sgt, %add3A_682, %sign3A_687 : vector<16xi32>
      %sign3A_689 = arith.extui %sign3A_688 : vector<16xi1> to vector<16xi32>
      %sign3A_690 = arith.constant 0 : i32
      %sign3A_691 = vector.broadcast %sign3A_690 : i32 to vector<16xi32>
      %sign3A_692 = arith.cmpi slt, %add3A_682, %sign3A_691 : vector<16xi32>
      %sign3A_693 = arith.extui %sign3A_692 : vector<16xi1> to vector<16xi32>
      %sign3A_694 = arith.subi %sign3A_689, %sign3A_693 : vector<16xi32>
      %sign3A_695 = arith.constant 0 : i32
      %sign3A_696 = arith.cmpi sgt, %jit3A_683, %sign3A_695 : i32
      %sign3A_697 = arith.extui %sign3A_696 : i1 to i32
      %sign3A_698 = arith.constant 0 : i32
      %sign3A_699 = arith.cmpi slt, %jit3A_683, %sign3A_698 : i32
      %sign3A_700 = arith.extui %sign3A_699 : i1 to i32
      %sign3A_701 = arith.subi %sign3A_697, %sign3A_700 : i32
      %ne3A_702 = vector.broadcast %sign3A_701 : i32 to vector<16xi32>
      %ne3A_703 = arith.cmpi ne, %sign3A_694, %ne3A_702 : vector<16xi32>
      %rem3A_704 = vector.broadcast %jit3A_683 : i32 to vector<16xi32>
      %rem3A_705 = arith.remsi %add3A_682, %rem3A_704 : vector<16xi32>
      %ne3A_706 = arith.constant 0 : i32
      %ne3A_707 = vector.broadcast %ne3A_706 : i32 to vector<16xi32>
      %ne3A_708 = arith.cmpi ne, %rem3A_705, %ne3A_707 : vector<16xi32>
      %and3A_709 = arith.andi %ne3A_703, %ne3A_708 : vector<16xi1>
      %sub3A_710 = arith.constant 1 : i32
      %sub3A_711 = vector.broadcast %sub3A_710 : i32 to vector<16xi32>
      %sub3A_712 = arith.subi %div3A_685, %sub3A_711 : vector<16xi32>
      %select_n3A_713 = arith.select %and3A_709, %sub3A_712, %div3A_685 : vector<16xi1>, vector<16xi32>
      %add3A_714 = vector.broadcast %mul3A_6 : i32 to vector<16xi32>
      %add3A_715 = arith.addi %add3A_714, %select_n3A_713 : vector<16xi32>
      %gt3A_716 = arith.constant 0 : i32
      %gt3A_717 = vector.broadcast %gt3A_716 : i32 to vector<16xi32>
      %gt3A_718 = arith.cmpi sgt, %get3A_677, %gt3A_717 : vector<16xi32>
      %broadcast_in_dim3A_719 = vector.broadcast %add3A_8 : i32 to vector<16xi32>
      %select_n3A_720 = arith.select %gt3A_718, %add3A_715, %broadcast_in_dim3A_719 : vector<16xi1>, vector<16xi32>
      %swap3A_721 = arith.constant 112 : index
      %swap3A_722 = tpu.vector_load %arg19[%swap3A_721] {strides = array<i32>} : memref<128xi32, #tpu.memory_space<vmem>>, vector<16xi32>,
      tpu.vector_store %arg19[%swap3A_721], %select_n3A_720 {strides = array<i32>} : memref<128xi32, #tpu.memory_space<vmem>>, vector<16xi32>,
      %mul3A_723 = arith.constant 128 : i32
      %mul3A_724 = arith.muli %add3A_331, %mul3A_723 : i32
      %dma_wait3A_725 = tpu.memref_slice %arg6[%mul3A_724] : memref<25600xi32, #tpu.memory_space<vmem>> -> memref<128xi32, #tpu.memory_space<vmem>>
      %dma_wait3A_726 = arith.constant 0 : i32
      %dma_wait3A_727 = arith.constant 0 : i32
      %dma_wait3A_728 = tpu.memref_slice %arg4[%dma_wait3A_726, %dma_wait3A_727] : memref<1000000x64xf32, #tpu.memory_space<hbm>> -> memref<1000000x64xf32, #tpu.memory_space<hbm>>
      tpu.wait_indirect_dma semaphore(%arg27 : memref<!tpu.dma_semaphore, #tpu.memory_space<semaphore_mem>>) src(%dma_wait3A_728 : memref<1000000x64xf32, #tpu.memory_space<hbm>>) dst(%arg11 : memref<128x64xf32, #tpu.memory_space<vmem>>)
      %dma_start3A_729 = arith.constant 0 : i32
      %dma_start3A_730 = arith.constant 0 : i32
      %dma_start3A_731 = tpu.memref_slice %arg10[%dma_start3A_729, %dma_start3A_730] : memref<2064x64xf32, #tpu.memory_space<vmem_shared>> -> memref<2064x64xf32, #tpu.memory_space<vmem_shared>>
      tpu.enqueue_indirect_dma source(%arg11 : memref<128x64xf32, #tpu.memory_space<vmem>>) target(%dma_start3A_731 : memref<2064x64xf32, #tpu.memory_space<vmem_shared>>) offsets(%arg19 : memref<128xi32, #tpu.memory_space<vmem>>) semaphore(%arg35 : memref<!tpu.dma_semaphore, #tpu.memory_space<semaphore_mem>>) {add = true}
      %mul3A_732 = arith.constant 8 : i32
      %mul3A_733 = arith.muli %scan3A_326, %mul3A_732 : i32
      %add3A_734 = arith.constant 1 : i32
      %add3A_735 = arith.addi %mul3A_733, %add3A_734 : i32
      %ge3A_736 = arith.constant 2 : i32
      %ge3A_737 = arith.cmpi sge, %add3A_735, %ge3A_736 : i32
      %convert_element_type3A_738 = arith.extui %ge3A_737 : i1 to i32
      %cond3A_739 = arith.constant 0 : i32
      %cond3A_740 = arith.cmpi ne, %convert_element_type3A_738, %cond3A_739 : i32
      scf.if %cond3A_740 {
        %dma_wait3A_3666 = arith.constant 0 : i32
        %dma_wait3A_3667 = arith.constant 0 : i32
        %dma_wait3A_3668 = tpu.memref_slice %arg10[%dma_wait3A_3666, %dma_wait3A_3667] : memref<2064x64xf32, #tpu.memory_space<vmem_shared>> -> memref<2064x64xf32, #tpu.memory_space<vmem_shared>>
        tpu.wait_indirect_dma semaphore(%arg42 : memref<!tpu.dma_semaphore, #tpu.memory_space<semaphore_mem>>) src(%arg18 : memref<128x64xf32, #tpu.memory_space<vmem>>) dst(%dma_wait3A_3668 : memref<2064x64xf32, #tpu.memory_space<vmem_shared>>)
      } else {
      }
      %add3A_741 = arith.constant 6 : i32
      %add3A_742 = arith.addi %add3A_735, %add3A_741 : i32
      %lt3A_743 = arith.constant 200 : i32
      %lt3A_744 = arith.cmpi slt, %add3A_742, %lt3A_743 : i32
      %convert_element_type3A_745 = arith.extui %lt3A_744 : i1 to i32
      %cond3A_746 = arith.constant 0 : i32
      %cond3A_747 = arith.cmpi ne, %convert_element_type3A_745, %cond3A_746 : i32
      scf.if %cond3A_747 {
        %add3A_3666 = arith.constant 6 : i32
        %add3A_3667 = arith.addi %add3A_735, %add3A_3666 : i32
        %mul3A_3668 = arith.constant 128 : i32
        %mul3A_3669 = arith.muli %add3A_3667, %mul3A_3668 : i32
        %dma_start3A_3670 = tpu.memref_slice %arg6[%mul3A_3669] : memref<25600xi32, #tpu.memory_space<vmem>> -> memref<128xi32, #tpu.memory_space<vmem>>
        %dma_start3A_3671 = arith.constant 0 : i32
        %dma_start3A_3672 = arith.constant 0 : i32
        %dma_start3A_3673 = tpu.memref_slice %arg4[%dma_start3A_3671, %dma_start3A_3672] : memref<1000000x64xf32, #tpu.memory_space<hbm>> -> memref<1000000x64xf32, #tpu.memory_space<hbm>>
        tpu.enqueue_indirect_dma source(%dma_start3A_3673 : memref<1000000x64xf32, #tpu.memory_space<hbm>>) target(%arg18 : memref<128x64xf32, #tpu.memory_space<vmem>>) offsets(%dma_start3A_3670 : memref<128xi32, #tpu.memory_space<vmem>>) semaphore(%arg34 : memref<!tpu.dma_semaphore, #tpu.memory_space<semaphore_mem>>)
      } else {
      }
      %mul3A_748 = arith.constant 128 : i32
      %mul3A_749 = arith.muli %add3A_735, %mul3A_748 : i32
      %add3A_750 = arith.constant 0 : i32
      %add3A_751 = arith.addi %mul3A_749, %add3A_750 : i32
      %get3A_752 = arith.index_cast %add3A_751 : i32 to index
      %get3A_753 = tpu.vector_load %arg7[%get3A_752] {strides = array<i32>} : memref<25616xi32, #tpu.memory_space<vmem>>, vector<16xi32>,
      %add3A_754 = arith.constant 0 : i32
      %add3A_755 = arith.addi %mul3A_749, %add3A_754 : i32
      %iota3A_756 = tpu.iota {dimensions = array<i32: 0>} : vector<16xi32>
      %add3A_757 = vector.broadcast %add3A_755 : i32 to vector<16xi32>
      %add3A_758 = arith.addi %add3A_757, %iota3A_756 : vector<16xi32>
      %jit3A_759 = arith.constant 200 : i32
      %div3A_760 = vector.broadcast %jit3A_759 : i32 to vector<16xi32>
      %div3A_761 = arith.divsi %add3A_758, %div3A_760 : vector<16xi32>
      %sign3A_762 = arith.constant 0 : i32
      %sign3A_763 = vector.broadcast %sign3A_762 : i32 to vector<16xi32>
      %sign3A_764 = arith.cmpi sgt, %add3A_758, %sign3A_763 : vector<16xi32>
      %sign3A_765 = arith.extui %sign3A_764 : vector<16xi1> to vector<16xi32>
      %sign3A_766 = arith.constant 0 : i32
      %sign3A_767 = vector.broadcast %sign3A_766 : i32 to vector<16xi32>
      %sign3A_768 = arith.cmpi slt, %add3A_758, %sign3A_767 : vector<16xi32>
      %sign3A_769 = arith.extui %sign3A_768 : vector<16xi1> to vector<16xi32>
      %sign3A_770 = arith.subi %sign3A_765, %sign3A_769 : vector<16xi32>
      %sign3A_771 = arith.constant 0 : i32
      %sign3A_772 = arith.cmpi sgt, %jit3A_759, %sign3A_771 : i32
      %sign3A_773 = arith.extui %sign3A_772 : i1 to i32
      %sign3A_774 = arith.constant 0 : i32
      %sign3A_775 = arith.cmpi slt, %jit3A_759, %sign3A_774 : i32
      %sign3A_776 = arith.extui %sign3A_775 : i1 to i32
      %sign3A_777 = arith.subi %sign3A_773, %sign3A_776 : i32
      %ne3A_778 = vector.broadcast %sign3A_777 : i32 to vector<16xi32>
      %ne3A_779 = arith.cmpi ne, %sign3A_770, %ne3A_778 : vector<16xi32>
      %rem3A_780 = vector.broadcast %jit3A_759 : i32 to vector<16xi32>
      %rem3A_781 = arith.remsi %add3A_758, %rem3A_780 : vector<16xi32>
      %ne3A_782 = arith.constant 0 : i32
      %ne3A_783 = vector.broadcast %ne3A_782 : i32 to vector<16xi32>
      %ne3A_784 = arith.cmpi ne, %rem3A_781, %ne3A_783 : vector<16xi32>
      %and3A_785 = arith.andi %ne3A_779, %ne3A_784 : vector<16xi1>
      %sub3A_786 = arith.constant 1 : i32
      %sub3A_787 = vector.broadcast %sub3A_786 : i32 to vector<16xi32>
      %sub3A_788 = arith.subi %div3A_761, %sub3A_787 : vector<16xi32>
      %select_n3A_789 = arith.select %and3A_785, %sub3A_788, %div3A_761 : vector<16xi1>, vector<16xi32>
      %add3A_790 = vector.broadcast %mul3A_6 : i32 to vector<16xi32>
      %add3A_791 = arith.addi %add3A_790, %select_n3A_789 : vector<16xi32>
      %gt3A_792 = arith.constant 0 : i32
      %gt3A_793 = vector.broadcast %gt3A_792 : i32 to vector<16xi32>
      %gt3A_794 = arith.cmpi sgt, %get3A_753, %gt3A_793 : vector<16xi32>
      %broadcast_in_dim3A_795 = vector.broadcast %add3A_8 : i32 to vector<16xi32>
      %select_n3A_796 = arith.select %gt3A_794, %add3A_791, %broadcast_in_dim3A_795 : vector<16xi1>, vector<16xi32>
      %swap3A_797 = arith.constant 0 : index
      %swap3A_798 = tpu.vector_load %arg20[%swap3A_797] {strides = array<i32>} : memref<128xi32, #tpu.memory_space<vmem>>, vector<16xi32>,
      tpu.vector_store %arg20[%swap3A_797], %select_n3A_796 {strides = array<i32>} : memref<128xi32, #tpu.memory_space<vmem>>, vector<16xi32>,
      %add3A_799 = arith.constant 16 : i32
      %add3A_800 = arith.addi %mul3A_749, %add3A_799 : i32
      %get3A_801 = arith.index_cast %add3A_800 : i32 to index
      %get3A_802 = tpu.vector_load %arg7[%get3A_801] {strides = array<i32>} : memref<25616xi32, #tpu.memory_space<vmem>>, vector<16xi32>,
      %add3A_803 = arith.constant 16 : i32
      %add3A_804 = arith.addi %mul3A_749, %add3A_803 : i32
      %iota3A_805 = tpu.iota {dimensions = array<i32: 0>} : vector<16xi32>
      %add3A_806 = vector.broadcast %add3A_804 : i32 to vector<16xi32>
      %add3A_807 = arith.addi %add3A_806, %iota3A_805 : vector<16xi32>
      %jit3A_808 = arith.constant 200 : i32
      %div3A_809 = vector.broadcast %jit3A_808 : i32 to vector<16xi32>
      %div3A_810 = arith.divsi %add3A_807, %div3A_809 : vector<16xi32>
      %sign3A_811 = arith.constant 0 : i32
      %sign3A_812 = vector.broadcast %sign3A_811 : i32 to vector<16xi32>
      %sign3A_813 = arith.cmpi sgt, %add3A_807, %sign3A_812 : vector<16xi32>
      %sign3A_814 = arith.extui %sign3A_813 : vector<16xi1> to vector<16xi32>
      %sign3A_815 = arith.constant 0 : i32
      %sign3A_816 = vector.broadcast %sign3A_815 : i32 to vector<16xi32>
      %sign3A_817 = arith.cmpi slt, %add3A_807, %sign3A_816 : vector<16xi32>
      %sign3A_818 = arith.extui %sign3A_817 : vector<16xi1> to vector<16xi32>
      %sign3A_819 = arith.subi %sign3A_814, %sign3A_818 : vector<16xi32>
      %sign3A_820 = arith.constant 0 : i32
      %sign3A_821 = arith.cmpi sgt, %jit3A_808, %sign3A_820 : i32
      %sign3A_822 = arith.extui %sign3A_821 : i1 to i32
      %sign3A_823 = arith.constant 0 : i32
      %sign3A_824 = arith.cmpi slt, %jit3A_808, %sign3A_823 : i32
      %sign3A_825 = arith.extui %sign3A_824 : i1 to i32
      %sign3A_826 = arith.subi %sign3A_822, %sign3A_825 : i32
      %ne3A_827 = vector.broadcast %sign3A_826 : i32 to vector<16xi32>
      %ne3A_828 = arith.cmpi ne, %sign3A_819, %ne3A_827 : vector<16xi32>
      %rem3A_829 = vector.broadcast %jit3A_808 : i32 to vector<16xi32>
      %rem3A_830 = arith.remsi %add3A_807, %rem3A_829 : vector<16xi32>
      %ne3A_831 = arith.constant 0 : i32
      %ne3A_832 = vector.broadcast %ne3A_831 : i32 to vector<16xi32>
      %ne3A_833 = arith.cmpi ne, %rem3A_830, %ne3A_832 : vector<16xi32>
      %and3A_834 = arith.andi %ne3A_828, %ne3A_833 : vector<16xi1>
      %sub3A_835 = arith.constant 1 : i32
      %sub3A_836 = vector.broadcast %sub3A_835 : i32 to vector<16xi32>
      %sub3A_837 = arith.subi %div3A_810, %sub3A_836 : vector<16xi32>
      %select_n3A_838 = arith.select %and3A_834, %sub3A_837, %div3A_810 : vector<16xi1>, vector<16xi32>
      %add3A_839 = vector.broadcast %mul3A_6 : i32 to vector<16xi32>
      %add3A_840 = arith.addi %add3A_839, %select_n3A_838 : vector<16xi32>
      %gt3A_841 = arith.constant 0 : i32
      %gt3A_842 = vector.broadcast %gt3A_841 : i32 to vector<16xi32>
      %gt3A_843 = arith.cmpi sgt, %get3A_802, %gt3A_842 : vector<16xi32>
      %broadcast_in_dim3A_844 = vector.broadcast %add3A_8 : i32 to vector<16xi32>
      %select_n3A_845 = arith.select %gt3A_843, %add3A_840, %broadcast_in_dim3A_844 : vector<16xi1>, vector<16xi32>
      %swap3A_846 = arith.constant 16 : index
      %swap3A_847 = tpu.vector_load %arg20[%swap3A_846] {strides = array<i32>} : memref<128xi32, #tpu.memory_space<vmem>>, vector<16xi32>,
      tpu.vector_store %arg20[%swap3A_846], %select_n3A_845 {strides = array<i32>} : memref<128xi32, #tpu.memory_space<vmem>>, vector<16xi32>,
      %add3A_848 = arith.constant 32 : i32
      %add3A_849 = arith.addi %mul3A_749, %add3A_848 : i32
      %get3A_850 = arith.index_cast %add3A_849 : i32 to index
      %get3A_851 = tpu.vector_load %arg7[%get3A_850] {strides = array<i32>} : memref<25616xi32, #tpu.memory_space<vmem>>, vector<16xi32>,
      %add3A_852 = arith.constant 32 : i32
      %add3A_853 = arith.addi %mul3A_749, %add3A_852 : i32
      %iota3A_854 = tpu.iota {dimensions = array<i32: 0>} : vector<16xi32>
      %add3A_855 = vector.broadcast %add3A_853 : i32 to vector<16xi32>
      %add3A_856 = arith.addi %add3A_855, %iota3A_854 : vector<16xi32>
      %jit3A_857 = arith.constant 200 : i32
      %div3A_858 = vector.broadcast %jit3A_857 : i32 to vector<16xi32>
      %div3A_859 = arith.divsi %add3A_856, %div3A_858 : vector<16xi32>
      %sign3A_860 = arith.constant 0 : i32
      %sign3A_861 = vector.broadcast %sign3A_860 : i32 to vector<16xi32>
      %sign3A_862 = arith.cmpi sgt, %add3A_856, %sign3A_861 : vector<16xi32>
      %sign3A_863 = arith.extui %sign3A_862 : vector<16xi1> to vector<16xi32>
      %sign3A_864 = arith.constant 0 : i32
      %sign3A_865 = vector.broadcast %sign3A_864 : i32 to vector<16xi32>
      %sign3A_866 = arith.cmpi slt, %add3A_856, %sign3A_865 : vector<16xi32>
      %sign3A_867 = arith.extui %sign3A_866 : vector<16xi1> to vector<16xi32>
      %sign3A_868 = arith.subi %sign3A_863, %sign3A_867 : vector<16xi32>
      %sign3A_869 = arith.constant 0 : i32
      %sign3A_870 = arith.cmpi sgt, %jit3A_857, %sign3A_869 : i32
      %sign3A_871 = arith.extui %sign3A_870 : i1 to i32
      %sign3A_872 = arith.constant 0 : i32
      %sign3A_873 = arith.cmpi slt, %jit3A_857, %sign3A_872 : i32
      %sign3A_874 = arith.extui %sign3A_873 : i1 to i32
      %sign3A_875 = arith.subi %sign3A_871, %sign3A_874 : i32
      %ne3A_876 = vector.broadcast %sign3A_875 : i32 to vector<16xi32>
      %ne3A_877 = arith.cmpi ne, %sign3A_868, %ne3A_876 : vector<16xi32>
      %rem3A_878 = vector.broadcast %jit3A_857 : i32 to vector<16xi32>
      %rem3A_879 = arith.remsi %add3A_856, %rem3A_878 : vector<16xi32>
      %ne3A_880 = arith.constant 0 : i32
      %ne3A_881 = vector.broadcast %ne3A_880 : i32 to vector<16xi32>
      %ne3A_882 = arith.cmpi ne, %rem3A_879, %ne3A_881 : vector<16xi32>
      %and3A_883 = arith.andi %ne3A_877, %ne3A_882 : vector<16xi1>
      %sub3A_884 = arith.constant 1 : i32
      %sub3A_885 = vector.broadcast %sub3A_884 : i32 to vector<16xi32>
      %sub3A_886 = arith.subi %div3A_859, %sub3A_885 : vector<16xi32>
      %select_n3A_887 = arith.select %and3A_883, %sub3A_886, %div3A_859 : vector<16xi1>, vector<16xi32>
      %add3A_888 = vector.broadcast %mul3A_6 : i32 to vector<16xi32>
      %add3A_889 = arith.addi %add3A_888, %select_n3A_887 : vector<16xi32>
      %gt3A_890 = arith.constant 0 : i32
      %gt3A_891 = vector.broadcast %gt3A_890 : i32 to vector<16xi32>
      %gt3A_892 = arith.cmpi sgt, %get3A_851, %gt3A_891 : vector<16xi32>
      %broadcast_in_dim3A_893 = vector.broadcast %add3A_8 : i32 to vector<16xi32>
      %select_n3A_894 = arith.select %gt3A_892, %add3A_889, %broadcast_in_dim3A_893 : vector<16xi1>, vector<16xi32>
      %swap3A_895 = arith.constant 32 : index
      %swap3A_896 = tpu.vector_load %arg20[%swap3A_895] {strides = array<i32>} : memref<128xi32, #tpu.memory_space<vmem>>, vector<16xi32>,
      tpu.vector_store %arg20[%swap3A_895], %select_n3A_894 {strides = array<i32>} : memref<128xi32, #tpu.memory_space<vmem>>, vector<16xi32>,
      %add3A_897 = arith.constant 48 : i32
      %add3A_898 = arith.addi %mul3A_749, %add3A_897 : i32
      %get3A_899 = arith.index_cast %add3A_898 : i32 to index
      %get3A_900 = tpu.vector_load %arg7[%get3A_899] {strides = array<i32>} : memref<25616xi32, #tpu.memory_space<vmem>>, vector<16xi32>,
      %add3A_901 = arith.constant 48 : i32
      %add3A_902 = arith.addi %mul3A_749, %add3A_901 : i32
      %iota3A_903 = tpu.iota {dimensions = array<i32: 0>} : vector<16xi32>
      %add3A_904 = vector.broadcast %add3A_902 : i32 to vector<16xi32>
      %add3A_905 = arith.addi %add3A_904, %iota3A_903 : vector<16xi32>
      %jit3A_906 = arith.constant 200 : i32
      %div3A_907 = vector.broadcast %jit3A_906 : i32 to vector<16xi32>
      %div3A_908 = arith.divsi %add3A_905, %div3A_907 : vector<16xi32>
      %sign3A_909 = arith.constant 0 : i32
      %sign3A_910 = vector.broadcast %sign3A_909 : i32 to vector<16xi32>
      %sign3A_911 = arith.cmpi sgt, %add3A_905, %sign3A_910 : vector<16xi32>
      %sign3A_912 = arith.extui %sign3A_911 : vector<16xi1> to vector<16xi32>
      %sign3A_913 = arith.constant 0 : i32
      %sign3A_914 = vector.broadcast %sign3A_913 : i32 to vector<16xi32>
      %sign3A_915 = arith.cmpi slt, %add3A_905, %sign3A_914 : vector<16xi32>
      %sign3A_916 = arith.extui %sign3A_915 : vector<16xi1> to vector<16xi32>
      %sign3A_917 = arith.subi %sign3A_912, %sign3A_916 : vector<16xi32>
      %sign3A_918 = arith.constant 0 : i32
      %sign3A_919 = arith.cmpi sgt, %jit3A_906, %sign3A_918 : i32
      %sign3A_920 = arith.extui %sign3A_919 : i1 to i32
      %sign3A_921 = arith.constant 0 : i32
      %sign3A_922 = arith.cmpi slt, %jit3A_906, %sign3A_921 : i32
      %sign3A_923 = arith.extui %sign3A_922 : i1 to i32
      %sign3A_924 = arith.subi %sign3A_920, %sign3A_923 : i32
      %ne3A_925 = vector.broadcast %sign3A_924 : i32 to vector<16xi32>
      %ne3A_926 = arith.cmpi ne, %sign3A_917, %ne3A_925 : vector<16xi32>
      %rem3A_927 = vector.broadcast %jit3A_906 : i32 to vector<16xi32>
      %rem3A_928 = arith.remsi %add3A_905, %rem3A_927 : vector<16xi32>
      %ne3A_929 = arith.constant 0 : i32
      %ne3A_930 = vector.broadcast %ne3A_929 : i32 to vector<16xi32>
      %ne3A_931 = arith.cmpi ne, %rem3A_928, %ne3A_930 : vector<16xi32>
      %and3A_932 = arith.andi %ne3A_926, %ne3A_931 : vector<16xi1>
      %sub3A_933 = arith.constant 1 : i32
      %sub3A_934 = vector.broadcast %sub3A_933 : i32 to vector<16xi32>
      %sub3A_935 = arith.subi %div3A_908, %sub3A_934 : vector<16xi32>
      %select_n3A_936 = arith.select %and3A_932, %sub3A_935, %div3A_908 : vector<16xi1>, vector<16xi32>
      %add3A_937 = vector.broadcast %mul3A_6 : i32 to vector<16xi32>
      %add3A_938 = arith.addi %add3A_937, %select_n3A_936 : vector<16xi32>
      %gt3A_939 = arith.constant 0 : i32
      %gt3A_940 = vector.broadcast %gt3A_939 : i32 to vector<16xi32>
      %gt3A_941 = arith.cmpi sgt, %get3A_900, %gt3A_940 : vector<16xi32>
      %broadcast_in_dim3A_942 = vector.broadcast %add3A_8 : i32 to vector<16xi32>
      %select_n3A_943 = arith.select %gt3A_941, %add3A_938, %broadcast_in_dim3A_942 : vector<16xi1>, vector<16xi32>
      %swap3A_944 = arith.constant 48 : index
      %swap3A_945 = tpu.vector_load %arg20[%swap3A_944] {strides = array<i32>} : memref<128xi32, #tpu.memory_space<vmem>>, vector<16xi32>,
      tpu.vector_store %arg20[%swap3A_944], %select_n3A_943 {strides = array<i32>} : memref<128xi32, #tpu.memory_space<vmem>>, vector<16xi32>,
      %add3A_946 = arith.constant 64 : i32
      %add3A_947 = arith.addi %mul3A_749, %add3A_946 : i32
      %get3A_948 = arith.index_cast %add3A_947 : i32 to index
      %get3A_949 = tpu.vector_load %arg7[%get3A_948] {strides = array<i32>} : memref<25616xi32, #tpu.memory_space<vmem>>, vector<16xi32>,
      %add3A_950 = arith.constant 64 : i32
      %add3A_951 = arith.addi %mul3A_749, %add3A_950 : i32
      %iota3A_952 = tpu.iota {dimensions = array<i32: 0>} : vector<16xi32>
      %add3A_953 = vector.broadcast %add3A_951 : i32 to vector<16xi32>
      %add3A_954 = arith.addi %add3A_953, %iota3A_952 : vector<16xi32>
      %jit3A_955 = arith.constant 200 : i32
      %div3A_956 = vector.broadcast %jit3A_955 : i32 to vector<16xi32>
      %div3A_957 = arith.divsi %add3A_954, %div3A_956 : vector<16xi32>
      %sign3A_958 = arith.constant 0 : i32
      %sign3A_959 = vector.broadcast %sign3A_958 : i32 to vector<16xi32>
      %sign3A_960 = arith.cmpi sgt, %add3A_954, %sign3A_959 : vector<16xi32>
      %sign3A_961 = arith.extui %sign3A_960 : vector<16xi1> to vector<16xi32>
      %sign3A_962 = arith.constant 0 : i32
      %sign3A_963 = vector.broadcast %sign3A_962 : i32 to vector<16xi32>
      %sign3A_964 = arith.cmpi slt, %add3A_954, %sign3A_963 : vector<16xi32>
      %sign3A_965 = arith.extui %sign3A_964 : vector<16xi1> to vector<16xi32>
      %sign3A_966 = arith.subi %sign3A_961, %sign3A_965 : vector<16xi32>
      %sign3A_967 = arith.constant 0 : i32
      %sign3A_968 = arith.cmpi sgt, %jit3A_955, %sign3A_967 : i32
      %sign3A_969 = arith.extui %sign3A_968 : i1 to i32
      %sign3A_970 = arith.constant 0 : i32
      %sign3A_971 = arith.cmpi slt, %jit3A_955, %sign3A_970 : i32
      %sign3A_972 = arith.extui %sign3A_971 : i1 to i32
      %sign3A_973 = arith.subi %sign3A_969, %sign3A_972 : i32
      %ne3A_974 = vector.broadcast %sign3A_973 : i32 to vector<16xi32>
      %ne3A_975 = arith.cmpi ne, %sign3A_966, %ne3A_974 : vector<16xi32>
      %rem3A_976 = vector.broadcast %jit3A_955 : i32 to vector<16xi32>
      %rem3A_977 = arith.remsi %add3A_954, %rem3A_976 : vector<16xi32>
      %ne3A_978 = arith.constant 0 : i32
      %ne3A_979 = vector.broadcast %ne3A_978 : i32 to vector<16xi32>
      %ne3A_980 = arith.cmpi ne, %rem3A_977, %ne3A_979 : vector<16xi32>
      %and3A_981 = arith.andi %ne3A_975, %ne3A_980 : vector<16xi1>
      %sub3A_982 = arith.constant 1 : i32
      %sub3A_983 = vector.broadcast %sub3A_982 : i32 to vector<16xi32>
      %sub3A_984 = arith.subi %div3A_957, %sub3A_983 : vector<16xi32>
      %select_n3A_985 = arith.select %and3A_981, %sub3A_984, %div3A_957 : vector<16xi1>, vector<16xi32>
      %add3A_986 = vector.broadcast %mul3A_6 : i32 to vector<16xi32>
      %add3A_987 = arith.addi %add3A_986, %select_n3A_985 : vector<16xi32>
      %gt3A_988 = arith.constant 0 : i32
      %gt3A_989 = vector.broadcast %gt3A_988 : i32 to vector<16xi32>
      %gt3A_990 = arith.cmpi sgt, %get3A_949, %gt3A_989 : vector<16xi32>
      %broadcast_in_dim3A_991 = vector.broadcast %add3A_8 : i32 to vector<16xi32>
      %select_n3A_992 = arith.select %gt3A_990, %add3A_987, %broadcast_in_dim3A_991 : vector<16xi1>, vector<16xi32>
      %swap3A_993 = arith.constant 64 : index
      %swap3A_994 = tpu.vector_load %arg20[%swap3A_993] {strides = array<i32>} : memref<128xi32, #tpu.memory_space<vmem>>, vector<16xi32>,
      tpu.vector_store %arg20[%swap3A_993], %select_n3A_992 {strides = array<i32>} : memref<128xi32, #tpu.memory_space<vmem>>, vector<16xi32>,
      %add3A_995 = arith.constant 80 : i32
      %add3A_996 = arith.addi %mul3A_749, %add3A_995 : i32
      %get3A_997 = arith.index_cast %add3A_996 : i32 to index
      %get3A_998 = tpu.vector_load %arg7[%get3A_997] {strides = array<i32>} : memref<25616xi32, #tpu.memory_space<vmem>>, vector<16xi32>,
      %add3A_999 = arith.constant 80 : i32
      %add3A_1000 = arith.addi %mul3A_749, %add3A_999 : i32
      %iota3A_1001 = tpu.iota {dimensions = array<i32: 0>} : vector<16xi32>
      %add3A_1002 = vector.broadcast %add3A_1000 : i32 to vector<16xi32>
      %add3A_1003 = arith.addi %add3A_1002, %iota3A_1001 : vector<16xi32>
      %jit3A_1004 = arith.constant 200 : i32
      %div3A_1005 = vector.broadcast %jit3A_1004 : i32 to vector<16xi32>
      %div3A_1006 = arith.divsi %add3A_1003, %div3A_1005 : vector<16xi32>
      %sign3A_1007 = arith.constant 0 : i32
      %sign3A_1008 = vector.broadcast %sign3A_1007 : i32 to vector<16xi32>
      %sign3A_1009 = arith.cmpi sgt, %add3A_1003, %sign3A_1008 : vector<16xi32>
      %sign3A_1010 = arith.extui %sign3A_1009 : vector<16xi1> to vector<16xi32>
      %sign3A_1011 = arith.constant 0 : i32
      %sign3A_1012 = vector.broadcast %sign3A_1011 : i32 to vector<16xi32>
      %sign3A_1013 = arith.cmpi slt, %add3A_1003, %sign3A_1012 : vector<16xi32>
      %sign3A_1014 = arith.extui %sign3A_1013 : vector<16xi1> to vector<16xi32>
      %sign3A_1015 = arith.subi %sign3A_1010, %sign3A_1014 : vector<16xi32>
      %sign3A_1016 = arith.constant 0 : i32
      %sign3A_1017 = arith.cmpi sgt, %jit3A_1004, %sign3A_1016 : i32
      %sign3A_1018 = arith.extui %sign3A_1017 : i1 to i32
      %sign3A_1019 = arith.constant 0 : i32
      %sign3A_1020 = arith.cmpi slt, %jit3A_1004, %sign3A_1019 : i32
      %sign3A_1021 = arith.extui %sign3A_1020 : i1 to i32
      %sign3A_1022 = arith.subi %sign3A_1018, %sign3A_1021 : i32
      %ne3A_1023 = vector.broadcast %sign3A_1022 : i32 to vector<16xi32>
      %ne3A_1024 = arith.cmpi ne, %sign3A_1015, %ne3A_1023 : vector<16xi32>
      %rem3A_1025 = vector.broadcast %jit3A_1004 : i32 to vector<16xi32>
      %rem3A_1026 = arith.remsi %add3A_1003, %rem3A_1025 : vector<16xi32>
      %ne3A_1027 = arith.constant 0 : i32
      %ne3A_1028 = vector.broadcast %ne3A_1027 : i32 to vector<16xi32>
      %ne3A_1029 = arith.cmpi ne, %rem3A_1026, %ne3A_1028 : vector<16xi32>
      %and3A_1030 = arith.andi %ne3A_1024, %ne3A_1029 : vector<16xi1>
      %sub3A_1031 = arith.constant 1 : i32
      %sub3A_1032 = vector.broadcast %sub3A_1031 : i32 to vector<16xi32>
      %sub3A_1033 = arith.subi %div3A_1006, %sub3A_1032 : vector<16xi32>
      %select_n3A_1034 = arith.select %and3A_1030, %sub3A_1033, %div3A_1006 : vector<16xi1>, vector<16xi32>
      %add3A_1035 = vector.broadcast %mul3A_6 : i32 to vector<16xi32>
      %add3A_1036 = arith.addi %add3A_1035, %select_n3A_1034 : vector<16xi32>
      %gt3A_1037 = arith.constant 0 : i32
      %gt3A_1038 = vector.broadcast %gt3A_1037 : i32 to vector<16xi32>
      %gt3A_1039 = arith.cmpi sgt, %get3A_998, %gt3A_1038 : vector<16xi32>
      %broadcast_in_dim3A_1040 = vector.broadcast %add3A_8 : i32 to vector<16xi32>
      %select_n3A_1041 = arith.select %gt3A_1039, %add3A_1036, %broadcast_in_dim3A_1040 : vector<16xi1>, vector<16xi32>
      %swap3A_1042 = arith.constant 80 : index
      %swap3A_1043 = tpu.vector_load %arg20[%swap3A_1042] {strides = array<i32>} : memref<128xi32, #tpu.memory_space<vmem>>, vector<16xi32>,
      tpu.vector_store %arg20[%swap3A_1042], %select_n3A_1041 {strides = array<i32>} : memref<128xi32, #tpu.memory_space<vmem>>, vector<16xi32>,
      %add3A_1044 = arith.constant 96 : i32
      %add3A_1045 = arith.addi %mul3A_749, %add3A_1044 : i32
      %get3A_1046 = arith.index_cast %add3A_1045 : i32 to index
      %get3A_1047 = tpu.vector_load %arg7[%get3A_1046] {strides = array<i32>} : memref<25616xi32, #tpu.memory_space<vmem>>, vector<16xi32>,
      %add3A_1048 = arith.constant 96 : i32
      %add3A_1049 = arith.addi %mul3A_749, %add3A_1048 : i32
      %iota3A_1050 = tpu.iota {dimensions = array<i32: 0>} : vector<16xi32>
      %add3A_1051 = vector.broadcast %add3A_1049 : i32 to vector<16xi32>
      %add3A_1052 = arith.addi %add3A_1051, %iota3A_1050 : vector<16xi32>
      %jit3A_1053 = arith.constant 200 : i32
      %div3A_1054 = vector.broadcast %jit3A_1053 : i32 to vector<16xi32>
      %div3A_1055 = arith.divsi %add3A_1052, %div3A_1054 : vector<16xi32>
      %sign3A_1056 = arith.constant 0 : i32
      %sign3A_1057 = vector.broadcast %sign3A_1056 : i32 to vector<16xi32>
      %sign3A_1058 = arith.cmpi sgt, %add3A_1052, %sign3A_1057 : vector<16xi32>
      %sign3A_1059 = arith.extui %sign3A_1058 : vector<16xi1> to vector<16xi32>
      %sign3A_1060 = arith.constant 0 : i32
      %sign3A_1061 = vector.broadcast %sign3A_1060 : i32 to vector<16xi32>
      %sign3A_1062 = arith.cmpi slt, %add3A_1052, %sign3A_1061 : vector<16xi32>
      %sign3A_1063 = arith.extui %sign3A_1062 : vector<16xi1> to vector<16xi32>
      %sign3A_1064 = arith.subi %sign3A_1059, %sign3A_1063 : vector<16xi32>
      %sign3A_1065 = arith.constant 0 : i32
      %sign3A_1066 = arith.cmpi sgt, %jit3A_1053, %sign3A_1065 : i32
      %sign3A_1067 = arith.extui %sign3A_1066 : i1 to i32
      %sign3A_1068 = arith.constant 0 : i32
      %sign3A_1069 = arith.cmpi slt, %jit3A_1053, %sign3A_1068 : i32
      %sign3A_1070 = arith.extui %sign3A_1069 : i1 to i32
      %sign3A_1071 = arith.subi %sign3A_1067, %sign3A_1070 : i32
      %ne3A_1072 = vector.broadcast %sign3A_1071 : i32 to vector<16xi32>
      %ne3A_1073 = arith.cmpi ne, %sign3A_1064, %ne3A_1072 : vector<16xi32>
      %rem3A_1074 = vector.broadcast %jit3A_1053 : i32 to vector<16xi32>
      %rem3A_1075 = arith.remsi %add3A_1052, %rem3A_1074 : vector<16xi32>
      %ne3A_1076 = arith.constant 0 : i32
      %ne3A_1077 = vector.broadcast %ne3A_1076 : i32 to vector<16xi32>
      %ne3A_1078 = arith.cmpi ne, %rem3A_1075, %ne3A_1077 : vector<16xi32>
      %and3A_1079 = arith.andi %ne3A_1073, %ne3A_1078 : vector<16xi1>
      %sub3A_1080 = arith.constant 1 : i32
      %sub3A_1081 = vector.broadcast %sub3A_1080 : i32 to vector<16xi32>
      %sub3A_1082 = arith.subi %div3A_1055, %sub3A_1081 : vector<16xi32>
      %select_n3A_1083 = arith.select %and3A_1079, %sub3A_1082, %div3A_1055 : vector<16xi1>, vector<16xi32>
      %add3A_1084 = vector.broadcast %mul3A_6 : i32 to vector<16xi32>
      %add3A_1085 = arith.addi %add3A_1084, %select_n3A_1083 : vector<16xi32>
      %gt3A_1086 = arith.constant 0 : i32
      %gt3A_1087 = vector.broadcast %gt3A_1086 : i32 to vector<16xi32>
      %gt3A_1088 = arith.cmpi sgt, %get3A_1047, %gt3A_1087 : vector<16xi32>
      %broadcast_in_dim3A_1089 = vector.broadcast %add3A_8 : i32 to vector<16xi32>
      %select_n3A_1090 = arith.select %gt3A_1088, %add3A_1085, %broadcast_in_dim3A_1089 : vector<16xi1>, vector<16xi32>
      %swap3A_1091 = arith.constant 96 : index
      %swap3A_1092 = tpu.vector_load %arg20[%swap3A_1091] {strides = array<i32>} : memref<128xi32, #tpu.memory_space<vmem>>, vector<16xi32>,
      tpu.vector_store %arg20[%swap3A_1091], %select_n3A_1090 {strides = array<i32>} : memref<128xi32, #tpu.memory_space<vmem>>, vector<16xi32>,
      %add3A_1093 = arith.constant 112 : i32
      %add3A_1094 = arith.addi %mul3A_749, %add3A_1093 : i32
      %get3A_1095 = arith.index_cast %add3A_1094 : i32 to index
      %get3A_1096 = tpu.vector_load %arg7[%get3A_1095] {strides = array<i32>} : memref<25616xi32, #tpu.memory_space<vmem>>, vector<16xi32>,
      %add3A_1097 = arith.constant 112 : i32
      %add3A_1098 = arith.addi %mul3A_749, %add3A_1097 : i32
      %iota3A_1099 = tpu.iota {dimensions = array<i32: 0>} : vector<16xi32>
      %add3A_1100 = vector.broadcast %add3A_1098 : i32 to vector<16xi32>
      %add3A_1101 = arith.addi %add3A_1100, %iota3A_1099 : vector<16xi32>
      %jit3A_1102 = arith.constant 200 : i32
      %div3A_1103 = vector.broadcast %jit3A_1102 : i32 to vector<16xi32>
      %div3A_1104 = arith.divsi %add3A_1101, %div3A_1103 : vector<16xi32>
      %sign3A_1105 = arith.constant 0 : i32
      %sign3A_1106 = vector.broadcast %sign3A_1105 : i32 to vector<16xi32>
      %sign3A_1107 = arith.cmpi sgt, %add3A_1101, %sign3A_1106 : vector<16xi32>
      %sign3A_1108 = arith.extui %sign3A_1107 : vector<16xi1> to vector<16xi32>
      %sign3A_1109 = arith.constant 0 : i32
      %sign3A_1110 = vector.broadcast %sign3A_1109 : i32 to vector<16xi32>
      %sign3A_1111 = arith.cmpi slt, %add3A_1101, %sign3A_1110 : vector<16xi32>
      %sign3A_1112 = arith.extui %sign3A_1111 : vector<16xi1> to vector<16xi32>
      %sign3A_1113 = arith.subi %sign3A_1108, %sign3A_1112 : vector<16xi32>
      %sign3A_1114 = arith.constant 0 : i32
      %sign3A_1115 = arith.cmpi sgt, %jit3A_1102, %sign3A_1114 : i32
      %sign3A_1116 = arith.extui %sign3A_1115 : i1 to i32
      %sign3A_1117 = arith.constant 0 : i32
      %sign3A_1118 = arith.cmpi slt, %jit3A_1102, %sign3A_1117 : i32
      %sign3A_1119 = arith.extui %sign3A_1118 : i1 to i32
      %sign3A_1120 = arith.subi %sign3A_1116, %sign3A_1119 : i32
      %ne3A_1121 = vector.broadcast %sign3A_1120 : i32 to vector<16xi32>
      %ne3A_1122 = arith.cmpi ne, %sign3A_1113, %ne3A_1121 : vector<16xi32>
      %rem3A_1123 = vector.broadcast %jit3A_1102 : i32 to vector<16xi32>
      %rem3A_1124 = arith.remsi %add3A_1101, %rem3A_1123 : vector<16xi32>
      %ne3A_1125 = arith.constant 0 : i32
      %ne3A_1126 = vector.broadcast %ne3A_1125 : i32 to vector<16xi32>
      %ne3A_1127 = arith.cmpi ne, %rem3A_1124, %ne3A_1126 : vector<16xi32>
      %and3A_1128 = arith.andi %ne3A_1122, %ne3A_1127 : vector<16xi1>
      %sub3A_1129 = arith.constant 1 : i32
      %sub3A_1130 = vector.broadcast %sub3A_1129 : i32 to vector<16xi32>
      %sub3A_1131 = arith.subi %div3A_1104, %sub3A_1130 : vector<16xi32>
      %select_n3A_1132 = arith.select %and3A_1128, %sub3A_1131, %div3A_1104 : vector<16xi1>, vector<16xi32>
      %add3A_1133 = vector.broadcast %mul3A_6 : i32 to vector<16xi32>
      %add3A_1134 = arith.addi %add3A_1133, %select_n3A_1132 : vector<16xi32>
      %gt3A_1135 = arith.constant 0 : i32
      %gt3A_1136 = vector.broadcast %gt3A_1135 : i32 to vector<16xi32>
      %gt3A_1137 = arith.cmpi sgt, %get3A_1096, %gt3A_1136 : vector<16xi32>
      %broadcast_in_dim3A_1138 = vector.broadcast %add3A_8 : i32 to vector<16xi32>
      %select_n3A_1139 = arith.select %gt3A_1137, %add3A_1134, %broadcast_in_dim3A_1138 : vector<16xi1>, vector<16xi32>
      %swap3A_1140 = arith.constant 112 : index
      %swap3A_1141 = tpu.vector_load %arg20[%swap3A_1140] {strides = array<i32>} : memref<128xi32, #tpu.memory_space<vmem>>, vector<16xi32>,
      tpu.vector_store %arg20[%swap3A_1140], %select_n3A_1139 {strides = array<i32>} : memref<128xi32, #tpu.memory_space<vmem>>, vector<16xi32>,
      %mul3A_1142 = arith.constant 128 : i32
      %mul3A_1143 = arith.muli %add3A_735, %mul3A_1142 : i32
      %dma_wait3A_1144 = tpu.memref_slice %arg6[%mul3A_1143] : memref<25600xi32, #tpu.memory_space<vmem>> -> memref<128xi32, #tpu.memory_space<vmem>>
      %dma_wait3A_1145 = arith.constant 0 : i32
      %dma_wait3A_1146 = arith.constant 0 : i32
      %dma_wait3A_1147 = tpu.memref_slice %arg4[%dma_wait3A_1145, %dma_wait3A_1146] : memref<1000000x64xf32, #tpu.memory_space<hbm>> -> memref<1000000x64xf32, #tpu.memory_space<hbm>>
      tpu.wait_indirect_dma semaphore(%arg28 : memref<!tpu.dma_semaphore, #tpu.memory_space<semaphore_mem>>) src(%dma_wait3A_1147 : memref<1000000x64xf32, #tpu.memory_space<hbm>>) dst(%arg12 : memref<128x64xf32, #tpu.memory_space<vmem>>)
      %dma_start3A_1148 = arith.constant 0 : i32
      %dma_start3A_1149 = arith.constant 0 : i32
      %dma_start3A_1150 = tpu.memref_slice %arg10[%dma_start3A_1148, %dma_start3A_1149] : memref<2064x64xf32, #tpu.memory_space<vmem_shared>> -> memref<2064x64xf32, #tpu.memory_space<vmem_shared>>
      tpu.enqueue_indirect_dma source(%arg12 : memref<128x64xf32, #tpu.memory_space<vmem>>) target(%dma_start3A_1150 : memref<2064x64xf32, #tpu.memory_space<vmem_shared>>) offsets(%arg20 : memref<128xi32, #tpu.memory_space<vmem>>) semaphore(%arg36 : memref<!tpu.dma_semaphore, #tpu.memory_space<semaphore_mem>>) {add = true}
      %mul3A_1151 = arith.constant 8 : i32
      %mul3A_1152 = arith.muli %scan3A_326, %mul3A_1151 : i32
      %add3A_1153 = arith.constant 2 : i32
      %add3A_1154 = arith.addi %mul3A_1152, %add3A_1153 : i32
      %ge3A_1155 = arith.constant 2 : i32
      %ge3A_1156 = arith.cmpi sge, %add3A_1154, %ge3A_1155 : i32
      %convert_element_type3A_1157 = arith.extui %ge3A_1156 : i1 to i32
      %cond3A_1158 = arith.constant 0 : i32
      %cond3A_1159 = arith.cmpi ne, %convert_element_type3A_1157, %cond3A_1158 : i32
      scf.if %cond3A_1159 {
        %dma_wait3A_3666 = arith.constant 0 : i32
        %dma_wait3A_3667 = arith.constant 0 : i32
        %dma_wait3A_3668 = tpu.memref_slice %arg10[%dma_wait3A_3666, %dma_wait3A_3667] : memref<2064x64xf32, #tpu.memory_space<vmem_shared>> -> memref<2064x64xf32, #tpu.memory_space<vmem_shared>>
        tpu.wait_indirect_dma semaphore(%arg35 : memref<!tpu.dma_semaphore, #tpu.memory_space<semaphore_mem>>) src(%arg11 : memref<128x64xf32, #tpu.memory_space<vmem>>) dst(%dma_wait3A_3668 : memref<2064x64xf32, #tpu.memory_space<vmem_shared>>)
      } else {
      }
      %add3A_1160 = arith.constant 6 : i32
      %add3A_1161 = arith.addi %add3A_1154, %add3A_1160 : i32
      %lt3A_1162 = arith.constant 200 : i32
      %lt3A_1163 = arith.cmpi slt, %add3A_1161, %lt3A_1162 : i32
      %convert_element_type3A_1164 = arith.extui %lt3A_1163 : i1 to i32
      %cond3A_1165 = arith.constant 0 : i32
      %cond3A_1166 = arith.cmpi ne, %convert_element_type3A_1164, %cond3A_1165 : i32
      scf.if %cond3A_1166 {
        %add3A_3666 = arith.constant 6 : i32
        %add3A_3667 = arith.addi %add3A_1154, %add3A_3666 : i32
        %mul3A_3668 = arith.constant 128 : i32
        %mul3A_3669 = arith.muli %add3A_3667, %mul3A_3668 : i32
        %dma_start3A_3670 = tpu.memref_slice %arg6[%mul3A_3669] : memref<25600xi32, #tpu.memory_space<vmem>> -> memref<128xi32, #tpu.memory_space<vmem>>
        %dma_start3A_3671 = arith.constant 0 : i32
        %dma_start3A_3672 = arith.constant 0 : i32
        %dma_start3A_3673 = tpu.memref_slice %arg4[%dma_start3A_3671, %dma_start3A_3672] : memref<1000000x64xf32, #tpu.memory_space<hbm>> -> memref<1000000x64xf32, #tpu.memory_space<hbm>>
        tpu.enqueue_indirect_dma source(%dma_start3A_3673 : memref<1000000x64xf32, #tpu.memory_space<hbm>>) target(%arg11 : memref<128x64xf32, #tpu.memory_space<vmem>>) offsets(%dma_start3A_3670 : memref<128xi32, #tpu.memory_space<vmem>>) semaphore(%arg27 : memref<!tpu.dma_semaphore, #tpu.memory_space<semaphore_mem>>)
      } else {
      }
      %mul3A_1167 = arith.constant 128 : i32
      %mul3A_1168 = arith.muli %add3A_1154, %mul3A_1167 : i32
      %add3A_1169 = arith.constant 0 : i32
      %add3A_1170 = arith.addi %mul3A_1168, %add3A_1169 : i32
      %get3A_1171 = arith.index_cast %add3A_1170 : i32 to index
      %get3A_1172 = tpu.vector_load %arg7[%get3A_1171] {strides = array<i32>} : memref<25616xi32, #tpu.memory_space<vmem>>, vector<16xi32>,
      %add3A_1173 = arith.constant 0 : i32
      %add3A_1174 = arith.addi %mul3A_1168, %add3A_1173 : i32
      %iota3A_1175 = tpu.iota {dimensions = array<i32: 0>} : vector<16xi32>
      %add3A_1176 = vector.broadcast %add3A_1174 : i32 to vector<16xi32>
      %add3A_1177 = arith.addi %add3A_1176, %iota3A_1175 : vector<16xi32>
      %jit3A_1178 = arith.constant 200 : i32
      %div3A_1179 = vector.broadcast %jit3A_1178 : i32 to vector<16xi32>
      %div3A_1180 = arith.divsi %add3A_1177, %div3A_1179 : vector<16xi32>
      %sign3A_1181 = arith.constant 0 : i32
      %sign3A_1182 = vector.broadcast %sign3A_1181 : i32 to vector<16xi32>
      %sign3A_1183 = arith.cmpi sgt, %add3A_1177, %sign3A_1182 : vector<16xi32>
      %sign3A_1184 = arith.extui %sign3A_1183 : vector<16xi1> to vector<16xi32>
      %sign3A_1185 = arith.constant 0 : i32
      %sign3A_1186 = vector.broadcast %sign3A_1185 : i32 to vector<16xi32>
      %sign3A_1187 = arith.cmpi slt, %add3A_1177, %sign3A_1186 : vector<16xi32>
      %sign3A_1188 = arith.extui %sign3A_1187 : vector<16xi1> to vector<16xi32>
      %sign3A_1189 = arith.subi %sign3A_1184, %sign3A_1188 : vector<16xi32>
      %sign3A_1190 = arith.constant 0 : i32
      %sign3A_1191 = arith.cmpi sgt, %jit3A_1178, %sign3A_1190 : i32
      %sign3A_1192 = arith.extui %sign3A_1191 : i1 to i32
      %sign3A_1193 = arith.constant 0 : i32
      %sign3A_1194 = arith.cmpi slt, %jit3A_1178, %sign3A_1193 : i32
      %sign3A_1195 = arith.extui %sign3A_1194 : i1 to i32
      %sign3A_1196 = arith.subi %sign3A_1192, %sign3A_1195 : i32
      %ne3A_1197 = vector.broadcast %sign3A_1196 : i32 to vector<16xi32>
      %ne3A_1198 = arith.cmpi ne, %sign3A_1189, %ne3A_1197 : vector<16xi32>
      %rem3A_1199 = vector.broadcast %jit3A_1178 : i32 to vector<16xi32>
      %rem3A_1200 = arith.remsi %add3A_1177, %rem3A_1199 : vector<16xi32>
      %ne3A_1201 = arith.constant 0 : i32
      %ne3A_1202 = vector.broadcast %ne3A_1201 : i32 to vector<16xi32>
      %ne3A_1203 = arith.cmpi ne, %rem3A_1200, %ne3A_1202 : vector<16xi32>
      %and3A_1204 = arith.andi %ne3A_1198, %ne3A_1203 : vector<16xi1>
      %sub3A_1205 = arith.constant 1 : i32
      %sub3A_1206 = vector.broadcast %sub3A_1205 : i32 to vector<16xi32>
      %sub3A_1207 = arith.subi %div3A_1180, %sub3A_1206 : vector<16xi32>
      %select_n3A_1208 = arith.select %and3A_1204, %sub3A_1207, %div3A_1180 : vector<16xi1>, vector<16xi32>
      %add3A_1209 = vector.broadcast %mul3A_6 : i32 to vector<16xi32>
      %add3A_1210 = arith.addi %add3A_1209, %select_n3A_1208 : vector<16xi32>
      %gt3A_1211 = arith.constant 0 : i32
      %gt3A_1212 = vector.broadcast %gt3A_1211 : i32 to vector<16xi32>
      %gt3A_1213 = arith.cmpi sgt, %get3A_1172, %gt3A_1212 : vector<16xi32>
      %broadcast_in_dim3A_1214 = vector.broadcast %add3A_8 : i32 to vector<16xi32>
      %select_n3A_1215 = arith.select %gt3A_1213, %add3A_1210, %broadcast_in_dim3A_1214 : vector<16xi1>, vector<16xi32>
      %swap3A_1216 = arith.constant 0 : index
      %swap3A_1217 = tpu.vector_load %arg21[%swap3A_1216] {strides = array<i32>} : memref<128xi32, #tpu.memory_space<vmem>>, vector<16xi32>,
      tpu.vector_store %arg21[%swap3A_1216], %select_n3A_1215 {strides = array<i32>} : memref<128xi32, #tpu.memory_space<vmem>>, vector<16xi32>,
      %add3A_1218 = arith.constant 16 : i32
      %add3A_1219 = arith.addi %mul3A_1168, %add3A_1218 : i32
      %get3A_1220 = arith.index_cast %add3A_1219 : i32 to index
      %get3A_1221 = tpu.vector_load %arg7[%get3A_1220] {strides = array<i32>} : memref<25616xi32, #tpu.memory_space<vmem>>, vector<16xi32>,
      %add3A_1222 = arith.constant 16 : i32
      %add3A_1223 = arith.addi %mul3A_1168, %add3A_1222 : i32
      %iota3A_1224 = tpu.iota {dimensions = array<i32: 0>} : vector<16xi32>
      %add3A_1225 = vector.broadcast %add3A_1223 : i32 to vector<16xi32>
      %add3A_1226 = arith.addi %add3A_1225, %iota3A_1224 : vector<16xi32>
      %jit3A_1227 = arith.constant 200 : i32
      %div3A_1228 = vector.broadcast %jit3A_1227 : i32 to vector<16xi32>
      %div3A_1229 = arith.divsi %add3A_1226, %div3A_1228 : vector<16xi32>
      %sign3A_1230 = arith.constant 0 : i32
      %sign3A_1231 = vector.broadcast %sign3A_1230 : i32 to vector<16xi32>
      %sign3A_1232 = arith.cmpi sgt, %add3A_1226, %sign3A_1231 : vector<16xi32>
      %sign3A_1233 = arith.extui %sign3A_1232 : vector<16xi1> to vector<16xi32>
      %sign3A_1234 = arith.constant 0 : i32
      %sign3A_1235 = vector.broadcast %sign3A_1234 : i32 to vector<16xi32>
      %sign3A_1236 = arith.cmpi slt, %add3A_1226, %sign3A_1235 : vector<16xi32>
      %sign3A_1237 = arith.extui %sign3A_1236 : vector<16xi1> to vector<16xi32>
      %sign3A_1238 = arith.subi %sign3A_1233, %sign3A_1237 : vector<16xi32>
      %sign3A_1239 = arith.constant 0 : i32
      %sign3A_1240 = arith.cmpi sgt, %jit3A_1227, %sign3A_1239 : i32
      %sign3A_1241 = arith.extui %sign3A_1240 : i1 to i32
      %sign3A_1242 = arith.constant 0 : i32
      %sign3A_1243 = arith.cmpi slt, %jit3A_1227, %sign3A_1242 : i32
      %sign3A_1244 = arith.extui %sign3A_1243 : i1 to i32
      %sign3A_1245 = arith.subi %sign3A_1241, %sign3A_1244 : i32
      %ne3A_1246 = vector.broadcast %sign3A_1245 : i32 to vector<16xi32>
      %ne3A_1247 = arith.cmpi ne, %sign3A_1238, %ne3A_1246 : vector<16xi32>
      %rem3A_1248 = vector.broadcast %jit3A_1227 : i32 to vector<16xi32>
      %rem3A_1249 = arith.remsi %add3A_1226, %rem3A_1248 : vector<16xi32>
      %ne3A_1250 = arith.constant 0 : i32
      %ne3A_1251 = vector.broadcast %ne3A_1250 : i32 to vector<16xi32>
      %ne3A_1252 = arith.cmpi ne, %rem3A_1249, %ne3A_1251 : vector<16xi32>
      %and3A_1253 = arith.andi %ne3A_1247, %ne3A_1252 : vector<16xi1>
      %sub3A_1254 = arith.constant 1 : i32
      %sub3A_1255 = vector.broadcast %sub3A_1254 : i32 to vector<16xi32>
      %sub3A_1256 = arith.subi %div3A_1229, %sub3A_1255 : vector<16xi32>
      %select_n3A_1257 = arith.select %and3A_1253, %sub3A_1256, %div3A_1229 : vector<16xi1>, vector<16xi32>
      %add3A_1258 = vector.broadcast %mul3A_6 : i32 to vector<16xi32>
      %add3A_1259 = arith.addi %add3A_1258, %select_n3A_1257 : vector<16xi32>
      %gt3A_1260 = arith.constant 0 : i32
      %gt3A_1261 = vector.broadcast %gt3A_1260 : i32 to vector<16xi32>
      %gt3A_1262 = arith.cmpi sgt, %get3A_1221, %gt3A_1261 : vector<16xi32>
      %broadcast_in_dim3A_1263 = vector.broadcast %add3A_8 : i32 to vector<16xi32>
      %select_n3A_1264 = arith.select %gt3A_1262, %add3A_1259, %broadcast_in_dim3A_1263 : vector<16xi1>, vector<16xi32>
      %swap3A_1265 = arith.constant 16 : index
      %swap3A_1266 = tpu.vector_load %arg21[%swap3A_1265] {strides = array<i32>} : memref<128xi32, #tpu.memory_space<vmem>>, vector<16xi32>,
      tpu.vector_store %arg21[%swap3A_1265], %select_n3A_1264 {strides = array<i32>} : memref<128xi32, #tpu.memory_space<vmem>>, vector<16xi32>,
      %add3A_1267 = arith.constant 32 : i32
      %add3A_1268 = arith.addi %mul3A_1168, %add3A_1267 : i32
      %get3A_1269 = arith.index_cast %add3A_1268 : i32 to index
      %get3A_1270 = tpu.vector_load %arg7[%get3A_1269] {strides = array<i32>} : memref<25616xi32, #tpu.memory_space<vmem>>, vector<16xi32>,
      %add3A_1271 = arith.constant 32 : i32
      %add3A_1272 = arith.addi %mul3A_1168, %add3A_1271 : i32
      %iota3A_1273 = tpu.iota {dimensions = array<i32: 0>} : vector<16xi32>
      %add3A_1274 = vector.broadcast %add3A_1272 : i32 to vector<16xi32>
      %add3A_1275 = arith.addi %add3A_1274, %iota3A_1273 : vector<16xi32>
      %jit3A_1276 = arith.constant 200 : i32
      %div3A_1277 = vector.broadcast %jit3A_1276 : i32 to vector<16xi32>
      %div3A_1278 = arith.divsi %add3A_1275, %div3A_1277 : vector<16xi32>
      %sign3A_1279 = arith.constant 0 : i32
      %sign3A_1280 = vector.broadcast %sign3A_1279 : i32 to vector<16xi32>
      %sign3A_1281 = arith.cmpi sgt, %add3A_1275, %sign3A_1280 : vector<16xi32>
      %sign3A_1282 = arith.extui %sign3A_1281 : vector<16xi1> to vector<16xi32>
      %sign3A_1283 = arith.constant 0 : i32
      %sign3A_1284 = vector.broadcast %sign3A_1283 : i32 to vector<16xi32>
      %sign3A_1285 = arith.cmpi slt, %add3A_1275, %sign3A_1284 : vector<16xi32>
      %sign3A_1286 = arith.extui %sign3A_1285 : vector<16xi1> to vector<16xi32>
      %sign3A_1287 = arith.subi %sign3A_1282, %sign3A_1286 : vector<16xi32>
      %sign3A_1288 = arith.constant 0 : i32
      %sign3A_1289 = arith.cmpi sgt, %jit3A_1276, %sign3A_1288 : i32
      %sign3A_1290 = arith.extui %sign3A_1289 : i1 to i32
      %sign3A_1291 = arith.constant 0 : i32
      %sign3A_1292 = arith.cmpi slt, %jit3A_1276, %sign3A_1291 : i32
      %sign3A_1293 = arith.extui %sign3A_1292 : i1 to i32
      %sign3A_1294 = arith.subi %sign3A_1290, %sign3A_1293 : i32
      %ne3A_1295 = vector.broadcast %sign3A_1294 : i32 to vector<16xi32>
      %ne3A_1296 = arith.cmpi ne, %sign3A_1287, %ne3A_1295 : vector<16xi32>
      %rem3A_1297 = vector.broadcast %jit3A_1276 : i32 to vector<16xi32>
      %rem3A_1298 = arith.remsi %add3A_1275, %rem3A_1297 : vector<16xi32>
      %ne3A_1299 = arith.constant 0 : i32
      %ne3A_1300 = vector.broadcast %ne3A_1299 : i32 to vector<16xi32>
      %ne3A_1301 = arith.cmpi ne, %rem3A_1298, %ne3A_1300 : vector<16xi32>
      %and3A_1302 = arith.andi %ne3A_1296, %ne3A_1301 : vector<16xi1>
      %sub3A_1303 = arith.constant 1 : i32
      %sub3A_1304 = vector.broadcast %sub3A_1303 : i32 to vector<16xi32>
      %sub3A_1305 = arith.subi %div3A_1278, %sub3A_1304 : vector<16xi32>
      %select_n3A_1306 = arith.select %and3A_1302, %sub3A_1305, %div3A_1278 : vector<16xi1>, vector<16xi32>
      %add3A_1307 = vector.broadcast %mul3A_6 : i32 to vector<16xi32>
      %add3A_1308 = arith.addi %add3A_1307, %select_n3A_1306 : vector<16xi32>
      %gt3A_1309 = arith.constant 0 : i32
      %gt3A_1310 = vector.broadcast %gt3A_1309 : i32 to vector<16xi32>
      %gt3A_1311 = arith.cmpi sgt, %get3A_1270, %gt3A_1310 : vector<16xi32>
      %broadcast_in_dim3A_1312 = vector.broadcast %add3A_8 : i32 to vector<16xi32>
      %select_n3A_1313 = arith.select %gt3A_1311, %add3A_1308, %broadcast_in_dim3A_1312 : vector<16xi1>, vector<16xi32>
      %swap3A_1314 = arith.constant 32 : index
      %swap3A_1315 = tpu.vector_load %arg21[%swap3A_1314] {strides = array<i32>} : memref<128xi32, #tpu.memory_space<vmem>>, vector<16xi32>,
      tpu.vector_store %arg21[%swap3A_1314], %select_n3A_1313 {strides = array<i32>} : memref<128xi32, #tpu.memory_space<vmem>>, vector<16xi32>,
      %add3A_1316 = arith.constant 48 : i32
      %add3A_1317 = arith.addi %mul3A_1168, %add3A_1316 : i32
      %get3A_1318 = arith.index_cast %add3A_1317 : i32 to index
      %get3A_1319 = tpu.vector_load %arg7[%get3A_1318] {strides = array<i32>} : memref<25616xi32, #tpu.memory_space<vmem>>, vector<16xi32>,
      %add3A_1320 = arith.constant 48 : i32
      %add3A_1321 = arith.addi %mul3A_1168, %add3A_1320 : i32
      %iota3A_1322 = tpu.iota {dimensions = array<i32: 0>} : vector<16xi32>
      %add3A_1323 = vector.broadcast %add3A_1321 : i32 to vector<16xi32>
      %add3A_1324 = arith.addi %add3A_1323, %iota3A_1322 : vector<16xi32>
      %jit3A_1325 = arith.constant 200 : i32
      %div3A_1326 = vector.broadcast %jit3A_1325 : i32 to vector<16xi32>
      %div3A_1327 = arith.divsi %add3A_1324, %div3A_1326 : vector<16xi32>
      %sign3A_1328 = arith.constant 0 : i32
      %sign3A_1329 = vector.broadcast %sign3A_1328 : i32 to vector<16xi32>
      %sign3A_1330 = arith.cmpi sgt, %add3A_1324, %sign3A_1329 : vector<16xi32>
      %sign3A_1331 = arith.extui %sign3A_1330 : vector<16xi1> to vector<16xi32>
      %sign3A_1332 = arith.constant 0 : i32
      %sign3A_1333 = vector.broadcast %sign3A_1332 : i32 to vector<16xi32>
      %sign3A_1334 = arith.cmpi slt, %add3A_1324, %sign3A_1333 : vector<16xi32>
      %sign3A_1335 = arith.extui %sign3A_1334 : vector<16xi1> to vector<16xi32>
      %sign3A_1336 = arith.subi %sign3A_1331, %sign3A_1335 : vector<16xi32>
      %sign3A_1337 = arith.constant 0 : i32
      %sign3A_1338 = arith.cmpi sgt, %jit3A_1325, %sign3A_1337 : i32
      %sign3A_1339 = arith.extui %sign3A_1338 : i1 to i32
      %sign3A_1340 = arith.constant 0 : i32
      %sign3A_1341 = arith.cmpi slt, %jit3A_1325, %sign3A_1340 : i32
      %sign3A_1342 = arith.extui %sign3A_1341 : i1 to i32
      %sign3A_1343 = arith.subi %sign3A_1339, %sign3A_1342 : i32
      %ne3A_1344 = vector.broadcast %sign3A_1343 : i32 to vector<16xi32>
      %ne3A_1345 = arith.cmpi ne, %sign3A_1336, %ne3A_1344 : vector<16xi32>
      %rem3A_1346 = vector.broadcast %jit3A_1325 : i32 to vector<16xi32>
      %rem3A_1347 = arith.remsi %add3A_1324, %rem3A_1346 : vector<16xi32>
      %ne3A_1348 = arith.constant 0 : i32
      %ne3A_1349 = vector.broadcast %ne3A_1348 : i32 to vector<16xi32>
      %ne3A_1350 = arith.cmpi ne, %rem3A_1347, %ne3A_1349 : vector<16xi32>
      %and3A_1351 = arith.andi %ne3A_1345, %ne3A_1350 : vector<16xi1>
      %sub3A_1352 = arith.constant 1 : i32
      %sub3A_1353 = vector.broadcast %sub3A_1352 : i32 to vector<16xi32>
      %sub3A_1354 = arith.subi %div3A_1327, %sub3A_1353 : vector<16xi32>
      %select_n3A_1355 = arith.select %and3A_1351, %sub3A_1354, %div3A_1327 : vector<16xi1>, vector<16xi32>
      %add3A_1356 = vector.broadcast %mul3A_6 : i32 to vector<16xi32>
      %add3A_1357 = arith.addi %add3A_1356, %select_n3A_1355 : vector<16xi32>
      %gt3A_1358 = arith.constant 0 : i32
      %gt3A_1359 = vector.broadcast %gt3A_1358 : i32 to vector<16xi32>
      %gt3A_1360 = arith.cmpi sgt, %get3A_1319, %gt3A_1359 : vector<16xi32>
      %broadcast_in_dim3A_1361 = vector.broadcast %add3A_8 : i32 to vector<16xi32>
      %select_n3A_1362 = arith.select %gt3A_1360, %add3A_1357, %broadcast_in_dim3A_1361 : vector<16xi1>, vector<16xi32>
      %swap3A_1363 = arith.constant 48 : index
      %swap3A_1364 = tpu.vector_load %arg21[%swap3A_1363] {strides = array<i32>} : memref<128xi32, #tpu.memory_space<vmem>>, vector<16xi32>,
      tpu.vector_store %arg21[%swap3A_1363], %select_n3A_1362 {strides = array<i32>} : memref<128xi32, #tpu.memory_space<vmem>>, vector<16xi32>,
      %add3A_1365 = arith.constant 64 : i32
      %add3A_1366 = arith.addi %mul3A_1168, %add3A_1365 : i32
      %get3A_1367 = arith.index_cast %add3A_1366 : i32 to index
      %get3A_1368 = tpu.vector_load %arg7[%get3A_1367] {strides = array<i32>} : memref<25616xi32, #tpu.memory_space<vmem>>, vector<16xi32>,
      %add3A_1369 = arith.constant 64 : i32
      %add3A_1370 = arith.addi %mul3A_1168, %add3A_1369 : i32
      %iota3A_1371 = tpu.iota {dimensions = array<i32: 0>} : vector<16xi32>
      %add3A_1372 = vector.broadcast %add3A_1370 : i32 to vector<16xi32>
      %add3A_1373 = arith.addi %add3A_1372, %iota3A_1371 : vector<16xi32>
      %jit3A_1374 = arith.constant 200 : i32
      %div3A_1375 = vector.broadcast %jit3A_1374 : i32 to vector<16xi32>
      %div3A_1376 = arith.divsi %add3A_1373, %div3A_1375 : vector<16xi32>
      %sign3A_1377 = arith.constant 0 : i32
      %sign3A_1378 = vector.broadcast %sign3A_1377 : i32 to vector<16xi32>
      %sign3A_1379 = arith.cmpi sgt, %add3A_1373, %sign3A_1378 : vector<16xi32>
      %sign3A_1380 = arith.extui %sign3A_1379 : vector<16xi1> to vector<16xi32>
      %sign3A_1381 = arith.constant 0 : i32
      %sign3A_1382 = vector.broadcast %sign3A_1381 : i32 to vector<16xi32>
      %sign3A_1383 = arith.cmpi slt, %add3A_1373, %sign3A_1382 : vector<16xi32>
      %sign3A_1384 = arith.extui %sign3A_1383 : vector<16xi1> to vector<16xi32>
      %sign3A_1385 = arith.subi %sign3A_1380, %sign3A_1384 : vector<16xi32>
      %sign3A_1386 = arith.constant 0 : i32
      %sign3A_1387 = arith.cmpi sgt, %jit3A_1374, %sign3A_1386 : i32
      %sign3A_1388 = arith.extui %sign3A_1387 : i1 to i32
      %sign3A_1389 = arith.constant 0 : i32
      %sign3A_1390 = arith.cmpi slt, %jit3A_1374, %sign3A_1389 : i32
      %sign3A_1391 = arith.extui %sign3A_1390 : i1 to i32
      %sign3A_1392 = arith.subi %sign3A_1388, %sign3A_1391 : i32
      %ne3A_1393 = vector.broadcast %sign3A_1392 : i32 to vector<16xi32>
      %ne3A_1394 = arith.cmpi ne, %sign3A_1385, %ne3A_1393 : vector<16xi32>
      %rem3A_1395 = vector.broadcast %jit3A_1374 : i32 to vector<16xi32>
      %rem3A_1396 = arith.remsi %add3A_1373, %rem3A_1395 : vector<16xi32>
      %ne3A_1397 = arith.constant 0 : i32
      %ne3A_1398 = vector.broadcast %ne3A_1397 : i32 to vector<16xi32>
      %ne3A_1399 = arith.cmpi ne, %rem3A_1396, %ne3A_1398 : vector<16xi32>
      %and3A_1400 = arith.andi %ne3A_1394, %ne3A_1399 : vector<16xi1>
      %sub3A_1401 = arith.constant 1 : i32
      %sub3A_1402 = vector.broadcast %sub3A_1401 : i32 to vector<16xi32>
      %sub3A_1403 = arith.subi %div3A_1376, %sub3A_1402 : vector<16xi32>
      %select_n3A_1404 = arith.select %and3A_1400, %sub3A_1403, %div3A_1376 : vector<16xi1>, vector<16xi32>
      %add3A_1405 = vector.broadcast %mul3A_6 : i32 to vector<16xi32>
      %add3A_1406 = arith.addi %add3A_1405, %select_n3A_1404 : vector<16xi32>
      %gt3A_1407 = arith.constant 0 : i32
      %gt3A_1408 = vector.broadcast %gt3A_1407 : i32 to vector<16xi32>
      %gt3A_1409 = arith.cmpi sgt, %get3A_1368, %gt3A_1408 : vector<16xi32>
      %broadcast_in_dim3A_1410 = vector.broadcast %add3A_8 : i32 to vector<16xi32>
      %select_n3A_1411 = arith.select %gt3A_1409, %add3A_1406, %broadcast_in_dim3A_1410 : vector<16xi1>, vector<16xi32>
      %swap3A_1412 = arith.constant 64 : index
      %swap3A_1413 = tpu.vector_load %arg21[%swap3A_1412] {strides = array<i32>} : memref<128xi32, #tpu.memory_space<vmem>>, vector<16xi32>,
      tpu.vector_store %arg21[%swap3A_1412], %select_n3A_1411 {strides = array<i32>} : memref<128xi32, #tpu.memory_space<vmem>>, vector<16xi32>,
      %add3A_1414 = arith.constant 80 : i32
      %add3A_1415 = arith.addi %mul3A_1168, %add3A_1414 : i32
      %get3A_1416 = arith.index_cast %add3A_1415 : i32 to index
      %get3A_1417 = tpu.vector_load %arg7[%get3A_1416] {strides = array<i32>} : memref<25616xi32, #tpu.memory_space<vmem>>, vector<16xi32>,
      %add3A_1418 = arith.constant 80 : i32
      %add3A_1419 = arith.addi %mul3A_1168, %add3A_1418 : i32
      %iota3A_1420 = tpu.iota {dimensions = array<i32: 0>} : vector<16xi32>
      %add3A_1421 = vector.broadcast %add3A_1419 : i32 to vector<16xi32>
      %add3A_1422 = arith.addi %add3A_1421, %iota3A_1420 : vector<16xi32>
      %jit3A_1423 = arith.constant 200 : i32
      %div3A_1424 = vector.broadcast %jit3A_1423 : i32 to vector<16xi32>
      %div3A_1425 = arith.divsi %add3A_1422, %div3A_1424 : vector<16xi32>
      %sign3A_1426 = arith.constant 0 : i32
      %sign3A_1427 = vector.broadcast %sign3A_1426 : i32 to vector<16xi32>
      %sign3A_1428 = arith.cmpi sgt, %add3A_1422, %sign3A_1427 : vector<16xi32>
      %sign3A_1429 = arith.extui %sign3A_1428 : vector<16xi1> to vector<16xi32>
      %sign3A_1430 = arith.constant 0 : i32
      %sign3A_1431 = vector.broadcast %sign3A_1430 : i32 to vector<16xi32>
      %sign3A_1432 = arith.cmpi slt, %add3A_1422, %sign3A_1431 : vector<16xi32>
      %sign3A_1433 = arith.extui %sign3A_1432 : vector<16xi1> to vector<16xi32>
      %sign3A_1434 = arith.subi %sign3A_1429, %sign3A_1433 : vector<16xi32>
      %sign3A_1435 = arith.constant 0 : i32
      %sign3A_1436 = arith.cmpi sgt, %jit3A_1423, %sign3A_1435 : i32
      %sign3A_1437 = arith.extui %sign3A_1436 : i1 to i32
      %sign3A_1438 = arith.constant 0 : i32
      %sign3A_1439 = arith.cmpi slt, %jit3A_1423, %sign3A_1438 : i32
      %sign3A_1440 = arith.extui %sign3A_1439 : i1 to i32
      %sign3A_1441 = arith.subi %sign3A_1437, %sign3A_1440 : i32
      %ne3A_1442 = vector.broadcast %sign3A_1441 : i32 to vector<16xi32>
      %ne3A_1443 = arith.cmpi ne, %sign3A_1434, %ne3A_1442 : vector<16xi32>
      %rem3A_1444 = vector.broadcast %jit3A_1423 : i32 to vector<16xi32>
      %rem3A_1445 = arith.remsi %add3A_1422, %rem3A_1444 : vector<16xi32>
      %ne3A_1446 = arith.constant 0 : i32
      %ne3A_1447 = vector.broadcast %ne3A_1446 : i32 to vector<16xi32>
      %ne3A_1448 = arith.cmpi ne, %rem3A_1445, %ne3A_1447 : vector<16xi32>
      %and3A_1449 = arith.andi %ne3A_1443, %ne3A_1448 : vector<16xi1>
      %sub3A_1450 = arith.constant 1 : i32
      %sub3A_1451 = vector.broadcast %sub3A_1450 : i32 to vector<16xi32>
      %sub3A_1452 = arith.subi %div3A_1425, %sub3A_1451 : vector<16xi32>
      %select_n3A_1453 = arith.select %and3A_1449, %sub3A_1452, %div3A_1425 : vector<16xi1>, vector<16xi32>
      %add3A_1454 = vector.broadcast %mul3A_6 : i32 to vector<16xi32>
      %add3A_1455 = arith.addi %add3A_1454, %select_n3A_1453 : vector<16xi32>
      %gt3A_1456 = arith.constant 0 : i32
      %gt3A_1457 = vector.broadcast %gt3A_1456 : i32 to vector<16xi32>
      %gt3A_1458 = arith.cmpi sgt, %get3A_1417, %gt3A_1457 : vector<16xi32>
      %broadcast_in_dim3A_1459 = vector.broadcast %add3A_8 : i32 to vector<16xi32>
      %select_n3A_1460 = arith.select %gt3A_1458, %add3A_1455, %broadcast_in_dim3A_1459 : vector<16xi1>, vector<16xi32>
      %swap3A_1461 = arith.constant 80 : index
      %swap3A_1462 = tpu.vector_load %arg21[%swap3A_1461] {strides = array<i32>} : memref<128xi32, #tpu.memory_space<vmem>>, vector<16xi32>,
      tpu.vector_store %arg21[%swap3A_1461], %select_n3A_1460 {strides = array<i32>} : memref<128xi32, #tpu.memory_space<vmem>>, vector<16xi32>,
      %add3A_1463 = arith.constant 96 : i32
      %add3A_1464 = arith.addi %mul3A_1168, %add3A_1463 : i32
      %get3A_1465 = arith.index_cast %add3A_1464 : i32 to index
      %get3A_1466 = tpu.vector_load %arg7[%get3A_1465] {strides = array<i32>} : memref<25616xi32, #tpu.memory_space<vmem>>, vector<16xi32>,
      %add3A_1467 = arith.constant 96 : i32
      %add3A_1468 = arith.addi %mul3A_1168, %add3A_1467 : i32
      %iota3A_1469 = tpu.iota {dimensions = array<i32: 0>} : vector<16xi32>
      %add3A_1470 = vector.broadcast %add3A_1468 : i32 to vector<16xi32>
      %add3A_1471 = arith.addi %add3A_1470, %iota3A_1469 : vector<16xi32>
      %jit3A_1472 = arith.constant 200 : i32
      %div3A_1473 = vector.broadcast %jit3A_1472 : i32 to vector<16xi32>
      %div3A_1474 = arith.divsi %add3A_1471, %div3A_1473 : vector<16xi32>
      %sign3A_1475 = arith.constant 0 : i32
      %sign3A_1476 = vector.broadcast %sign3A_1475 : i32 to vector<16xi32>
      %sign3A_1477 = arith.cmpi sgt, %add3A_1471, %sign3A_1476 : vector<16xi32>
      %sign3A_1478 = arith.extui %sign3A_1477 : vector<16xi1> to vector<16xi32>
      %sign3A_1479 = arith.constant 0 : i32
      %sign3A_1480 = vector.broadcast %sign3A_1479 : i32 to vector<16xi32>
      %sign3A_1481 = arith.cmpi slt, %add3A_1471, %sign3A_1480 : vector<16xi32>
      %sign3A_1482 = arith.extui %sign3A_1481 : vector<16xi1> to vector<16xi32>
      %sign3A_1483 = arith.subi %sign3A_1478, %sign3A_1482 : vector<16xi32>
      %sign3A_1484 = arith.constant 0 : i32
      %sign3A_1485 = arith.cmpi sgt, %jit3A_1472, %sign3A_1484 : i32
      %sign3A_1486 = arith.extui %sign3A_1485 : i1 to i32
      %sign3A_1487 = arith.constant 0 : i32
      %sign3A_1488 = arith.cmpi slt, %jit3A_1472, %sign3A_1487 : i32
      %sign3A_1489 = arith.extui %sign3A_1488 : i1 to i32
      %sign3A_1490 = arith.subi %sign3A_1486, %sign3A_1489 : i32
      %ne3A_1491 = vector.broadcast %sign3A_1490 : i32 to vector<16xi32>
      %ne3A_1492 = arith.cmpi ne, %sign3A_1483, %ne3A_1491 : vector<16xi32>
      %rem3A_1493 = vector.broadcast %jit3A_1472 : i32 to vector<16xi32>
      %rem3A_1494 = arith.remsi %add3A_1471, %rem3A_1493 : vector<16xi32>
      %ne3A_1495 = arith.constant 0 : i32
      %ne3A_1496 = vector.broadcast %ne3A_1495 : i32 to vector<16xi32>
      %ne3A_1497 = arith.cmpi ne, %rem3A_1494, %ne3A_1496 : vector<16xi32>
      %and3A_1498 = arith.andi %ne3A_1492, %ne3A_1497 : vector<16xi1>
      %sub3A_1499 = arith.constant 1 : i32
      %sub3A_1500 = vector.broadcast %sub3A_1499 : i32 to vector<16xi32>
      %sub3A_1501 = arith.subi %div3A_1474, %sub3A_1500 : vector<16xi32>
      %select_n3A_1502 = arith.select %and3A_1498, %sub3A_1501, %div3A_1474 : vector<16xi1>, vector<16xi32>
      %add3A_1503 = vector.broadcast %mul3A_6 : i32 to vector<16xi32>
      %add3A_1504 = arith.addi %add3A_1503, %select_n3A_1502 : vector<16xi32>
      %gt3A_1505 = arith.constant 0 : i32
      %gt3A_1506 = vector.broadcast %gt3A_1505 : i32 to vector<16xi32>
      %gt3A_1507 = arith.cmpi sgt, %get3A_1466, %gt3A_1506 : vector<16xi32>
      %broadcast_in_dim3A_1508 = vector.broadcast %add3A_8 : i32 to vector<16xi32>
      %select_n3A_1509 = arith.select %gt3A_1507, %add3A_1504, %broadcast_in_dim3A_1508 : vector<16xi1>, vector<16xi32>
      %swap3A_1510 = arith.constant 96 : index
      %swap3A_1511 = tpu.vector_load %arg21[%swap3A_1510] {strides = array<i32>} : memref<128xi32, #tpu.memory_space<vmem>>, vector<16xi32>,
      tpu.vector_store %arg21[%swap3A_1510], %select_n3A_1509 {strides = array<i32>} : memref<128xi32, #tpu.memory_space<vmem>>, vector<16xi32>,
      %add3A_1512 = arith.constant 112 : i32
      %add3A_1513 = arith.addi %mul3A_1168, %add3A_1512 : i32
      %get3A_1514 = arith.index_cast %add3A_1513 : i32 to index
      %get3A_1515 = tpu.vector_load %arg7[%get3A_1514] {strides = array<i32>} : memref<25616xi32, #tpu.memory_space<vmem>>, vector<16xi32>,
      %add3A_1516 = arith.constant 112 : i32
      %add3A_1517 = arith.addi %mul3A_1168, %add3A_1516 : i32
      %iota3A_1518 = tpu.iota {dimensions = array<i32: 0>} : vector<16xi32>
      %add3A_1519 = vector.broadcast %add3A_1517 : i32 to vector<16xi32>
      %add3A_1520 = arith.addi %add3A_1519, %iota3A_1518 : vector<16xi32>
      %jit3A_1521 = arith.constant 200 : i32
      %div3A_1522 = vector.broadcast %jit3A_1521 : i32 to vector<16xi32>
      %div3A_1523 = arith.divsi %add3A_1520, %div3A_1522 : vector<16xi32>
      %sign3A_1524 = arith.constant 0 : i32
      %sign3A_1525 = vector.broadcast %sign3A_1524 : i32 to vector<16xi32>
      %sign3A_1526 = arith.cmpi sgt, %add3A_1520, %sign3A_1525 : vector<16xi32>
      %sign3A_1527 = arith.extui %sign3A_1526 : vector<16xi1> to vector<16xi32>
      %sign3A_1528 = arith.constant 0 : i32
      %sign3A_1529 = vector.broadcast %sign3A_1528 : i32 to vector<16xi32>
      %sign3A_1530 = arith.cmpi slt, %add3A_1520, %sign3A_1529 : vector<16xi32>
      %sign3A_1531 = arith.extui %sign3A_1530 : vector<16xi1> to vector<16xi32>
      %sign3A_1532 = arith.subi %sign3A_1527, %sign3A_1531 : vector<16xi32>
      %sign3A_1533 = arith.constant 0 : i32
      %sign3A_1534 = arith.cmpi sgt, %jit3A_1521, %sign3A_1533 : i32
      %sign3A_1535 = arith.extui %sign3A_1534 : i1 to i32
      %sign3A_1536 = arith.constant 0 : i32
      %sign3A_1537 = arith.cmpi slt, %jit3A_1521, %sign3A_1536 : i32
      %sign3A_1538 = arith.extui %sign3A_1537 : i1 to i32
      %sign3A_1539 = arith.subi %sign3A_1535, %sign3A_1538 : i32
      %ne3A_1540 = vector.broadcast %sign3A_1539 : i32 to vector<16xi32>
      %ne3A_1541 = arith.cmpi ne, %sign3A_1532, %ne3A_1540 : vector<16xi32>
      %rem3A_1542 = vector.broadcast %jit3A_1521 : i32 to vector<16xi32>
      %rem3A_1543 = arith.remsi %add3A_1520, %rem3A_1542 : vector<16xi32>
      %ne3A_1544 = arith.constant 0 : i32
      %ne3A_1545 = vector.broadcast %ne3A_1544 : i32 to vector<16xi32>
      %ne3A_1546 = arith.cmpi ne, %rem3A_1543, %ne3A_1545 : vector<16xi32>
      %and3A_1547 = arith.andi %ne3A_1541, %ne3A_1546 : vector<16xi1>
      %sub3A_1548 = arith.constant 1 : i32
      %sub3A_1549 = vector.broadcast %sub3A_1548 : i32 to vector<16xi32>
      %sub3A_1550 = arith.subi %div3A_1523, %sub3A_1549 : vector<16xi32>
      %select_n3A_1551 = arith.select %and3A_1547, %sub3A_1550, %div3A_1523 : vector<16xi1>, vector<16xi32>
      %add3A_1552 = vector.broadcast %mul3A_6 : i32 to vector<16xi32>
      %add3A_1553 = arith.addi %add3A_1552, %select_n3A_1551 : vector<16xi32>
      %gt3A_1554 = arith.constant 0 : i32
      %gt3A_1555 = vector.broadcast %gt3A_1554 : i32 to vector<16xi32>
      %gt3A_1556 = arith.cmpi sgt, %get3A_1515, %gt3A_1555 : vector<16xi32>
      %broadcast_in_dim3A_1557 = vector.broadcast %add3A_8 : i32 to vector<16xi32>
      %select_n3A_1558 = arith.select %gt3A_1556, %add3A_1553, %broadcast_in_dim3A_1557 : vector<16xi1>, vector<16xi32>
      %swap3A_1559 = arith.constant 112 : index
      %swap3A_1560 = tpu.vector_load %arg21[%swap3A_1559] {strides = array<i32>} : memref<128xi32, #tpu.memory_space<vmem>>, vector<16xi32>,
      tpu.vector_store %arg21[%swap3A_1559], %select_n3A_1558 {strides = array<i32>} : memref<128xi32, #tpu.memory_space<vmem>>, vector<16xi32>,
      %mul3A_1561 = arith.constant 128 : i32
      %mul3A_1562 = arith.muli %add3A_1154, %mul3A_1561 : i32
      %dma_wait3A_1563 = tpu.memref_slice %arg6[%mul3A_1562] : memref<25600xi32, #tpu.memory_space<vmem>> -> memref<128xi32, #tpu.memory_space<vmem>>
      %dma_wait3A_1564 = arith.constant 0 : i32
      %dma_wait3A_1565 = arith.constant 0 : i32
      %dma_wait3A_1566 = tpu.memref_slice %arg4[%dma_wait3A_1564, %dma_wait3A_1565] : memref<1000000x64xf32, #tpu.memory_space<hbm>> -> memref<1000000x64xf32, #tpu.memory_space<hbm>>
      tpu.wait_indirect_dma semaphore(%arg29 : memref<!tpu.dma_semaphore, #tpu.memory_space<semaphore_mem>>) src(%dma_wait3A_1566 : memref<1000000x64xf32, #tpu.memory_space<hbm>>) dst(%arg13 : memref<128x64xf32, #tpu.memory_space<vmem>>)
      %dma_start3A_1567 = arith.constant 0 : i32
      %dma_start3A_1568 = arith.constant 0 : i32
      %dma_start3A_1569 = tpu.memref_slice %arg10[%dma_start3A_1567, %dma_start3A_1568] : memref<2064x64xf32, #tpu.memory_space<vmem_shared>> -> memref<2064x64xf32, #tpu.memory_space<vmem_shared>>
      tpu.enqueue_indirect_dma source(%arg13 : memref<128x64xf32, #tpu.memory_space<vmem>>) target(%dma_start3A_1569 : memref<2064x64xf32, #tpu.memory_space<vmem_shared>>) offsets(%arg21 : memref<128xi32, #tpu.memory_space<vmem>>) semaphore(%arg37 : memref<!tpu.dma_semaphore, #tpu.memory_space<semaphore_mem>>) {add = true}
      %mul3A_1570 = arith.constant 8 : i32
      %mul3A_1571 = arith.muli %scan3A_326, %mul3A_1570 : i32
      %add3A_1572 = arith.constant 3 : i32
      %add3A_1573 = arith.addi %mul3A_1571, %add3A_1572 : i32
      %ge3A_1574 = arith.constant 2 : i32
      %ge3A_1575 = arith.cmpi sge, %add3A_1573, %ge3A_1574 : i32
      %convert_element_type3A_1576 = arith.extui %ge3A_1575 : i1 to i32
      %cond3A_1577 = arith.constant 0 : i32
      %cond3A_1578 = arith.cmpi ne, %convert_element_type3A_1576, %cond3A_1577 : i32
      scf.if %cond3A_1578 {
        %dma_wait3A_3666 = arith.constant 0 : i32
        %dma_wait3A_3667 = arith.constant 0 : i32
        %dma_wait3A_3668 = tpu.memref_slice %arg10[%dma_wait3A_3666, %dma_wait3A_3667] : memref<2064x64xf32, #tpu.memory_space<vmem_shared>> -> memref<2064x64xf32, #tpu.memory_space<vmem_shared>>
        tpu.wait_indirect_dma semaphore(%arg36 : memref<!tpu.dma_semaphore, #tpu.memory_space<semaphore_mem>>) src(%arg12 : memref<128x64xf32, #tpu.memory_space<vmem>>) dst(%dma_wait3A_3668 : memref<2064x64xf32, #tpu.memory_space<vmem_shared>>)
      } else {
      }
      %add3A_1579 = arith.constant 6 : i32
      %add3A_1580 = arith.addi %add3A_1573, %add3A_1579 : i32
      %lt3A_1581 = arith.constant 200 : i32
      %lt3A_1582 = arith.cmpi slt, %add3A_1580, %lt3A_1581 : i32
      %convert_element_type3A_1583 = arith.extui %lt3A_1582 : i1 to i32
      %cond3A_1584 = arith.constant 0 : i32
      %cond3A_1585 = arith.cmpi ne, %convert_element_type3A_1583, %cond3A_1584 : i32
      scf.if %cond3A_1585 {
        %add3A_3666 = arith.constant 6 : i32
        %add3A_3667 = arith.addi %add3A_1573, %add3A_3666 : i32
        %mul3A_3668 = arith.constant 128 : i32
        %mul3A_3669 = arith.muli %add3A_3667, %mul3A_3668 : i32
        %dma_start3A_3670 = tpu.memref_slice %arg6[%mul3A_3669] : memref<25600xi32, #tpu.memory_space<vmem>> -> memref<128xi32, #tpu.memory_space<vmem>>
        %dma_start3A_3671 = arith.constant 0 : i32
        %dma_start3A_3672 = arith.constant 0 : i32
        %dma_start3A_3673 = tpu.memref_slice %arg4[%dma_start3A_3671, %dma_start3A_3672] : memref<1000000x64xf32, #tpu.memory_space<hbm>> -> memref<1000000x64xf32, #tpu.memory_space<hbm>>
        tpu.enqueue_indirect_dma source(%dma_start3A_3673 : memref<1000000x64xf32, #tpu.memory_space<hbm>>) target(%arg12 : memref<128x64xf32, #tpu.memory_space<vmem>>) offsets(%dma_start3A_3670 : memref<128xi32, #tpu.memory_space<vmem>>) semaphore(%arg28 : memref<!tpu.dma_semaphore, #tpu.memory_space<semaphore_mem>>)
      } else {
      }
      %mul3A_1586 = arith.constant 128 : i32
      %mul3A_1587 = arith.muli %add3A_1573, %mul3A_1586 : i32
      %add3A_1588 = arith.constant 0 : i32
      %add3A_1589 = arith.addi %mul3A_1587, %add3A_1588 : i32
      %get3A_1590 = arith.index_cast %add3A_1589 : i32 to index
      %get3A_1591 = tpu.vector_load %arg7[%get3A_1590] {strides = array<i32>} : memref<25616xi32, #tpu.memory_space<vmem>>, vector<16xi32>,
      %add3A_1592 = arith.constant 0 : i32
      %add3A_1593 = arith.addi %mul3A_1587, %add3A_1592 : i32
      %iota3A_1594 = tpu.iota {dimensions = array<i32: 0>} : vector<16xi32>
      %add3A_1595 = vector.broadcast %add3A_1593 : i32 to vector<16xi32>
      %add3A_1596 = arith.addi %add3A_1595, %iota3A_1594 : vector<16xi32>
      %jit3A_1597 = arith.constant 200 : i32
      %div3A_1598 = vector.broadcast %jit3A_1597 : i32 to vector<16xi32>
      %div3A_1599 = arith.divsi %add3A_1596, %div3A_1598 : vector<16xi32>
      %sign3A_1600 = arith.constant 0 : i32
      %sign3A_1601 = vector.broadcast %sign3A_1600 : i32 to vector<16xi32>
      %sign3A_1602 = arith.cmpi sgt, %add3A_1596, %sign3A_1601 : vector<16xi32>
      %sign3A_1603 = arith.extui %sign3A_1602 : vector<16xi1> to vector<16xi32>
      %sign3A_1604 = arith.constant 0 : i32
      %sign3A_1605 = vector.broadcast %sign3A_1604 : i32 to vector<16xi32>
      %sign3A_1606 = arith.cmpi slt, %add3A_1596, %sign3A_1605 : vector<16xi32>
      %sign3A_1607 = arith.extui %sign3A_1606 : vector<16xi1> to vector<16xi32>
      %sign3A_1608 = arith.subi %sign3A_1603, %sign3A_1607 : vector<16xi32>
      %sign3A_1609 = arith.constant 0 : i32
      %sign3A_1610 = arith.cmpi sgt, %jit3A_1597, %sign3A_1609 : i32
      %sign3A_1611 = arith.extui %sign3A_1610 : i1 to i32
      %sign3A_1612 = arith.constant 0 : i32
      %sign3A_1613 = arith.cmpi slt, %jit3A_1597, %sign3A_1612 : i32
      %sign3A_1614 = arith.extui %sign3A_1613 : i1 to i32
      %sign3A_1615 = arith.subi %sign3A_1611, %sign3A_1614 : i32
      %ne3A_1616 = vector.broadcast %sign3A_1615 : i32 to vector<16xi32>
      %ne3A_1617 = arith.cmpi ne, %sign3A_1608, %ne3A_1616 : vector<16xi32>
      %rem3A_1618 = vector.broadcast %jit3A_1597 : i32 to vector<16xi32>
      %rem3A_1619 = arith.remsi %add3A_1596, %rem3A_1618 : vector<16xi32>
      %ne3A_1620 = arith.constant 0 : i32
      %ne3A_1621 = vector.broadcast %ne3A_1620 : i32 to vector<16xi32>
      %ne3A_1622 = arith.cmpi ne, %rem3A_1619, %ne3A_1621 : vector<16xi32>
      %and3A_1623 = arith.andi %ne3A_1617, %ne3A_1622 : vector<16xi1>
      %sub3A_1624 = arith.constant 1 : i32
      %sub3A_1625 = vector.broadcast %sub3A_1624 : i32 to vector<16xi32>
      %sub3A_1626 = arith.subi %div3A_1599, %sub3A_1625 : vector<16xi32>
      %select_n3A_1627 = arith.select %and3A_1623, %sub3A_1626, %div3A_1599 : vector<16xi1>, vector<16xi32>
      %add3A_1628 = vector.broadcast %mul3A_6 : i32 to vector<16xi32>
      %add3A_1629 = arith.addi %add3A_1628, %select_n3A_1627 : vector<16xi32>
      %gt3A_1630 = arith.constant 0 : i32
      %gt3A_1631 = vector.broadcast %gt3A_1630 : i32 to vector<16xi32>
      %gt3A_1632 = arith.cmpi sgt, %get3A_1591, %gt3A_1631 : vector<16xi32>
      %broadcast_in_dim3A_1633 = vector.broadcast %add3A_8 : i32 to vector<16xi32>
      %select_n3A_1634 = arith.select %gt3A_1632, %add3A_1629, %broadcast_in_dim3A_1633 : vector<16xi1>, vector<16xi32>
      %swap3A_1635 = arith.constant 0 : index
      %swap3A_1636 = tpu.vector_load %arg22[%swap3A_1635] {strides = array<i32>} : memref<128xi32, #tpu.memory_space<vmem>>, vector<16xi32>,
      tpu.vector_store %arg22[%swap3A_1635], %select_n3A_1634 {strides = array<i32>} : memref<128xi32, #tpu.memory_space<vmem>>, vector<16xi32>,
      %add3A_1637 = arith.constant 16 : i32
      %add3A_1638 = arith.addi %mul3A_1587, %add3A_1637 : i32
      %get3A_1639 = arith.index_cast %add3A_1638 : i32 to index
      %get3A_1640 = tpu.vector_load %arg7[%get3A_1639] {strides = array<i32>} : memref<25616xi32, #tpu.memory_space<vmem>>, vector<16xi32>,
      %add3A_1641 = arith.constant 16 : i32
      %add3A_1642 = arith.addi %mul3A_1587, %add3A_1641 : i32
      %iota3A_1643 = tpu.iota {dimensions = array<i32: 0>} : vector<16xi32>
      %add3A_1644 = vector.broadcast %add3A_1642 : i32 to vector<16xi32>
      %add3A_1645 = arith.addi %add3A_1644, %iota3A_1643 : vector<16xi32>
      %jit3A_1646 = arith.constant 200 : i32
      %div3A_1647 = vector.broadcast %jit3A_1646 : i32 to vector<16xi32>
      %div3A_1648 = arith.divsi %add3A_1645, %div3A_1647 : vector<16xi32>
      %sign3A_1649 = arith.constant 0 : i32
      %sign3A_1650 = vector.broadcast %sign3A_1649 : i32 to vector<16xi32>
      %sign3A_1651 = arith.cmpi sgt, %add3A_1645, %sign3A_1650 : vector<16xi32>
      %sign3A_1652 = arith.extui %sign3A_1651 : vector<16xi1> to vector<16xi32>
      %sign3A_1653 = arith.constant 0 : i32
      %sign3A_1654 = vector.broadcast %sign3A_1653 : i32 to vector<16xi32>
      %sign3A_1655 = arith.cmpi slt, %add3A_1645, %sign3A_1654 : vector<16xi32>
      %sign3A_1656 = arith.extui %sign3A_1655 : vector<16xi1> to vector<16xi32>
      %sign3A_1657 = arith.subi %sign3A_1652, %sign3A_1656 : vector<16xi32>
      %sign3A_1658 = arith.constant 0 : i32
      %sign3A_1659 = arith.cmpi sgt, %jit3A_1646, %sign3A_1658 : i32
      %sign3A_1660 = arith.extui %sign3A_1659 : i1 to i32
      %sign3A_1661 = arith.constant 0 : i32
      %sign3A_1662 = arith.cmpi slt, %jit3A_1646, %sign3A_1661 : i32
      %sign3A_1663 = arith.extui %sign3A_1662 : i1 to i32
      %sign3A_1664 = arith.subi %sign3A_1660, %sign3A_1663 : i32
      %ne3A_1665 = vector.broadcast %sign3A_1664 : i32 to vector<16xi32>
      %ne3A_1666 = arith.cmpi ne, %sign3A_1657, %ne3A_1665 : vector<16xi32>
      %rem3A_1667 = vector.broadcast %jit3A_1646 : i32 to vector<16xi32>
      %rem3A_1668 = arith.remsi %add3A_1645, %rem3A_1667 : vector<16xi32>
      %ne3A_1669 = arith.constant 0 : i32
      %ne3A_1670 = vector.broadcast %ne3A_1669 : i32 to vector<16xi32>
      %ne3A_1671 = arith.cmpi ne, %rem3A_1668, %ne3A_1670 : vector<16xi32>
      %and3A_1672 = arith.andi %ne3A_1666, %ne3A_1671 : vector<16xi1>
      %sub3A_1673 = arith.constant 1 : i32
      %sub3A_1674 = vector.broadcast %sub3A_1673 : i32 to vector<16xi32>
      %sub3A_1675 = arith.subi %div3A_1648, %sub3A_1674 : vector<16xi32>
      %select_n3A_1676 = arith.select %and3A_1672, %sub3A_1675, %div3A_1648 : vector<16xi1>, vector<16xi32>
      %add3A_1677 = vector.broadcast %mul3A_6 : i32 to vector<16xi32>
      %add3A_1678 = arith.addi %add3A_1677, %select_n3A_1676 : vector<16xi32>
      %gt3A_1679 = arith.constant 0 : i32
      %gt3A_1680 = vector.broadcast %gt3A_1679 : i32 to vector<16xi32>
      %gt3A_1681 = arith.cmpi sgt, %get3A_1640, %gt3A_1680 : vector<16xi32>
      %broadcast_in_dim3A_1682 = vector.broadcast %add3A_8 : i32 to vector<16xi32>
      %select_n3A_1683 = arith.select %gt3A_1681, %add3A_1678, %broadcast_in_dim3A_1682 : vector<16xi1>, vector<16xi32>
      %swap3A_1684 = arith.constant 16 : index
      %swap3A_1685 = tpu.vector_load %arg22[%swap3A_1684] {strides = array<i32>} : memref<128xi32, #tpu.memory_space<vmem>>, vector<16xi32>,
      tpu.vector_store %arg22[%swap3A_1684], %select_n3A_1683 {strides = array<i32>} : memref<128xi32, #tpu.memory_space<vmem>>, vector<16xi32>,
      %add3A_1686 = arith.constant 32 : i32
      %add3A_1687 = arith.addi %mul3A_1587, %add3A_1686 : i32
      %get3A_1688 = arith.index_cast %add3A_1687 : i32 to index
      %get3A_1689 = tpu.vector_load %arg7[%get3A_1688] {strides = array<i32>} : memref<25616xi32, #tpu.memory_space<vmem>>, vector<16xi32>,
      %add3A_1690 = arith.constant 32 : i32
      %add3A_1691 = arith.addi %mul3A_1587, %add3A_1690 : i32
      %iota3A_1692 = tpu.iota {dimensions = array<i32: 0>} : vector<16xi32>
      %add3A_1693 = vector.broadcast %add3A_1691 : i32 to vector<16xi32>
      %add3A_1694 = arith.addi %add3A_1693, %iota3A_1692 : vector<16xi32>
      %jit3A_1695 = arith.constant 200 : i32
      %div3A_1696 = vector.broadcast %jit3A_1695 : i32 to vector<16xi32>
      %div3A_1697 = arith.divsi %add3A_1694, %div3A_1696 : vector<16xi32>
      %sign3A_1698 = arith.constant 0 : i32
      %sign3A_1699 = vector.broadcast %sign3A_1698 : i32 to vector<16xi32>
      %sign3A_1700 = arith.cmpi sgt, %add3A_1694, %sign3A_1699 : vector<16xi32>
      %sign3A_1701 = arith.extui %sign3A_1700 : vector<16xi1> to vector<16xi32>
      %sign3A_1702 = arith.constant 0 : i32
      %sign3A_1703 = vector.broadcast %sign3A_1702 : i32 to vector<16xi32>
      %sign3A_1704 = arith.cmpi slt, %add3A_1694, %sign3A_1703 : vector<16xi32>
      %sign3A_1705 = arith.extui %sign3A_1704 : vector<16xi1> to vector<16xi32>
      %sign3A_1706 = arith.subi %sign3A_1701, %sign3A_1705 : vector<16xi32>
      %sign3A_1707 = arith.constant 0 : i32
      %sign3A_1708 = arith.cmpi sgt, %jit3A_1695, %sign3A_1707 : i32
      %sign3A_1709 = arith.extui %sign3A_1708 : i1 to i32
      %sign3A_1710 = arith.constant 0 : i32
      %sign3A_1711 = arith.cmpi slt, %jit3A_1695, %sign3A_1710 : i32
      %sign3A_1712 = arith.extui %sign3A_1711 : i1 to i32
      %sign3A_1713 = arith.subi %sign3A_1709, %sign3A_1712 : i32
      %ne3A_1714 = vector.broadcast %sign3A_1713 : i32 to vector<16xi32>
      %ne3A_1715 = arith.cmpi ne, %sign3A_1706, %ne3A_1714 : vector<16xi32>
      %rem3A_1716 = vector.broadcast %jit3A_1695 : i32 to vector<16xi32>
      %rem3A_1717 = arith.remsi %add3A_1694, %rem3A_1716 : vector<16xi32>
      %ne3A_1718 = arith.constant 0 : i32
      %ne3A_1719 = vector.broadcast %ne3A_1718 : i32 to vector<16xi32>
      %ne3A_1720 = arith.cmpi ne, %rem3A_1717, %ne3A_1719 : vector<16xi32>
      %and3A_1721 = arith.andi %ne3A_1715, %ne3A_1720 : vector<16xi1>
      %sub3A_1722 = arith.constant 1 : i32
      %sub3A_1723 = vector.broadcast %sub3A_1722 : i32 to vector<16xi32>
      %sub3A_1724 = arith.subi %div3A_1697, %sub3A_1723 : vector<16xi32>
      %select_n3A_1725 = arith.select %and3A_1721, %sub3A_1724, %div3A_1697 : vector<16xi1>, vector<16xi32>
      %add3A_1726 = vector.broadcast %mul3A_6 : i32 to vector<16xi32>
      %add3A_1727 = arith.addi %add3A_1726, %select_n3A_1725 : vector<16xi32>
      %gt3A_1728 = arith.constant 0 : i32
      %gt3A_1729 = vector.broadcast %gt3A_1728 : i32 to vector<16xi32>
      %gt3A_1730 = arith.cmpi sgt, %get3A_1689, %gt3A_1729 : vector<16xi32>
      %broadcast_in_dim3A_1731 = vector.broadcast %add3A_8 : i32 to vector<16xi32>
      %select_n3A_1732 = arith.select %gt3A_1730, %add3A_1727, %broadcast_in_dim3A_1731 : vector<16xi1>, vector<16xi32>
      %swap3A_1733 = arith.constant 32 : index
      %swap3A_1734 = tpu.vector_load %arg22[%swap3A_1733] {strides = array<i32>} : memref<128xi32, #tpu.memory_space<vmem>>, vector<16xi32>,
      tpu.vector_store %arg22[%swap3A_1733], %select_n3A_1732 {strides = array<i32>} : memref<128xi32, #tpu.memory_space<vmem>>, vector<16xi32>,
      %add3A_1735 = arith.constant 48 : i32
      %add3A_1736 = arith.addi %mul3A_1587, %add3A_1735 : i32
      %get3A_1737 = arith.index_cast %add3A_1736 : i32 to index
      %get3A_1738 = tpu.vector_load %arg7[%get3A_1737] {strides = array<i32>} : memref<25616xi32, #tpu.memory_space<vmem>>, vector<16xi32>,
      %add3A_1739 = arith.constant 48 : i32
      %add3A_1740 = arith.addi %mul3A_1587, %add3A_1739 : i32
      %iota3A_1741 = tpu.iota {dimensions = array<i32: 0>} : vector<16xi32>
      %add3A_1742 = vector.broadcast %add3A_1740 : i32 to vector<16xi32>
      %add3A_1743 = arith.addi %add3A_1742, %iota3A_1741 : vector<16xi32>
      %jit3A_1744 = arith.constant 200 : i32
      %div3A_1745 = vector.broadcast %jit3A_1744 : i32 to vector<16xi32>
      %div3A_1746 = arith.divsi %add3A_1743, %div3A_1745 : vector<16xi32>
      %sign3A_1747 = arith.constant 0 : i32
      %sign3A_1748 = vector.broadcast %sign3A_1747 : i32 to vector<16xi32>
      %sign3A_1749 = arith.cmpi sgt, %add3A_1743, %sign3A_1748 : vector<16xi32>
      %sign3A_1750 = arith.extui %sign3A_1749 : vector<16xi1> to vector<16xi32>
      %sign3A_1751 = arith.constant 0 : i32
      %sign3A_1752 = vector.broadcast %sign3A_1751 : i32 to vector<16xi32>
      %sign3A_1753 = arith.cmpi slt, %add3A_1743, %sign3A_1752 : vector<16xi32>
      %sign3A_1754 = arith.extui %sign3A_1753 : vector<16xi1> to vector<16xi32>
      %sign3A_1755 = arith.subi %sign3A_1750, %sign3A_1754 : vector<16xi32>
      %sign3A_1756 = arith.constant 0 : i32
      %sign3A_1757 = arith.cmpi sgt, %jit3A_1744, %sign3A_1756 : i32
      %sign3A_1758 = arith.extui %sign3A_1757 : i1 to i32
      %sign3A_1759 = arith.constant 0 : i32
      %sign3A_1760 = arith.cmpi slt, %jit3A_1744, %sign3A_1759 : i32
      %sign3A_1761 = arith.extui %sign3A_1760 : i1 to i32
      %sign3A_1762 = arith.subi %sign3A_1758, %sign3A_1761 : i32
      %ne3A_1763 = vector.broadcast %sign3A_1762 : i32 to vector<16xi32>
      %ne3A_1764 = arith.cmpi ne, %sign3A_1755, %ne3A_1763 : vector<16xi32>
      %rem3A_1765 = vector.broadcast %jit3A_1744 : i32 to vector<16xi32>
      %rem3A_1766 = arith.remsi %add3A_1743, %rem3A_1765 : vector<16xi32>
      %ne3A_1767 = arith.constant 0 : i32
      %ne3A_1768 = vector.broadcast %ne3A_1767 : i32 to vector<16xi32>
      %ne3A_1769 = arith.cmpi ne, %rem3A_1766, %ne3A_1768 : vector<16xi32>
      %and3A_1770 = arith.andi %ne3A_1764, %ne3A_1769 : vector<16xi1>
      %sub3A_1771 = arith.constant 1 : i32
      %sub3A_1772 = vector.broadcast %sub3A_1771 : i32 to vector<16xi32>
      %sub3A_1773 = arith.subi %div3A_1746, %sub3A_1772 : vector<16xi32>
      %select_n3A_1774 = arith.select %and3A_1770, %sub3A_1773, %div3A_1746 : vector<16xi1>, vector<16xi32>
      %add3A_1775 = vector.broadcast %mul3A_6 : i32 to vector<16xi32>
      %add3A_1776 = arith.addi %add3A_1775, %select_n3A_1774 : vector<16xi32>
      %gt3A_1777 = arith.constant 0 : i32
      %gt3A_1778 = vector.broadcast %gt3A_1777 : i32 to vector<16xi32>
      %gt3A_1779 = arith.cmpi sgt, %get3A_1738, %gt3A_1778 : vector<16xi32>
      %broadcast_in_dim3A_1780 = vector.broadcast %add3A_8 : i32 to vector<16xi32>
      %select_n3A_1781 = arith.select %gt3A_1779, %add3A_1776, %broadcast_in_dim3A_1780 : vector<16xi1>, vector<16xi32>
      %swap3A_1782 = arith.constant 48 : index
      %swap3A_1783 = tpu.vector_load %arg22[%swap3A_1782] {strides = array<i32>} : memref<128xi32, #tpu.memory_space<vmem>>, vector<16xi32>,
      tpu.vector_store %arg22[%swap3A_1782], %select_n3A_1781 {strides = array<i32>} : memref<128xi32, #tpu.memory_space<vmem>>, vector<16xi32>,
      %add3A_1784 = arith.constant 64 : i32
      %add3A_1785 = arith.addi %mul3A_1587, %add3A_1784 : i32
      %get3A_1786 = arith.index_cast %add3A_1785 : i32 to index
      %get3A_1787 = tpu.vector_load %arg7[%get3A_1786] {strides = array<i32>} : memref<25616xi32, #tpu.memory_space<vmem>>, vector<16xi32>,
      %add3A_1788 = arith.constant 64 : i32
      %add3A_1789 = arith.addi %mul3A_1587, %add3A_1788 : i32
      %iota3A_1790 = tpu.iota {dimensions = array<i32: 0>} : vector<16xi32>
      %add3A_1791 = vector.broadcast %add3A_1789 : i32 to vector<16xi32>
      %add3A_1792 = arith.addi %add3A_1791, %iota3A_1790 : vector<16xi32>
      %jit3A_1793 = arith.constant 200 : i32
      %div3A_1794 = vector.broadcast %jit3A_1793 : i32 to vector<16xi32>
      %div3A_1795 = arith.divsi %add3A_1792, %div3A_1794 : vector<16xi32>
      %sign3A_1796 = arith.constant 0 : i32
      %sign3A_1797 = vector.broadcast %sign3A_1796 : i32 to vector<16xi32>
      %sign3A_1798 = arith.cmpi sgt, %add3A_1792, %sign3A_1797 : vector<16xi32>
      %sign3A_1799 = arith.extui %sign3A_1798 : vector<16xi1> to vector<16xi32>
      %sign3A_1800 = arith.constant 0 : i32
      %sign3A_1801 = vector.broadcast %sign3A_1800 : i32 to vector<16xi32>
      %sign3A_1802 = arith.cmpi slt, %add3A_1792, %sign3A_1801 : vector<16xi32>
      %sign3A_1803 = arith.extui %sign3A_1802 : vector<16xi1> to vector<16xi32>
      %sign3A_1804 = arith.subi %sign3A_1799, %sign3A_1803 : vector<16xi32>
      %sign3A_1805 = arith.constant 0 : i32
      %sign3A_1806 = arith.cmpi sgt, %jit3A_1793, %sign3A_1805 : i32
      %sign3A_1807 = arith.extui %sign3A_1806 : i1 to i32
      %sign3A_1808 = arith.constant 0 : i32
      %sign3A_1809 = arith.cmpi slt, %jit3A_1793, %sign3A_1808 : i32
      %sign3A_1810 = arith.extui %sign3A_1809 : i1 to i32
      %sign3A_1811 = arith.subi %sign3A_1807, %sign3A_1810 : i32
      %ne3A_1812 = vector.broadcast %sign3A_1811 : i32 to vector<16xi32>
      %ne3A_1813 = arith.cmpi ne, %sign3A_1804, %ne3A_1812 : vector<16xi32>
      %rem3A_1814 = vector.broadcast %jit3A_1793 : i32 to vector<16xi32>
      %rem3A_1815 = arith.remsi %add3A_1792, %rem3A_1814 : vector<16xi32>
      %ne3A_1816 = arith.constant 0 : i32
      %ne3A_1817 = vector.broadcast %ne3A_1816 : i32 to vector<16xi32>
      %ne3A_1818 = arith.cmpi ne, %rem3A_1815, %ne3A_1817 : vector<16xi32>
      %and3A_1819 = arith.andi %ne3A_1813, %ne3A_1818 : vector<16xi1>
      %sub3A_1820 = arith.constant 1 : i32
      %sub3A_1821 = vector.broadcast %sub3A_1820 : i32 to vector<16xi32>
      %sub3A_1822 = arith.subi %div3A_1795, %sub3A_1821 : vector<16xi32>
      %select_n3A_1823 = arith.select %and3A_1819, %sub3A_1822, %div3A_1795 : vector<16xi1>, vector<16xi32>
      %add3A_1824 = vector.broadcast %mul3A_6 : i32 to vector<16xi32>
      %add3A_1825 = arith.addi %add3A_1824, %select_n3A_1823 : vector<16xi32>
      %gt3A_1826 = arith.constant 0 : i32
      %gt3A_1827 = vector.broadcast %gt3A_1826 : i32 to vector<16xi32>
      %gt3A_1828 = arith.cmpi sgt, %get3A_1787, %gt3A_1827 : vector<16xi32>
      %broadcast_in_dim3A_1829 = vector.broadcast %add3A_8 : i32 to vector<16xi32>
      %select_n3A_1830 = arith.select %gt3A_1828, %add3A_1825, %broadcast_in_dim3A_1829 : vector<16xi1>, vector<16xi32>
      %swap3A_1831 = arith.constant 64 : index
      %swap3A_1832 = tpu.vector_load %arg22[%swap3A_1831] {strides = array<i32>} : memref<128xi32, #tpu.memory_space<vmem>>, vector<16xi32>,
      tpu.vector_store %arg22[%swap3A_1831], %select_n3A_1830 {strides = array<i32>} : memref<128xi32, #tpu.memory_space<vmem>>, vector<16xi32>,
      %add3A_1833 = arith.constant 80 : i32
      %add3A_1834 = arith.addi %mul3A_1587, %add3A_1833 : i32
      %get3A_1835 = arith.index_cast %add3A_1834 : i32 to index
      %get3A_1836 = tpu.vector_load %arg7[%get3A_1835] {strides = array<i32>} : memref<25616xi32, #tpu.memory_space<vmem>>, vector<16xi32>,
      %add3A_1837 = arith.constant 80 : i32
      %add3A_1838 = arith.addi %mul3A_1587, %add3A_1837 : i32
      %iota3A_1839 = tpu.iota {dimensions = array<i32: 0>} : vector<16xi32>
      %add3A_1840 = vector.broadcast %add3A_1838 : i32 to vector<16xi32>
      %add3A_1841 = arith.addi %add3A_1840, %iota3A_1839 : vector<16xi32>
      %jit3A_1842 = arith.constant 200 : i32
      %div3A_1843 = vector.broadcast %jit3A_1842 : i32 to vector<16xi32>
      %div3A_1844 = arith.divsi %add3A_1841, %div3A_1843 : vector<16xi32>
      %sign3A_1845 = arith.constant 0 : i32
      %sign3A_1846 = vector.broadcast %sign3A_1845 : i32 to vector<16xi32>
      %sign3A_1847 = arith.cmpi sgt, %add3A_1841, %sign3A_1846 : vector<16xi32>
      %sign3A_1848 = arith.extui %sign3A_1847 : vector<16xi1> to vector<16xi32>
      %sign3A_1849 = arith.constant 0 : i32
      %sign3A_1850 = vector.broadcast %sign3A_1849 : i32 to vector<16xi32>
      %sign3A_1851 = arith.cmpi slt, %add3A_1841, %sign3A_1850 : vector<16xi32>
      %sign3A_1852 = arith.extui %sign3A_1851 : vector<16xi1> to vector<16xi32>
      %sign3A_1853 = arith.subi %sign3A_1848, %sign3A_1852 : vector<16xi32>
      %sign3A_1854 = arith.constant 0 : i32
      %sign3A_1855 = arith.cmpi sgt, %jit3A_1842, %sign3A_1854 : i32
      %sign3A_1856 = arith.extui %sign3A_1855 : i1 to i32
      %sign3A_1857 = arith.constant 0 : i32
      %sign3A_1858 = arith.cmpi slt, %jit3A_1842, %sign3A_1857 : i32
      %sign3A_1859 = arith.extui %sign3A_1858 : i1 to i32
      %sign3A_1860 = arith.subi %sign3A_1856, %sign3A_1859 : i32
      %ne3A_1861 = vector.broadcast %sign3A_1860 : i32 to vector<16xi32>
      %ne3A_1862 = arith.cmpi ne, %sign3A_1853, %ne3A_1861 : vector<16xi32>
      %rem3A_1863 = vector.broadcast %jit3A_1842 : i32 to vector<16xi32>
      %rem3A_1864 = arith.remsi %add3A_1841, %rem3A_1863 : vector<16xi32>
      %ne3A_1865 = arith.constant 0 : i32
      %ne3A_1866 = vector.broadcast %ne3A_1865 : i32 to vector<16xi32>
      %ne3A_1867 = arith.cmpi ne, %rem3A_1864, %ne3A_1866 : vector<16xi32>
      %and3A_1868 = arith.andi %ne3A_1862, %ne3A_1867 : vector<16xi1>
      %sub3A_1869 = arith.constant 1 : i32
      %sub3A_1870 = vector.broadcast %sub3A_1869 : i32 to vector<16xi32>
      %sub3A_1871 = arith.subi %div3A_1844, %sub3A_1870 : vector<16xi32>
      %select_n3A_1872 = arith.select %and3A_1868, %sub3A_1871, %div3A_1844 : vector<16xi1>, vector<16xi32>
      %add3A_1873 = vector.broadcast %mul3A_6 : i32 to vector<16xi32>
      %add3A_1874 = arith.addi %add3A_1873, %select_n3A_1872 : vector<16xi32>
      %gt3A_1875 = arith.constant 0 : i32
      %gt3A_1876 = vector.broadcast %gt3A_1875 : i32 to vector<16xi32>
      %gt3A_1877 = arith.cmpi sgt, %get3A_1836, %gt3A_1876 : vector<16xi32>
      %broadcast_in_dim3A_1878 = vector.broadcast %add3A_8 : i32 to vector<16xi32>
      %select_n3A_1879 = arith.select %gt3A_1877, %add3A_1874, %broadcast_in_dim3A_1878 : vector<16xi1>, vector<16xi32>
      %swap3A_1880 = arith.constant 80 : index
      %swap3A_1881 = tpu.vector_load %arg22[%swap3A_1880] {strides = array<i32>} : memref<128xi32, #tpu.memory_space<vmem>>, vector<16xi32>,
      tpu.vector_store %arg22[%swap3A_1880], %select_n3A_1879 {strides = array<i32>} : memref<128xi32, #tpu.memory_space<vmem>>, vector<16xi32>,
      %add3A_1882 = arith.constant 96 : i32
      %add3A_1883 = arith.addi %mul3A_1587, %add3A_1882 : i32
      %get3A_1884 = arith.index_cast %add3A_1883 : i32 to index
      %get3A_1885 = tpu.vector_load %arg7[%get3A_1884] {strides = array<i32>} : memref<25616xi32, #tpu.memory_space<vmem>>, vector<16xi32>,
      %add3A_1886 = arith.constant 96 : i32
      %add3A_1887 = arith.addi %mul3A_1587, %add3A_1886 : i32
      %iota3A_1888 = tpu.iota {dimensions = array<i32: 0>} : vector<16xi32>
      %add3A_1889 = vector.broadcast %add3A_1887 : i32 to vector<16xi32>
      %add3A_1890 = arith.addi %add3A_1889, %iota3A_1888 : vector<16xi32>
      %jit3A_1891 = arith.constant 200 : i32
      %div3A_1892 = vector.broadcast %jit3A_1891 : i32 to vector<16xi32>
      %div3A_1893 = arith.divsi %add3A_1890, %div3A_1892 : vector<16xi32>
      %sign3A_1894 = arith.constant 0 : i32
      %sign3A_1895 = vector.broadcast %sign3A_1894 : i32 to vector<16xi32>
      %sign3A_1896 = arith.cmpi sgt, %add3A_1890, %sign3A_1895 : vector<16xi32>
      %sign3A_1897 = arith.extui %sign3A_1896 : vector<16xi1> to vector<16xi32>
      %sign3A_1898 = arith.constant 0 : i32
      %sign3A_1899 = vector.broadcast %sign3A_1898 : i32 to vector<16xi32>
      %sign3A_1900 = arith.cmpi slt, %add3A_1890, %sign3A_1899 : vector<16xi32>
      %sign3A_1901 = arith.extui %sign3A_1900 : vector<16xi1> to vector<16xi32>
      %sign3A_1902 = arith.subi %sign3A_1897, %sign3A_1901 : vector<16xi32>
      %sign3A_1903 = arith.constant 0 : i32
      %sign3A_1904 = arith.cmpi sgt, %jit3A_1891, %sign3A_1903 : i32
      %sign3A_1905 = arith.extui %sign3A_1904 : i1 to i32
      %sign3A_1906 = arith.constant 0 : i32
      %sign3A_1907 = arith.cmpi slt, %jit3A_1891, %sign3A_1906 : i32
      %sign3A_1908 = arith.extui %sign3A_1907 : i1 to i32
      %sign3A_1909 = arith.subi %sign3A_1905, %sign3A_1908 : i32
      %ne3A_1910 = vector.broadcast %sign3A_1909 : i32 to vector<16xi32>
      %ne3A_1911 = arith.cmpi ne, %sign3A_1902, %ne3A_1910 : vector<16xi32>
      %rem3A_1912 = vector.broadcast %jit3A_1891 : i32 to vector<16xi32>
      %rem3A_1913 = arith.remsi %add3A_1890, %rem3A_1912 : vector<16xi32>
      %ne3A_1914 = arith.constant 0 : i32
      %ne3A_1915 = vector.broadcast %ne3A_1914 : i32 to vector<16xi32>
      %ne3A_1916 = arith.cmpi ne, %rem3A_1913, %ne3A_1915 : vector<16xi32>
      %and3A_1917 = arith.andi %ne3A_1911, %ne3A_1916 : vector<16xi1>
      %sub3A_1918 = arith.constant 1 : i32
      %sub3A_1919 = vector.broadcast %sub3A_1918 : i32 to vector<16xi32>
      %sub3A_1920 = arith.subi %div3A_1893, %sub3A_1919 : vector<16xi32>
      %select_n3A_1921 = arith.select %and3A_1917, %sub3A_1920, %div3A_1893 : vector<16xi1>, vector<16xi32>
      %add3A_1922 = vector.broadcast %mul3A_6 : i32 to vector<16xi32>
      %add3A_1923 = arith.addi %add3A_1922, %select_n3A_1921 : vector<16xi32>
      %gt3A_1924 = arith.constant 0 : i32
      %gt3A_1925 = vector.broadcast %gt3A_1924 : i32 to vector<16xi32>
      %gt3A_1926 = arith.cmpi sgt, %get3A_1885, %gt3A_1925 : vector<16xi32>
      %broadcast_in_dim3A_1927 = vector.broadcast %add3A_8 : i32 to vector<16xi32>
      %select_n3A_1928 = arith.select %gt3A_1926, %add3A_1923, %broadcast_in_dim3A_1927 : vector<16xi1>, vector<16xi32>
      %swap3A_1929 = arith.constant 96 : index
      %swap3A_1930 = tpu.vector_load %arg22[%swap3A_1929] {strides = array<i32>} : memref<128xi32, #tpu.memory_space<vmem>>, vector<16xi32>,
      tpu.vector_store %arg22[%swap3A_1929], %select_n3A_1928 {strides = array<i32>} : memref<128xi32, #tpu.memory_space<vmem>>, vector<16xi32>,
      %add3A_1931 = arith.constant 112 : i32
      %add3A_1932 = arith.addi %mul3A_1587, %add3A_1931 : i32
      %get3A_1933 = arith.index_cast %add3A_1932 : i32 to index
      %get3A_1934 = tpu.vector_load %arg7[%get3A_1933] {strides = array<i32>} : memref<25616xi32, #tpu.memory_space<vmem>>, vector<16xi32>,
      %add3A_1935 = arith.constant 112 : i32
      %add3A_1936 = arith.addi %mul3A_1587, %add3A_1935 : i32
      %iota3A_1937 = tpu.iota {dimensions = array<i32: 0>} : vector<16xi32>
      %add3A_1938 = vector.broadcast %add3A_1936 : i32 to vector<16xi32>
      %add3A_1939 = arith.addi %add3A_1938, %iota3A_1937 : vector<16xi32>
      %jit3A_1940 = arith.constant 200 : i32
      %div3A_1941 = vector.broadcast %jit3A_1940 : i32 to vector<16xi32>
      %div3A_1942 = arith.divsi %add3A_1939, %div3A_1941 : vector<16xi32>
      %sign3A_1943 = arith.constant 0 : i32
      %sign3A_1944 = vector.broadcast %sign3A_1943 : i32 to vector<16xi32>
      %sign3A_1945 = arith.cmpi sgt, %add3A_1939, %sign3A_1944 : vector<16xi32>
      %sign3A_1946 = arith.extui %sign3A_1945 : vector<16xi1> to vector<16xi32>
      %sign3A_1947 = arith.constant 0 : i32
      %sign3A_1948 = vector.broadcast %sign3A_1947 : i32 to vector<16xi32>
      %sign3A_1949 = arith.cmpi slt, %add3A_1939, %sign3A_1948 : vector<16xi32>
      %sign3A_1950 = arith.extui %sign3A_1949 : vector<16xi1> to vector<16xi32>
      %sign3A_1951 = arith.subi %sign3A_1946, %sign3A_1950 : vector<16xi32>
      %sign3A_1952 = arith.constant 0 : i32
      %sign3A_1953 = arith.cmpi sgt, %jit3A_1940, %sign3A_1952 : i32
      %sign3A_1954 = arith.extui %sign3A_1953 : i1 to i32
      %sign3A_1955 = arith.constant 0 : i32
      %sign3A_1956 = arith.cmpi slt, %jit3A_1940, %sign3A_1955 : i32
      %sign3A_1957 = arith.extui %sign3A_1956 : i1 to i32
      %sign3A_1958 = arith.subi %sign3A_1954, %sign3A_1957 : i32
      %ne3A_1959 = vector.broadcast %sign3A_1958 : i32 to vector<16xi32>
      %ne3A_1960 = arith.cmpi ne, %sign3A_1951, %ne3A_1959 : vector<16xi32>
      %rem3A_1961 = vector.broadcast %jit3A_1940 : i32 to vector<16xi32>
      %rem3A_1962 = arith.remsi %add3A_1939, %rem3A_1961 : vector<16xi32>
      %ne3A_1963 = arith.constant 0 : i32
      %ne3A_1964 = vector.broadcast %ne3A_1963 : i32 to vector<16xi32>
      %ne3A_1965 = arith.cmpi ne, %rem3A_1962, %ne3A_1964 : vector<16xi32>
      %and3A_1966 = arith.andi %ne3A_1960, %ne3A_1965 : vector<16xi1>
      %sub3A_1967 = arith.constant 1 : i32
      %sub3A_1968 = vector.broadcast %sub3A_1967 : i32 to vector<16xi32>
      %sub3A_1969 = arith.subi %div3A_1942, %sub3A_1968 : vector<16xi32>
      %select_n3A_1970 = arith.select %and3A_1966, %sub3A_1969, %div3A_1942 : vector<16xi1>, vector<16xi32>
      %add3A_1971 = vector.broadcast %mul3A_6 : i32 to vector<16xi32>
      %add3A_1972 = arith.addi %add3A_1971, %select_n3A_1970 : vector<16xi32>
      %gt3A_1973 = arith.constant 0 : i32
      %gt3A_1974 = vector.broadcast %gt3A_1973 : i32 to vector<16xi32>
      %gt3A_1975 = arith.cmpi sgt, %get3A_1934, %gt3A_1974 : vector<16xi32>
      %broadcast_in_dim3A_1976 = vector.broadcast %add3A_8 : i32 to vector<16xi32>
      %select_n3A_1977 = arith.select %gt3A_1975, %add3A_1972, %broadcast_in_dim3A_1976 : vector<16xi1>, vector<16xi32>
      %swap3A_1978 = arith.constant 112 : index
      %swap3A_1979 = tpu.vector_load %arg22[%swap3A_1978] {strides = array<i32>} : memref<128xi32, #tpu.memory_space<vmem>>, vector<16xi32>,
      tpu.vector_store %arg22[%swap3A_1978], %select_n3A_1977 {strides = array<i32>} : memref<128xi32, #tpu.memory_space<vmem>>, vector<16xi32>,
      %mul3A_1980 = arith.constant 128 : i32
      %mul3A_1981 = arith.muli %add3A_1573, %mul3A_1980 : i32
      %dma_wait3A_1982 = tpu.memref_slice %arg6[%mul3A_1981] : memref<25600xi32, #tpu.memory_space<vmem>> -> memref<128xi32, #tpu.memory_space<vmem>>
      %dma_wait3A_1983 = arith.constant 0 : i32
      %dma_wait3A_1984 = arith.constant 0 : i32
      %dma_wait3A_1985 = tpu.memref_slice %arg4[%dma_wait3A_1983, %dma_wait3A_1984] : memref<1000000x64xf32, #tpu.memory_space<hbm>> -> memref<1000000x64xf32, #tpu.memory_space<hbm>>
      tpu.wait_indirect_dma semaphore(%arg30 : memref<!tpu.dma_semaphore, #tpu.memory_space<semaphore_mem>>) src(%dma_wait3A_1985 : memref<1000000x64xf32, #tpu.memory_space<hbm>>) dst(%arg14 : memref<128x64xf32, #tpu.memory_space<vmem>>)
      %dma_start3A_1986 = arith.constant 0 : i32
      %dma_start3A_1987 = arith.constant 0 : i32
      %dma_start3A_1988 = tpu.memref_slice %arg10[%dma_start3A_1986, %dma_start3A_1987] : memref<2064x64xf32, #tpu.memory_space<vmem_shared>> -> memref<2064x64xf32, #tpu.memory_space<vmem_shared>>
      tpu.enqueue_indirect_dma source(%arg14 : memref<128x64xf32, #tpu.memory_space<vmem>>) target(%dma_start3A_1988 : memref<2064x64xf32, #tpu.memory_space<vmem_shared>>) offsets(%arg22 : memref<128xi32, #tpu.memory_space<vmem>>) semaphore(%arg38 : memref<!tpu.dma_semaphore, #tpu.memory_space<semaphore_mem>>) {add = true}
      %mul3A_1989 = arith.constant 8 : i32
      %mul3A_1990 = arith.muli %scan3A_326, %mul3A_1989 : i32
      %add3A_1991 = arith.constant 4 : i32
      %add3A_1992 = arith.addi %mul3A_1990, %add3A_1991 : i32
      %ge3A_1993 = arith.constant 2 : i32
      %ge3A_1994 = arith.cmpi sge, %add3A_1992, %ge3A_1993 : i32
      %convert_element_type3A_1995 = arith.extui %ge3A_1994 : i1 to i32
      %cond3A_1996 = arith.constant 0 : i32
      %cond3A_1997 = arith.cmpi ne, %convert_element_type3A_1995, %cond3A_1996 : i32
      scf.if %cond3A_1997 {
        %dma_wait3A_3666 = arith.constant 0 : i32
        %dma_wait3A_3667 = arith.constant 0 : i32
        %dma_wait3A_3668 = tpu.memref_slice %arg10[%dma_wait3A_3666, %dma_wait3A_3667] : memref<2064x64xf32, #tpu.memory_space<vmem_shared>> -> memref<2064x64xf32, #tpu.memory_space<vmem_shared>>
        tpu.wait_indirect_dma semaphore(%arg37 : memref<!tpu.dma_semaphore, #tpu.memory_space<semaphore_mem>>) src(%arg13 : memref<128x64xf32, #tpu.memory_space<vmem>>) dst(%dma_wait3A_3668 : memref<2064x64xf32, #tpu.memory_space<vmem_shared>>)
      } else {
      }
      %add3A_1998 = arith.constant 6 : i32
      %add3A_1999 = arith.addi %add3A_1992, %add3A_1998 : i32
      %lt3A_2000 = arith.constant 200 : i32
      %lt3A_2001 = arith.cmpi slt, %add3A_1999, %lt3A_2000 : i32
      %convert_element_type3A_2002 = arith.extui %lt3A_2001 : i1 to i32
      %cond3A_2003 = arith.constant 0 : i32
      %cond3A_2004 = arith.cmpi ne, %convert_element_type3A_2002, %cond3A_2003 : i32
      scf.if %cond3A_2004 {
        %add3A_3666 = arith.constant 6 : i32
        %add3A_3667 = arith.addi %add3A_1992, %add3A_3666 : i32
        %mul3A_3668 = arith.constant 128 : i32
        %mul3A_3669 = arith.muli %add3A_3667, %mul3A_3668 : i32
        %dma_start3A_3670 = tpu.memref_slice %arg6[%mul3A_3669] : memref<25600xi32, #tpu.memory_space<vmem>> -> memref<128xi32, #tpu.memory_space<vmem>>
        %dma_start3A_3671 = arith.constant 0 : i32
        %dma_start3A_3672 = arith.constant 0 : i32
        %dma_start3A_3673 = tpu.memref_slice %arg4[%dma_start3A_3671, %dma_start3A_3672] : memref<1000000x64xf32, #tpu.memory_space<hbm>> -> memref<1000000x64xf32, #tpu.memory_space<hbm>>
        tpu.enqueue_indirect_dma source(%dma_start3A_3673 : memref<1000000x64xf32, #tpu.memory_space<hbm>>) target(%arg13 : memref<128x64xf32, #tpu.memory_space<vmem>>) offsets(%dma_start3A_3670 : memref<128xi32, #tpu.memory_space<vmem>>) semaphore(%arg29 : memref<!tpu.dma_semaphore, #tpu.memory_space<semaphore_mem>>)
      } else {
      }
      %mul3A_2005 = arith.constant 128 : i32
      %mul3A_2006 = arith.muli %add3A_1992, %mul3A_2005 : i32
      %add3A_2007 = arith.constant 0 : i32
      %add3A_2008 = arith.addi %mul3A_2006, %add3A_2007 : i32
      %get3A_2009 = arith.index_cast %add3A_2008 : i32 to index
      %get3A_2010 = tpu.vector_load %arg7[%get3A_2009] {strides = array<i32>} : memref<25616xi32, #tpu.memory_space<vmem>>, vector<16xi32>,
      %add3A_2011 = arith.constant 0 : i32
      %add3A_2012 = arith.addi %mul3A_2006, %add3A_2011 : i32
      %iota3A_2013 = tpu.iota {dimensions = array<i32: 0>} : vector<16xi32>
      %add3A_2014 = vector.broadcast %add3A_2012 : i32 to vector<16xi32>
      %add3A_2015 = arith.addi %add3A_2014, %iota3A_2013 : vector<16xi32>
      %jit3A_2016 = arith.constant 200 : i32
      %div3A_2017 = vector.broadcast %jit3A_2016 : i32 to vector<16xi32>
      %div3A_2018 = arith.divsi %add3A_2015, %div3A_2017 : vector<16xi32>
      %sign3A_2019 = arith.constant 0 : i32
      %sign3A_2020 = vector.broadcast %sign3A_2019 : i32 to vector<16xi32>
      %sign3A_2021 = arith.cmpi sgt, %add3A_2015, %sign3A_2020 : vector<16xi32>
      %sign3A_2022 = arith.extui %sign3A_2021 : vector<16xi1> to vector<16xi32>
      %sign3A_2023 = arith.constant 0 : i32
      %sign3A_2024 = vector.broadcast %sign3A_2023 : i32 to vector<16xi32>
      %sign3A_2025 = arith.cmpi slt, %add3A_2015, %sign3A_2024 : vector<16xi32>
      %sign3A_2026 = arith.extui %sign3A_2025 : vector<16xi1> to vector<16xi32>
      %sign3A_2027 = arith.subi %sign3A_2022, %sign3A_2026 : vector<16xi32>
      %sign3A_2028 = arith.constant 0 : i32
      %sign3A_2029 = arith.cmpi sgt, %jit3A_2016, %sign3A_2028 : i32
      %sign3A_2030 = arith.extui %sign3A_2029 : i1 to i32
      %sign3A_2031 = arith.constant 0 : i32
      %sign3A_2032 = arith.cmpi slt, %jit3A_2016, %sign3A_2031 : i32
      %sign3A_2033 = arith.extui %sign3A_2032 : i1 to i32
      %sign3A_2034 = arith.subi %sign3A_2030, %sign3A_2033 : i32
      %ne3A_2035 = vector.broadcast %sign3A_2034 : i32 to vector<16xi32>
      %ne3A_2036 = arith.cmpi ne, %sign3A_2027, %ne3A_2035 : vector<16xi32>
      %rem3A_2037 = vector.broadcast %jit3A_2016 : i32 to vector<16xi32>
      %rem3A_2038 = arith.remsi %add3A_2015, %rem3A_2037 : vector<16xi32>
      %ne3A_2039 = arith.constant 0 : i32
      %ne3A_2040 = vector.broadcast %ne3A_2039 : i32 to vector<16xi32>
      %ne3A_2041 = arith.cmpi ne, %rem3A_2038, %ne3A_2040 : vector<16xi32>
      %and3A_2042 = arith.andi %ne3A_2036, %ne3A_2041 : vector<16xi1>
      %sub3A_2043 = arith.constant 1 : i32
      %sub3A_2044 = vector.broadcast %sub3A_2043 : i32 to vector<16xi32>
      %sub3A_2045 = arith.subi %div3A_2018, %sub3A_2044 : vector<16xi32>
      %select_n3A_2046 = arith.select %and3A_2042, %sub3A_2045, %div3A_2018 : vector<16xi1>, vector<16xi32>
      %add3A_2047 = vector.broadcast %mul3A_6 : i32 to vector<16xi32>
      %add3A_2048 = arith.addi %add3A_2047, %select_n3A_2046 : vector<16xi32>
      %gt3A_2049 = arith.constant 0 : i32
      %gt3A_2050 = vector.broadcast %gt3A_2049 : i32 to vector<16xi32>
      %gt3A_2051 = arith.cmpi sgt, %get3A_2010, %gt3A_2050 : vector<16xi32>
      %broadcast_in_dim3A_2052 = vector.broadcast %add3A_8 : i32 to vector<16xi32>
      %select_n3A_2053 = arith.select %gt3A_2051, %add3A_2048, %broadcast_in_dim3A_2052 : vector<16xi1>, vector<16xi32>
      %swap3A_2054 = arith.constant 0 : index
      %swap3A_2055 = tpu.vector_load %arg23[%swap3A_2054] {strides = array<i32>} : memref<128xi32, #tpu.memory_space<vmem>>, vector<16xi32>,
      tpu.vector_store %arg23[%swap3A_2054], %select_n3A_2053 {strides = array<i32>} : memref<128xi32, #tpu.memory_space<vmem>>, vector<16xi32>,
      %add3A_2056 = arith.constant 16 : i32
      %add3A_2057 = arith.addi %mul3A_2006, %add3A_2056 : i32
      %get3A_2058 = arith.index_cast %add3A_2057 : i32 to index
      %get3A_2059 = tpu.vector_load %arg7[%get3A_2058] {strides = array<i32>} : memref<25616xi32, #tpu.memory_space<vmem>>, vector<16xi32>,
      %add3A_2060 = arith.constant 16 : i32
      %add3A_2061 = arith.addi %mul3A_2006, %add3A_2060 : i32
      %iota3A_2062 = tpu.iota {dimensions = array<i32: 0>} : vector<16xi32>
      %add3A_2063 = vector.broadcast %add3A_2061 : i32 to vector<16xi32>
      %add3A_2064 = arith.addi %add3A_2063, %iota3A_2062 : vector<16xi32>
      %jit3A_2065 = arith.constant 200 : i32
      %div3A_2066 = vector.broadcast %jit3A_2065 : i32 to vector<16xi32>
      %div3A_2067 = arith.divsi %add3A_2064, %div3A_2066 : vector<16xi32>
      %sign3A_2068 = arith.constant 0 : i32
      %sign3A_2069 = vector.broadcast %sign3A_2068 : i32 to vector<16xi32>
      %sign3A_2070 = arith.cmpi sgt, %add3A_2064, %sign3A_2069 : vector<16xi32>
      %sign3A_2071 = arith.extui %sign3A_2070 : vector<16xi1> to vector<16xi32>
      %sign3A_2072 = arith.constant 0 : i32
      %sign3A_2073 = vector.broadcast %sign3A_2072 : i32 to vector<16xi32>
      %sign3A_2074 = arith.cmpi slt, %add3A_2064, %sign3A_2073 : vector<16xi32>
      %sign3A_2075 = arith.extui %sign3A_2074 : vector<16xi1> to vector<16xi32>
      %sign3A_2076 = arith.subi %sign3A_2071, %sign3A_2075 : vector<16xi32>
      %sign3A_2077 = arith.constant 0 : i32
      %sign3A_2078 = arith.cmpi sgt, %jit3A_2065, %sign3A_2077 : i32
      %sign3A_2079 = arith.extui %sign3A_2078 : i1 to i32
      %sign3A_2080 = arith.constant 0 : i32
      %sign3A_2081 = arith.cmpi slt, %jit3A_2065, %sign3A_2080 : i32
      %sign3A_2082 = arith.extui %sign3A_2081 : i1 to i32
      %sign3A_2083 = arith.subi %sign3A_2079, %sign3A_2082 : i32
      %ne3A_2084 = vector.broadcast %sign3A_2083 : i32 to vector<16xi32>
      %ne3A_2085 = arith.cmpi ne, %sign3A_2076, %ne3A_2084 : vector<16xi32>
      %rem3A_2086 = vector.broadcast %jit3A_2065 : i32 to vector<16xi32>
      %rem3A_2087 = arith.remsi %add3A_2064, %rem3A_2086 : vector<16xi32>
      %ne3A_2088 = arith.constant 0 : i32
      %ne3A_2089 = vector.broadcast %ne3A_2088 : i32 to vector<16xi32>
      %ne3A_2090 = arith.cmpi ne, %rem3A_2087, %ne3A_2089 : vector<16xi32>
      %and3A_2091 = arith.andi %ne3A_2085, %ne3A_2090 : vector<16xi1>
      %sub3A_2092 = arith.constant 1 : i32
      %sub3A_2093 = vector.broadcast %sub3A_2092 : i32 to vector<16xi32>
      %sub3A_2094 = arith.subi %div3A_2067, %sub3A_2093 : vector<16xi32>
      %select_n3A_2095 = arith.select %and3A_2091, %sub3A_2094, %div3A_2067 : vector<16xi1>, vector<16xi32>
      %add3A_2096 = vector.broadcast %mul3A_6 : i32 to vector<16xi32>
      %add3A_2097 = arith.addi %add3A_2096, %select_n3A_2095 : vector<16xi32>
      %gt3A_2098 = arith.constant 0 : i32
      %gt3A_2099 = vector.broadcast %gt3A_2098 : i32 to vector<16xi32>
      %gt3A_2100 = arith.cmpi sgt, %get3A_2059, %gt3A_2099 : vector<16xi32>
      %broadcast_in_dim3A_2101 = vector.broadcast %add3A_8 : i32 to vector<16xi32>
      %select_n3A_2102 = arith.select %gt3A_2100, %add3A_2097, %broadcast_in_dim3A_2101 : vector<16xi1>, vector<16xi32>
      %swap3A_2103 = arith.constant 16 : index
      %swap3A_2104 = tpu.vector_load %arg23[%swap3A_2103] {strides = array<i32>} : memref<128xi32, #tpu.memory_space<vmem>>, vector<16xi32>,
      tpu.vector_store %arg23[%swap3A_2103], %select_n3A_2102 {strides = array<i32>} : memref<128xi32, #tpu.memory_space<vmem>>, vector<16xi32>,
      %add3A_2105 = arith.constant 32 : i32
      %add3A_2106 = arith.addi %mul3A_2006, %add3A_2105 : i32
      %get3A_2107 = arith.index_cast %add3A_2106 : i32 to index
      %get3A_2108 = tpu.vector_load %arg7[%get3A_2107] {strides = array<i32>} : memref<25616xi32, #tpu.memory_space<vmem>>, vector<16xi32>,
      %add3A_2109 = arith.constant 32 : i32
      %add3A_2110 = arith.addi %mul3A_2006, %add3A_2109 : i32
      %iota3A_2111 = tpu.iota {dimensions = array<i32: 0>} : vector<16xi32>
      %add3A_2112 = vector.broadcast %add3A_2110 : i32 to vector<16xi32>
      %add3A_2113 = arith.addi %add3A_2112, %iota3A_2111 : vector<16xi32>
      %jit3A_2114 = arith.constant 200 : i32
      %div3A_2115 = vector.broadcast %jit3A_2114 : i32 to vector<16xi32>
      %div3A_2116 = arith.divsi %add3A_2113, %div3A_2115 : vector<16xi32>
      %sign3A_2117 = arith.constant 0 : i32
      %sign3A_2118 = vector.broadcast %sign3A_2117 : i32 to vector<16xi32>
      %sign3A_2119 = arith.cmpi sgt, %add3A_2113, %sign3A_2118 : vector<16xi32>
      %sign3A_2120 = arith.extui %sign3A_2119 : vector<16xi1> to vector<16xi32>
      %sign3A_2121 = arith.constant 0 : i32
      %sign3A_2122 = vector.broadcast %sign3A_2121 : i32 to vector<16xi32>
      %sign3A_2123 = arith.cmpi slt, %add3A_2113, %sign3A_2122 : vector<16xi32>
      %sign3A_2124 = arith.extui %sign3A_2123 : vector<16xi1> to vector<16xi32>
      %sign3A_2125 = arith.subi %sign3A_2120, %sign3A_2124 : vector<16xi32>
      %sign3A_2126 = arith.constant 0 : i32
      %sign3A_2127 = arith.cmpi sgt, %jit3A_2114, %sign3A_2126 : i32
      %sign3A_2128 = arith.extui %sign3A_2127 : i1 to i32
      %sign3A_2129 = arith.constant 0 : i32
      %sign3A_2130 = arith.cmpi slt, %jit3A_2114, %sign3A_2129 : i32
      %sign3A_2131 = arith.extui %sign3A_2130 : i1 to i32
      %sign3A_2132 = arith.subi %sign3A_2128, %sign3A_2131 : i32
      %ne3A_2133 = vector.broadcast %sign3A_2132 : i32 to vector<16xi32>
      %ne3A_2134 = arith.cmpi ne, %sign3A_2125, %ne3A_2133 : vector<16xi32>
      %rem3A_2135 = vector.broadcast %jit3A_2114 : i32 to vector<16xi32>
      %rem3A_2136 = arith.remsi %add3A_2113, %rem3A_2135 : vector<16xi32>
      %ne3A_2137 = arith.constant 0 : i32
      %ne3A_2138 = vector.broadcast %ne3A_2137 : i32 to vector<16xi32>
      %ne3A_2139 = arith.cmpi ne, %rem3A_2136, %ne3A_2138 : vector<16xi32>
      %and3A_2140 = arith.andi %ne3A_2134, %ne3A_2139 : vector<16xi1>
      %sub3A_2141 = arith.constant 1 : i32
      %sub3A_2142 = vector.broadcast %sub3A_2141 : i32 to vector<16xi32>
      %sub3A_2143 = arith.subi %div3A_2116, %sub3A_2142 : vector<16xi32>
      %select_n3A_2144 = arith.select %and3A_2140, %sub3A_2143, %div3A_2116 : vector<16xi1>, vector<16xi32>
      %add3A_2145 = vector.broadcast %mul3A_6 : i32 to vector<16xi32>
      %add3A_2146 = arith.addi %add3A_2145, %select_n3A_2144 : vector<16xi32>
      %gt3A_2147 = arith.constant 0 : i32
      %gt3A_2148 = vector.broadcast %gt3A_2147 : i32 to vector<16xi32>
      %gt3A_2149 = arith.cmpi sgt, %get3A_2108, %gt3A_2148 : vector<16xi32>
      %broadcast_in_dim3A_2150 = vector.broadcast %add3A_8 : i32 to vector<16xi32>
      %select_n3A_2151 = arith.select %gt3A_2149, %add3A_2146, %broadcast_in_dim3A_2150 : vector<16xi1>, vector<16xi32>
      %swap3A_2152 = arith.constant 32 : index
      %swap3A_2153 = tpu.vector_load %arg23[%swap3A_2152] {strides = array<i32>} : memref<128xi32, #tpu.memory_space<vmem>>, vector<16xi32>,
      tpu.vector_store %arg23[%swap3A_2152], %select_n3A_2151 {strides = array<i32>} : memref<128xi32, #tpu.memory_space<vmem>>, vector<16xi32>,
      %add3A_2154 = arith.constant 48 : i32
      %add3A_2155 = arith.addi %mul3A_2006, %add3A_2154 : i32
      %get3A_2156 = arith.index_cast %add3A_2155 : i32 to index
      %get3A_2157 = tpu.vector_load %arg7[%get3A_2156] {strides = array<i32>} : memref<25616xi32, #tpu.memory_space<vmem>>, vector<16xi32>,
      %add3A_2158 = arith.constant 48 : i32
      %add3A_2159 = arith.addi %mul3A_2006, %add3A_2158 : i32
      %iota3A_2160 = tpu.iota {dimensions = array<i32: 0>} : vector<16xi32>
      %add3A_2161 = vector.broadcast %add3A_2159 : i32 to vector<16xi32>
      %add3A_2162 = arith.addi %add3A_2161, %iota3A_2160 : vector<16xi32>
      %jit3A_2163 = arith.constant 200 : i32
      %div3A_2164 = vector.broadcast %jit3A_2163 : i32 to vector<16xi32>
      %div3A_2165 = arith.divsi %add3A_2162, %div3A_2164 : vector<16xi32>
      %sign3A_2166 = arith.constant 0 : i32
      %sign3A_2167 = vector.broadcast %sign3A_2166 : i32 to vector<16xi32>
      %sign3A_2168 = arith.cmpi sgt, %add3A_2162, %sign3A_2167 : vector<16xi32>
      %sign3A_2169 = arith.extui %sign3A_2168 : vector<16xi1> to vector<16xi32>
      %sign3A_2170 = arith.constant 0 : i32
      %sign3A_2171 = vector.broadcast %sign3A_2170 : i32 to vector<16xi32>
      %sign3A_2172 = arith.cmpi slt, %add3A_2162, %sign3A_2171 : vector<16xi32>
      %sign3A_2173 = arith.extui %sign3A_2172 : vector<16xi1> to vector<16xi32>
      %sign3A_2174 = arith.subi %sign3A_2169, %sign3A_2173 : vector<16xi32>
      %sign3A_2175 = arith.constant 0 : i32
      %sign3A_2176 = arith.cmpi sgt, %jit3A_2163, %sign3A_2175 : i32
      %sign3A_2177 = arith.extui %sign3A_2176 : i1 to i32
      %sign3A_2178 = arith.constant 0 : i32
      %sign3A_2179 = arith.cmpi slt, %jit3A_2163, %sign3A_2178 : i32
      %sign3A_2180 = arith.extui %sign3A_2179 : i1 to i32
      %sign3A_2181 = arith.subi %sign3A_2177, %sign3A_2180 : i32
      %ne3A_2182 = vector.broadcast %sign3A_2181 : i32 to vector<16xi32>
      %ne3A_2183 = arith.cmpi ne, %sign3A_2174, %ne3A_2182 : vector<16xi32>
      %rem3A_2184 = vector.broadcast %jit3A_2163 : i32 to vector<16xi32>
      %rem3A_2185 = arith.remsi %add3A_2162, %rem3A_2184 : vector<16xi32>
      %ne3A_2186 = arith.constant 0 : i32
      %ne3A_2187 = vector.broadcast %ne3A_2186 : i32 to vector<16xi32>
      %ne3A_2188 = arith.cmpi ne, %rem3A_2185, %ne3A_2187 : vector<16xi32>
      %and3A_2189 = arith.andi %ne3A_2183, %ne3A_2188 : vector<16xi1>
      %sub3A_2190 = arith.constant 1 : i32
      %sub3A_2191 = vector.broadcast %sub3A_2190 : i32 to vector<16xi32>
      %sub3A_2192 = arith.subi %div3A_2165, %sub3A_2191 : vector<16xi32>
      %select_n3A_2193 = arith.select %and3A_2189, %sub3A_2192, %div3A_2165 : vector<16xi1>, vector<16xi32>
      %add3A_2194 = vector.broadcast %mul3A_6 : i32 to vector<16xi32>
      %add3A_2195 = arith.addi %add3A_2194, %select_n3A_2193 : vector<16xi32>
      %gt3A_2196 = arith.constant 0 : i32
      %gt3A_2197 = vector.broadcast %gt3A_2196 : i32 to vector<16xi32>
      %gt3A_2198 = arith.cmpi sgt, %get3A_2157, %gt3A_2197 : vector<16xi32>
      %broadcast_in_dim3A_2199 = vector.broadcast %add3A_8 : i32 to vector<16xi32>
      %select_n3A_2200 = arith.select %gt3A_2198, %add3A_2195, %broadcast_in_dim3A_2199 : vector<16xi1>, vector<16xi32>
      %swap3A_2201 = arith.constant 48 : index
      %swap3A_2202 = tpu.vector_load %arg23[%swap3A_2201] {strides = array<i32>} : memref<128xi32, #tpu.memory_space<vmem>>, vector<16xi32>,
      tpu.vector_store %arg23[%swap3A_2201], %select_n3A_2200 {strides = array<i32>} : memref<128xi32, #tpu.memory_space<vmem>>, vector<16xi32>,
      %add3A_2203 = arith.constant 64 : i32
      %add3A_2204 = arith.addi %mul3A_2006, %add3A_2203 : i32
      %get3A_2205 = arith.index_cast %add3A_2204 : i32 to index
      %get3A_2206 = tpu.vector_load %arg7[%get3A_2205] {strides = array<i32>} : memref<25616xi32, #tpu.memory_space<vmem>>, vector<16xi32>,
      %add3A_2207 = arith.constant 64 : i32
      %add3A_2208 = arith.addi %mul3A_2006, %add3A_2207 : i32
      %iota3A_2209 = tpu.iota {dimensions = array<i32: 0>} : vector<16xi32>
      %add3A_2210 = vector.broadcast %add3A_2208 : i32 to vector<16xi32>
      %add3A_2211 = arith.addi %add3A_2210, %iota3A_2209 : vector<16xi32>
      %jit3A_2212 = arith.constant 200 : i32
      %div3A_2213 = vector.broadcast %jit3A_2212 : i32 to vector<16xi32>
      %div3A_2214 = arith.divsi %add3A_2211, %div3A_2213 : vector<16xi32>
      %sign3A_2215 = arith.constant 0 : i32
      %sign3A_2216 = vector.broadcast %sign3A_2215 : i32 to vector<16xi32>
      %sign3A_2217 = arith.cmpi sgt, %add3A_2211, %sign3A_2216 : vector<16xi32>
      %sign3A_2218 = arith.extui %sign3A_2217 : vector<16xi1> to vector<16xi32>
      %sign3A_2219 = arith.constant 0 : i32
      %sign3A_2220 = vector.broadcast %sign3A_2219 : i32 to vector<16xi32>
      %sign3A_2221 = arith.cmpi slt, %add3A_2211, %sign3A_2220 : vector<16xi32>
      %sign3A_2222 = arith.extui %sign3A_2221 : vector<16xi1> to vector<16xi32>
      %sign3A_2223 = arith.subi %sign3A_2218, %sign3A_2222 : vector<16xi32>
      %sign3A_2224 = arith.constant 0 : i32
      %sign3A_2225 = arith.cmpi sgt, %jit3A_2212, %sign3A_2224 : i32
      %sign3A_2226 = arith.extui %sign3A_2225 : i1 to i32
      %sign3A_2227 = arith.constant 0 : i32
      %sign3A_2228 = arith.cmpi slt, %jit3A_2212, %sign3A_2227 : i32
      %sign3A_2229 = arith.extui %sign3A_2228 : i1 to i32
      %sign3A_2230 = arith.subi %sign3A_2226, %sign3A_2229 : i32
      %ne3A_2231 = vector.broadcast %sign3A_2230 : i32 to vector<16xi32>
      %ne3A_2232 = arith.cmpi ne, %sign3A_2223, %ne3A_2231 : vector<16xi32>
      %rem3A_2233 = vector.broadcast %jit3A_2212 : i32 to vector<16xi32>
      %rem3A_2234 = arith.remsi %add3A_2211, %rem3A_2233 : vector<16xi32>
      %ne3A_2235 = arith.constant 0 : i32
      %ne3A_2236 = vector.broadcast %ne3A_2235 : i32 to vector<16xi32>
      %ne3A_2237 = arith.cmpi ne, %rem3A_2234, %ne3A_2236 : vector<16xi32>
      %and3A_2238 = arith.andi %ne3A_2232, %ne3A_2237 : vector<16xi1>
      %sub3A_2239 = arith.constant 1 : i32
      %sub3A_2240 = vector.broadcast %sub3A_2239 : i32 to vector<16xi32>
      %sub3A_2241 = arith.subi %div3A_2214, %sub3A_2240 : vector<16xi32>
      %select_n3A_2242 = arith.select %and3A_2238, %sub3A_2241, %div3A_2214 : vector<16xi1>, vector<16xi32>
      %add3A_2243 = vector.broadcast %mul3A_6 : i32 to vector<16xi32>
      %add3A_2244 = arith.addi %add3A_2243, %select_n3A_2242 : vector<16xi32>
      %gt3A_2245 = arith.constant 0 : i32
      %gt3A_2246 = vector.broadcast %gt3A_2245 : i32 to vector<16xi32>
      %gt3A_2247 = arith.cmpi sgt, %get3A_2206, %gt3A_2246 : vector<16xi32>
      %broadcast_in_dim3A_2248 = vector.broadcast %add3A_8 : i32 to vector<16xi32>
      %select_n3A_2249 = arith.select %gt3A_2247, %add3A_2244, %broadcast_in_dim3A_2248 : vector<16xi1>, vector<16xi32>
      %swap3A_2250 = arith.constant 64 : index
      %swap3A_2251 = tpu.vector_load %arg23[%swap3A_2250] {strides = array<i32>} : memref<128xi32, #tpu.memory_space<vmem>>, vector<16xi32>,
      tpu.vector_store %arg23[%swap3A_2250], %select_n3A_2249 {strides = array<i32>} : memref<128xi32, #tpu.memory_space<vmem>>, vector<16xi32>,
      %add3A_2252 = arith.constant 80 : i32
      %add3A_2253 = arith.addi %mul3A_2006, %add3A_2252 : i32
      %get3A_2254 = arith.index_cast %add3A_2253 : i32 to index
      %get3A_2255 = tpu.vector_load %arg7[%get3A_2254] {strides = array<i32>} : memref<25616xi32, #tpu.memory_space<vmem>>, vector<16xi32>,
      %add3A_2256 = arith.constant 80 : i32
      %add3A_2257 = arith.addi %mul3A_2006, %add3A_2256 : i32
      %iota3A_2258 = tpu.iota {dimensions = array<i32: 0>} : vector<16xi32>
      %add3A_2259 = vector.broadcast %add3A_2257 : i32 to vector<16xi32>
      %add3A_2260 = arith.addi %add3A_2259, %iota3A_2258 : vector<16xi32>
      %jit3A_2261 = arith.constant 200 : i32
      %div3A_2262 = vector.broadcast %jit3A_2261 : i32 to vector<16xi32>
      %div3A_2263 = arith.divsi %add3A_2260, %div3A_2262 : vector<16xi32>
      %sign3A_2264 = arith.constant 0 : i32
      %sign3A_2265 = vector.broadcast %sign3A_2264 : i32 to vector<16xi32>
      %sign3A_2266 = arith.cmpi sgt, %add3A_2260, %sign3A_2265 : vector<16xi32>
      %sign3A_2267 = arith.extui %sign3A_2266 : vector<16xi1> to vector<16xi32>
      %sign3A_2268 = arith.constant 0 : i32
      %sign3A_2269 = vector.broadcast %sign3A_2268 : i32 to vector<16xi32>
      %sign3A_2270 = arith.cmpi slt, %add3A_2260, %sign3A_2269 : vector<16xi32>
      %sign3A_2271 = arith.extui %sign3A_2270 : vector<16xi1> to vector<16xi32>
      %sign3A_2272 = arith.subi %sign3A_2267, %sign3A_2271 : vector<16xi32>
      %sign3A_2273 = arith.constant 0 : i32
      %sign3A_2274 = arith.cmpi sgt, %jit3A_2261, %sign3A_2273 : i32
      %sign3A_2275 = arith.extui %sign3A_2274 : i1 to i32
      %sign3A_2276 = arith.constant 0 : i32
      %sign3A_2277 = arith.cmpi slt, %jit3A_2261, %sign3A_2276 : i32
      %sign3A_2278 = arith.extui %sign3A_2277 : i1 to i32
      %sign3A_2279 = arith.subi %sign3A_2275, %sign3A_2278 : i32
      %ne3A_2280 = vector.broadcast %sign3A_2279 : i32 to vector<16xi32>
      %ne3A_2281 = arith.cmpi ne, %sign3A_2272, %ne3A_2280 : vector<16xi32>
      %rem3A_2282 = vector.broadcast %jit3A_2261 : i32 to vector<16xi32>
      %rem3A_2283 = arith.remsi %add3A_2260, %rem3A_2282 : vector<16xi32>
      %ne3A_2284 = arith.constant 0 : i32
      %ne3A_2285 = vector.broadcast %ne3A_2284 : i32 to vector<16xi32>
      %ne3A_2286 = arith.cmpi ne, %rem3A_2283, %ne3A_2285 : vector<16xi32>
      %and3A_2287 = arith.andi %ne3A_2281, %ne3A_2286 : vector<16xi1>
      %sub3A_2288 = arith.constant 1 : i32
      %sub3A_2289 = vector.broadcast %sub3A_2288 : i32 to vector<16xi32>
      %sub3A_2290 = arith.subi %div3A_2263, %sub3A_2289 : vector<16xi32>
      %select_n3A_2291 = arith.select %and3A_2287, %sub3A_2290, %div3A_2263 : vector<16xi1>, vector<16xi32>
      %add3A_2292 = vector.broadcast %mul3A_6 : i32 to vector<16xi32>
      %add3A_2293 = arith.addi %add3A_2292, %select_n3A_2291 : vector<16xi32>
      %gt3A_2294 = arith.constant 0 : i32
      %gt3A_2295 = vector.broadcast %gt3A_2294 : i32 to vector<16xi32>
      %gt3A_2296 = arith.cmpi sgt, %get3A_2255, %gt3A_2295 : vector<16xi32>
      %broadcast_in_dim3A_2297 = vector.broadcast %add3A_8 : i32 to vector<16xi32>
      %select_n3A_2298 = arith.select %gt3A_2296, %add3A_2293, %broadcast_in_dim3A_2297 : vector<16xi1>, vector<16xi32>
      %swap3A_2299 = arith.constant 80 : index
      %swap3A_2300 = tpu.vector_load %arg23[%swap3A_2299] {strides = array<i32>} : memref<128xi32, #tpu.memory_space<vmem>>, vector<16xi32>,
      tpu.vector_store %arg23[%swap3A_2299], %select_n3A_2298 {strides = array<i32>} : memref<128xi32, #tpu.memory_space<vmem>>, vector<16xi32>,
      %add3A_2301 = arith.constant 96 : i32
      %add3A_2302 = arith.addi %mul3A_2006, %add3A_2301 : i32
      %get3A_2303 = arith.index_cast %add3A_2302 : i32 to index
      %get3A_2304 = tpu.vector_load %arg7[%get3A_2303] {strides = array<i32>} : memref<25616xi32, #tpu.memory_space<vmem>>, vector<16xi32>,
      %add3A_2305 = arith.constant 96 : i32
      %add3A_2306 = arith.addi %mul3A_2006, %add3A_2305 : i32
      %iota3A_2307 = tpu.iota {dimensions = array<i32: 0>} : vector<16xi32>
      %add3A_2308 = vector.broadcast %add3A_2306 : i32 to vector<16xi32>
      %add3A_2309 = arith.addi %add3A_2308, %iota3A_2307 : vector<16xi32>
      %jit3A_2310 = arith.constant 200 : i32
      %div3A_2311 = vector.broadcast %jit3A_2310 : i32 to vector<16xi32>
      %div3A_2312 = arith.divsi %add3A_2309, %div3A_2311 : vector<16xi32>
      %sign3A_2313 = arith.constant 0 : i32
      %sign3A_2314 = vector.broadcast %sign3A_2313 : i32 to vector<16xi32>
      %sign3A_2315 = arith.cmpi sgt, %add3A_2309, %sign3A_2314 : vector<16xi32>
      %sign3A_2316 = arith.extui %sign3A_2315 : vector<16xi1> to vector<16xi32>
      %sign3A_2317 = arith.constant 0 : i32
      %sign3A_2318 = vector.broadcast %sign3A_2317 : i32 to vector<16xi32>
      %sign3A_2319 = arith.cmpi slt, %add3A_2309, %sign3A_2318 : vector<16xi32>
      %sign3A_2320 = arith.extui %sign3A_2319 : vector<16xi1> to vector<16xi32>
      %sign3A_2321 = arith.subi %sign3A_2316, %sign3A_2320 : vector<16xi32>
      %sign3A_2322 = arith.constant 0 : i32
      %sign3A_2323 = arith.cmpi sgt, %jit3A_2310, %sign3A_2322 : i32
      %sign3A_2324 = arith.extui %sign3A_2323 : i1 to i32
      %sign3A_2325 = arith.constant 0 : i32
      %sign3A_2326 = arith.cmpi slt, %jit3A_2310, %sign3A_2325 : i32
      %sign3A_2327 = arith.extui %sign3A_2326 : i1 to i32
      %sign3A_2328 = arith.subi %sign3A_2324, %sign3A_2327 : i32
      %ne3A_2329 = vector.broadcast %sign3A_2328 : i32 to vector<16xi32>
      %ne3A_2330 = arith.cmpi ne, %sign3A_2321, %ne3A_2329 : vector<16xi32>
      %rem3A_2331 = vector.broadcast %jit3A_2310 : i32 to vector<16xi32>
      %rem3A_2332 = arith.remsi %add3A_2309, %rem3A_2331 : vector<16xi32>
      %ne3A_2333 = arith.constant 0 : i32
      %ne3A_2334 = vector.broadcast %ne3A_2333 : i32 to vector<16xi32>
      %ne3A_2335 = arith.cmpi ne, %rem3A_2332, %ne3A_2334 : vector<16xi32>
      %and3A_2336 = arith.andi %ne3A_2330, %ne3A_2335 : vector<16xi1>
      %sub3A_2337 = arith.constant 1 : i32
      %sub3A_2338 = vector.broadcast %sub3A_2337 : i32 to vector<16xi32>
      %sub3A_2339 = arith.subi %div3A_2312, %sub3A_2338 : vector<16xi32>
      %select_n3A_2340 = arith.select %and3A_2336, %sub3A_2339, %div3A_2312 : vector<16xi1>, vector<16xi32>
      %add3A_2341 = vector.broadcast %mul3A_6 : i32 to vector<16xi32>
      %add3A_2342 = arith.addi %add3A_2341, %select_n3A_2340 : vector<16xi32>
      %gt3A_2343 = arith.constant 0 : i32
      %gt3A_2344 = vector.broadcast %gt3A_2343 : i32 to vector<16xi32>
      %gt3A_2345 = arith.cmpi sgt, %get3A_2304, %gt3A_2344 : vector<16xi32>
      %broadcast_in_dim3A_2346 = vector.broadcast %add3A_8 : i32 to vector<16xi32>
      %select_n3A_2347 = arith.select %gt3A_2345, %add3A_2342, %broadcast_in_dim3A_2346 : vector<16xi1>, vector<16xi32>
      %swap3A_2348 = arith.constant 96 : index
      %swap3A_2349 = tpu.vector_load %arg23[%swap3A_2348] {strides = array<i32>} : memref<128xi32, #tpu.memory_space<vmem>>, vector<16xi32>,
      tpu.vector_store %arg23[%swap3A_2348], %select_n3A_2347 {strides = array<i32>} : memref<128xi32, #tpu.memory_space<vmem>>, vector<16xi32>,
      %add3A_2350 = arith.constant 112 : i32
      %add3A_2351 = arith.addi %mul3A_2006, %add3A_2350 : i32
      %get3A_2352 = arith.index_cast %add3A_2351 : i32 to index
      %get3A_2353 = tpu.vector_load %arg7[%get3A_2352] {strides = array<i32>} : memref<25616xi32, #tpu.memory_space<vmem>>, vector<16xi32>,
      %add3A_2354 = arith.constant 112 : i32
      %add3A_2355 = arith.addi %mul3A_2006, %add3A_2354 : i32
      %iota3A_2356 = tpu.iota {dimensions = array<i32: 0>} : vector<16xi32>
      %add3A_2357 = vector.broadcast %add3A_2355 : i32 to vector<16xi32>
      %add3A_2358 = arith.addi %add3A_2357, %iota3A_2356 : vector<16xi32>
      %jit3A_2359 = arith.constant 200 : i32
      %div3A_2360 = vector.broadcast %jit3A_2359 : i32 to vector<16xi32>
      %div3A_2361 = arith.divsi %add3A_2358, %div3A_2360 : vector<16xi32>
      %sign3A_2362 = arith.constant 0 : i32
      %sign3A_2363 = vector.broadcast %sign3A_2362 : i32 to vector<16xi32>
      %sign3A_2364 = arith.cmpi sgt, %add3A_2358, %sign3A_2363 : vector<16xi32>
      %sign3A_2365 = arith.extui %sign3A_2364 : vector<16xi1> to vector<16xi32>
      %sign3A_2366 = arith.constant 0 : i32
      %sign3A_2367 = vector.broadcast %sign3A_2366 : i32 to vector<16xi32>
      %sign3A_2368 = arith.cmpi slt, %add3A_2358, %sign3A_2367 : vector<16xi32>
      %sign3A_2369 = arith.extui %sign3A_2368 : vector<16xi1> to vector<16xi32>
      %sign3A_2370 = arith.subi %sign3A_2365, %sign3A_2369 : vector<16xi32>
      %sign3A_2371 = arith.constant 0 : i32
      %sign3A_2372 = arith.cmpi sgt, %jit3A_2359, %sign3A_2371 : i32
      %sign3A_2373 = arith.extui %sign3A_2372 : i1 to i32
      %sign3A_2374 = arith.constant 0 : i32
      %sign3A_2375 = arith.cmpi slt, %jit3A_2359, %sign3A_2374 : i32
      %sign3A_2376 = arith.extui %sign3A_2375 : i1 to i32
      %sign3A_2377 = arith.subi %sign3A_2373, %sign3A_2376 : i32
      %ne3A_2378 = vector.broadcast %sign3A_2377 : i32 to vector<16xi32>
      %ne3A_2379 = arith.cmpi ne, %sign3A_2370, %ne3A_2378 : vector<16xi32>
      %rem3A_2380 = vector.broadcast %jit3A_2359 : i32 to vector<16xi32>
      %rem3A_2381 = arith.remsi %add3A_2358, %rem3A_2380 : vector<16xi32>
      %ne3A_2382 = arith.constant 0 : i32
      %ne3A_2383 = vector.broadcast %ne3A_2382 : i32 to vector<16xi32>
      %ne3A_2384 = arith.cmpi ne, %rem3A_2381, %ne3A_2383 : vector<16xi32>
      %and3A_2385 = arith.andi %ne3A_2379, %ne3A_2384 : vector<16xi1>
      %sub3A_2386 = arith.constant 1 : i32
      %sub3A_2387 = vector.broadcast %sub3A_2386 : i32 to vector<16xi32>
      %sub3A_2388 = arith.subi %div3A_2361, %sub3A_2387 : vector<16xi32>
      %select_n3A_2389 = arith.select %and3A_2385, %sub3A_2388, %div3A_2361 : vector<16xi1>, vector<16xi32>
      %add3A_2390 = vector.broadcast %mul3A_6 : i32 to vector<16xi32>
      %add3A_2391 = arith.addi %add3A_2390, %select_n3A_2389 : vector<16xi32>
      %gt3A_2392 = arith.constant 0 : i32
      %gt3A_2393 = vector.broadcast %gt3A_2392 : i32 to vector<16xi32>
      %gt3A_2394 = arith.cmpi sgt, %get3A_2353, %gt3A_2393 : vector<16xi32>
      %broadcast_in_dim3A_2395 = vector.broadcast %add3A_8 : i32 to vector<16xi32>
      %select_n3A_2396 = arith.select %gt3A_2394, %add3A_2391, %broadcast_in_dim3A_2395 : vector<16xi1>, vector<16xi32>
      %swap3A_2397 = arith.constant 112 : index
      %swap3A_2398 = tpu.vector_load %arg23[%swap3A_2397] {strides = array<i32>} : memref<128xi32, #tpu.memory_space<vmem>>, vector<16xi32>,
      tpu.vector_store %arg23[%swap3A_2397], %select_n3A_2396 {strides = array<i32>} : memref<128xi32, #tpu.memory_space<vmem>>, vector<16xi32>,
      %mul3A_2399 = arith.constant 128 : i32
      %mul3A_2400 = arith.muli %add3A_1992, %mul3A_2399 : i32
      %dma_wait3A_2401 = tpu.memref_slice %arg6[%mul3A_2400] : memref<25600xi32, #tpu.memory_space<vmem>> -> memref<128xi32, #tpu.memory_space<vmem>>
      %dma_wait3A_2402 = arith.constant 0 : i32
      %dma_wait3A_2403 = arith.constant 0 : i32
      %dma_wait3A_2404 = tpu.memref_slice %arg4[%dma_wait3A_2402, %dma_wait3A_2403] : memref<1000000x64xf32, #tpu.memory_space<hbm>> -> memref<1000000x64xf32, #tpu.memory_space<hbm>>
      tpu.wait_indirect_dma semaphore(%arg31 : memref<!tpu.dma_semaphore, #tpu.memory_space<semaphore_mem>>) src(%dma_wait3A_2404 : memref<1000000x64xf32, #tpu.memory_space<hbm>>) dst(%arg15 : memref<128x64xf32, #tpu.memory_space<vmem>>)
      %dma_start3A_2405 = arith.constant 0 : i32
      %dma_start3A_2406 = arith.constant 0 : i32
      %dma_start3A_2407 = tpu.memref_slice %arg10[%dma_start3A_2405, %dma_start3A_2406] : memref<2064x64xf32, #tpu.memory_space<vmem_shared>> -> memref<2064x64xf32, #tpu.memory_space<vmem_shared>>
      tpu.enqueue_indirect_dma source(%arg15 : memref<128x64xf32, #tpu.memory_space<vmem>>) target(%dma_start3A_2407 : memref<2064x64xf32, #tpu.memory_space<vmem_shared>>) offsets(%arg23 : memref<128xi32, #tpu.memory_space<vmem>>) semaphore(%arg39 : memref<!tpu.dma_semaphore, #tpu.memory_space<semaphore_mem>>) {add = true}
      %mul3A_2408 = arith.constant 8 : i32
      %mul3A_2409 = arith.muli %scan3A_326, %mul3A_2408 : i32
      %add3A_2410 = arith.constant 5 : i32
      %add3A_2411 = arith.addi %mul3A_2409, %add3A_2410 : i32
      %ge3A_2412 = arith.constant 2 : i32
      %ge3A_2413 = arith.cmpi sge, %add3A_2411, %ge3A_2412 : i32
      %convert_element_type3A_2414 = arith.extui %ge3A_2413 : i1 to i32
      %cond3A_2415 = arith.constant 0 : i32
      %cond3A_2416 = arith.cmpi ne, %convert_element_type3A_2414, %cond3A_2415 : i32
      scf.if %cond3A_2416 {
        %dma_wait3A_3666 = arith.constant 0 : i32
        %dma_wait3A_3667 = arith.constant 0 : i32
        %dma_wait3A_3668 = tpu.memref_slice %arg10[%dma_wait3A_3666, %dma_wait3A_3667] : memref<2064x64xf32, #tpu.memory_space<vmem_shared>> -> memref<2064x64xf32, #tpu.memory_space<vmem_shared>>
        tpu.wait_indirect_dma semaphore(%arg38 : memref<!tpu.dma_semaphore, #tpu.memory_space<semaphore_mem>>) src(%arg14 : memref<128x64xf32, #tpu.memory_space<vmem>>) dst(%dma_wait3A_3668 : memref<2064x64xf32, #tpu.memory_space<vmem_shared>>)
      } else {
      }
      %add3A_2417 = arith.constant 6 : i32
      %add3A_2418 = arith.addi %add3A_2411, %add3A_2417 : i32
      %lt3A_2419 = arith.constant 200 : i32
      %lt3A_2420 = arith.cmpi slt, %add3A_2418, %lt3A_2419 : i32
      %convert_element_type3A_2421 = arith.extui %lt3A_2420 : i1 to i32
      %cond3A_2422 = arith.constant 0 : i32
      %cond3A_2423 = arith.cmpi ne, %convert_element_type3A_2421, %cond3A_2422 : i32
      scf.if %cond3A_2423 {
        %add3A_3666 = arith.constant 6 : i32
        %add3A_3667 = arith.addi %add3A_2411, %add3A_3666 : i32
        %mul3A_3668 = arith.constant 128 : i32
        %mul3A_3669 = arith.muli %add3A_3667, %mul3A_3668 : i32
        %dma_start3A_3670 = tpu.memref_slice %arg6[%mul3A_3669] : memref<25600xi32, #tpu.memory_space<vmem>> -> memref<128xi32, #tpu.memory_space<vmem>>
        %dma_start3A_3671 = arith.constant 0 : i32
        %dma_start3A_3672 = arith.constant 0 : i32
        %dma_start3A_3673 = tpu.memref_slice %arg4[%dma_start3A_3671, %dma_start3A_3672] : memref<1000000x64xf32, #tpu.memory_space<hbm>> -> memref<1000000x64xf32, #tpu.memory_space<hbm>>
        tpu.enqueue_indirect_dma source(%dma_start3A_3673 : memref<1000000x64xf32, #tpu.memory_space<hbm>>) target(%arg14 : memref<128x64xf32, #tpu.memory_space<vmem>>) offsets(%dma_start3A_3670 : memref<128xi32, #tpu.memory_space<vmem>>) semaphore(%arg30 : memref<!tpu.dma_semaphore, #tpu.memory_space<semaphore_mem>>)
      } else {
      }
      %mul3A_2424 = arith.constant 128 : i32
      %mul3A_2425 = arith.muli %add3A_2411, %mul3A_2424 : i32
      %add3A_2426 = arith.constant 0 : i32
      %add3A_2427 = arith.addi %mul3A_2425, %add3A_2426 : i32
      %get3A_2428 = arith.index_cast %add3A_2427 : i32 to index
      %get3A_2429 = tpu.vector_load %arg7[%get3A_2428] {strides = array<i32>} : memref<25616xi32, #tpu.memory_space<vmem>>, vector<16xi32>,
      %add3A_2430 = arith.constant 0 : i32
      %add3A_2431 = arith.addi %mul3A_2425, %add3A_2430 : i32
      %iota3A_2432 = tpu.iota {dimensions = array<i32: 0>} : vector<16xi32>
      %add3A_2433 = vector.broadcast %add3A_2431 : i32 to vector<16xi32>
      %add3A_2434 = arith.addi %add3A_2433, %iota3A_2432 : vector<16xi32>
      %jit3A_2435 = arith.constant 200 : i32
      %div3A_2436 = vector.broadcast %jit3A_2435 : i32 to vector<16xi32>
      %div3A_2437 = arith.divsi %add3A_2434, %div3A_2436 : vector<16xi32>
      %sign3A_2438 = arith.constant 0 : i32
      %sign3A_2439 = vector.broadcast %sign3A_2438 : i32 to vector<16xi32>
      %sign3A_2440 = arith.cmpi sgt, %add3A_2434, %sign3A_2439 : vector<16xi32>
      %sign3A_2441 = arith.extui %sign3A_2440 : vector<16xi1> to vector<16xi32>
      %sign3A_2442 = arith.constant 0 : i32
      %sign3A_2443 = vector.broadcast %sign3A_2442 : i32 to vector<16xi32>
      %sign3A_2444 = arith.cmpi slt, %add3A_2434, %sign3A_2443 : vector<16xi32>
      %sign3A_2445 = arith.extui %sign3A_2444 : vector<16xi1> to vector<16xi32>
      %sign3A_2446 = arith.subi %sign3A_2441, %sign3A_2445 : vector<16xi32>
      %sign3A_2447 = arith.constant 0 : i32
      %sign3A_2448 = arith.cmpi sgt, %jit3A_2435, %sign3A_2447 : i32
      %sign3A_2449 = arith.extui %sign3A_2448 : i1 to i32
      %sign3A_2450 = arith.constant 0 : i32
      %sign3A_2451 = arith.cmpi slt, %jit3A_2435, %sign3A_2450 : i32
      %sign3A_2452 = arith.extui %sign3A_2451 : i1 to i32
      %sign3A_2453 = arith.subi %sign3A_2449, %sign3A_2452 : i32
      %ne3A_2454 = vector.broadcast %sign3A_2453 : i32 to vector<16xi32>
      %ne3A_2455 = arith.cmpi ne, %sign3A_2446, %ne3A_2454 : vector<16xi32>
      %rem3A_2456 = vector.broadcast %jit3A_2435 : i32 to vector<16xi32>
      %rem3A_2457 = arith.remsi %add3A_2434, %rem3A_2456 : vector<16xi32>
      %ne3A_2458 = arith.constant 0 : i32
      %ne3A_2459 = vector.broadcast %ne3A_2458 : i32 to vector<16xi32>
      %ne3A_2460 = arith.cmpi ne, %rem3A_2457, %ne3A_2459 : vector<16xi32>
      %and3A_2461 = arith.andi %ne3A_2455, %ne3A_2460 : vector<16xi1>
      %sub3A_2462 = arith.constant 1 : i32
      %sub3A_2463 = vector.broadcast %sub3A_2462 : i32 to vector<16xi32>
      %sub3A_2464 = arith.subi %div3A_2437, %sub3A_2463 : vector<16xi32>
      %select_n3A_2465 = arith.select %and3A_2461, %sub3A_2464, %div3A_2437 : vector<16xi1>, vector<16xi32>
      %add3A_2466 = vector.broadcast %mul3A_6 : i32 to vector<16xi32>
      %add3A_2467 = arith.addi %add3A_2466, %select_n3A_2465 : vector<16xi32>
      %gt3A_2468 = arith.constant 0 : i32
      %gt3A_2469 = vector.broadcast %gt3A_2468 : i32 to vector<16xi32>
      %gt3A_2470 = arith.cmpi sgt, %get3A_2429, %gt3A_2469 : vector<16xi32>
      %broadcast_in_dim3A_2471 = vector.broadcast %add3A_8 : i32 to vector<16xi32>
      %select_n3A_2472 = arith.select %gt3A_2470, %add3A_2467, %broadcast_in_dim3A_2471 : vector<16xi1>, vector<16xi32>
      %swap3A_2473 = arith.constant 0 : index
      %swap3A_2474 = tpu.vector_load %arg24[%swap3A_2473] {strides = array<i32>} : memref<128xi32, #tpu.memory_space<vmem>>, vector<16xi32>,
      tpu.vector_store %arg24[%swap3A_2473], %select_n3A_2472 {strides = array<i32>} : memref<128xi32, #tpu.memory_space<vmem>>, vector<16xi32>,
      %add3A_2475 = arith.constant 16 : i32
      %add3A_2476 = arith.addi %mul3A_2425, %add3A_2475 : i32
      %get3A_2477 = arith.index_cast %add3A_2476 : i32 to index
      %get3A_2478 = tpu.vector_load %arg7[%get3A_2477] {strides = array<i32>} : memref<25616xi32, #tpu.memory_space<vmem>>, vector<16xi32>,
      %add3A_2479 = arith.constant 16 : i32
      %add3A_2480 = arith.addi %mul3A_2425, %add3A_2479 : i32
      %iota3A_2481 = tpu.iota {dimensions = array<i32: 0>} : vector<16xi32>
      %add3A_2482 = vector.broadcast %add3A_2480 : i32 to vector<16xi32>
      %add3A_2483 = arith.addi %add3A_2482, %iota3A_2481 : vector<16xi32>
      %jit3A_2484 = arith.constant 200 : i32
      %div3A_2485 = vector.broadcast %jit3A_2484 : i32 to vector<16xi32>
      %div3A_2486 = arith.divsi %add3A_2483, %div3A_2485 : vector<16xi32>
      %sign3A_2487 = arith.constant 0 : i32
      %sign3A_2488 = vector.broadcast %sign3A_2487 : i32 to vector<16xi32>
      %sign3A_2489 = arith.cmpi sgt, %add3A_2483, %sign3A_2488 : vector<16xi32>
      %sign3A_2490 = arith.extui %sign3A_2489 : vector<16xi1> to vector<16xi32>
      %sign3A_2491 = arith.constant 0 : i32
      %sign3A_2492 = vector.broadcast %sign3A_2491 : i32 to vector<16xi32>
      %sign3A_2493 = arith.cmpi slt, %add3A_2483, %sign3A_2492 : vector<16xi32>
      %sign3A_2494 = arith.extui %sign3A_2493 : vector<16xi1> to vector<16xi32>
      %sign3A_2495 = arith.subi %sign3A_2490, %sign3A_2494 : vector<16xi32>
      %sign3A_2496 = arith.constant 0 : i32
      %sign3A_2497 = arith.cmpi sgt, %jit3A_2484, %sign3A_2496 : i32
      %sign3A_2498 = arith.extui %sign3A_2497 : i1 to i32
      %sign3A_2499 = arith.constant 0 : i32
      %sign3A_2500 = arith.cmpi slt, %jit3A_2484, %sign3A_2499 : i32
      %sign3A_2501 = arith.extui %sign3A_2500 : i1 to i32
      %sign3A_2502 = arith.subi %sign3A_2498, %sign3A_2501 : i32
      %ne3A_2503 = vector.broadcast %sign3A_2502 : i32 to vector<16xi32>
      %ne3A_2504 = arith.cmpi ne, %sign3A_2495, %ne3A_2503 : vector<16xi32>
      %rem3A_2505 = vector.broadcast %jit3A_2484 : i32 to vector<16xi32>
      %rem3A_2506 = arith.remsi %add3A_2483, %rem3A_2505 : vector<16xi32>
      %ne3A_2507 = arith.constant 0 : i32
      %ne3A_2508 = vector.broadcast %ne3A_2507 : i32 to vector<16xi32>
      %ne3A_2509 = arith.cmpi ne, %rem3A_2506, %ne3A_2508 : vector<16xi32>
      %and3A_2510 = arith.andi %ne3A_2504, %ne3A_2509 : vector<16xi1>
      %sub3A_2511 = arith.constant 1 : i32
      %sub3A_2512 = vector.broadcast %sub3A_2511 : i32 to vector<16xi32>
      %sub3A_2513 = arith.subi %div3A_2486, %sub3A_2512 : vector<16xi32>
      %select_n3A_2514 = arith.select %and3A_2510, %sub3A_2513, %div3A_2486 : vector<16xi1>, vector<16xi32>
      %add3A_2515 = vector.broadcast %mul3A_6 : i32 to vector<16xi32>
      %add3A_2516 = arith.addi %add3A_2515, %select_n3A_2514 : vector<16xi32>
      %gt3A_2517 = arith.constant 0 : i32
      %gt3A_2518 = vector.broadcast %gt3A_2517 : i32 to vector<16xi32>
      %gt3A_2519 = arith.cmpi sgt, %get3A_2478, %gt3A_2518 : vector<16xi32>
      %broadcast_in_dim3A_2520 = vector.broadcast %add3A_8 : i32 to vector<16xi32>
      %select_n3A_2521 = arith.select %gt3A_2519, %add3A_2516, %broadcast_in_dim3A_2520 : vector<16xi1>, vector<16xi32>
      %swap3A_2522 = arith.constant 16 : index
      %swap3A_2523 = tpu.vector_load %arg24[%swap3A_2522] {strides = array<i32>} : memref<128xi32, #tpu.memory_space<vmem>>, vector<16xi32>,
      tpu.vector_store %arg24[%swap3A_2522], %select_n3A_2521 {strides = array<i32>} : memref<128xi32, #tpu.memory_space<vmem>>, vector<16xi32>,
      %add3A_2524 = arith.constant 32 : i32
      %add3A_2525 = arith.addi %mul3A_2425, %add3A_2524 : i32
      %get3A_2526 = arith.index_cast %add3A_2525 : i32 to index
      %get3A_2527 = tpu.vector_load %arg7[%get3A_2526] {strides = array<i32>} : memref<25616xi32, #tpu.memory_space<vmem>>, vector<16xi32>,
      %add3A_2528 = arith.constant 32 : i32
      %add3A_2529 = arith.addi %mul3A_2425, %add3A_2528 : i32
      %iota3A_2530 = tpu.iota {dimensions = array<i32: 0>} : vector<16xi32>
      %add3A_2531 = vector.broadcast %add3A_2529 : i32 to vector<16xi32>
      %add3A_2532 = arith.addi %add3A_2531, %iota3A_2530 : vector<16xi32>
      %jit3A_2533 = arith.constant 200 : i32
      %div3A_2534 = vector.broadcast %jit3A_2533 : i32 to vector<16xi32>
      %div3A_2535 = arith.divsi %add3A_2532, %div3A_2534 : vector<16xi32>
      %sign3A_2536 = arith.constant 0 : i32
      %sign3A_2537 = vector.broadcast %sign3A_2536 : i32 to vector<16xi32>
      %sign3A_2538 = arith.cmpi sgt, %add3A_2532, %sign3A_2537 : vector<16xi32>
      %sign3A_2539 = arith.extui %sign3A_2538 : vector<16xi1> to vector<16xi32>
      %sign3A_2540 = arith.constant 0 : i32
      %sign3A_2541 = vector.broadcast %sign3A_2540 : i32 to vector<16xi32>
      %sign3A_2542 = arith.cmpi slt, %add3A_2532, %sign3A_2541 : vector<16xi32>
      %sign3A_2543 = arith.extui %sign3A_2542 : vector<16xi1> to vector<16xi32>
      %sign3A_2544 = arith.subi %sign3A_2539, %sign3A_2543 : vector<16xi32>
      %sign3A_2545 = arith.constant 0 : i32
      %sign3A_2546 = arith.cmpi sgt, %jit3A_2533, %sign3A_2545 : i32
      %sign3A_2547 = arith.extui %sign3A_2546 : i1 to i32
      %sign3A_2548 = arith.constant 0 : i32
      %sign3A_2549 = arith.cmpi slt, %jit3A_2533, %sign3A_2548 : i32
      %sign3A_2550 = arith.extui %sign3A_2549 : i1 to i32
      %sign3A_2551 = arith.subi %sign3A_2547, %sign3A_2550 : i32
      %ne3A_2552 = vector.broadcast %sign3A_2551 : i32 to vector<16xi32>
      %ne3A_2553 = arith.cmpi ne, %sign3A_2544, %ne3A_2552 : vector<16xi32>
      %rem3A_2554 = vector.broadcast %jit3A_2533 : i32 to vector<16xi32>
      %rem3A_2555 = arith.remsi %add3A_2532, %rem3A_2554 : vector<16xi32>
      %ne3A_2556 = arith.constant 0 : i32
      %ne3A_2557 = vector.broadcast %ne3A_2556 : i32 to vector<16xi32>
      %ne3A_2558 = arith.cmpi ne, %rem3A_2555, %ne3A_2557 : vector<16xi32>
      %and3A_2559 = arith.andi %ne3A_2553, %ne3A_2558 : vector<16xi1>
      %sub3A_2560 = arith.constant 1 : i32
      %sub3A_2561 = vector.broadcast %sub3A_2560 : i32 to vector<16xi32>
      %sub3A_2562 = arith.subi %div3A_2535, %sub3A_2561 : vector<16xi32>
      %select_n3A_2563 = arith.select %and3A_2559, %sub3A_2562, %div3A_2535 : vector<16xi1>, vector<16xi32>
      %add3A_2564 = vector.broadcast %mul3A_6 : i32 to vector<16xi32>
      %add3A_2565 = arith.addi %add3A_2564, %select_n3A_2563 : vector<16xi32>
      %gt3A_2566 = arith.constant 0 : i32
      %gt3A_2567 = vector.broadcast %gt3A_2566 : i32 to vector<16xi32>
      %gt3A_2568 = arith.cmpi sgt, %get3A_2527, %gt3A_2567 : vector<16xi32>
      %broadcast_in_dim3A_2569 = vector.broadcast %add3A_8 : i32 to vector<16xi32>
      %select_n3A_2570 = arith.select %gt3A_2568, %add3A_2565, %broadcast_in_dim3A_2569 : vector<16xi1>, vector<16xi32>
      %swap3A_2571 = arith.constant 32 : index
      %swap3A_2572 = tpu.vector_load %arg24[%swap3A_2571] {strides = array<i32>} : memref<128xi32, #tpu.memory_space<vmem>>, vector<16xi32>,
      tpu.vector_store %arg24[%swap3A_2571], %select_n3A_2570 {strides = array<i32>} : memref<128xi32, #tpu.memory_space<vmem>>, vector<16xi32>,
      %add3A_2573 = arith.constant 48 : i32
      %add3A_2574 = arith.addi %mul3A_2425, %add3A_2573 : i32
      %get3A_2575 = arith.index_cast %add3A_2574 : i32 to index
      %get3A_2576 = tpu.vector_load %arg7[%get3A_2575] {strides = array<i32>} : memref<25616xi32, #tpu.memory_space<vmem>>, vector<16xi32>,
      %add3A_2577 = arith.constant 48 : i32
      %add3A_2578 = arith.addi %mul3A_2425, %add3A_2577 : i32
      %iota3A_2579 = tpu.iota {dimensions = array<i32: 0>} : vector<16xi32>
      %add3A_2580 = vector.broadcast %add3A_2578 : i32 to vector<16xi32>
      %add3A_2581 = arith.addi %add3A_2580, %iota3A_2579 : vector<16xi32>
      %jit3A_2582 = arith.constant 200 : i32
      %div3A_2583 = vector.broadcast %jit3A_2582 : i32 to vector<16xi32>
      %div3A_2584 = arith.divsi %add3A_2581, %div3A_2583 : vector<16xi32>
      %sign3A_2585 = arith.constant 0 : i32
      %sign3A_2586 = vector.broadcast %sign3A_2585 : i32 to vector<16xi32>
      %sign3A_2587 = arith.cmpi sgt, %add3A_2581, %sign3A_2586 : vector<16xi32>
      %sign3A_2588 = arith.extui %sign3A_2587 : vector<16xi1> to vector<16xi32>
      %sign3A_2589 = arith.constant 0 : i32
      %sign3A_2590 = vector.broadcast %sign3A_2589 : i32 to vector<16xi32>
      %sign3A_2591 = arith.cmpi slt, %add3A_2581, %sign3A_2590 : vector<16xi32>
      %sign3A_2592 = arith.extui %sign3A_2591 : vector<16xi1> to vector<16xi32>
      %sign3A_2593 = arith.subi %sign3A_2588, %sign3A_2592 : vector<16xi32>
      %sign3A_2594 = arith.constant 0 : i32
      %sign3A_2595 = arith.cmpi sgt, %jit3A_2582, %sign3A_2594 : i32
      %sign3A_2596 = arith.extui %sign3A_2595 : i1 to i32
      %sign3A_2597 = arith.constant 0 : i32
      %sign3A_2598 = arith.cmpi slt, %jit3A_2582, %sign3A_2597 : i32
      %sign3A_2599 = arith.extui %sign3A_2598 : i1 to i32
      %sign3A_2600 = arith.subi %sign3A_2596, %sign3A_2599 : i32
      %ne3A_2601 = vector.broadcast %sign3A_2600 : i32 to vector<16xi32>
      %ne3A_2602 = arith.cmpi ne, %sign3A_2593, %ne3A_2601 : vector<16xi32>
      %rem3A_2603 = vector.broadcast %jit3A_2582 : i32 to vector<16xi32>
      %rem3A_2604 = arith.remsi %add3A_2581, %rem3A_2603 : vector<16xi32>
      %ne3A_2605 = arith.constant 0 : i32
      %ne3A_2606 = vector.broadcast %ne3A_2605 : i32 to vector<16xi32>
      %ne3A_2607 = arith.cmpi ne, %rem3A_2604, %ne3A_2606 : vector<16xi32>
      %and3A_2608 = arith.andi %ne3A_2602, %ne3A_2607 : vector<16xi1>
      %sub3A_2609 = arith.constant 1 : i32
      %sub3A_2610 = vector.broadcast %sub3A_2609 : i32 to vector<16xi32>
      %sub3A_2611 = arith.subi %div3A_2584, %sub3A_2610 : vector<16xi32>
      %select_n3A_2612 = arith.select %and3A_2608, %sub3A_2611, %div3A_2584 : vector<16xi1>, vector<16xi32>
      %add3A_2613 = vector.broadcast %mul3A_6 : i32 to vector<16xi32>
      %add3A_2614 = arith.addi %add3A_2613, %select_n3A_2612 : vector<16xi32>
      %gt3A_2615 = arith.constant 0 : i32
      %gt3A_2616 = vector.broadcast %gt3A_2615 : i32 to vector<16xi32>
      %gt3A_2617 = arith.cmpi sgt, %get3A_2576, %gt3A_2616 : vector<16xi32>
      %broadcast_in_dim3A_2618 = vector.broadcast %add3A_8 : i32 to vector<16xi32>
      %select_n3A_2619 = arith.select %gt3A_2617, %add3A_2614, %broadcast_in_dim3A_2618 : vector<16xi1>, vector<16xi32>
      %swap3A_2620 = arith.constant 48 : index
      %swap3A_2621 = tpu.vector_load %arg24[%swap3A_2620] {strides = array<i32>} : memref<128xi32, #tpu.memory_space<vmem>>, vector<16xi32>,
      tpu.vector_store %arg24[%swap3A_2620], %select_n3A_2619 {strides = array<i32>} : memref<128xi32, #tpu.memory_space<vmem>>, vector<16xi32>,
      %add3A_2622 = arith.constant 64 : i32
      %add3A_2623 = arith.addi %mul3A_2425, %add3A_2622 : i32
      %get3A_2624 = arith.index_cast %add3A_2623 : i32 to index
      %get3A_2625 = tpu.vector_load %arg7[%get3A_2624] {strides = array<i32>} : memref<25616xi32, #tpu.memory_space<vmem>>, vector<16xi32>,
      %add3A_2626 = arith.constant 64 : i32
      %add3A_2627 = arith.addi %mul3A_2425, %add3A_2626 : i32
      %iota3A_2628 = tpu.iota {dimensions = array<i32: 0>} : vector<16xi32>
      %add3A_2629 = vector.broadcast %add3A_2627 : i32 to vector<16xi32>
      %add3A_2630 = arith.addi %add3A_2629, %iota3A_2628 : vector<16xi32>
      %jit3A_2631 = arith.constant 200 : i32
      %div3A_2632 = vector.broadcast %jit3A_2631 : i32 to vector<16xi32>
      %div3A_2633 = arith.divsi %add3A_2630, %div3A_2632 : vector<16xi32>
      %sign3A_2634 = arith.constant 0 : i32
      %sign3A_2635 = vector.broadcast %sign3A_2634 : i32 to vector<16xi32>
      %sign3A_2636 = arith.cmpi sgt, %add3A_2630, %sign3A_2635 : vector<16xi32>
      %sign3A_2637 = arith.extui %sign3A_2636 : vector<16xi1> to vector<16xi32>
      %sign3A_2638 = arith.constant 0 : i32
      %sign3A_2639 = vector.broadcast %sign3A_2638 : i32 to vector<16xi32>
      %sign3A_2640 = arith.cmpi slt, %add3A_2630, %sign3A_2639 : vector<16xi32>
      %sign3A_2641 = arith.extui %sign3A_2640 : vector<16xi1> to vector<16xi32>
      %sign3A_2642 = arith.subi %sign3A_2637, %sign3A_2641 : vector<16xi32>
      %sign3A_2643 = arith.constant 0 : i32
      %sign3A_2644 = arith.cmpi sgt, %jit3A_2631, %sign3A_2643 : i32
      %sign3A_2645 = arith.extui %sign3A_2644 : i1 to i32
      %sign3A_2646 = arith.constant 0 : i32
      %sign3A_2647 = arith.cmpi slt, %jit3A_2631, %sign3A_2646 : i32
      %sign3A_2648 = arith.extui %sign3A_2647 : i1 to i32
      %sign3A_2649 = arith.subi %sign3A_2645, %sign3A_2648 : i32
      %ne3A_2650 = vector.broadcast %sign3A_2649 : i32 to vector<16xi32>
      %ne3A_2651 = arith.cmpi ne, %sign3A_2642, %ne3A_2650 : vector<16xi32>
      %rem3A_2652 = vector.broadcast %jit3A_2631 : i32 to vector<16xi32>
      %rem3A_2653 = arith.remsi %add3A_2630, %rem3A_2652 : vector<16xi32>
      %ne3A_2654 = arith.constant 0 : i32
      %ne3A_2655 = vector.broadcast %ne3A_2654 : i32 to vector<16xi32>
      %ne3A_2656 = arith.cmpi ne, %rem3A_2653, %ne3A_2655 : vector<16xi32>
      %and3A_2657 = arith.andi %ne3A_2651, %ne3A_2656 : vector<16xi1>
      %sub3A_2658 = arith.constant 1 : i32
      %sub3A_2659 = vector.broadcast %sub3A_2658 : i32 to vector<16xi32>
      %sub3A_2660 = arith.subi %div3A_2633, %sub3A_2659 : vector<16xi32>
      %select_n3A_2661 = arith.select %and3A_2657, %sub3A_2660, %div3A_2633 : vector<16xi1>, vector<16xi32>
      %add3A_2662 = vector.broadcast %mul3A_6 : i32 to vector<16xi32>
      %add3A_2663 = arith.addi %add3A_2662, %select_n3A_2661 : vector<16xi32>
      %gt3A_2664 = arith.constant 0 : i32
      %gt3A_2665 = vector.broadcast %gt3A_2664 : i32 to vector<16xi32>
      %gt3A_2666 = arith.cmpi sgt, %get3A_2625, %gt3A_2665 : vector<16xi32>
      %broadcast_in_dim3A_2667 = vector.broadcast %add3A_8 : i32 to vector<16xi32>
      %select_n3A_2668 = arith.select %gt3A_2666, %add3A_2663, %broadcast_in_dim3A_2667 : vector<16xi1>, vector<16xi32>
      %swap3A_2669 = arith.constant 64 : index
      %swap3A_2670 = tpu.vector_load %arg24[%swap3A_2669] {strides = array<i32>} : memref<128xi32, #tpu.memory_space<vmem>>, vector<16xi32>,
      tpu.vector_store %arg24[%swap3A_2669], %select_n3A_2668 {strides = array<i32>} : memref<128xi32, #tpu.memory_space<vmem>>, vector<16xi32>,
      %add3A_2671 = arith.constant 80 : i32
      %add3A_2672 = arith.addi %mul3A_2425, %add3A_2671 : i32
      %get3A_2673 = arith.index_cast %add3A_2672 : i32 to index
      %get3A_2674 = tpu.vector_load %arg7[%get3A_2673] {strides = array<i32>} : memref<25616xi32, #tpu.memory_space<vmem>>, vector<16xi32>,
      %add3A_2675 = arith.constant 80 : i32
      %add3A_2676 = arith.addi %mul3A_2425, %add3A_2675 : i32
      %iota3A_2677 = tpu.iota {dimensions = array<i32: 0>} : vector<16xi32>
      %add3A_2678 = vector.broadcast %add3A_2676 : i32 to vector<16xi32>
      %add3A_2679 = arith.addi %add3A_2678, %iota3A_2677 : vector<16xi32>
      %jit3A_2680 = arith.constant 200 : i32
      %div3A_2681 = vector.broadcast %jit3A_2680 : i32 to vector<16xi32>
      %div3A_2682 = arith.divsi %add3A_2679, %div3A_2681 : vector<16xi32>
      %sign3A_2683 = arith.constant 0 : i32
      %sign3A_2684 = vector.broadcast %sign3A_2683 : i32 to vector<16xi32>
      %sign3A_2685 = arith.cmpi sgt, %add3A_2679, %sign3A_2684 : vector<16xi32>
      %sign3A_2686 = arith.extui %sign3A_2685 : vector<16xi1> to vector<16xi32>
      %sign3A_2687 = arith.constant 0 : i32
      %sign3A_2688 = vector.broadcast %sign3A_2687 : i32 to vector<16xi32>
      %sign3A_2689 = arith.cmpi slt, %add3A_2679, %sign3A_2688 : vector<16xi32>
      %sign3A_2690 = arith.extui %sign3A_2689 : vector<16xi1> to vector<16xi32>
      %sign3A_2691 = arith.subi %sign3A_2686, %sign3A_2690 : vector<16xi32>
      %sign3A_2692 = arith.constant 0 : i32
      %sign3A_2693 = arith.cmpi sgt, %jit3A_2680, %sign3A_2692 : i32
      %sign3A_2694 = arith.extui %sign3A_2693 : i1 to i32
      %sign3A_2695 = arith.constant 0 : i32
      %sign3A_2696 = arith.cmpi slt, %jit3A_2680, %sign3A_2695 : i32
      %sign3A_2697 = arith.extui %sign3A_2696 : i1 to i32
      %sign3A_2698 = arith.subi %sign3A_2694, %sign3A_2697 : i32
      %ne3A_2699 = vector.broadcast %sign3A_2698 : i32 to vector<16xi32>
      %ne3A_2700 = arith.cmpi ne, %sign3A_2691, %ne3A_2699 : vector<16xi32>
      %rem3A_2701 = vector.broadcast %jit3A_2680 : i32 to vector<16xi32>
      %rem3A_2702 = arith.remsi %add3A_2679, %rem3A_2701 : vector<16xi32>
      %ne3A_2703 = arith.constant 0 : i32
      %ne3A_2704 = vector.broadcast %ne3A_2703 : i32 to vector<16xi32>
      %ne3A_2705 = arith.cmpi ne, %rem3A_2702, %ne3A_2704 : vector<16xi32>
      %and3A_2706 = arith.andi %ne3A_2700, %ne3A_2705 : vector<16xi1>
      %sub3A_2707 = arith.constant 1 : i32
      %sub3A_2708 = vector.broadcast %sub3A_2707 : i32 to vector<16xi32>
      %sub3A_2709 = arith.subi %div3A_2682, %sub3A_2708 : vector<16xi32>
      %select_n3A_2710 = arith.select %and3A_2706, %sub3A_2709, %div3A_2682 : vector<16xi1>, vector<16xi32>
      %add3A_2711 = vector.broadcast %mul3A_6 : i32 to vector<16xi32>
      %add3A_2712 = arith.addi %add3A_2711, %select_n3A_2710 : vector<16xi32>
      %gt3A_2713 = arith.constant 0 : i32
      %gt3A_2714 = vector.broadcast %gt3A_2713 : i32 to vector<16xi32>
      %gt3A_2715 = arith.cmpi sgt, %get3A_2674, %gt3A_2714 : vector<16xi32>
      %broadcast_in_dim3A_2716 = vector.broadcast %add3A_8 : i32 to vector<16xi32>
      %select_n3A_2717 = arith.select %gt3A_2715, %add3A_2712, %broadcast_in_dim3A_2716 : vector<16xi1>, vector<16xi32>
      %swap3A_2718 = arith.constant 80 : index
      %swap3A_2719 = tpu.vector_load %arg24[%swap3A_2718] {strides = array<i32>} : memref<128xi32, #tpu.memory_space<vmem>>, vector<16xi32>,
      tpu.vector_store %arg24[%swap3A_2718], %select_n3A_2717 {strides = array<i32>} : memref<128xi32, #tpu.memory_space<vmem>>, vector<16xi32>,
      %add3A_2720 = arith.constant 96 : i32
      %add3A_2721 = arith.addi %mul3A_2425, %add3A_2720 : i32
      %get3A_2722 = arith.index_cast %add3A_2721 : i32 to index
      %get3A_2723 = tpu.vector_load %arg7[%get3A_2722] {strides = array<i32>} : memref<25616xi32, #tpu.memory_space<vmem>>, vector<16xi32>,
      %add3A_2724 = arith.constant 96 : i32
      %add3A_2725 = arith.addi %mul3A_2425, %add3A_2724 : i32
      %iota3A_2726 = tpu.iota {dimensions = array<i32: 0>} : vector<16xi32>
      %add3A_2727 = vector.broadcast %add3A_2725 : i32 to vector<16xi32>
      %add3A_2728 = arith.addi %add3A_2727, %iota3A_2726 : vector<16xi32>
      %jit3A_2729 = arith.constant 200 : i32
      %div3A_2730 = vector.broadcast %jit3A_2729 : i32 to vector<16xi32>
      %div3A_2731 = arith.divsi %add3A_2728, %div3A_2730 : vector<16xi32>
      %sign3A_2732 = arith.constant 0 : i32
      %sign3A_2733 = vector.broadcast %sign3A_2732 : i32 to vector<16xi32>
      %sign3A_2734 = arith.cmpi sgt, %add3A_2728, %sign3A_2733 : vector<16xi32>
      %sign3A_2735 = arith.extui %sign3A_2734 : vector<16xi1> to vector<16xi32>
      %sign3A_2736 = arith.constant 0 : i32
      %sign3A_2737 = vector.broadcast %sign3A_2736 : i32 to vector<16xi32>
      %sign3A_2738 = arith.cmpi slt, %add3A_2728, %sign3A_2737 : vector<16xi32>
      %sign3A_2739 = arith.extui %sign3A_2738 : vector<16xi1> to vector<16xi32>
      %sign3A_2740 = arith.subi %sign3A_2735, %sign3A_2739 : vector<16xi32>
      %sign3A_2741 = arith.constant 0 : i32
      %sign3A_2742 = arith.cmpi sgt, %jit3A_2729, %sign3A_2741 : i32
      %sign3A_2743 = arith.extui %sign3A_2742 : i1 to i32
      %sign3A_2744 = arith.constant 0 : i32
      %sign3A_2745 = arith.cmpi slt, %jit3A_2729, %sign3A_2744 : i32
      %sign3A_2746 = arith.extui %sign3A_2745 : i1 to i32
      %sign3A_2747 = arith.subi %sign3A_2743, %sign3A_2746 : i32
      %ne3A_2748 = vector.broadcast %sign3A_2747 : i32 to vector<16xi32>
      %ne3A_2749 = arith.cmpi ne, %sign3A_2740, %ne3A_2748 : vector<16xi32>
      %rem3A_2750 = vector.broadcast %jit3A_2729 : i32 to vector<16xi32>
      %rem3A_2751 = arith.remsi %add3A_2728, %rem3A_2750 : vector<16xi32>
      %ne3A_2752 = arith.constant 0 : i32
      %ne3A_2753 = vector.broadcast %ne3A_2752 : i32 to vector<16xi32>
      %ne3A_2754 = arith.cmpi ne, %rem3A_2751, %ne3A_2753 : vector<16xi32>
      %and3A_2755 = arith.andi %ne3A_2749, %ne3A_2754 : vector<16xi1>
      %sub3A_2756 = arith.constant 1 : i32
      %sub3A_2757 = vector.broadcast %sub3A_2756 : i32 to vector<16xi32>
      %sub3A_2758 = arith.subi %div3A_2731, %sub3A_2757 : vector<16xi32>
      %select_n3A_2759 = arith.select %and3A_2755, %sub3A_2758, %div3A_2731 : vector<16xi1>, vector<16xi32>
      %add3A_2760 = vector.broadcast %mul3A_6 : i32 to vector<16xi32>
      %add3A_2761 = arith.addi %add3A_2760, %select_n3A_2759 : vector<16xi32>
      %gt3A_2762 = arith.constant 0 : i32
      %gt3A_2763 = vector.broadcast %gt3A_2762 : i32 to vector<16xi32>
      %gt3A_2764 = arith.cmpi sgt, %get3A_2723, %gt3A_2763 : vector<16xi32>
      %broadcast_in_dim3A_2765 = vector.broadcast %add3A_8 : i32 to vector<16xi32>
      %select_n3A_2766 = arith.select %gt3A_2764, %add3A_2761, %broadcast_in_dim3A_2765 : vector<16xi1>, vector<16xi32>
      %swap3A_2767 = arith.constant 96 : index
      %swap3A_2768 = tpu.vector_load %arg24[%swap3A_2767] {strides = array<i32>} : memref<128xi32, #tpu.memory_space<vmem>>, vector<16xi32>,
      tpu.vector_store %arg24[%swap3A_2767], %select_n3A_2766 {strides = array<i32>} : memref<128xi32, #tpu.memory_space<vmem>>, vector<16xi32>,
      %add3A_2769 = arith.constant 112 : i32
      %add3A_2770 = arith.addi %mul3A_2425, %add3A_2769 : i32
      %get3A_2771 = arith.index_cast %add3A_2770 : i32 to index
      %get3A_2772 = tpu.vector_load %arg7[%get3A_2771] {strides = array<i32>} : memref<25616xi32, #tpu.memory_space<vmem>>, vector<16xi32>,
      %add3A_2773 = arith.constant 112 : i32
      %add3A_2774 = arith.addi %mul3A_2425, %add3A_2773 : i32
      %iota3A_2775 = tpu.iota {dimensions = array<i32: 0>} : vector<16xi32>
      %add3A_2776 = vector.broadcast %add3A_2774 : i32 to vector<16xi32>
      %add3A_2777 = arith.addi %add3A_2776, %iota3A_2775 : vector<16xi32>
      %jit3A_2778 = arith.constant 200 : i32
      %div3A_2779 = vector.broadcast %jit3A_2778 : i32 to vector<16xi32>
      %div3A_2780 = arith.divsi %add3A_2777, %div3A_2779 : vector<16xi32>
      %sign3A_2781 = arith.constant 0 : i32
      %sign3A_2782 = vector.broadcast %sign3A_2781 : i32 to vector<16xi32>
      %sign3A_2783 = arith.cmpi sgt, %add3A_2777, %sign3A_2782 : vector<16xi32>
      %sign3A_2784 = arith.extui %sign3A_2783 : vector<16xi1> to vector<16xi32>
      %sign3A_2785 = arith.constant 0 : i32
      %sign3A_2786 = vector.broadcast %sign3A_2785 : i32 to vector<16xi32>
      %sign3A_2787 = arith.cmpi slt, %add3A_2777, %sign3A_2786 : vector<16xi32>
      %sign3A_2788 = arith.extui %sign3A_2787 : vector<16xi1> to vector<16xi32>
      %sign3A_2789 = arith.subi %sign3A_2784, %sign3A_2788 : vector<16xi32>
      %sign3A_2790 = arith.constant 0 : i32
      %sign3A_2791 = arith.cmpi sgt, %jit3A_2778, %sign3A_2790 : i32
      %sign3A_2792 = arith.extui %sign3A_2791 : i1 to i32
      %sign3A_2793 = arith.constant 0 : i32
      %sign3A_2794 = arith.cmpi slt, %jit3A_2778, %sign3A_2793 : i32
      %sign3A_2795 = arith.extui %sign3A_2794 : i1 to i32
      %sign3A_2796 = arith.subi %sign3A_2792, %sign3A_2795 : i32
      %ne3A_2797 = vector.broadcast %sign3A_2796 : i32 to vector<16xi32>
      %ne3A_2798 = arith.cmpi ne, %sign3A_2789, %ne3A_2797 : vector<16xi32>
      %rem3A_2799 = vector.broadcast %jit3A_2778 : i32 to vector<16xi32>
      %rem3A_2800 = arith.remsi %add3A_2777, %rem3A_2799 : vector<16xi32>
      %ne3A_2801 = arith.constant 0 : i32
      %ne3A_2802 = vector.broadcast %ne3A_2801 : i32 to vector<16xi32>
      %ne3A_2803 = arith.cmpi ne, %rem3A_2800, %ne3A_2802 : vector<16xi32>
      %and3A_2804 = arith.andi %ne3A_2798, %ne3A_2803 : vector<16xi1>
      %sub3A_2805 = arith.constant 1 : i32
      %sub3A_2806 = vector.broadcast %sub3A_2805 : i32 to vector<16xi32>
      %sub3A_2807 = arith.subi %div3A_2780, %sub3A_2806 : vector<16xi32>
      %select_n3A_2808 = arith.select %and3A_2804, %sub3A_2807, %div3A_2780 : vector<16xi1>, vector<16xi32>
      %add3A_2809 = vector.broadcast %mul3A_6 : i32 to vector<16xi32>
      %add3A_2810 = arith.addi %add3A_2809, %select_n3A_2808 : vector<16xi32>
      %gt3A_2811 = arith.constant 0 : i32
      %gt3A_2812 = vector.broadcast %gt3A_2811 : i32 to vector<16xi32>
      %gt3A_2813 = arith.cmpi sgt, %get3A_2772, %gt3A_2812 : vector<16xi32>
      %broadcast_in_dim3A_2814 = vector.broadcast %add3A_8 : i32 to vector<16xi32>
      %select_n3A_2815 = arith.select %gt3A_2813, %add3A_2810, %broadcast_in_dim3A_2814 : vector<16xi1>, vector<16xi32>
      %swap3A_2816 = arith.constant 112 : index
      %swap3A_2817 = tpu.vector_load %arg24[%swap3A_2816] {strides = array<i32>} : memref<128xi32, #tpu.memory_space<vmem>>, vector<16xi32>,
      tpu.vector_store %arg24[%swap3A_2816], %select_n3A_2815 {strides = array<i32>} : memref<128xi32, #tpu.memory_space<vmem>>, vector<16xi32>,
      %mul3A_2818 = arith.constant 128 : i32
      %mul3A_2819 = arith.muli %add3A_2411, %mul3A_2818 : i32
      %dma_wait3A_2820 = tpu.memref_slice %arg6[%mul3A_2819] : memref<25600xi32, #tpu.memory_space<vmem>> -> memref<128xi32, #tpu.memory_space<vmem>>
      %dma_wait3A_2821 = arith.constant 0 : i32
      %dma_wait3A_2822 = arith.constant 0 : i32
      %dma_wait3A_2823 = tpu.memref_slice %arg4[%dma_wait3A_2821, %dma_wait3A_2822] : memref<1000000x64xf32, #tpu.memory_space<hbm>> -> memref<1000000x64xf32, #tpu.memory_space<hbm>>
      tpu.wait_indirect_dma semaphore(%arg32 : memref<!tpu.dma_semaphore, #tpu.memory_space<semaphore_mem>>) src(%dma_wait3A_2823 : memref<1000000x64xf32, #tpu.memory_space<hbm>>) dst(%arg16 : memref<128x64xf32, #tpu.memory_space<vmem>>)
      %dma_start3A_2824 = arith.constant 0 : i32
      %dma_start3A_2825 = arith.constant 0 : i32
      %dma_start3A_2826 = tpu.memref_slice %arg10[%dma_start3A_2824, %dma_start3A_2825] : memref<2064x64xf32, #tpu.memory_space<vmem_shared>> -> memref<2064x64xf32, #tpu.memory_space<vmem_shared>>
      tpu.enqueue_indirect_dma source(%arg16 : memref<128x64xf32, #tpu.memory_space<vmem>>) target(%dma_start3A_2826 : memref<2064x64xf32, #tpu.memory_space<vmem_shared>>) offsets(%arg24 : memref<128xi32, #tpu.memory_space<vmem>>) semaphore(%arg40 : memref<!tpu.dma_semaphore, #tpu.memory_space<semaphore_mem>>) {add = true}
      %mul3A_2827 = arith.constant 8 : i32
      %mul3A_2828 = arith.muli %scan3A_326, %mul3A_2827 : i32
      %add3A_2829 = arith.constant 6 : i32
      %add3A_2830 = arith.addi %mul3A_2828, %add3A_2829 : i32
      %ge3A_2831 = arith.constant 2 : i32
      %ge3A_2832 = arith.cmpi sge, %add3A_2830, %ge3A_2831 : i32
      %convert_element_type3A_2833 = arith.extui %ge3A_2832 : i1 to i32
      %cond3A_2834 = arith.constant 0 : i32
      %cond3A_2835 = arith.cmpi ne, %convert_element_type3A_2833, %cond3A_2834 : i32
      scf.if %cond3A_2835 {
        %dma_wait3A_3666 = arith.constant 0 : i32
        %dma_wait3A_3667 = arith.constant 0 : i32
        %dma_wait3A_3668 = tpu.memref_slice %arg10[%dma_wait3A_3666, %dma_wait3A_3667] : memref<2064x64xf32, #tpu.memory_space<vmem_shared>> -> memref<2064x64xf32, #tpu.memory_space<vmem_shared>>
        tpu.wait_indirect_dma semaphore(%arg39 : memref<!tpu.dma_semaphore, #tpu.memory_space<semaphore_mem>>) src(%arg15 : memref<128x64xf32, #tpu.memory_space<vmem>>) dst(%dma_wait3A_3668 : memref<2064x64xf32, #tpu.memory_space<vmem_shared>>)
      } else {
      }
      %add3A_2836 = arith.constant 6 : i32
      %add3A_2837 = arith.addi %add3A_2830, %add3A_2836 : i32
      %lt3A_2838 = arith.constant 200 : i32
      %lt3A_2839 = arith.cmpi slt, %add3A_2837, %lt3A_2838 : i32
      %convert_element_type3A_2840 = arith.extui %lt3A_2839 : i1 to i32
      %cond3A_2841 = arith.constant 0 : i32
      %cond3A_2842 = arith.cmpi ne, %convert_element_type3A_2840, %cond3A_2841 : i32
      scf.if %cond3A_2842 {
        %add3A_3666 = arith.constant 6 : i32
        %add3A_3667 = arith.addi %add3A_2830, %add3A_3666 : i32
        %mul3A_3668 = arith.constant 128 : i32
        %mul3A_3669 = arith.muli %add3A_3667, %mul3A_3668 : i32
        %dma_start3A_3670 = tpu.memref_slice %arg6[%mul3A_3669] : memref<25600xi32, #tpu.memory_space<vmem>> -> memref<128xi32, #tpu.memory_space<vmem>>
        %dma_start3A_3671 = arith.constant 0 : i32
        %dma_start3A_3672 = arith.constant 0 : i32
        %dma_start3A_3673 = tpu.memref_slice %arg4[%dma_start3A_3671, %dma_start3A_3672] : memref<1000000x64xf32, #tpu.memory_space<hbm>> -> memref<1000000x64xf32, #tpu.memory_space<hbm>>
        tpu.enqueue_indirect_dma source(%dma_start3A_3673 : memref<1000000x64xf32, #tpu.memory_space<hbm>>) target(%arg15 : memref<128x64xf32, #tpu.memory_space<vmem>>) offsets(%dma_start3A_3670 : memref<128xi32, #tpu.memory_space<vmem>>) semaphore(%arg31 : memref<!tpu.dma_semaphore, #tpu.memory_space<semaphore_mem>>)
      } else {
      }
      %mul3A_2843 = arith.constant 128 : i32
      %mul3A_2844 = arith.muli %add3A_2830, %mul3A_2843 : i32
      %add3A_2845 = arith.constant 0 : i32
      %add3A_2846 = arith.addi %mul3A_2844, %add3A_2845 : i32
      %get3A_2847 = arith.index_cast %add3A_2846 : i32 to index
      %get3A_2848 = tpu.vector_load %arg7[%get3A_2847] {strides = array<i32>} : memref<25616xi32, #tpu.memory_space<vmem>>, vector<16xi32>,
      %add3A_2849 = arith.constant 0 : i32
      %add3A_2850 = arith.addi %mul3A_2844, %add3A_2849 : i32
      %iota3A_2851 = tpu.iota {dimensions = array<i32: 0>} : vector<16xi32>
      %add3A_2852 = vector.broadcast %add3A_2850 : i32 to vector<16xi32>
      %add3A_2853 = arith.addi %add3A_2852, %iota3A_2851 : vector<16xi32>
      %jit3A_2854 = arith.constant 200 : i32
      %div3A_2855 = vector.broadcast %jit3A_2854 : i32 to vector<16xi32>
      %div3A_2856 = arith.divsi %add3A_2853, %div3A_2855 : vector<16xi32>
      %sign3A_2857 = arith.constant 0 : i32
      %sign3A_2858 = vector.broadcast %sign3A_2857 : i32 to vector<16xi32>
      %sign3A_2859 = arith.cmpi sgt, %add3A_2853, %sign3A_2858 : vector<16xi32>
      %sign3A_2860 = arith.extui %sign3A_2859 : vector<16xi1> to vector<16xi32>
      %sign3A_2861 = arith.constant 0 : i32
      %sign3A_2862 = vector.broadcast %sign3A_2861 : i32 to vector<16xi32>
      %sign3A_2863 = arith.cmpi slt, %add3A_2853, %sign3A_2862 : vector<16xi32>
      %sign3A_2864 = arith.extui %sign3A_2863 : vector<16xi1> to vector<16xi32>
      %sign3A_2865 = arith.subi %sign3A_2860, %sign3A_2864 : vector<16xi32>
      %sign3A_2866 = arith.constant 0 : i32
      %sign3A_2867 = arith.cmpi sgt, %jit3A_2854, %sign3A_2866 : i32
      %sign3A_2868 = arith.extui %sign3A_2867 : i1 to i32
      %sign3A_2869 = arith.constant 0 : i32
      %sign3A_2870 = arith.cmpi slt, %jit3A_2854, %sign3A_2869 : i32
      %sign3A_2871 = arith.extui %sign3A_2870 : i1 to i32
      %sign3A_2872 = arith.subi %sign3A_2868, %sign3A_2871 : i32
      %ne3A_2873 = vector.broadcast %sign3A_2872 : i32 to vector<16xi32>
      %ne3A_2874 = arith.cmpi ne, %sign3A_2865, %ne3A_2873 : vector<16xi32>
      %rem3A_2875 = vector.broadcast %jit3A_2854 : i32 to vector<16xi32>
      %rem3A_2876 = arith.remsi %add3A_2853, %rem3A_2875 : vector<16xi32>
      %ne3A_2877 = arith.constant 0 : i32
      %ne3A_2878 = vector.broadcast %ne3A_2877 : i32 to vector<16xi32>
      %ne3A_2879 = arith.cmpi ne, %rem3A_2876, %ne3A_2878 : vector<16xi32>
      %and3A_2880 = arith.andi %ne3A_2874, %ne3A_2879 : vector<16xi1>
      %sub3A_2881 = arith.constant 1 : i32
      %sub3A_2882 = vector.broadcast %sub3A_2881 : i32 to vector<16xi32>
      %sub3A_2883 = arith.subi %div3A_2856, %sub3A_2882 : vector<16xi32>
      %select_n3A_2884 = arith.select %and3A_2880, %sub3A_2883, %div3A_2856 : vector<16xi1>, vector<16xi32>
      %add3A_2885 = vector.broadcast %mul3A_6 : i32 to vector<16xi32>
      %add3A_2886 = arith.addi %add3A_2885, %select_n3A_2884 : vector<16xi32>
      %gt3A_2887 = arith.constant 0 : i32
      %gt3A_2888 = vector.broadcast %gt3A_2887 : i32 to vector<16xi32>
      %gt3A_2889 = arith.cmpi sgt, %get3A_2848, %gt3A_2888 : vector<16xi32>
      %broadcast_in_dim3A_2890 = vector.broadcast %add3A_8 : i32 to vector<16xi32>
      %select_n3A_2891 = arith.select %gt3A_2889, %add3A_2886, %broadcast_in_dim3A_2890 : vector<16xi1>, vector<16xi32>
      %swap3A_2892 = arith.constant 0 : index
      %swap3A_2893 = tpu.vector_load %arg25[%swap3A_2892] {strides = array<i32>} : memref<128xi32, #tpu.memory_space<vmem>>, vector<16xi32>,
      tpu.vector_store %arg25[%swap3A_2892], %select_n3A_2891 {strides = array<i32>} : memref<128xi32, #tpu.memory_space<vmem>>, vector<16xi32>,
      %add3A_2894 = arith.constant 16 : i32
      %add3A_2895 = arith.addi %mul3A_2844, %add3A_2894 : i32
      %get3A_2896 = arith.index_cast %add3A_2895 : i32 to index
      %get3A_2897 = tpu.vector_load %arg7[%get3A_2896] {strides = array<i32>} : memref<25616xi32, #tpu.memory_space<vmem>>, vector<16xi32>,
      %add3A_2898 = arith.constant 16 : i32
      %add3A_2899 = arith.addi %mul3A_2844, %add3A_2898 : i32
      %iota3A_2900 = tpu.iota {dimensions = array<i32: 0>} : vector<16xi32>
      %add3A_2901 = vector.broadcast %add3A_2899 : i32 to vector<16xi32>
      %add3A_2902 = arith.addi %add3A_2901, %iota3A_2900 : vector<16xi32>
      %jit3A_2903 = arith.constant 200 : i32
      %div3A_2904 = vector.broadcast %jit3A_2903 : i32 to vector<16xi32>
      %div3A_2905 = arith.divsi %add3A_2902, %div3A_2904 : vector<16xi32>
      %sign3A_2906 = arith.constant 0 : i32
      %sign3A_2907 = vector.broadcast %sign3A_2906 : i32 to vector<16xi32>
      %sign3A_2908 = arith.cmpi sgt, %add3A_2902, %sign3A_2907 : vector<16xi32>
      %sign3A_2909 = arith.extui %sign3A_2908 : vector<16xi1> to vector<16xi32>
      %sign3A_2910 = arith.constant 0 : i32
      %sign3A_2911 = vector.broadcast %sign3A_2910 : i32 to vector<16xi32>
      %sign3A_2912 = arith.cmpi slt, %add3A_2902, %sign3A_2911 : vector<16xi32>
      %sign3A_2913 = arith.extui %sign3A_2912 : vector<16xi1> to vector<16xi32>
      %sign3A_2914 = arith.subi %sign3A_2909, %sign3A_2913 : vector<16xi32>
      %sign3A_2915 = arith.constant 0 : i32
      %sign3A_2916 = arith.cmpi sgt, %jit3A_2903, %sign3A_2915 : i32
      %sign3A_2917 = arith.extui %sign3A_2916 : i1 to i32
      %sign3A_2918 = arith.constant 0 : i32
      %sign3A_2919 = arith.cmpi slt, %jit3A_2903, %sign3A_2918 : i32
      %sign3A_2920 = arith.extui %sign3A_2919 : i1 to i32
      %sign3A_2921 = arith.subi %sign3A_2917, %sign3A_2920 : i32
      %ne3A_2922 = vector.broadcast %sign3A_2921 : i32 to vector<16xi32>
      %ne3A_2923 = arith.cmpi ne, %sign3A_2914, %ne3A_2922 : vector<16xi32>
      %rem3A_2924 = vector.broadcast %jit3A_2903 : i32 to vector<16xi32>
      %rem3A_2925 = arith.remsi %add3A_2902, %rem3A_2924 : vector<16xi32>
      %ne3A_2926 = arith.constant 0 : i32
      %ne3A_2927 = vector.broadcast %ne3A_2926 : i32 to vector<16xi32>
      %ne3A_2928 = arith.cmpi ne, %rem3A_2925, %ne3A_2927 : vector<16xi32>
      %and3A_2929 = arith.andi %ne3A_2923, %ne3A_2928 : vector<16xi1>
      %sub3A_2930 = arith.constant 1 : i32
      %sub3A_2931 = vector.broadcast %sub3A_2930 : i32 to vector<16xi32>
      %sub3A_2932 = arith.subi %div3A_2905, %sub3A_2931 : vector<16xi32>
      %select_n3A_2933 = arith.select %and3A_2929, %sub3A_2932, %div3A_2905 : vector<16xi1>, vector<16xi32>
      %add3A_2934 = vector.broadcast %mul3A_6 : i32 to vector<16xi32>
      %add3A_2935 = arith.addi %add3A_2934, %select_n3A_2933 : vector<16xi32>
      %gt3A_2936 = arith.constant 0 : i32
      %gt3A_2937 = vector.broadcast %gt3A_2936 : i32 to vector<16xi32>
      %gt3A_2938 = arith.cmpi sgt, %get3A_2897, %gt3A_2937 : vector<16xi32>
      %broadcast_in_dim3A_2939 = vector.broadcast %add3A_8 : i32 to vector<16xi32>
      %select_n3A_2940 = arith.select %gt3A_2938, %add3A_2935, %broadcast_in_dim3A_2939 : vector<16xi1>, vector<16xi32>
      %swap3A_2941 = arith.constant 16 : index
      %swap3A_2942 = tpu.vector_load %arg25[%swap3A_2941] {strides = array<i32>} : memref<128xi32, #tpu.memory_space<vmem>>, vector<16xi32>,
      tpu.vector_store %arg25[%swap3A_2941], %select_n3A_2940 {strides = array<i32>} : memref<128xi32, #tpu.memory_space<vmem>>, vector<16xi32>,
      %add3A_2943 = arith.constant 32 : i32
      %add3A_2944 = arith.addi %mul3A_2844, %add3A_2943 : i32
      %get3A_2945 = arith.index_cast %add3A_2944 : i32 to index
      %get3A_2946 = tpu.vector_load %arg7[%get3A_2945] {strides = array<i32>} : memref<25616xi32, #tpu.memory_space<vmem>>, vector<16xi32>,
      %add3A_2947 = arith.constant 32 : i32
      %add3A_2948 = arith.addi %mul3A_2844, %add3A_2947 : i32
      %iota3A_2949 = tpu.iota {dimensions = array<i32: 0>} : vector<16xi32>
      %add3A_2950 = vector.broadcast %add3A_2948 : i32 to vector<16xi32>
      %add3A_2951 = arith.addi %add3A_2950, %iota3A_2949 : vector<16xi32>
      %jit3A_2952 = arith.constant 200 : i32
      %div3A_2953 = vector.broadcast %jit3A_2952 : i32 to vector<16xi32>
      %div3A_2954 = arith.divsi %add3A_2951, %div3A_2953 : vector<16xi32>
      %sign3A_2955 = arith.constant 0 : i32
      %sign3A_2956 = vector.broadcast %sign3A_2955 : i32 to vector<16xi32>
      %sign3A_2957 = arith.cmpi sgt, %add3A_2951, %sign3A_2956 : vector<16xi32>
      %sign3A_2958 = arith.extui %sign3A_2957 : vector<16xi1> to vector<16xi32>
      %sign3A_2959 = arith.constant 0 : i32
      %sign3A_2960 = vector.broadcast %sign3A_2959 : i32 to vector<16xi32>
      %sign3A_2961 = arith.cmpi slt, %add3A_2951, %sign3A_2960 : vector<16xi32>
      %sign3A_2962 = arith.extui %sign3A_2961 : vector<16xi1> to vector<16xi32>
      %sign3A_2963 = arith.subi %sign3A_2958, %sign3A_2962 : vector<16xi32>
      %sign3A_2964 = arith.constant 0 : i32
      %sign3A_2965 = arith.cmpi sgt, %jit3A_2952, %sign3A_2964 : i32
      %sign3A_2966 = arith.extui %sign3A_2965 : i1 to i32
      %sign3A_2967 = arith.constant 0 : i32
      %sign3A_2968 = arith.cmpi slt, %jit3A_2952, %sign3A_2967 : i32
      %sign3A_2969 = arith.extui %sign3A_2968 : i1 to i32
      %sign3A_2970 = arith.subi %sign3A_2966, %sign3A_2969 : i32
      %ne3A_2971 = vector.broadcast %sign3A_2970 : i32 to vector<16xi32>
      %ne3A_2972 = arith.cmpi ne, %sign3A_2963, %ne3A_2971 : vector<16xi32>
      %rem3A_2973 = vector.broadcast %jit3A_2952 : i32 to vector<16xi32>
      %rem3A_2974 = arith.remsi %add3A_2951, %rem3A_2973 : vector<16xi32>
      %ne3A_2975 = arith.constant 0 : i32
      %ne3A_2976 = vector.broadcast %ne3A_2975 : i32 to vector<16xi32>
      %ne3A_2977 = arith.cmpi ne, %rem3A_2974, %ne3A_2976 : vector<16xi32>
      %and3A_2978 = arith.andi %ne3A_2972, %ne3A_2977 : vector<16xi1>
      %sub3A_2979 = arith.constant 1 : i32
      %sub3A_2980 = vector.broadcast %sub3A_2979 : i32 to vector<16xi32>
      %sub3A_2981 = arith.subi %div3A_2954, %sub3A_2980 : vector<16xi32>
      %select_n3A_2982 = arith.select %and3A_2978, %sub3A_2981, %div3A_2954 : vector<16xi1>, vector<16xi32>
      %add3A_2983 = vector.broadcast %mul3A_6 : i32 to vector<16xi32>
      %add3A_2984 = arith.addi %add3A_2983, %select_n3A_2982 : vector<16xi32>
      %gt3A_2985 = arith.constant 0 : i32
      %gt3A_2986 = vector.broadcast %gt3A_2985 : i32 to vector<16xi32>
      %gt3A_2987 = arith.cmpi sgt, %get3A_2946, %gt3A_2986 : vector<16xi32>
      %broadcast_in_dim3A_2988 = vector.broadcast %add3A_8 : i32 to vector<16xi32>
      %select_n3A_2989 = arith.select %gt3A_2987, %add3A_2984, %broadcast_in_dim3A_2988 : vector<16xi1>, vector<16xi32>
      %swap3A_2990 = arith.constant 32 : index
      %swap3A_2991 = tpu.vector_load %arg25[%swap3A_2990] {strides = array<i32>} : memref<128xi32, #tpu.memory_space<vmem>>, vector<16xi32>,
      tpu.vector_store %arg25[%swap3A_2990], %select_n3A_2989 {strides = array<i32>} : memref<128xi32, #tpu.memory_space<vmem>>, vector<16xi32>,
      %add3A_2992 = arith.constant 48 : i32
      %add3A_2993 = arith.addi %mul3A_2844, %add3A_2992 : i32
      %get3A_2994 = arith.index_cast %add3A_2993 : i32 to index
      %get3A_2995 = tpu.vector_load %arg7[%get3A_2994] {strides = array<i32>} : memref<25616xi32, #tpu.memory_space<vmem>>, vector<16xi32>,
      %add3A_2996 = arith.constant 48 : i32
      %add3A_2997 = arith.addi %mul3A_2844, %add3A_2996 : i32
      %iota3A_2998 = tpu.iota {dimensions = array<i32: 0>} : vector<16xi32>
      %add3A_2999 = vector.broadcast %add3A_2997 : i32 to vector<16xi32>
      %add3A_3000 = arith.addi %add3A_2999, %iota3A_2998 : vector<16xi32>
      %jit3A_3001 = arith.constant 200 : i32
      %div3A_3002 = vector.broadcast %jit3A_3001 : i32 to vector<16xi32>
      %div3A_3003 = arith.divsi %add3A_3000, %div3A_3002 : vector<16xi32>
      %sign3A_3004 = arith.constant 0 : i32
      %sign3A_3005 = vector.broadcast %sign3A_3004 : i32 to vector<16xi32>
      %sign3A_3006 = arith.cmpi sgt, %add3A_3000, %sign3A_3005 : vector<16xi32>
      %sign3A_3007 = arith.extui %sign3A_3006 : vector<16xi1> to vector<16xi32>
      %sign3A_3008 = arith.constant 0 : i32
      %sign3A_3009 = vector.broadcast %sign3A_3008 : i32 to vector<16xi32>
      %sign3A_3010 = arith.cmpi slt, %add3A_3000, %sign3A_3009 : vector<16xi32>
      %sign3A_3011 = arith.extui %sign3A_3010 : vector<16xi1> to vector<16xi32>
      %sign3A_3012 = arith.subi %sign3A_3007, %sign3A_3011 : vector<16xi32>
      %sign3A_3013 = arith.constant 0 : i32
      %sign3A_3014 = arith.cmpi sgt, %jit3A_3001, %sign3A_3013 : i32
      %sign3A_3015 = arith.extui %sign3A_3014 : i1 to i32
      %sign3A_3016 = arith.constant 0 : i32
      %sign3A_3017 = arith.cmpi slt, %jit3A_3001, %sign3A_3016 : i32
      %sign3A_3018 = arith.extui %sign3A_3017 : i1 to i32
      %sign3A_3019 = arith.subi %sign3A_3015, %sign3A_3018 : i32
      %ne3A_3020 = vector.broadcast %sign3A_3019 : i32 to vector<16xi32>
      %ne3A_3021 = arith.cmpi ne, %sign3A_3012, %ne3A_3020 : vector<16xi32>
      %rem3A_3022 = vector.broadcast %jit3A_3001 : i32 to vector<16xi32>
      %rem3A_3023 = arith.remsi %add3A_3000, %rem3A_3022 : vector<16xi32>
      %ne3A_3024 = arith.constant 0 : i32
      %ne3A_3025 = vector.broadcast %ne3A_3024 : i32 to vector<16xi32>
      %ne3A_3026 = arith.cmpi ne, %rem3A_3023, %ne3A_3025 : vector<16xi32>
      %and3A_3027 = arith.andi %ne3A_3021, %ne3A_3026 : vector<16xi1>
      %sub3A_3028 = arith.constant 1 : i32
      %sub3A_3029 = vector.broadcast %sub3A_3028 : i32 to vector<16xi32>
      %sub3A_3030 = arith.subi %div3A_3003, %sub3A_3029 : vector<16xi32>
      %select_n3A_3031 = arith.select %and3A_3027, %sub3A_3030, %div3A_3003 : vector<16xi1>, vector<16xi32>
      %add3A_3032 = vector.broadcast %mul3A_6 : i32 to vector<16xi32>
      %add3A_3033 = arith.addi %add3A_3032, %select_n3A_3031 : vector<16xi32>
      %gt3A_3034 = arith.constant 0 : i32
      %gt3A_3035 = vector.broadcast %gt3A_3034 : i32 to vector<16xi32>
      %gt3A_3036 = arith.cmpi sgt, %get3A_2995, %gt3A_3035 : vector<16xi32>
      %broadcast_in_dim3A_3037 = vector.broadcast %add3A_8 : i32 to vector<16xi32>
      %select_n3A_3038 = arith.select %gt3A_3036, %add3A_3033, %broadcast_in_dim3A_3037 : vector<16xi1>, vector<16xi32>
      %swap3A_3039 = arith.constant 48 : index
      %swap3A_3040 = tpu.vector_load %arg25[%swap3A_3039] {strides = array<i32>} : memref<128xi32, #tpu.memory_space<vmem>>, vector<16xi32>,
      tpu.vector_store %arg25[%swap3A_3039], %select_n3A_3038 {strides = array<i32>} : memref<128xi32, #tpu.memory_space<vmem>>, vector<16xi32>,
      %add3A_3041 = arith.constant 64 : i32
      %add3A_3042 = arith.addi %mul3A_2844, %add3A_3041 : i32
      %get3A_3043 = arith.index_cast %add3A_3042 : i32 to index
      %get3A_3044 = tpu.vector_load %arg7[%get3A_3043] {strides = array<i32>} : memref<25616xi32, #tpu.memory_space<vmem>>, vector<16xi32>,
      %add3A_3045 = arith.constant 64 : i32
      %add3A_3046 = arith.addi %mul3A_2844, %add3A_3045 : i32
      %iota3A_3047 = tpu.iota {dimensions = array<i32: 0>} : vector<16xi32>
      %add3A_3048 = vector.broadcast %add3A_3046 : i32 to vector<16xi32>
      %add3A_3049 = arith.addi %add3A_3048, %iota3A_3047 : vector<16xi32>
      %jit3A_3050 = arith.constant 200 : i32
      %div3A_3051 = vector.broadcast %jit3A_3050 : i32 to vector<16xi32>
      %div3A_3052 = arith.divsi %add3A_3049, %div3A_3051 : vector<16xi32>
      %sign3A_3053 = arith.constant 0 : i32
      %sign3A_3054 = vector.broadcast %sign3A_3053 : i32 to vector<16xi32>
      %sign3A_3055 = arith.cmpi sgt, %add3A_3049, %sign3A_3054 : vector<16xi32>
      %sign3A_3056 = arith.extui %sign3A_3055 : vector<16xi1> to vector<16xi32>
      %sign3A_3057 = arith.constant 0 : i32
      %sign3A_3058 = vector.broadcast %sign3A_3057 : i32 to vector<16xi32>
      %sign3A_3059 = arith.cmpi slt, %add3A_3049, %sign3A_3058 : vector<16xi32>
      %sign3A_3060 = arith.extui %sign3A_3059 : vector<16xi1> to vector<16xi32>
      %sign3A_3061 = arith.subi %sign3A_3056, %sign3A_3060 : vector<16xi32>
      %sign3A_3062 = arith.constant 0 : i32
      %sign3A_3063 = arith.cmpi sgt, %jit3A_3050, %sign3A_3062 : i32
      %sign3A_3064 = arith.extui %sign3A_3063 : i1 to i32
      %sign3A_3065 = arith.constant 0 : i32
      %sign3A_3066 = arith.cmpi slt, %jit3A_3050, %sign3A_3065 : i32
      %sign3A_3067 = arith.extui %sign3A_3066 : i1 to i32
      %sign3A_3068 = arith.subi %sign3A_3064, %sign3A_3067 : i32
      %ne3A_3069 = vector.broadcast %sign3A_3068 : i32 to vector<16xi32>
      %ne3A_3070 = arith.cmpi ne, %sign3A_3061, %ne3A_3069 : vector<16xi32>
      %rem3A_3071 = vector.broadcast %jit3A_3050 : i32 to vector<16xi32>
      %rem3A_3072 = arith.remsi %add3A_3049, %rem3A_3071 : vector<16xi32>
      %ne3A_3073 = arith.constant 0 : i32
      %ne3A_3074 = vector.broadcast %ne3A_3073 : i32 to vector<16xi32>
      %ne3A_3075 = arith.cmpi ne, %rem3A_3072, %ne3A_3074 : vector<16xi32>
      %and3A_3076 = arith.andi %ne3A_3070, %ne3A_3075 : vector<16xi1>
      %sub3A_3077 = arith.constant 1 : i32
      %sub3A_3078 = vector.broadcast %sub3A_3077 : i32 to vector<16xi32>
      %sub3A_3079 = arith.subi %div3A_3052, %sub3A_3078 : vector<16xi32>
      %select_n3A_3080 = arith.select %and3A_3076, %sub3A_3079, %div3A_3052 : vector<16xi1>, vector<16xi32>
      %add3A_3081 = vector.broadcast %mul3A_6 : i32 to vector<16xi32>
      %add3A_3082 = arith.addi %add3A_3081, %select_n3A_3080 : vector<16xi32>
      %gt3A_3083 = arith.constant 0 : i32
      %gt3A_3084 = vector.broadcast %gt3A_3083 : i32 to vector<16xi32>
      %gt3A_3085 = arith.cmpi sgt, %get3A_3044, %gt3A_3084 : vector<16xi32>
      %broadcast_in_dim3A_3086 = vector.broadcast %add3A_8 : i32 to vector<16xi32>
      %select_n3A_3087 = arith.select %gt3A_3085, %add3A_3082, %broadcast_in_dim3A_3086 : vector<16xi1>, vector<16xi32>
      %swap3A_3088 = arith.constant 64 : index
      %swap3A_3089 = tpu.vector_load %arg25[%swap3A_3088] {strides = array<i32>} : memref<128xi32, #tpu.memory_space<vmem>>, vector<16xi32>,
      tpu.vector_store %arg25[%swap3A_3088], %select_n3A_3087 {strides = array<i32>} : memref<128xi32, #tpu.memory_space<vmem>>, vector<16xi32>,
      %add3A_3090 = arith.constant 80 : i32
      %add3A_3091 = arith.addi %mul3A_2844, %add3A_3090 : i32
      %get3A_3092 = arith.index_cast %add3A_3091 : i32 to index
      %get3A_3093 = tpu.vector_load %arg7[%get3A_3092] {strides = array<i32>} : memref<25616xi32, #tpu.memory_space<vmem>>, vector<16xi32>,
      %add3A_3094 = arith.constant 80 : i32
      %add3A_3095 = arith.addi %mul3A_2844, %add3A_3094 : i32
      %iota3A_3096 = tpu.iota {dimensions = array<i32: 0>} : vector<16xi32>
      %add3A_3097 = vector.broadcast %add3A_3095 : i32 to vector<16xi32>
      %add3A_3098 = arith.addi %add3A_3097, %iota3A_3096 : vector<16xi32>
      %jit3A_3099 = arith.constant 200 : i32
      %div3A_3100 = vector.broadcast %jit3A_3099 : i32 to vector<16xi32>
      %div3A_3101 = arith.divsi %add3A_3098, %div3A_3100 : vector<16xi32>
      %sign3A_3102 = arith.constant 0 : i32
      %sign3A_3103 = vector.broadcast %sign3A_3102 : i32 to vector<16xi32>
      %sign3A_3104 = arith.cmpi sgt, %add3A_3098, %sign3A_3103 : vector<16xi32>
      %sign3A_3105 = arith.extui %sign3A_3104 : vector<16xi1> to vector<16xi32>
      %sign3A_3106 = arith.constant 0 : i32
      %sign3A_3107 = vector.broadcast %sign3A_3106 : i32 to vector<16xi32>
      %sign3A_3108 = arith.cmpi slt, %add3A_3098, %sign3A_3107 : vector<16xi32>
      %sign3A_3109 = arith.extui %sign3A_3108 : vector<16xi1> to vector<16xi32>
      %sign3A_3110 = arith.subi %sign3A_3105, %sign3A_3109 : vector<16xi32>
      %sign3A_3111 = arith.constant 0 : i32
      %sign3A_3112 = arith.cmpi sgt, %jit3A_3099, %sign3A_3111 : i32
      %sign3A_3113 = arith.extui %sign3A_3112 : i1 to i32
      %sign3A_3114 = arith.constant 0 : i32
      %sign3A_3115 = arith.cmpi slt, %jit3A_3099, %sign3A_3114 : i32
      %sign3A_3116 = arith.extui %sign3A_3115 : i1 to i32
      %sign3A_3117 = arith.subi %sign3A_3113, %sign3A_3116 : i32
      %ne3A_3118 = vector.broadcast %sign3A_3117 : i32 to vector<16xi32>
      %ne3A_3119 = arith.cmpi ne, %sign3A_3110, %ne3A_3118 : vector<16xi32>
      %rem3A_3120 = vector.broadcast %jit3A_3099 : i32 to vector<16xi32>
      %rem3A_3121 = arith.remsi %add3A_3098, %rem3A_3120 : vector<16xi32>
      %ne3A_3122 = arith.constant 0 : i32
      %ne3A_3123 = vector.broadcast %ne3A_3122 : i32 to vector<16xi32>
      %ne3A_3124 = arith.cmpi ne, %rem3A_3121, %ne3A_3123 : vector<16xi32>
      %and3A_3125 = arith.andi %ne3A_3119, %ne3A_3124 : vector<16xi1>
      %sub3A_3126 = arith.constant 1 : i32
      %sub3A_3127 = vector.broadcast %sub3A_3126 : i32 to vector<16xi32>
      %sub3A_3128 = arith.subi %div3A_3101, %sub3A_3127 : vector<16xi32>
      %select_n3A_3129 = arith.select %and3A_3125, %sub3A_3128, %div3A_3101 : vector<16xi1>, vector<16xi32>
      %add3A_3130 = vector.broadcast %mul3A_6 : i32 to vector<16xi32>
      %add3A_3131 = arith.addi %add3A_3130, %select_n3A_3129 : vector<16xi32>
      %gt3A_3132 = arith.constant 0 : i32
      %gt3A_3133 = vector.broadcast %gt3A_3132 : i32 to vector<16xi32>
      %gt3A_3134 = arith.cmpi sgt, %get3A_3093, %gt3A_3133 : vector<16xi32>
      %broadcast_in_dim3A_3135 = vector.broadcast %add3A_8 : i32 to vector<16xi32>
      %select_n3A_3136 = arith.select %gt3A_3134, %add3A_3131, %broadcast_in_dim3A_3135 : vector<16xi1>, vector<16xi32>
      %swap3A_3137 = arith.constant 80 : index
      %swap3A_3138 = tpu.vector_load %arg25[%swap3A_3137] {strides = array<i32>} : memref<128xi32, #tpu.memory_space<vmem>>, vector<16xi32>,
      tpu.vector_store %arg25[%swap3A_3137], %select_n3A_3136 {strides = array<i32>} : memref<128xi32, #tpu.memory_space<vmem>>, vector<16xi32>,
      %add3A_3139 = arith.constant 96 : i32
      %add3A_3140 = arith.addi %mul3A_2844, %add3A_3139 : i32
      %get3A_3141 = arith.index_cast %add3A_3140 : i32 to index
      %get3A_3142 = tpu.vector_load %arg7[%get3A_3141] {strides = array<i32>} : memref<25616xi32, #tpu.memory_space<vmem>>, vector<16xi32>,
      %add3A_3143 = arith.constant 96 : i32
      %add3A_3144 = arith.addi %mul3A_2844, %add3A_3143 : i32
      %iota3A_3145 = tpu.iota {dimensions = array<i32: 0>} : vector<16xi32>
      %add3A_3146 = vector.broadcast %add3A_3144 : i32 to vector<16xi32>
      %add3A_3147 = arith.addi %add3A_3146, %iota3A_3145 : vector<16xi32>
      %jit3A_3148 = arith.constant 200 : i32
      %div3A_3149 = vector.broadcast %jit3A_3148 : i32 to vector<16xi32>
      %div3A_3150 = arith.divsi %add3A_3147, %div3A_3149 : vector<16xi32>
      %sign3A_3151 = arith.constant 0 : i32
      %sign3A_3152 = vector.broadcast %sign3A_3151 : i32 to vector<16xi32>
      %sign3A_3153 = arith.cmpi sgt, %add3A_3147, %sign3A_3152 : vector<16xi32>
      %sign3A_3154 = arith.extui %sign3A_3153 : vector<16xi1> to vector<16xi32>
      %sign3A_3155 = arith.constant 0 : i32
      %sign3A_3156 = vector.broadcast %sign3A_3155 : i32 to vector<16xi32>
      %sign3A_3157 = arith.cmpi slt, %add3A_3147, %sign3A_3156 : vector<16xi32>
      %sign3A_3158 = arith.extui %sign3A_3157 : vector<16xi1> to vector<16xi32>
      %sign3A_3159 = arith.subi %sign3A_3154, %sign3A_3158 : vector<16xi32>
      %sign3A_3160 = arith.constant 0 : i32
      %sign3A_3161 = arith.cmpi sgt, %jit3A_3148, %sign3A_3160 : i32
      %sign3A_3162 = arith.extui %sign3A_3161 : i1 to i32
      %sign3A_3163 = arith.constant 0 : i32
      %sign3A_3164 = arith.cmpi slt, %jit3A_3148, %sign3A_3163 : i32
      %sign3A_3165 = arith.extui %sign3A_3164 : i1 to i32
      %sign3A_3166 = arith.subi %sign3A_3162, %sign3A_3165 : i32
      %ne3A_3167 = vector.broadcast %sign3A_3166 : i32 to vector<16xi32>
      %ne3A_3168 = arith.cmpi ne, %sign3A_3159, %ne3A_3167 : vector<16xi32>
      %rem3A_3169 = vector.broadcast %jit3A_3148 : i32 to vector<16xi32>
      %rem3A_3170 = arith.remsi %add3A_3147, %rem3A_3169 : vector<16xi32>
      %ne3A_3171 = arith.constant 0 : i32
      %ne3A_3172 = vector.broadcast %ne3A_3171 : i32 to vector<16xi32>
      %ne3A_3173 = arith.cmpi ne, %rem3A_3170, %ne3A_3172 : vector<16xi32>
      %and3A_3174 = arith.andi %ne3A_3168, %ne3A_3173 : vector<16xi1>
      %sub3A_3175 = arith.constant 1 : i32
      %sub3A_3176 = vector.broadcast %sub3A_3175 : i32 to vector<16xi32>
      %sub3A_3177 = arith.subi %div3A_3150, %sub3A_3176 : vector<16xi32>
      %select_n3A_3178 = arith.select %and3A_3174, %sub3A_3177, %div3A_3150 : vector<16xi1>, vector<16xi32>
      %add3A_3179 = vector.broadcast %mul3A_6 : i32 to vector<16xi32>
      %add3A_3180 = arith.addi %add3A_3179, %select_n3A_3178 : vector<16xi32>
      %gt3A_3181 = arith.constant 0 : i32
      %gt3A_3182 = vector.broadcast %gt3A_3181 : i32 to vector<16xi32>
      %gt3A_3183 = arith.cmpi sgt, %get3A_3142, %gt3A_3182 : vector<16xi32>
      %broadcast_in_dim3A_3184 = vector.broadcast %add3A_8 : i32 to vector<16xi32>
      %select_n3A_3185 = arith.select %gt3A_3183, %add3A_3180, %broadcast_in_dim3A_3184 : vector<16xi1>, vector<16xi32>
      %swap3A_3186 = arith.constant 96 : index
      %swap3A_3187 = tpu.vector_load %arg25[%swap3A_3186] {strides = array<i32>} : memref<128xi32, #tpu.memory_space<vmem>>, vector<16xi32>,
      tpu.vector_store %arg25[%swap3A_3186], %select_n3A_3185 {strides = array<i32>} : memref<128xi32, #tpu.memory_space<vmem>>, vector<16xi32>,
      %add3A_3188 = arith.constant 112 : i32
      %add3A_3189 = arith.addi %mul3A_2844, %add3A_3188 : i32
      %get3A_3190 = arith.index_cast %add3A_3189 : i32 to index
      %get3A_3191 = tpu.vector_load %arg7[%get3A_3190] {strides = array<i32>} : memref<25616xi32, #tpu.memory_space<vmem>>, vector<16xi32>,
      %add3A_3192 = arith.constant 112 : i32
      %add3A_3193 = arith.addi %mul3A_2844, %add3A_3192 : i32
      %iota3A_3194 = tpu.iota {dimensions = array<i32: 0>} : vector<16xi32>
      %add3A_3195 = vector.broadcast %add3A_3193 : i32 to vector<16xi32>
      %add3A_3196 = arith.addi %add3A_3195, %iota3A_3194 : vector<16xi32>
      %jit3A_3197 = arith.constant 200 : i32
      %div3A_3198 = vector.broadcast %jit3A_3197 : i32 to vector<16xi32>
      %div3A_3199 = arith.divsi %add3A_3196, %div3A_3198 : vector<16xi32>
      %sign3A_3200 = arith.constant 0 : i32
      %sign3A_3201 = vector.broadcast %sign3A_3200 : i32 to vector<16xi32>
      %sign3A_3202 = arith.cmpi sgt, %add3A_3196, %sign3A_3201 : vector<16xi32>
      %sign3A_3203 = arith.extui %sign3A_3202 : vector<16xi1> to vector<16xi32>
      %sign3A_3204 = arith.constant 0 : i32
      %sign3A_3205 = vector.broadcast %sign3A_3204 : i32 to vector<16xi32>
      %sign3A_3206 = arith.cmpi slt, %add3A_3196, %sign3A_3205 : vector<16xi32>
      %sign3A_3207 = arith.extui %sign3A_3206 : vector<16xi1> to vector<16xi32>
      %sign3A_3208 = arith.subi %sign3A_3203, %sign3A_3207 : vector<16xi32>
      %sign3A_3209 = arith.constant 0 : i32
      %sign3A_3210 = arith.cmpi sgt, %jit3A_3197, %sign3A_3209 : i32
      %sign3A_3211 = arith.extui %sign3A_3210 : i1 to i32
      %sign3A_3212 = arith.constant 0 : i32
      %sign3A_3213 = arith.cmpi slt, %jit3A_3197, %sign3A_3212 : i32
      %sign3A_3214 = arith.extui %sign3A_3213 : i1 to i32
      %sign3A_3215 = arith.subi %sign3A_3211, %sign3A_3214 : i32
      %ne3A_3216 = vector.broadcast %sign3A_3215 : i32 to vector<16xi32>
      %ne3A_3217 = arith.cmpi ne, %sign3A_3208, %ne3A_3216 : vector<16xi32>
      %rem3A_3218 = vector.broadcast %jit3A_3197 : i32 to vector<16xi32>
      %rem3A_3219 = arith.remsi %add3A_3196, %rem3A_3218 : vector<16xi32>
      %ne3A_3220 = arith.constant 0 : i32
      %ne3A_3221 = vector.broadcast %ne3A_3220 : i32 to vector<16xi32>
      %ne3A_3222 = arith.cmpi ne, %rem3A_3219, %ne3A_3221 : vector<16xi32>
      %and3A_3223 = arith.andi %ne3A_3217, %ne3A_3222 : vector<16xi1>
      %sub3A_3224 = arith.constant 1 : i32
      %sub3A_3225 = vector.broadcast %sub3A_3224 : i32 to vector<16xi32>
      %sub3A_3226 = arith.subi %div3A_3199, %sub3A_3225 : vector<16xi32>
      %select_n3A_3227 = arith.select %and3A_3223, %sub3A_3226, %div3A_3199 : vector<16xi1>, vector<16xi32>
      %add3A_3228 = vector.broadcast %mul3A_6 : i32 to vector<16xi32>
      %add3A_3229 = arith.addi %add3A_3228, %select_n3A_3227 : vector<16xi32>
      %gt3A_3230 = arith.constant 0 : i32
      %gt3A_3231 = vector.broadcast %gt3A_3230 : i32 to vector<16xi32>
      %gt3A_3232 = arith.cmpi sgt, %get3A_3191, %gt3A_3231 : vector<16xi32>
      %broadcast_in_dim3A_3233 = vector.broadcast %add3A_8 : i32 to vector<16xi32>
      %select_n3A_3234 = arith.select %gt3A_3232, %add3A_3229, %broadcast_in_dim3A_3233 : vector<16xi1>, vector<16xi32>
      %swap3A_3235 = arith.constant 112 : index
      %swap3A_3236 = tpu.vector_load %arg25[%swap3A_3235] {strides = array<i32>} : memref<128xi32, #tpu.memory_space<vmem>>, vector<16xi32>,
      tpu.vector_store %arg25[%swap3A_3235], %select_n3A_3234 {strides = array<i32>} : memref<128xi32, #tpu.memory_space<vmem>>, vector<16xi32>,
      %mul3A_3237 = arith.constant 128 : i32
      %mul3A_3238 = arith.muli %add3A_2830, %mul3A_3237 : i32
      %dma_wait3A_3239 = tpu.memref_slice %arg6[%mul3A_3238] : memref<25600xi32, #tpu.memory_space<vmem>> -> memref<128xi32, #tpu.memory_space<vmem>>
      %dma_wait3A_3240 = arith.constant 0 : i32
      %dma_wait3A_3241 = arith.constant 0 : i32
      %dma_wait3A_3242 = tpu.memref_slice %arg4[%dma_wait3A_3240, %dma_wait3A_3241] : memref<1000000x64xf32, #tpu.memory_space<hbm>> -> memref<1000000x64xf32, #tpu.memory_space<hbm>>
      tpu.wait_indirect_dma semaphore(%arg33 : memref<!tpu.dma_semaphore, #tpu.memory_space<semaphore_mem>>) src(%dma_wait3A_3242 : memref<1000000x64xf32, #tpu.memory_space<hbm>>) dst(%arg17 : memref<128x64xf32, #tpu.memory_space<vmem>>)
      %dma_start3A_3243 = arith.constant 0 : i32
      %dma_start3A_3244 = arith.constant 0 : i32
      %dma_start3A_3245 = tpu.memref_slice %arg10[%dma_start3A_3243, %dma_start3A_3244] : memref<2064x64xf32, #tpu.memory_space<vmem_shared>> -> memref<2064x64xf32, #tpu.memory_space<vmem_shared>>
      tpu.enqueue_indirect_dma source(%arg17 : memref<128x64xf32, #tpu.memory_space<vmem>>) target(%dma_start3A_3245 : memref<2064x64xf32, #tpu.memory_space<vmem_shared>>) offsets(%arg25 : memref<128xi32, #tpu.memory_space<vmem>>) semaphore(%arg41 : memref<!tpu.dma_semaphore, #tpu.memory_space<semaphore_mem>>) {add = true}
      %mul3A_3246 = arith.constant 8 : i32
      %mul3A_3247 = arith.muli %scan3A_326, %mul3A_3246 : i32
      %add3A_3248 = arith.constant 7 : i32
      %add3A_3249 = arith.addi %mul3A_3247, %add3A_3248 : i32
      %ge3A_3250 = arith.constant 2 : i32
      %ge3A_3251 = arith.cmpi sge, %add3A_3249, %ge3A_3250 : i32
      %convert_element_type3A_3252 = arith.extui %ge3A_3251 : i1 to i32
      %cond3A_3253 = arith.constant 0 : i32
      %cond3A_3254 = arith.cmpi ne, %convert_element_type3A_3252, %cond3A_3253 : i32
      scf.if %cond3A_3254 {
        %dma_wait3A_3666 = arith.constant 0 : i32
        %dma_wait3A_3667 = arith.constant 0 : i32
        %dma_wait3A_3668 = tpu.memref_slice %arg10[%dma_wait3A_3666, %dma_wait3A_3667] : memref<2064x64xf32, #tpu.memory_space<vmem_shared>> -> memref<2064x64xf32, #tpu.memory_space<vmem_shared>>
        tpu.wait_indirect_dma semaphore(%arg40 : memref<!tpu.dma_semaphore, #tpu.memory_space<semaphore_mem>>) src(%arg16 : memref<128x64xf32, #tpu.memory_space<vmem>>) dst(%dma_wait3A_3668 : memref<2064x64xf32, #tpu.memory_space<vmem_shared>>)
      } else {
      }
      %add3A_3255 = arith.constant 6 : i32
      %add3A_3256 = arith.addi %add3A_3249, %add3A_3255 : i32
      %lt3A_3257 = arith.constant 200 : i32
      %lt3A_3258 = arith.cmpi slt, %add3A_3256, %lt3A_3257 : i32
      %convert_element_type3A_3259 = arith.extui %lt3A_3258 : i1 to i32
      %cond3A_3260 = arith.constant 0 : i32
      %cond3A_3261 = arith.cmpi ne, %convert_element_type3A_3259, %cond3A_3260 : i32
      scf.if %cond3A_3261 {
        %add3A_3666 = arith.constant 6 : i32
        %add3A_3667 = arith.addi %add3A_3249, %add3A_3666 : i32
        %mul3A_3668 = arith.constant 128 : i32
        %mul3A_3669 = arith.muli %add3A_3667, %mul3A_3668 : i32
        %dma_start3A_3670 = tpu.memref_slice %arg6[%mul3A_3669] : memref<25600xi32, #tpu.memory_space<vmem>> -> memref<128xi32, #tpu.memory_space<vmem>>
        %dma_start3A_3671 = arith.constant 0 : i32
        %dma_start3A_3672 = arith.constant 0 : i32
        %dma_start3A_3673 = tpu.memref_slice %arg4[%dma_start3A_3671, %dma_start3A_3672] : memref<1000000x64xf32, #tpu.memory_space<hbm>> -> memref<1000000x64xf32, #tpu.memory_space<hbm>>
        tpu.enqueue_indirect_dma source(%dma_start3A_3673 : memref<1000000x64xf32, #tpu.memory_space<hbm>>) target(%arg16 : memref<128x64xf32, #tpu.memory_space<vmem>>) offsets(%dma_start3A_3670 : memref<128xi32, #tpu.memory_space<vmem>>) semaphore(%arg32 : memref<!tpu.dma_semaphore, #tpu.memory_space<semaphore_mem>>)
      } else {
      }
      %mul3A_3262 = arith.constant 128 : i32
      %mul3A_3263 = arith.muli %add3A_3249, %mul3A_3262 : i32
      %add3A_3264 = arith.constant 0 : i32
      %add3A_3265 = arith.addi %mul3A_3263, %add3A_3264 : i32
      %get3A_3266 = arith.index_cast %add3A_3265 : i32 to index
      %get3A_3267 = tpu.vector_load %arg7[%get3A_3266] {strides = array<i32>} : memref<25616xi32, #tpu.memory_space<vmem>>, vector<16xi32>,
      %add3A_3268 = arith.constant 0 : i32
      %add3A_3269 = arith.addi %mul3A_3263, %add3A_3268 : i32
      %iota3A_3270 = tpu.iota {dimensions = array<i32: 0>} : vector<16xi32>
      %add3A_3271 = vector.broadcast %add3A_3269 : i32 to vector<16xi32>
      %add3A_3272 = arith.addi %add3A_3271, %iota3A_3270 : vector<16xi32>
      %jit3A_3273 = arith.constant 200 : i32
      %div3A_3274 = vector.broadcast %jit3A_3273 : i32 to vector<16xi32>
      %div3A_3275 = arith.divsi %add3A_3272, %div3A_3274 : vector<16xi32>
      %sign3A_3276 = arith.constant 0 : i32
      %sign3A_3277 = vector.broadcast %sign3A_3276 : i32 to vector<16xi32>
      %sign3A_3278 = arith.cmpi sgt, %add3A_3272, %sign3A_3277 : vector<16xi32>
      %sign3A_3279 = arith.extui %sign3A_3278 : vector<16xi1> to vector<16xi32>
      %sign3A_3280 = arith.constant 0 : i32
      %sign3A_3281 = vector.broadcast %sign3A_3280 : i32 to vector<16xi32>
      %sign3A_3282 = arith.cmpi slt, %add3A_3272, %sign3A_3281 : vector<16xi32>
      %sign3A_3283 = arith.extui %sign3A_3282 : vector<16xi1> to vector<16xi32>
      %sign3A_3284 = arith.subi %sign3A_3279, %sign3A_3283 : vector<16xi32>
      %sign3A_3285 = arith.constant 0 : i32
      %sign3A_3286 = arith.cmpi sgt, %jit3A_3273, %sign3A_3285 : i32
      %sign3A_3287 = arith.extui %sign3A_3286 : i1 to i32
      %sign3A_3288 = arith.constant 0 : i32
      %sign3A_3289 = arith.cmpi slt, %jit3A_3273, %sign3A_3288 : i32
      %sign3A_3290 = arith.extui %sign3A_3289 : i1 to i32
      %sign3A_3291 = arith.subi %sign3A_3287, %sign3A_3290 : i32
      %ne3A_3292 = vector.broadcast %sign3A_3291 : i32 to vector<16xi32>
      %ne3A_3293 = arith.cmpi ne, %sign3A_3284, %ne3A_3292 : vector<16xi32>
      %rem3A_3294 = vector.broadcast %jit3A_3273 : i32 to vector<16xi32>
      %rem3A_3295 = arith.remsi %add3A_3272, %rem3A_3294 : vector<16xi32>
      %ne3A_3296 = arith.constant 0 : i32
      %ne3A_3297 = vector.broadcast %ne3A_3296 : i32 to vector<16xi32>
      %ne3A_3298 = arith.cmpi ne, %rem3A_3295, %ne3A_3297 : vector<16xi32>
      %and3A_3299 = arith.andi %ne3A_3293, %ne3A_3298 : vector<16xi1>
      %sub3A_3300 = arith.constant 1 : i32
      %sub3A_3301 = vector.broadcast %sub3A_3300 : i32 to vector<16xi32>
      %sub3A_3302 = arith.subi %div3A_3275, %sub3A_3301 : vector<16xi32>
      %select_n3A_3303 = arith.select %and3A_3299, %sub3A_3302, %div3A_3275 : vector<16xi1>, vector<16xi32>
      %add3A_3304 = vector.broadcast %mul3A_6 : i32 to vector<16xi32>
      %add3A_3305 = arith.addi %add3A_3304, %select_n3A_3303 : vector<16xi32>
      %gt3A_3306 = arith.constant 0 : i32
      %gt3A_3307 = vector.broadcast %gt3A_3306 : i32 to vector<16xi32>
      %gt3A_3308 = arith.cmpi sgt, %get3A_3267, %gt3A_3307 : vector<16xi32>
      %broadcast_in_dim3A_3309 = vector.broadcast %add3A_8 : i32 to vector<16xi32>
      %select_n3A_3310 = arith.select %gt3A_3308, %add3A_3305, %broadcast_in_dim3A_3309 : vector<16xi1>, vector<16xi32>
      %swap3A_3311 = arith.constant 0 : index
      %swap3A_3312 = tpu.vector_load %arg26[%swap3A_3311] {strides = array<i32>} : memref<128xi32, #tpu.memory_space<vmem>>, vector<16xi32>,
      tpu.vector_store %arg26[%swap3A_3311], %select_n3A_3310 {strides = array<i32>} : memref<128xi32, #tpu.memory_space<vmem>>, vector<16xi32>,
      %add3A_3313 = arith.constant 16 : i32
      %add3A_3314 = arith.addi %mul3A_3263, %add3A_3313 : i32
      %get3A_3315 = arith.index_cast %add3A_3314 : i32 to index
      %get3A_3316 = tpu.vector_load %arg7[%get3A_3315] {strides = array<i32>} : memref<25616xi32, #tpu.memory_space<vmem>>, vector<16xi32>,
      %add3A_3317 = arith.constant 16 : i32
      %add3A_3318 = arith.addi %mul3A_3263, %add3A_3317 : i32
      %iota3A_3319 = tpu.iota {dimensions = array<i32: 0>} : vector<16xi32>
      %add3A_3320 = vector.broadcast %add3A_3318 : i32 to vector<16xi32>
      %add3A_3321 = arith.addi %add3A_3320, %iota3A_3319 : vector<16xi32>
      %jit3A_3322 = arith.constant 200 : i32
      %div3A_3323 = vector.broadcast %jit3A_3322 : i32 to vector<16xi32>
      %div3A_3324 = arith.divsi %add3A_3321, %div3A_3323 : vector<16xi32>
      %sign3A_3325 = arith.constant 0 : i32
      %sign3A_3326 = vector.broadcast %sign3A_3325 : i32 to vector<16xi32>
      %sign3A_3327 = arith.cmpi sgt, %add3A_3321, %sign3A_3326 : vector<16xi32>
      %sign3A_3328 = arith.extui %sign3A_3327 : vector<16xi1> to vector<16xi32>
      %sign3A_3329 = arith.constant 0 : i32
      %sign3A_3330 = vector.broadcast %sign3A_3329 : i32 to vector<16xi32>
      %sign3A_3331 = arith.cmpi slt, %add3A_3321, %sign3A_3330 : vector<16xi32>
      %sign3A_3332 = arith.extui %sign3A_3331 : vector<16xi1> to vector<16xi32>
      %sign3A_3333 = arith.subi %sign3A_3328, %sign3A_3332 : vector<16xi32>
      %sign3A_3334 = arith.constant 0 : i32
      %sign3A_3335 = arith.cmpi sgt, %jit3A_3322, %sign3A_3334 : i32
      %sign3A_3336 = arith.extui %sign3A_3335 : i1 to i32
      %sign3A_3337 = arith.constant 0 : i32
      %sign3A_3338 = arith.cmpi slt, %jit3A_3322, %sign3A_3337 : i32
      %sign3A_3339 = arith.extui %sign3A_3338 : i1 to i32
      %sign3A_3340 = arith.subi %sign3A_3336, %sign3A_3339 : i32
      %ne3A_3341 = vector.broadcast %sign3A_3340 : i32 to vector<16xi32>
      %ne3A_3342 = arith.cmpi ne, %sign3A_3333, %ne3A_3341 : vector<16xi32>
      %rem3A_3343 = vector.broadcast %jit3A_3322 : i32 to vector<16xi32>
      %rem3A_3344 = arith.remsi %add3A_3321, %rem3A_3343 : vector<16xi32>
      %ne3A_3345 = arith.constant 0 : i32
      %ne3A_3346 = vector.broadcast %ne3A_3345 : i32 to vector<16xi32>
      %ne3A_3347 = arith.cmpi ne, %rem3A_3344, %ne3A_3346 : vector<16xi32>
      %and3A_3348 = arith.andi %ne3A_3342, %ne3A_3347 : vector<16xi1>
      %sub3A_3349 = arith.constant 1 : i32
      %sub3A_3350 = vector.broadcast %sub3A_3349 : i32 to vector<16xi32>
      %sub3A_3351 = arith.subi %div3A_3324, %sub3A_3350 : vector<16xi32>
      %select_n3A_3352 = arith.select %and3A_3348, %sub3A_3351, %div3A_3324 : vector<16xi1>, vector<16xi32>
      %add3A_3353 = vector.broadcast %mul3A_6 : i32 to vector<16xi32>
      %add3A_3354 = arith.addi %add3A_3353, %select_n3A_3352 : vector<16xi32>
      %gt3A_3355 = arith.constant 0 : i32
      %gt3A_3356 = vector.broadcast %gt3A_3355 : i32 to vector<16xi32>
      %gt3A_3357 = arith.cmpi sgt, %get3A_3316, %gt3A_3356 : vector<16xi32>
      %broadcast_in_dim3A_3358 = vector.broadcast %add3A_8 : i32 to vector<16xi32>
      %select_n3A_3359 = arith.select %gt3A_3357, %add3A_3354, %broadcast_in_dim3A_3358 : vector<16xi1>, vector<16xi32>
      %swap3A_3360 = arith.constant 16 : index
      %swap3A_3361 = tpu.vector_load %arg26[%swap3A_3360] {strides = array<i32>} : memref<128xi32, #tpu.memory_space<vmem>>, vector<16xi32>,
      tpu.vector_store %arg26[%swap3A_3360], %select_n3A_3359 {strides = array<i32>} : memref<128xi32, #tpu.memory_space<vmem>>, vector<16xi32>,
      %add3A_3362 = arith.constant 32 : i32
      %add3A_3363 = arith.addi %mul3A_3263, %add3A_3362 : i32
      %get3A_3364 = arith.index_cast %add3A_3363 : i32 to index
      %get3A_3365 = tpu.vector_load %arg7[%get3A_3364] {strides = array<i32>} : memref<25616xi32, #tpu.memory_space<vmem>>, vector<16xi32>,
      %add3A_3366 = arith.constant 32 : i32
      %add3A_3367 = arith.addi %mul3A_3263, %add3A_3366 : i32
      %iota3A_3368 = tpu.iota {dimensions = array<i32: 0>} : vector<16xi32>
      %add3A_3369 = vector.broadcast %add3A_3367 : i32 to vector<16xi32>
      %add3A_3370 = arith.addi %add3A_3369, %iota3A_3368 : vector<16xi32>
      %jit3A_3371 = arith.constant 200 : i32
      %div3A_3372 = vector.broadcast %jit3A_3371 : i32 to vector<16xi32>
      %div3A_3373 = arith.divsi %add3A_3370, %div3A_3372 : vector<16xi32>
      %sign3A_3374 = arith.constant 0 : i32
      %sign3A_3375 = vector.broadcast %sign3A_3374 : i32 to vector<16xi32>
      %sign3A_3376 = arith.cmpi sgt, %add3A_3370, %sign3A_3375 : vector<16xi32>
      %sign3A_3377 = arith.extui %sign3A_3376 : vector<16xi1> to vector<16xi32>
      %sign3A_3378 = arith.constant 0 : i32
      %sign3A_3379 = vector.broadcast %sign3A_3378 : i32 to vector<16xi32>
      %sign3A_3380 = arith.cmpi slt, %add3A_3370, %sign3A_3379 : vector<16xi32>
      %sign3A_3381 = arith.extui %sign3A_3380 : vector<16xi1> to vector<16xi32>
      %sign3A_3382 = arith.subi %sign3A_3377, %sign3A_3381 : vector<16xi32>
      %sign3A_3383 = arith.constant 0 : i32
      %sign3A_3384 = arith.cmpi sgt, %jit3A_3371, %sign3A_3383 : i32
      %sign3A_3385 = arith.extui %sign3A_3384 : i1 to i32
      %sign3A_3386 = arith.constant 0 : i32
      %sign3A_3387 = arith.cmpi slt, %jit3A_3371, %sign3A_3386 : i32
      %sign3A_3388 = arith.extui %sign3A_3387 : i1 to i32
      %sign3A_3389 = arith.subi %sign3A_3385, %sign3A_3388 : i32
      %ne3A_3390 = vector.broadcast %sign3A_3389 : i32 to vector<16xi32>
      %ne3A_3391 = arith.cmpi ne, %sign3A_3382, %ne3A_3390 : vector<16xi32>
      %rem3A_3392 = vector.broadcast %jit3A_3371 : i32 to vector<16xi32>
      %rem3A_3393 = arith.remsi %add3A_3370, %rem3A_3392 : vector<16xi32>
      %ne3A_3394 = arith.constant 0 : i32
      %ne3A_3395 = vector.broadcast %ne3A_3394 : i32 to vector<16xi32>
      %ne3A_3396 = arith.cmpi ne, %rem3A_3393, %ne3A_3395 : vector<16xi32>
      %and3A_3397 = arith.andi %ne3A_3391, %ne3A_3396 : vector<16xi1>
      %sub3A_3398 = arith.constant 1 : i32
      %sub3A_3399 = vector.broadcast %sub3A_3398 : i32 to vector<16xi32>
      %sub3A_3400 = arith.subi %div3A_3373, %sub3A_3399 : vector<16xi32>
      %select_n3A_3401 = arith.select %and3A_3397, %sub3A_3400, %div3A_3373 : vector<16xi1>, vector<16xi32>
      %add3A_3402 = vector.broadcast %mul3A_6 : i32 to vector<16xi32>
      %add3A_3403 = arith.addi %add3A_3402, %select_n3A_3401 : vector<16xi32>
      %gt3A_3404 = arith.constant 0 : i32
      %gt3A_3405 = vector.broadcast %gt3A_3404 : i32 to vector<16xi32>
      %gt3A_3406 = arith.cmpi sgt, %get3A_3365, %gt3A_3405 : vector<16xi32>
      %broadcast_in_dim3A_3407 = vector.broadcast %add3A_8 : i32 to vector<16xi32>
      %select_n3A_3408 = arith.select %gt3A_3406, %add3A_3403, %broadcast_in_dim3A_3407 : vector<16xi1>, vector<16xi32>
      %swap3A_3409 = arith.constant 32 : index
      %swap3A_3410 = tpu.vector_load %arg26[%swap3A_3409] {strides = array<i32>} : memref<128xi32, #tpu.memory_space<vmem>>, vector<16xi32>,
      tpu.vector_store %arg26[%swap3A_3409], %select_n3A_3408 {strides = array<i32>} : memref<128xi32, #tpu.memory_space<vmem>>, vector<16xi32>,
      %add3A_3411 = arith.constant 48 : i32
      %add3A_3412 = arith.addi %mul3A_3263, %add3A_3411 : i32
      %get3A_3413 = arith.index_cast %add3A_3412 : i32 to index
      %get3A_3414 = tpu.vector_load %arg7[%get3A_3413] {strides = array<i32>} : memref<25616xi32, #tpu.memory_space<vmem>>, vector<16xi32>,
      %add3A_3415 = arith.constant 48 : i32
      %add3A_3416 = arith.addi %mul3A_3263, %add3A_3415 : i32
      %iota3A_3417 = tpu.iota {dimensions = array<i32: 0>} : vector<16xi32>
      %add3A_3418 = vector.broadcast %add3A_3416 : i32 to vector<16xi32>
      %add3A_3419 = arith.addi %add3A_3418, %iota3A_3417 : vector<16xi32>
      %jit3A_3420 = arith.constant 200 : i32
      %div3A_3421 = vector.broadcast %jit3A_3420 : i32 to vector<16xi32>
      %div3A_3422 = arith.divsi %add3A_3419, %div3A_3421 : vector<16xi32>
      %sign3A_3423 = arith.constant 0 : i32
      %sign3A_3424 = vector.broadcast %sign3A_3423 : i32 to vector<16xi32>
      %sign3A_3425 = arith.cmpi sgt, %add3A_3419, %sign3A_3424 : vector<16xi32>
      %sign3A_3426 = arith.extui %sign3A_3425 : vector<16xi1> to vector<16xi32>
      %sign3A_3427 = arith.constant 0 : i32
      %sign3A_3428 = vector.broadcast %sign3A_3427 : i32 to vector<16xi32>
      %sign3A_3429 = arith.cmpi slt, %add3A_3419, %sign3A_3428 : vector<16xi32>
      %sign3A_3430 = arith.extui %sign3A_3429 : vector<16xi1> to vector<16xi32>
      %sign3A_3431 = arith.subi %sign3A_3426, %sign3A_3430 : vector<16xi32>
      %sign3A_3432 = arith.constant 0 : i32
      %sign3A_3433 = arith.cmpi sgt, %jit3A_3420, %sign3A_3432 : i32
      %sign3A_3434 = arith.extui %sign3A_3433 : i1 to i32
      %sign3A_3435 = arith.constant 0 : i32
      %sign3A_3436 = arith.cmpi slt, %jit3A_3420, %sign3A_3435 : i32
      %sign3A_3437 = arith.extui %sign3A_3436 : i1 to i32
      %sign3A_3438 = arith.subi %sign3A_3434, %sign3A_3437 : i32
      %ne3A_3439 = vector.broadcast %sign3A_3438 : i32 to vector<16xi32>
      %ne3A_3440 = arith.cmpi ne, %sign3A_3431, %ne3A_3439 : vector<16xi32>
      %rem3A_3441 = vector.broadcast %jit3A_3420 : i32 to vector<16xi32>
      %rem3A_3442 = arith.remsi %add3A_3419, %rem3A_3441 : vector<16xi32>
      %ne3A_3443 = arith.constant 0 : i32
      %ne3A_3444 = vector.broadcast %ne3A_3443 : i32 to vector<16xi32>
      %ne3A_3445 = arith.cmpi ne, %rem3A_3442, %ne3A_3444 : vector<16xi32>
      %and3A_3446 = arith.andi %ne3A_3440, %ne3A_3445 : vector<16xi1>
      %sub3A_3447 = arith.constant 1 : i32
      %sub3A_3448 = vector.broadcast %sub3A_3447 : i32 to vector<16xi32>
      %sub3A_3449 = arith.subi %div3A_3422, %sub3A_3448 : vector<16xi32>
      %select_n3A_3450 = arith.select %and3A_3446, %sub3A_3449, %div3A_3422 : vector<16xi1>, vector<16xi32>
      %add3A_3451 = vector.broadcast %mul3A_6 : i32 to vector<16xi32>
      %add3A_3452 = arith.addi %add3A_3451, %select_n3A_3450 : vector<16xi32>
      %gt3A_3453 = arith.constant 0 : i32
      %gt3A_3454 = vector.broadcast %gt3A_3453 : i32 to vector<16xi32>
      %gt3A_3455 = arith.cmpi sgt, %get3A_3414, %gt3A_3454 : vector<16xi32>
      %broadcast_in_dim3A_3456 = vector.broadcast %add3A_8 : i32 to vector<16xi32>
      %select_n3A_3457 = arith.select %gt3A_3455, %add3A_3452, %broadcast_in_dim3A_3456 : vector<16xi1>, vector<16xi32>
      %swap3A_3458 = arith.constant 48 : index
      %swap3A_3459 = tpu.vector_load %arg26[%swap3A_3458] {strides = array<i32>} : memref<128xi32, #tpu.memory_space<vmem>>, vector<16xi32>,
      tpu.vector_store %arg26[%swap3A_3458], %select_n3A_3457 {strides = array<i32>} : memref<128xi32, #tpu.memory_space<vmem>>, vector<16xi32>,
      %add3A_3460 = arith.constant 64 : i32
      %add3A_3461 = arith.addi %mul3A_3263, %add3A_3460 : i32
      %get3A_3462 = arith.index_cast %add3A_3461 : i32 to index
      %get3A_3463 = tpu.vector_load %arg7[%get3A_3462] {strides = array<i32>} : memref<25616xi32, #tpu.memory_space<vmem>>, vector<16xi32>,
      %add3A_3464 = arith.constant 64 : i32
      %add3A_3465 = arith.addi %mul3A_3263, %add3A_3464 : i32
      %iota3A_3466 = tpu.iota {dimensions = array<i32: 0>} : vector<16xi32>
      %add3A_3467 = vector.broadcast %add3A_3465 : i32 to vector<16xi32>
      %add3A_3468 = arith.addi %add3A_3467, %iota3A_3466 : vector<16xi32>
      %jit3A_3469 = arith.constant 200 : i32
      %div3A_3470 = vector.broadcast %jit3A_3469 : i32 to vector<16xi32>
      %div3A_3471 = arith.divsi %add3A_3468, %div3A_3470 : vector<16xi32>
      %sign3A_3472 = arith.constant 0 : i32
      %sign3A_3473 = vector.broadcast %sign3A_3472 : i32 to vector<16xi32>
      %sign3A_3474 = arith.cmpi sgt, %add3A_3468, %sign3A_3473 : vector<16xi32>
      %sign3A_3475 = arith.extui %sign3A_3474 : vector<16xi1> to vector<16xi32>
      %sign3A_3476 = arith.constant 0 : i32
      %sign3A_3477 = vector.broadcast %sign3A_3476 : i32 to vector<16xi32>
      %sign3A_3478 = arith.cmpi slt, %add3A_3468, %sign3A_3477 : vector<16xi32>
      %sign3A_3479 = arith.extui %sign3A_3478 : vector<16xi1> to vector<16xi32>
      %sign3A_3480 = arith.subi %sign3A_3475, %sign3A_3479 : vector<16xi32>
      %sign3A_3481 = arith.constant 0 : i32
      %sign3A_3482 = arith.cmpi sgt, %jit3A_3469, %sign3A_3481 : i32
      %sign3A_3483 = arith.extui %sign3A_3482 : i1 to i32
      %sign3A_3484 = arith.constant 0 : i32
      %sign3A_3485 = arith.cmpi slt, %jit3A_3469, %sign3A_3484 : i32
      %sign3A_3486 = arith.extui %sign3A_3485 : i1 to i32
      %sign3A_3487 = arith.subi %sign3A_3483, %sign3A_3486 : i32
      %ne3A_3488 = vector.broadcast %sign3A_3487 : i32 to vector<16xi32>
      %ne3A_3489 = arith.cmpi ne, %sign3A_3480, %ne3A_3488 : vector<16xi32>
      %rem3A_3490 = vector.broadcast %jit3A_3469 : i32 to vector<16xi32>
      %rem3A_3491 = arith.remsi %add3A_3468, %rem3A_3490 : vector<16xi32>
      %ne3A_3492 = arith.constant 0 : i32
      %ne3A_3493 = vector.broadcast %ne3A_3492 : i32 to vector<16xi32>
      %ne3A_3494 = arith.cmpi ne, %rem3A_3491, %ne3A_3493 : vector<16xi32>
      %and3A_3495 = arith.andi %ne3A_3489, %ne3A_3494 : vector<16xi1>
      %sub3A_3496 = arith.constant 1 : i32
      %sub3A_3497 = vector.broadcast %sub3A_3496 : i32 to vector<16xi32>
      %sub3A_3498 = arith.subi %div3A_3471, %sub3A_3497 : vector<16xi32>
      %select_n3A_3499 = arith.select %and3A_3495, %sub3A_3498, %div3A_3471 : vector<16xi1>, vector<16xi32>
      %add3A_3500 = vector.broadcast %mul3A_6 : i32 to vector<16xi32>
      %add3A_3501 = arith.addi %add3A_3500, %select_n3A_3499 : vector<16xi32>
      %gt3A_3502 = arith.constant 0 : i32
      %gt3A_3503 = vector.broadcast %gt3A_3502 : i32 to vector<16xi32>
      %gt3A_3504 = arith.cmpi sgt, %get3A_3463, %gt3A_3503 : vector<16xi32>
      %broadcast_in_dim3A_3505 = vector.broadcast %add3A_8 : i32 to vector<16xi32>
      %select_n3A_3506 = arith.select %gt3A_3504, %add3A_3501, %broadcast_in_dim3A_3505 : vector<16xi1>, vector<16xi32>
      %swap3A_3507 = arith.constant 64 : index
      %swap3A_3508 = tpu.vector_load %arg26[%swap3A_3507] {strides = array<i32>} : memref<128xi32, #tpu.memory_space<vmem>>, vector<16xi32>,
      tpu.vector_store %arg26[%swap3A_3507], %select_n3A_3506 {strides = array<i32>} : memref<128xi32, #tpu.memory_space<vmem>>, vector<16xi32>,
      %add3A_3509 = arith.constant 80 : i32
      %add3A_3510 = arith.addi %mul3A_3263, %add3A_3509 : i32
      %get3A_3511 = arith.index_cast %add3A_3510 : i32 to index
      %get3A_3512 = tpu.vector_load %arg7[%get3A_3511] {strides = array<i32>} : memref<25616xi32, #tpu.memory_space<vmem>>, vector<16xi32>,
      %add3A_3513 = arith.constant 80 : i32
      %add3A_3514 = arith.addi %mul3A_3263, %add3A_3513 : i32
      %iota3A_3515 = tpu.iota {dimensions = array<i32: 0>} : vector<16xi32>
      %add3A_3516 = vector.broadcast %add3A_3514 : i32 to vector<16xi32>
      %add3A_3517 = arith.addi %add3A_3516, %iota3A_3515 : vector<16xi32>
      %jit3A_3518 = arith.constant 200 : i32
      %div3A_3519 = vector.broadcast %jit3A_3518 : i32 to vector<16xi32>
      %div3A_3520 = arith.divsi %add3A_3517, %div3A_3519 : vector<16xi32>
      %sign3A_3521 = arith.constant 0 : i32
      %sign3A_3522 = vector.broadcast %sign3A_3521 : i32 to vector<16xi32>
      %sign3A_3523 = arith.cmpi sgt, %add3A_3517, %sign3A_3522 : vector<16xi32>
      %sign3A_3524 = arith.extui %sign3A_3523 : vector<16xi1> to vector<16xi32>
      %sign3A_3525 = arith.constant 0 : i32
      %sign3A_3526 = vector.broadcast %sign3A_3525 : i32 to vector<16xi32>
      %sign3A_3527 = arith.cmpi slt, %add3A_3517, %sign3A_3526 : vector<16xi32>
      %sign3A_3528 = arith.extui %sign3A_3527 : vector<16xi1> to vector<16xi32>
      %sign3A_3529 = arith.subi %sign3A_3524, %sign3A_3528 : vector<16xi32>
      %sign3A_3530 = arith.constant 0 : i32
      %sign3A_3531 = arith.cmpi sgt, %jit3A_3518, %sign3A_3530 : i32
      %sign3A_3532 = arith.extui %sign3A_3531 : i1 to i32
      %sign3A_3533 = arith.constant 0 : i32
      %sign3A_3534 = arith.cmpi slt, %jit3A_3518, %sign3A_3533 : i32
      %sign3A_3535 = arith.extui %sign3A_3534 : i1 to i32
      %sign3A_3536 = arith.subi %sign3A_3532, %sign3A_3535 : i32
      %ne3A_3537 = vector.broadcast %sign3A_3536 : i32 to vector<16xi32>
      %ne3A_3538 = arith.cmpi ne, %sign3A_3529, %ne3A_3537 : vector<16xi32>
      %rem3A_3539 = vector.broadcast %jit3A_3518 : i32 to vector<16xi32>
      %rem3A_3540 = arith.remsi %add3A_3517, %rem3A_3539 : vector<16xi32>
      %ne3A_3541 = arith.constant 0 : i32
      %ne3A_3542 = vector.broadcast %ne3A_3541 : i32 to vector<16xi32>
      %ne3A_3543 = arith.cmpi ne, %rem3A_3540, %ne3A_3542 : vector<16xi32>
      %and3A_3544 = arith.andi %ne3A_3538, %ne3A_3543 : vector<16xi1>
      %sub3A_3545 = arith.constant 1 : i32
      %sub3A_3546 = vector.broadcast %sub3A_3545 : i32 to vector<16xi32>
      %sub3A_3547 = arith.subi %div3A_3520, %sub3A_3546 : vector<16xi32>
      %select_n3A_3548 = arith.select %and3A_3544, %sub3A_3547, %div3A_3520 : vector<16xi1>, vector<16xi32>
      %add3A_3549 = vector.broadcast %mul3A_6 : i32 to vector<16xi32>
      %add3A_3550 = arith.addi %add3A_3549, %select_n3A_3548 : vector<16xi32>
      %gt3A_3551 = arith.constant 0 : i32
      %gt3A_3552 = vector.broadcast %gt3A_3551 : i32 to vector<16xi32>
      %gt3A_3553 = arith.cmpi sgt, %get3A_3512, %gt3A_3552 : vector<16xi32>
      %broadcast_in_dim3A_3554 = vector.broadcast %add3A_8 : i32 to vector<16xi32>
      %select_n3A_3555 = arith.select %gt3A_3553, %add3A_3550, %broadcast_in_dim3A_3554 : vector<16xi1>, vector<16xi32>
      %swap3A_3556 = arith.constant 80 : index
      %swap3A_3557 = tpu.vector_load %arg26[%swap3A_3556] {strides = array<i32>} : memref<128xi32, #tpu.memory_space<vmem>>, vector<16xi32>,
      tpu.vector_store %arg26[%swap3A_3556], %select_n3A_3555 {strides = array<i32>} : memref<128xi32, #tpu.memory_space<vmem>>, vector<16xi32>,
      %add3A_3558 = arith.constant 96 : i32
      %add3A_3559 = arith.addi %mul3A_3263, %add3A_3558 : i32
      %get3A_3560 = arith.index_cast %add3A_3559 : i32 to index
      %get3A_3561 = tpu.vector_load %arg7[%get3A_3560] {strides = array<i32>} : memref<25616xi32, #tpu.memory_space<vmem>>, vector<16xi32>,
      %add3A_3562 = arith.constant 96 : i32
      %add3A_3563 = arith.addi %mul3A_3263, %add3A_3562 : i32
      %iota3A_3564 = tpu.iota {dimensions = array<i32: 0>} : vector<16xi32>
      %add3A_3565 = vector.broadcast %add3A_3563 : i32 to vector<16xi32>
      %add3A_3566 = arith.addi %add3A_3565, %iota3A_3564 : vector<16xi32>
      %jit3A_3567 = arith.constant 200 : i32
      %div3A_3568 = vector.broadcast %jit3A_3567 : i32 to vector<16xi32>
      %div3A_3569 = arith.divsi %add3A_3566, %div3A_3568 : vector<16xi32>
      %sign3A_3570 = arith.constant 0 : i32
      %sign3A_3571 = vector.broadcast %sign3A_3570 : i32 to vector<16xi32>
      %sign3A_3572 = arith.cmpi sgt, %add3A_3566, %sign3A_3571 : vector<16xi32>
      %sign3A_3573 = arith.extui %sign3A_3572 : vector<16xi1> to vector<16xi32>
      %sign3A_3574 = arith.constant 0 : i32
      %sign3A_3575 = vector.broadcast %sign3A_3574 : i32 to vector<16xi32>
      %sign3A_3576 = arith.cmpi slt, %add3A_3566, %sign3A_3575 : vector<16xi32>
      %sign3A_3577 = arith.extui %sign3A_3576 : vector<16xi1> to vector<16xi32>
      %sign3A_3578 = arith.subi %sign3A_3573, %sign3A_3577 : vector<16xi32>
      %sign3A_3579 = arith.constant 0 : i32
      %sign3A_3580 = arith.cmpi sgt, %jit3A_3567, %sign3A_3579 : i32
      %sign3A_3581 = arith.extui %sign3A_3580 : i1 to i32
      %sign3A_3582 = arith.constant 0 : i32
      %sign3A_3583 = arith.cmpi slt, %jit3A_3567, %sign3A_3582 : i32
      %sign3A_3584 = arith.extui %sign3A_3583 : i1 to i32
      %sign3A_3585 = arith.subi %sign3A_3581, %sign3A_3584 : i32
      %ne3A_3586 = vector.broadcast %sign3A_3585 : i32 to vector<16xi32>
      %ne3A_3587 = arith.cmpi ne, %sign3A_3578, %ne3A_3586 : vector<16xi32>
      %rem3A_3588 = vector.broadcast %jit3A_3567 : i32 to vector<16xi32>
      %rem3A_3589 = arith.remsi %add3A_3566, %rem3A_3588 : vector<16xi32>
      %ne3A_3590 = arith.constant 0 : i32
      %ne3A_3591 = vector.broadcast %ne3A_3590 : i32 to vector<16xi32>
      %ne3A_3592 = arith.cmpi ne, %rem3A_3589, %ne3A_3591 : vector<16xi32>
      %and3A_3593 = arith.andi %ne3A_3587, %ne3A_3592 : vector<16xi1>
      %sub3A_3594 = arith.constant 1 : i32
      %sub3A_3595 = vector.broadcast %sub3A_3594 : i32 to vector<16xi32>
      %sub3A_3596 = arith.subi %div3A_3569, %sub3A_3595 : vector<16xi32>
      %select_n3A_3597 = arith.select %and3A_3593, %sub3A_3596, %div3A_3569 : vector<16xi1>, vector<16xi32>
      %add3A_3598 = vector.broadcast %mul3A_6 : i32 to vector<16xi32>
      %add3A_3599 = arith.addi %add3A_3598, %select_n3A_3597 : vector<16xi32>
      %gt3A_3600 = arith.constant 0 : i32
      %gt3A_3601 = vector.broadcast %gt3A_3600 : i32 to vector<16xi32>
      %gt3A_3602 = arith.cmpi sgt, %get3A_3561, %gt3A_3601 : vector<16xi32>
      %broadcast_in_dim3A_3603 = vector.broadcast %add3A_8 : i32 to vector<16xi32>
      %select_n3A_3604 = arith.select %gt3A_3602, %add3A_3599, %broadcast_in_dim3A_3603 : vector<16xi1>, vector<16xi32>
      %swap3A_3605 = arith.constant 96 : index
      %swap3A_3606 = tpu.vector_load %arg26[%swap3A_3605] {strides = array<i32>} : memref<128xi32, #tpu.memory_space<vmem>>, vector<16xi32>,
      tpu.vector_store %arg26[%swap3A_3605], %select_n3A_3604 {strides = array<i32>} : memref<128xi32, #tpu.memory_space<vmem>>, vector<16xi32>,
      %add3A_3607 = arith.constant 112 : i32
      %add3A_3608 = arith.addi %mul3A_3263, %add3A_3607 : i32
      %get3A_3609 = arith.index_cast %add3A_3608 : i32 to index
      %get3A_3610 = tpu.vector_load %arg7[%get3A_3609] {strides = array<i32>} : memref<25616xi32, #tpu.memory_space<vmem>>, vector<16xi32>,
      %add3A_3611 = arith.constant 112 : i32
      %add3A_3612 = arith.addi %mul3A_3263, %add3A_3611 : i32
      %iota3A_3613 = tpu.iota {dimensions = array<i32: 0>} : vector<16xi32>
      %add3A_3614 = vector.broadcast %add3A_3612 : i32 to vector<16xi32>
      %add3A_3615 = arith.addi %add3A_3614, %iota3A_3613 : vector<16xi32>
      %jit3A_3616 = arith.constant 200 : i32
      %div3A_3617 = vector.broadcast %jit3A_3616 : i32 to vector<16xi32>
      %div3A_3618 = arith.divsi %add3A_3615, %div3A_3617 : vector<16xi32>
      %sign3A_3619 = arith.constant 0 : i32
      %sign3A_3620 = vector.broadcast %sign3A_3619 : i32 to vector<16xi32>
      %sign3A_3621 = arith.cmpi sgt, %add3A_3615, %sign3A_3620 : vector<16xi32>
      %sign3A_3622 = arith.extui %sign3A_3621 : vector<16xi1> to vector<16xi32>
      %sign3A_3623 = arith.constant 0 : i32
      %sign3A_3624 = vector.broadcast %sign3A_3623 : i32 to vector<16xi32>
      %sign3A_3625 = arith.cmpi slt, %add3A_3615, %sign3A_3624 : vector<16xi32>
      %sign3A_3626 = arith.extui %sign3A_3625 : vector<16xi1> to vector<16xi32>
      %sign3A_3627 = arith.subi %sign3A_3622, %sign3A_3626 : vector<16xi32>
      %sign3A_3628 = arith.constant 0 : i32
      %sign3A_3629 = arith.cmpi sgt, %jit3A_3616, %sign3A_3628 : i32
      %sign3A_3630 = arith.extui %sign3A_3629 : i1 to i32
      %sign3A_3631 = arith.constant 0 : i32
      %sign3A_3632 = arith.cmpi slt, %jit3A_3616, %sign3A_3631 : i32
      %sign3A_3633 = arith.extui %sign3A_3632 : i1 to i32
      %sign3A_3634 = arith.subi %sign3A_3630, %sign3A_3633 : i32
      %ne3A_3635 = vector.broadcast %sign3A_3634 : i32 to vector<16xi32>
      %ne3A_3636 = arith.cmpi ne, %sign3A_3627, %ne3A_3635 : vector<16xi32>
      %rem3A_3637 = vector.broadcast %jit3A_3616 : i32 to vector<16xi32>
      %rem3A_3638 = arith.remsi %add3A_3615, %rem3A_3637 : vector<16xi32>
      %ne3A_3639 = arith.constant 0 : i32
      %ne3A_3640 = vector.broadcast %ne3A_3639 : i32 to vector<16xi32>
      %ne3A_3641 = arith.cmpi ne, %rem3A_3638, %ne3A_3640 : vector<16xi32>
      %and3A_3642 = arith.andi %ne3A_3636, %ne3A_3641 : vector<16xi1>
      %sub3A_3643 = arith.constant 1 : i32
      %sub3A_3644 = vector.broadcast %sub3A_3643 : i32 to vector<16xi32>
      %sub3A_3645 = arith.subi %div3A_3618, %sub3A_3644 : vector<16xi32>
      %select_n3A_3646 = arith.select %and3A_3642, %sub3A_3645, %div3A_3618 : vector<16xi1>, vector<16xi32>
      %add3A_3647 = vector.broadcast %mul3A_6 : i32 to vector<16xi32>
      %add3A_3648 = arith.addi %add3A_3647, %select_n3A_3646 : vector<16xi32>
      %gt3A_3649 = arith.constant 0 : i32
      %gt3A_3650 = vector.broadcast %gt3A_3649 : i32 to vector<16xi32>
      %gt3A_3651 = arith.cmpi sgt, %get3A_3610, %gt3A_3650 : vector<16xi32>
      %broadcast_in_dim3A_3652 = vector.broadcast %add3A_8 : i32 to vector<16xi32>
      %select_n3A_3653 = arith.select %gt3A_3651, %add3A_3648, %broadcast_in_dim3A_3652 : vector<16xi1>, vector<16xi32>
      %swap3A_3654 = arith.constant 112 : index
      %swap3A_3655 = tpu.vector_load %arg26[%swap3A_3654] {strides = array<i32>} : memref<128xi32, #tpu.memory_space<vmem>>, vector<16xi32>,
      tpu.vector_store %arg26[%swap3A_3654], %select_n3A_3653 {strides = array<i32>} : memref<128xi32, #tpu.memory_space<vmem>>, vector<16xi32>,
      %mul3A_3656 = arith.constant 128 : i32
      %mul3A_3657 = arith.muli %add3A_3249, %mul3A_3656 : i32
      %dma_wait3A_3658 = tpu.memref_slice %arg6[%mul3A_3657] : memref<25600xi32, #tpu.memory_space<vmem>> -> memref<128xi32, #tpu.memory_space<vmem>>
      %dma_wait3A_3659 = arith.constant 0 : i32
      %dma_wait3A_3660 = arith.constant 0 : i32
      %dma_wait3A_3661 = tpu.memref_slice %arg4[%dma_wait3A_3659, %dma_wait3A_3660] : memref<1000000x64xf32, #tpu.memory_space<hbm>> -> memref<1000000x64xf32, #tpu.memory_space<hbm>>
      tpu.wait_indirect_dma semaphore(%arg34 : memref<!tpu.dma_semaphore, #tpu.memory_space<semaphore_mem>>) src(%dma_wait3A_3661 : memref<1000000x64xf32, #tpu.memory_space<hbm>>) dst(%arg18 : memref<128x64xf32, #tpu.memory_space<vmem>>)
      %dma_start3A_3662 = arith.constant 0 : i32
      %dma_start3A_3663 = arith.constant 0 : i32
      %dma_start3A_3664 = tpu.memref_slice %arg10[%dma_start3A_3662, %dma_start3A_3663] : memref<2064x64xf32, #tpu.memory_space<vmem_shared>> -> memref<2064x64xf32, #tpu.memory_space<vmem_shared>>
      tpu.enqueue_indirect_dma source(%arg18 : memref<128x64xf32, #tpu.memory_space<vmem>>) target(%dma_start3A_3664 : memref<2064x64xf32, #tpu.memory_space<vmem_shared>>) offsets(%arg26 : memref<128xi32, #tpu.memory_space<vmem>>) semaphore(%arg42 : memref<!tpu.dma_semaphore, #tpu.memory_space<semaphore_mem>>) {add = true}
      %scan3A_3665 = arith.constant 0 : i32
      scf.yield %scan3A_3665 : i32
    }
    %scan3A_313 = arith.constant 25 : i32
    %dma_wait3A = arith.constant 0 : i32
    %dma_wait3A_314 = arith.constant 0 : i32
    %dma_wait3A_315 = tpu.memref_slice %arg10[%dma_wait3A, %dma_wait3A_314] : memref<2064x64xf32, #tpu.memory_space<vmem_shared>> -> memref<2064x64xf32, #tpu.memory_space<vmem_shared>>
    tpu.wait_indirect_dma semaphore(%arg41 : memref<!tpu.dma_semaphore, #tpu.memory_space<semaphore_mem>>) src(%arg17 : memref<128x64xf32, #tpu.memory_space<vmem>>) dst(%dma_wait3A_315 : memref<2064x64xf32, #tpu.memory_space<vmem_shared>>)
    %dma_wait3A_316 = arith.constant 0 : i32
    %dma_wait3A_317 = arith.constant 0 : i32
    %dma_wait3A_318 = tpu.memref_slice %arg10[%dma_wait3A_316, %dma_wait3A_317] : memref<2064x64xf32, #tpu.memory_space<vmem_shared>> -> memref<2064x64xf32, #tpu.memory_space<vmem_shared>>
    tpu.wait_indirect_dma semaphore(%arg42 : memref<!tpu.dma_semaphore, #tpu.memory_space<semaphore_mem>>) src(%arg18 : memref<128x64xf32, #tpu.memory_space<vmem>>) dst(%dma_wait3A_318 : memref<2064x64xf32, #tpu.memory_space<vmem_shared>>)
    %scan3A_319 = arith.constant 0 : i32
    %scan3A_320 = arith.constant 0 : i32
    %scan3A_321 = arith.constant 8 : i32
    %scan3A_322 = arith.addi %scan3A_320, %scan3A_321 : i32
    %scan3A_323 = arith.constant 1 : i32
    %scan3A_324 = scf.for %scan3A_326 = %scan3A_320 to %scan3A_322 step %scan3A_323 iter_args(%scan3A_327 = %scan3A_319) -> (i32)  : i32 {
      %mul3A_328 = arith.constant 16 : i32
      %mul3A_329 = arith.muli %scan3A_326, %mul3A_328 : i32
      %add3A_330 = arith.addi %mul3A_6, %mul3A_329 : i32
      "tpu.region"() ({
        %run_scoped3A = tpu.sem_alloc : memref<!tpu.dma_semaphore, #tpu.memory_space<semaphore_mem>>
        %dma_start3A_1006 = arith.constant 0 : i32
        %dma_start3A_1007 = tpu.memref_slice %arg10[%add3A_330, %dma_start3A_1006] : memref<2064x64xf32, #tpu.memory_space<vmem_shared>> -> memref<16x64xf32, #tpu.memory_space<vmem_shared>>
        %dma_start3A_1008 = arith.constant 0 : i32
        %dma_start3A_1009 = tpu.memref_slice %arg10[%add3A_330, %dma_start3A_1008] : memref<2064x64xf32, #tpu.memory_space<vmem_shared>> -> memref<16x64xf32, #tpu.memory_space<vmem_shared>>
        tpu.enqueue_dma source(%dma_start3A_1009 : memref<16x64xf32, #tpu.memory_space<vmem_shared>>) target(%arg9 : memref<16x64xf32, #tpu.memory_space<vmem>>) target_semaphore(%run_scoped3A : memref<!tpu.dma_semaphore, #tpu.memory_space<semaphore_mem>>)
        %dma_wait3A_1010 = arith.constant 0 : i32
        %dma_wait3A_1011 = tpu.memref_slice %arg10[%add3A_330, %dma_wait3A_1010] : memref<2064x64xf32, #tpu.memory_space<vmem_shared>> -> memref<16x64xf32, #tpu.memory_space<vmem_shared>>
        %dma_wait3A_1012 = arith.constant 0 : i32
        %dma_wait3A_1013 = tpu.memref_slice %arg10[%add3A_330, %dma_wait3A_1012] : memref<2064x64xf32, #tpu.memory_space<vmem_shared>> -> memref<16x64xf32, #tpu.memory_space<vmem_shared>>
        tpu.wait_dma2 semaphore(%run_scoped3A : memref<!tpu.dma_semaphore, #tpu.memory_space<semaphore_mem>>) src(%dma_wait3A_1013 : memref<16x64xf32, #tpu.memory_space<vmem_shared>>) dst(%arg9 : memref<16x64xf32, #tpu.memory_space<vmem>>)
        tpu.yield
      }) : () -> ()
      %mul3A_331 = arith.constant 256 : i32
      %mul3A_332 = arith.muli %scan3A_326, %mul3A_331 : i32
      %add3A_333 = arith.constant 0 : i32
      %add3A_334 = arith.addi %mul3A_332, %add3A_333 : i32
      %get3A = arith.index_cast %add3A_334 : i32 to index
      %get3A_335 = tpu.vector_load %arg8[%get3A] {strides = array<i32>} : memref<2048xf32, #tpu.memory_space<vmem>>, vector<16xf32>,
      %get3A_336 = arith.constant 0 : i32
      %get3A_337 = arith.index_cast %get3A_336 : i32 to index
      %get3A_338 = arith.constant 0 : index
      %get3A_339 = tpu.vector_load %arg9[%get3A_337, %get3A_338] {strides = array<i32>} : memref<16x64xf32, #tpu.memory_space<vmem>>, vector<16xf32>,
      %mul3A_340 = arith.mulf %get3A_339, %get3A_335 : vector<16xf32>
      %swap3A_341 = arith.constant 0 : i32
      %swap3A_342 = arith.index_cast %swap3A_341 : i32 to index
      %swap3A_343 = arith.constant 0 : index
      %swap3A_344 = tpu.vector_load %arg9[%swap3A_342, %swap3A_343] {strides = array<i32>} : memref<16x64xf32, #tpu.memory_space<vmem>>, vector<16xf32>,
      tpu.vector_store %arg9[%swap3A_342, %swap3A_343], %mul3A_340 {strides = array<i32>} : memref<16x64xf32, #tpu.memory_space<vmem>>, vector<16xf32>,
      %get3A_345 = arith.constant 0 : i32
      %get3A_346 = arith.index_cast %get3A_345 : i32 to index
      %get3A_347 = arith.constant 16 : index
      %get3A_348 = tpu.vector_load %arg9[%get3A_346, %get3A_347] {strides = array<i32>} : memref<16x64xf32, #tpu.memory_space<vmem>>, vector<16xf32>,
      %mul3A_349 = arith.mulf %get3A_348, %get3A_335 : vector<16xf32>
      %swap3A_350 = arith.constant 0 : i32
      %swap3A_351 = arith.index_cast %swap3A_350 : i32 to index
      %swap3A_352 = arith.constant 16 : index
      %swap3A_353 = tpu.vector_load %arg9[%swap3A_351, %swap3A_352] {strides = array<i32>} : memref<16x64xf32, #tpu.memory_space<vmem>>, vector<16xf32>,
      tpu.vector_store %arg9[%swap3A_351, %swap3A_352], %mul3A_349 {strides = array<i32>} : memref<16x64xf32, #tpu.memory_space<vmem>>, vector<16xf32>,
      %get3A_354 = arith.constant 0 : i32
      %get3A_355 = arith.index_cast %get3A_354 : i32 to index
      %get3A_356 = arith.constant 32 : index
      %get3A_357 = tpu.vector_load %arg9[%get3A_355, %get3A_356] {strides = array<i32>} : memref<16x64xf32, #tpu.memory_space<vmem>>, vector<16xf32>,
      %mul3A_358 = arith.mulf %get3A_357, %get3A_335 : vector<16xf32>
      %swap3A_359 = arith.constant 0 : i32
      %swap3A_360 = arith.index_cast %swap3A_359 : i32 to index
      %swap3A_361 = arith.constant 32 : index
      %swap3A_362 = tpu.vector_load %arg9[%swap3A_360, %swap3A_361] {strides = array<i32>} : memref<16x64xf32, #tpu.memory_space<vmem>>, vector<16xf32>,
      tpu.vector_store %arg9[%swap3A_360, %swap3A_361], %mul3A_358 {strides = array<i32>} : memref<16x64xf32, #tpu.memory_space<vmem>>, vector<16xf32>,
      %get3A_363 = arith.constant 0 : i32
      %get3A_364 = arith.index_cast %get3A_363 : i32 to index
      %get3A_365 = arith.constant 48 : index
      %get3A_366 = tpu.vector_load %arg9[%get3A_364, %get3A_365] {strides = array<i32>} : memref<16x64xf32, #tpu.memory_space<vmem>>, vector<16xf32>,
      %mul3A_367 = arith.mulf %get3A_366, %get3A_335 : vector<16xf32>
      %swap3A_368 = arith.constant 0 : i32
      %swap3A_369 = arith.index_cast %swap3A_368 : i32 to index
      %swap3A_370 = arith.constant 48 : index
      %swap3A_371 = tpu.vector_load %arg9[%swap3A_369, %swap3A_370] {strides = array<i32>} : memref<16x64xf32, #tpu.memory_space<vmem>>, vector<16xf32>,
      tpu.vector_store %arg9[%swap3A_369, %swap3A_370], %mul3A_367 {strides = array<i32>} : memref<16x64xf32, #tpu.memory_space<vmem>>, vector<16xf32>,
      %mul3A_372 = arith.constant 256 : i32
      %mul3A_373 = arith.muli %scan3A_326, %mul3A_372 : i32
      %add3A_374 = arith.constant 16 : i32
      %add3A_375 = arith.addi %mul3A_373, %add3A_374 : i32
      %get3A_376 = arith.index_cast %add3A_375 : i32 to index
      %get3A_377 = tpu.vector_load %arg8[%get3A_376] {strides = array<i32>} : memref<2048xf32, #tpu.memory_space<vmem>>, vector<16xf32>,
      %get3A_378 = arith.constant 1 : i32
      %get3A_379 = arith.index_cast %get3A_378 : i32 to index
      %get3A_380 = arith.constant 0 : index
      %get3A_381 = tpu.vector_load %arg9[%get3A_379, %get3A_380] {strides = array<i32>} : memref<16x64xf32, #tpu.memory_space<vmem>>, vector<16xf32>,
      %mul3A_382 = arith.mulf %get3A_381, %get3A_377 : vector<16xf32>
      %swap3A_383 = arith.constant 1 : i32
      %swap3A_384 = arith.index_cast %swap3A_383 : i32 to index
      %swap3A_385 = arith.constant 0 : index
      %swap3A_386 = tpu.vector_load %arg9[%swap3A_384, %swap3A_385] {strides = array<i32>} : memref<16x64xf32, #tpu.memory_space<vmem>>, vector<16xf32>,
      tpu.vector_store %arg9[%swap3A_384, %swap3A_385], %mul3A_382 {strides = array<i32>} : memref<16x64xf32, #tpu.memory_space<vmem>>, vector<16xf32>,
      %get3A_387 = arith.constant 1 : i32
      %get3A_388 = arith.index_cast %get3A_387 : i32 to index
      %get3A_389 = arith.constant 16 : index
      %get3A_390 = tpu.vector_load %arg9[%get3A_388, %get3A_389] {strides = array<i32>} : memref<16x64xf32, #tpu.memory_space<vmem>>, vector<16xf32>,
      %mul3A_391 = arith.mulf %get3A_390, %get3A_377 : vector<16xf32>
      %swap3A_392 = arith.constant 1 : i32
      %swap3A_393 = arith.index_cast %swap3A_392 : i32 to index
      %swap3A_394 = arith.constant 16 : index
      %swap3A_395 = tpu.vector_load %arg9[%swap3A_393, %swap3A_394] {strides = array<i32>} : memref<16x64xf32, #tpu.memory_space<vmem>>, vector<16xf32>,
      tpu.vector_store %arg9[%swap3A_393, %swap3A_394], %mul3A_391 {strides = array<i32>} : memref<16x64xf32, #tpu.memory_space<vmem>>, vector<16xf32>,
      %get3A_396 = arith.constant 1 : i32
      %get3A_397 = arith.index_cast %get3A_396 : i32 to index
      %get3A_398 = arith.constant 32 : index
      %get3A_399 = tpu.vector_load %arg9[%get3A_397, %get3A_398] {strides = array<i32>} : memref<16x64xf32, #tpu.memory_space<vmem>>, vector<16xf32>,
      %mul3A_400 = arith.mulf %get3A_399, %get3A_377 : vector<16xf32>
      %swap3A_401 = arith.constant 1 : i32
      %swap3A_402 = arith.index_cast %swap3A_401 : i32 to index
      %swap3A_403 = arith.constant 32 : index
      %swap3A_404 = tpu.vector_load %arg9[%swap3A_402, %swap3A_403] {strides = array<i32>} : memref<16x64xf32, #tpu.memory_space<vmem>>, vector<16xf32>,
      tpu.vector_store %arg9[%swap3A_402, %swap3A_403], %mul3A_400 {strides = array<i32>} : memref<16x64xf32, #tpu.memory_space<vmem>>, vector<16xf32>,
      %get3A_405 = arith.constant 1 : i32
      %get3A_406 = arith.index_cast %get3A_405 : i32 to index
      %get3A_407 = arith.constant 48 : index
      %get3A_408 = tpu.vector_load %arg9[%get3A_406, %get3A_407] {strides = array<i32>} : memref<16x64xf32, #tpu.memory_space<vmem>>, vector<16xf32>,
      %mul3A_409 = arith.mulf %get3A_408, %get3A_377 : vector<16xf32>
      %swap3A_410 = arith.constant 1 : i32
      %swap3A_411 = arith.index_cast %swap3A_410 : i32 to index
      %swap3A_412 = arith.constant 48 : index
      %swap3A_413 = tpu.vector_load %arg9[%swap3A_411, %swap3A_412] {strides = array<i32>} : memref<16x64xf32, #tpu.memory_space<vmem>>, vector<16xf32>,
      tpu.vector_store %arg9[%swap3A_411, %swap3A_412], %mul3A_409 {strides = array<i32>} : memref<16x64xf32, #tpu.memory_space<vmem>>, vector<16xf32>,
      %mul3A_414 = arith.constant 256 : i32
      %mul3A_415 = arith.muli %scan3A_326, %mul3A_414 : i32
      %add3A_416 = arith.constant 32 : i32
      %add3A_417 = arith.addi %mul3A_415, %add3A_416 : i32
      %get3A_418 = arith.index_cast %add3A_417 : i32 to index
      %get3A_419 = tpu.vector_load %arg8[%get3A_418] {strides = array<i32>} : memref<2048xf32, #tpu.memory_space<vmem>>, vector<16xf32>,
      %get3A_420 = arith.constant 2 : i32
      %get3A_421 = arith.index_cast %get3A_420 : i32 to index
      %get3A_422 = arith.constant 0 : index
      %get3A_423 = tpu.vector_load %arg9[%get3A_421, %get3A_422] {strides = array<i32>} : memref<16x64xf32, #tpu.memory_space<vmem>>, vector<16xf32>,
      %mul3A_424 = arith.mulf %get3A_423, %get3A_419 : vector<16xf32>
      %swap3A_425 = arith.constant 2 : i32
      %swap3A_426 = arith.index_cast %swap3A_425 : i32 to index
      %swap3A_427 = arith.constant 0 : index
      %swap3A_428 = tpu.vector_load %arg9[%swap3A_426, %swap3A_427] {strides = array<i32>} : memref<16x64xf32, #tpu.memory_space<vmem>>, vector<16xf32>,
      tpu.vector_store %arg9[%swap3A_426, %swap3A_427], %mul3A_424 {strides = array<i32>} : memref<16x64xf32, #tpu.memory_space<vmem>>, vector<16xf32>,
      %get3A_429 = arith.constant 2 : i32
      %get3A_430 = arith.index_cast %get3A_429 : i32 to index
      %get3A_431 = arith.constant 16 : index
      %get3A_432 = tpu.vector_load %arg9[%get3A_430, %get3A_431] {strides = array<i32>} : memref<16x64xf32, #tpu.memory_space<vmem>>, vector<16xf32>,
      %mul3A_433 = arith.mulf %get3A_432, %get3A_419 : vector<16xf32>
      %swap3A_434 = arith.constant 2 : i32
      %swap3A_435 = arith.index_cast %swap3A_434 : i32 to index
      %swap3A_436 = arith.constant 16 : index
      %swap3A_437 = tpu.vector_load %arg9[%swap3A_435, %swap3A_436] {strides = array<i32>} : memref<16x64xf32, #tpu.memory_space<vmem>>, vector<16xf32>,
      tpu.vector_store %arg9[%swap3A_435, %swap3A_436], %mul3A_433 {strides = array<i32>} : memref<16x64xf32, #tpu.memory_space<vmem>>, vector<16xf32>,
      %get3A_438 = arith.constant 2 : i32
      %get3A_439 = arith.index_cast %get3A_438 : i32 to index
      %get3A_440 = arith.constant 32 : index
      %get3A_441 = tpu.vector_load %arg9[%get3A_439, %get3A_440] {strides = array<i32>} : memref<16x64xf32, #tpu.memory_space<vmem>>, vector<16xf32>,
      %mul3A_442 = arith.mulf %get3A_441, %get3A_419 : vector<16xf32>
      %swap3A_443 = arith.constant 2 : i32
      %swap3A_444 = arith.index_cast %swap3A_443 : i32 to index
      %swap3A_445 = arith.constant 32 : index
      %swap3A_446 = tpu.vector_load %arg9[%swap3A_444, %swap3A_445] {strides = array<i32>} : memref<16x64xf32, #tpu.memory_space<vmem>>, vector<16xf32>,
      tpu.vector_store %arg9[%swap3A_444, %swap3A_445], %mul3A_442 {strides = array<i32>} : memref<16x64xf32, #tpu.memory_space<vmem>>, vector<16xf32>,
      %get3A_447 = arith.constant 2 : i32
      %get3A_448 = arith.index_cast %get3A_447 : i32 to index
      %get3A_449 = arith.constant 48 : index
      %get3A_450 = tpu.vector_load %arg9[%get3A_448, %get3A_449] {strides = array<i32>} : memref<16x64xf32, #tpu.memory_space<vmem>>, vector<16xf32>,
      %mul3A_451 = arith.mulf %get3A_450, %get3A_419 : vector<16xf32>
      %swap3A_452 = arith.constant 2 : i32
      %swap3A_453 = arith.index_cast %swap3A_452 : i32 to index
      %swap3A_454 = arith.constant 48 : index
      %swap3A_455 = tpu.vector_load %arg9[%swap3A_453, %swap3A_454] {strides = array<i32>} : memref<16x64xf32, #tpu.memory_space<vmem>>, vector<16xf32>,
      tpu.vector_store %arg9[%swap3A_453, %swap3A_454], %mul3A_451 {strides = array<i32>} : memref<16x64xf32, #tpu.memory_space<vmem>>, vector<16xf32>,
      %mul3A_456 = arith.constant 256 : i32
      %mul3A_457 = arith.muli %scan3A_326, %mul3A_456 : i32
      %add3A_458 = arith.constant 48 : i32
      %add3A_459 = arith.addi %mul3A_457, %add3A_458 : i32
      %get3A_460 = arith.index_cast %add3A_459 : i32 to index
      %get3A_461 = tpu.vector_load %arg8[%get3A_460] {strides = array<i32>} : memref<2048xf32, #tpu.memory_space<vmem>>, vector<16xf32>,
      %get3A_462 = arith.constant 3 : i32
      %get3A_463 = arith.index_cast %get3A_462 : i32 to index
      %get3A_464 = arith.constant 0 : index
      %get3A_465 = tpu.vector_load %arg9[%get3A_463, %get3A_464] {strides = array<i32>} : memref<16x64xf32, #tpu.memory_space<vmem>>, vector<16xf32>,
      %mul3A_466 = arith.mulf %get3A_465, %get3A_461 : vector<16xf32>
      %swap3A_467 = arith.constant 3 : i32
      %swap3A_468 = arith.index_cast %swap3A_467 : i32 to index
      %swap3A_469 = arith.constant 0 : index
      %swap3A_470 = tpu.vector_load %arg9[%swap3A_468, %swap3A_469] {strides = array<i32>} : memref<16x64xf32, #tpu.memory_space<vmem>>, vector<16xf32>,
      tpu.vector_store %arg9[%swap3A_468, %swap3A_469], %mul3A_466 {strides = array<i32>} : memref<16x64xf32, #tpu.memory_space<vmem>>, vector<16xf32>,
      %get3A_471 = arith.constant 3 : i32
      %get3A_472 = arith.index_cast %get3A_471 : i32 to index
      %get3A_473 = arith.constant 16 : index
      %get3A_474 = tpu.vector_load %arg9[%get3A_472, %get3A_473] {strides = array<i32>} : memref<16x64xf32, #tpu.memory_space<vmem>>, vector<16xf32>,
      %mul3A_475 = arith.mulf %get3A_474, %get3A_461 : vector<16xf32>
      %swap3A_476 = arith.constant 3 : i32
      %swap3A_477 = arith.index_cast %swap3A_476 : i32 to index
      %swap3A_478 = arith.constant 16 : index
      %swap3A_479 = tpu.vector_load %arg9[%swap3A_477, %swap3A_478] {strides = array<i32>} : memref<16x64xf32, #tpu.memory_space<vmem>>, vector<16xf32>,
      tpu.vector_store %arg9[%swap3A_477, %swap3A_478], %mul3A_475 {strides = array<i32>} : memref<16x64xf32, #tpu.memory_space<vmem>>, vector<16xf32>,
      %get3A_480 = arith.constant 3 : i32
      %get3A_481 = arith.index_cast %get3A_480 : i32 to index
      %get3A_482 = arith.constant 32 : index
      %get3A_483 = tpu.vector_load %arg9[%get3A_481, %get3A_482] {strides = array<i32>} : memref<16x64xf32, #tpu.memory_space<vmem>>, vector<16xf32>,
      %mul3A_484 = arith.mulf %get3A_483, %get3A_461 : vector<16xf32>
      %swap3A_485 = arith.constant 3 : i32
      %swap3A_486 = arith.index_cast %swap3A_485 : i32 to index
      %swap3A_487 = arith.constant 32 : index
      %swap3A_488 = tpu.vector_load %arg9[%swap3A_486, %swap3A_487] {strides = array<i32>} : memref<16x64xf32, #tpu.memory_space<vmem>>, vector<16xf32>,
      tpu.vector_store %arg9[%swap3A_486, %swap3A_487], %mul3A_484 {strides = array<i32>} : memref<16x64xf32, #tpu.memory_space<vmem>>, vector<16xf32>,
      %get3A_489 = arith.constant 3 : i32
      %get3A_490 = arith.index_cast %get3A_489 : i32 to index
      %get3A_491 = arith.constant 48 : index
      %get3A_492 = tpu.vector_load %arg9[%get3A_490, %get3A_491] {strides = array<i32>} : memref<16x64xf32, #tpu.memory_space<vmem>>, vector<16xf32>,
      %mul3A_493 = arith.mulf %get3A_492, %get3A_461 : vector<16xf32>
      %swap3A_494 = arith.constant 3 : i32
      %swap3A_495 = arith.index_cast %swap3A_494 : i32 to index
      %swap3A_496 = arith.constant 48 : index
      %swap3A_497 = tpu.vector_load %arg9[%swap3A_495, %swap3A_496] {strides = array<i32>} : memref<16x64xf32, #tpu.memory_space<vmem>>, vector<16xf32>,
      tpu.vector_store %arg9[%swap3A_495, %swap3A_496], %mul3A_493 {strides = array<i32>} : memref<16x64xf32, #tpu.memory_space<vmem>>, vector<16xf32>,
      %mul3A_498 = arith.constant 256 : i32
      %mul3A_499 = arith.muli %scan3A_326, %mul3A_498 : i32
      %add3A_500 = arith.constant 64 : i32
      %add3A_501 = arith.addi %mul3A_499, %add3A_500 : i32
      %get3A_502 = arith.index_cast %add3A_501 : i32 to index
      %get3A_503 = tpu.vector_load %arg8[%get3A_502] {strides = array<i32>} : memref<2048xf32, #tpu.memory_space<vmem>>, vector<16xf32>,
      %get3A_504 = arith.constant 4 : i32
      %get3A_505 = arith.index_cast %get3A_504 : i32 to index
      %get3A_506 = arith.constant 0 : index
      %get3A_507 = tpu.vector_load %arg9[%get3A_505, %get3A_506] {strides = array<i32>} : memref<16x64xf32, #tpu.memory_space<vmem>>, vector<16xf32>,
      %mul3A_508 = arith.mulf %get3A_507, %get3A_503 : vector<16xf32>
      %swap3A_509 = arith.constant 4 : i32
      %swap3A_510 = arith.index_cast %swap3A_509 : i32 to index
      %swap3A_511 = arith.constant 0 : index
      %swap3A_512 = tpu.vector_load %arg9[%swap3A_510, %swap3A_511] {strides = array<i32>} : memref<16x64xf32, #tpu.memory_space<vmem>>, vector<16xf32>,
      tpu.vector_store %arg9[%swap3A_510, %swap3A_511], %mul3A_508 {strides = array<i32>} : memref<16x64xf32, #tpu.memory_space<vmem>>, vector<16xf32>,
      %get3A_513 = arith.constant 4 : i32
      %get3A_514 = arith.index_cast %get3A_513 : i32 to index
      %get3A_515 = arith.constant 16 : index
      %get3A_516 = tpu.vector_load %arg9[%get3A_514, %get3A_515] {strides = array<i32>} : memref<16x64xf32, #tpu.memory_space<vmem>>, vector<16xf32>,
      %mul3A_517 = arith.mulf %get3A_516, %get3A_503 : vector<16xf32>
      %swap3A_518 = arith.constant 4 : i32
      %swap3A_519 = arith.index_cast %swap3A_518 : i32 to index
      %swap3A_520 = arith.constant 16 : index
      %swap3A_521 = tpu.vector_load %arg9[%swap3A_519, %swap3A_520] {strides = array<i32>} : memref<16x64xf32, #tpu.memory_space<vmem>>, vector<16xf32>,
      tpu.vector_store %arg9[%swap3A_519, %swap3A_520], %mul3A_517 {strides = array<i32>} : memref<16x64xf32, #tpu.memory_space<vmem>>, vector<16xf32>,
      %get3A_522 = arith.constant 4 : i32
      %get3A_523 = arith.index_cast %get3A_522 : i32 to index
      %get3A_524 = arith.constant 32 : index
      %get3A_525 = tpu.vector_load %arg9[%get3A_523, %get3A_524] {strides = array<i32>} : memref<16x64xf32, #tpu.memory_space<vmem>>, vector<16xf32>,
      %mul3A_526 = arith.mulf %get3A_525, %get3A_503 : vector<16xf32>
      %swap3A_527 = arith.constant 4 : i32
      %swap3A_528 = arith.index_cast %swap3A_527 : i32 to index
      %swap3A_529 = arith.constant 32 : index
      %swap3A_530 = tpu.vector_load %arg9[%swap3A_528, %swap3A_529] {strides = array<i32>} : memref<16x64xf32, #tpu.memory_space<vmem>>, vector<16xf32>,
      tpu.vector_store %arg9[%swap3A_528, %swap3A_529], %mul3A_526 {strides = array<i32>} : memref<16x64xf32, #tpu.memory_space<vmem>>, vector<16xf32>,
      %get3A_531 = arith.constant 4 : i32
      %get3A_532 = arith.index_cast %get3A_531 : i32 to index
      %get3A_533 = arith.constant 48 : index
      %get3A_534 = tpu.vector_load %arg9[%get3A_532, %get3A_533] {strides = array<i32>} : memref<16x64xf32, #tpu.memory_space<vmem>>, vector<16xf32>,
      %mul3A_535 = arith.mulf %get3A_534, %get3A_503 : vector<16xf32>
      %swap3A_536 = arith.constant 4 : i32
      %swap3A_537 = arith.index_cast %swap3A_536 : i32 to index
      %swap3A_538 = arith.constant 48 : index
      %swap3A_539 = tpu.vector_load %arg9[%swap3A_537, %swap3A_538] {strides = array<i32>} : memref<16x64xf32, #tpu.memory_space<vmem>>, vector<16xf32>,
      tpu.vector_store %arg9[%swap3A_537, %swap3A_538], %mul3A_535 {strides = array<i32>} : memref<16x64xf32, #tpu.memory_space<vmem>>, vector<16xf32>,
      %mul3A_540 = arith.constant 256 : i32
      %mul3A_541 = arith.muli %scan3A_326, %mul3A_540 : i32
      %add3A_542 = arith.constant 80 : i32
      %add3A_543 = arith.addi %mul3A_541, %add3A_542 : i32
      %get3A_544 = arith.index_cast %add3A_543 : i32 to index
      %get3A_545 = tpu.vector_load %arg8[%get3A_544] {strides = array<i32>} : memref<2048xf32, #tpu.memory_space<vmem>>, vector<16xf32>,
      %get3A_546 = arith.constant 5 : i32
      %get3A_547 = arith.index_cast %get3A_546 : i32 to index
      %get3A_548 = arith.constant 0 : index
      %get3A_549 = tpu.vector_load %arg9[%get3A_547, %get3A_548] {strides = array<i32>} : memref<16x64xf32, #tpu.memory_space<vmem>>, vector<16xf32>,
      %mul3A_550 = arith.mulf %get3A_549, %get3A_545 : vector<16xf32>
      %swap3A_551 = arith.constant 5 : i32
      %swap3A_552 = arith.index_cast %swap3A_551 : i32 to index
      %swap3A_553 = arith.constant 0 : index
      %swap3A_554 = tpu.vector_load %arg9[%swap3A_552, %swap3A_553] {strides = array<i32>} : memref<16x64xf32, #tpu.memory_space<vmem>>, vector<16xf32>,
      tpu.vector_store %arg9[%swap3A_552, %swap3A_553], %mul3A_550 {strides = array<i32>} : memref<16x64xf32, #tpu.memory_space<vmem>>, vector<16xf32>,
      %get3A_555 = arith.constant 5 : i32
      %get3A_556 = arith.index_cast %get3A_555 : i32 to index
      %get3A_557 = arith.constant 16 : index
      %get3A_558 = tpu.vector_load %arg9[%get3A_556, %get3A_557] {strides = array<i32>} : memref<16x64xf32, #tpu.memory_space<vmem>>, vector<16xf32>,
      %mul3A_559 = arith.mulf %get3A_558, %get3A_545 : vector<16xf32>
      %swap3A_560 = arith.constant 5 : i32
      %swap3A_561 = arith.index_cast %swap3A_560 : i32 to index
      %swap3A_562 = arith.constant 16 : index
      %swap3A_563 = tpu.vector_load %arg9[%swap3A_561, %swap3A_562] {strides = array<i32>} : memref<16x64xf32, #tpu.memory_space<vmem>>, vector<16xf32>,
      tpu.vector_store %arg9[%swap3A_561, %swap3A_562], %mul3A_559 {strides = array<i32>} : memref<16x64xf32, #tpu.memory_space<vmem>>, vector<16xf32>,
      %get3A_564 = arith.constant 5 : i32
      %get3A_565 = arith.index_cast %get3A_564 : i32 to index
      %get3A_566 = arith.constant 32 : index
      %get3A_567 = tpu.vector_load %arg9[%get3A_565, %get3A_566] {strides = array<i32>} : memref<16x64xf32, #tpu.memory_space<vmem>>, vector<16xf32>,
      %mul3A_568 = arith.mulf %get3A_567, %get3A_545 : vector<16xf32>
      %swap3A_569 = arith.constant 5 : i32
      %swap3A_570 = arith.index_cast %swap3A_569 : i32 to index
      %swap3A_571 = arith.constant 32 : index
      %swap3A_572 = tpu.vector_load %arg9[%swap3A_570, %swap3A_571] {strides = array<i32>} : memref<16x64xf32, #tpu.memory_space<vmem>>, vector<16xf32>,
      tpu.vector_store %arg9[%swap3A_570, %swap3A_571], %mul3A_568 {strides = array<i32>} : memref<16x64xf32, #tpu.memory_space<vmem>>, vector<16xf32>,
      %get3A_573 = arith.constant 5 : i32
      %get3A_574 = arith.index_cast %get3A_573 : i32 to index
      %get3A_575 = arith.constant 48 : index
      %get3A_576 = tpu.vector_load %arg9[%get3A_574, %get3A_575] {strides = array<i32>} : memref<16x64xf32, #tpu.memory_space<vmem>>, vector<16xf32>,
      %mul3A_577 = arith.mulf %get3A_576, %get3A_545 : vector<16xf32>
      %swap3A_578 = arith.constant 5 : i32
      %swap3A_579 = arith.index_cast %swap3A_578 : i32 to index
      %swap3A_580 = arith.constant 48 : index
      %swap3A_581 = tpu.vector_load %arg9[%swap3A_579, %swap3A_580] {strides = array<i32>} : memref<16x64xf32, #tpu.memory_space<vmem>>, vector<16xf32>,
      tpu.vector_store %arg9[%swap3A_579, %swap3A_580], %mul3A_577 {strides = array<i32>} : memref<16x64xf32, #tpu.memory_space<vmem>>, vector<16xf32>,
      %mul3A_582 = arith.constant 256 : i32
      %mul3A_583 = arith.muli %scan3A_326, %mul3A_582 : i32
      %add3A_584 = arith.constant 96 : i32
      %add3A_585 = arith.addi %mul3A_583, %add3A_584 : i32
      %get3A_586 = arith.index_cast %add3A_585 : i32 to index
      %get3A_587 = tpu.vector_load %arg8[%get3A_586] {strides = array<i32>} : memref<2048xf32, #tpu.memory_space<vmem>>, vector<16xf32>,
      %get3A_588 = arith.constant 6 : i32
      %get3A_589 = arith.index_cast %get3A_588 : i32 to index
      %get3A_590 = arith.constant 0 : index
      %get3A_591 = tpu.vector_load %arg9[%get3A_589, %get3A_590] {strides = array<i32>} : memref<16x64xf32, #tpu.memory_space<vmem>>, vector<16xf32>,
      %mul3A_592 = arith.mulf %get3A_591, %get3A_587 : vector<16xf32>
      %swap3A_593 = arith.constant 6 : i32
      %swap3A_594 = arith.index_cast %swap3A_593 : i32 to index
      %swap3A_595 = arith.constant 0 : index
      %swap3A_596 = tpu.vector_load %arg9[%swap3A_594, %swap3A_595] {strides = array<i32>} : memref<16x64xf32, #tpu.memory_space<vmem>>, vector<16xf32>,
      tpu.vector_store %arg9[%swap3A_594, %swap3A_595], %mul3A_592 {strides = array<i32>} : memref<16x64xf32, #tpu.memory_space<vmem>>, vector<16xf32>,
      %get3A_597 = arith.constant 6 : i32
      %get3A_598 = arith.index_cast %get3A_597 : i32 to index
      %get3A_599 = arith.constant 16 : index
      %get3A_600 = tpu.vector_load %arg9[%get3A_598, %get3A_599] {strides = array<i32>} : memref<16x64xf32, #tpu.memory_space<vmem>>, vector<16xf32>,
      %mul3A_601 = arith.mulf %get3A_600, %get3A_587 : vector<16xf32>
      %swap3A_602 = arith.constant 6 : i32
      %swap3A_603 = arith.index_cast %swap3A_602 : i32 to index
      %swap3A_604 = arith.constant 16 : index
      %swap3A_605 = tpu.vector_load %arg9[%swap3A_603, %swap3A_604] {strides = array<i32>} : memref<16x64xf32, #tpu.memory_space<vmem>>, vector<16xf32>,
      tpu.vector_store %arg9[%swap3A_603, %swap3A_604], %mul3A_601 {strides = array<i32>} : memref<16x64xf32, #tpu.memory_space<vmem>>, vector<16xf32>,
      %get3A_606 = arith.constant 6 : i32
      %get3A_607 = arith.index_cast %get3A_606 : i32 to index
      %get3A_608 = arith.constant 32 : index
      %get3A_609 = tpu.vector_load %arg9[%get3A_607, %get3A_608] {strides = array<i32>} : memref<16x64xf32, #tpu.memory_space<vmem>>, vector<16xf32>,
      %mul3A_610 = arith.mulf %get3A_609, %get3A_587 : vector<16xf32>
      %swap3A_611 = arith.constant 6 : i32
      %swap3A_612 = arith.index_cast %swap3A_611 : i32 to index
      %swap3A_613 = arith.constant 32 : index
      %swap3A_614 = tpu.vector_load %arg9[%swap3A_612, %swap3A_613] {strides = array<i32>} : memref<16x64xf32, #tpu.memory_space<vmem>>, vector<16xf32>,
      tpu.vector_store %arg9[%swap3A_612, %swap3A_613], %mul3A_610 {strides = array<i32>} : memref<16x64xf32, #tpu.memory_space<vmem>>, vector<16xf32>,
      %get3A_615 = arith.constant 6 : i32
      %get3A_616 = arith.index_cast %get3A_615 : i32 to index
      %get3A_617 = arith.constant 48 : index
      %get3A_618 = tpu.vector_load %arg9[%get3A_616, %get3A_617] {strides = array<i32>} : memref<16x64xf32, #tpu.memory_space<vmem>>, vector<16xf32>,
      %mul3A_619 = arith.mulf %get3A_618, %get3A_587 : vector<16xf32>
      %swap3A_620 = arith.constant 6 : i32
      %swap3A_621 = arith.index_cast %swap3A_620 : i32 to index
      %swap3A_622 = arith.constant 48 : index
      %swap3A_623 = tpu.vector_load %arg9[%swap3A_621, %swap3A_622] {strides = array<i32>} : memref<16x64xf32, #tpu.memory_space<vmem>>, vector<16xf32>,
      tpu.vector_store %arg9[%swap3A_621, %swap3A_622], %mul3A_619 {strides = array<i32>} : memref<16x64xf32, #tpu.memory_space<vmem>>, vector<16xf32>,
      %mul3A_624 = arith.constant 256 : i32
      %mul3A_625 = arith.muli %scan3A_326, %mul3A_624 : i32
      %add3A_626 = arith.constant 112 : i32
      %add3A_627 = arith.addi %mul3A_625, %add3A_626 : i32
      %get3A_628 = arith.index_cast %add3A_627 : i32 to index
      %get3A_629 = tpu.vector_load %arg8[%get3A_628] {strides = array<i32>} : memref<2048xf32, #tpu.memory_space<vmem>>, vector<16xf32>,
      %get3A_630 = arith.constant 7 : i32
      %get3A_631 = arith.index_cast %get3A_630 : i32 to index
      %get3A_632 = arith.constant 0 : index
      %get3A_633 = tpu.vector_load %arg9[%get3A_631, %get3A_632] {strides = array<i32>} : memref<16x64xf32, #tpu.memory_space<vmem>>, vector<16xf32>,
      %mul3A_634 = arith.mulf %get3A_633, %get3A_629 : vector<16xf32>
      %swap3A_635 = arith.constant 7 : i32
      %swap3A_636 = arith.index_cast %swap3A_635 : i32 to index
      %swap3A_637 = arith.constant 0 : index
      %swap3A_638 = tpu.vector_load %arg9[%swap3A_636, %swap3A_637] {strides = array<i32>} : memref<16x64xf32, #tpu.memory_space<vmem>>, vector<16xf32>,
      tpu.vector_store %arg9[%swap3A_636, %swap3A_637], %mul3A_634 {strides = array<i32>} : memref<16x64xf32, #tpu.memory_space<vmem>>, vector<16xf32>,
      %get3A_639 = arith.constant 7 : i32
      %get3A_640 = arith.index_cast %get3A_639 : i32 to index
      %get3A_641 = arith.constant 16 : index
      %get3A_642 = tpu.vector_load %arg9[%get3A_640, %get3A_641] {strides = array<i32>} : memref<16x64xf32, #tpu.memory_space<vmem>>, vector<16xf32>,
      %mul3A_643 = arith.mulf %get3A_642, %get3A_629 : vector<16xf32>
      %swap3A_644 = arith.constant 7 : i32
      %swap3A_645 = arith.index_cast %swap3A_644 : i32 to index
      %swap3A_646 = arith.constant 16 : index
      %swap3A_647 = tpu.vector_load %arg9[%swap3A_645, %swap3A_646] {strides = array<i32>} : memref<16x64xf32, #tpu.memory_space<vmem>>, vector<16xf32>,
      tpu.vector_store %arg9[%swap3A_645, %swap3A_646], %mul3A_643 {strides = array<i32>} : memref<16x64xf32, #tpu.memory_space<vmem>>, vector<16xf32>,
      %get3A_648 = arith.constant 7 : i32
      %get3A_649 = arith.index_cast %get3A_648 : i32 to index
      %get3A_650 = arith.constant 32 : index
      %get3A_651 = tpu.vector_load %arg9[%get3A_649, %get3A_650] {strides = array<i32>} : memref<16x64xf32, #tpu.memory_space<vmem>>, vector<16xf32>,
      %mul3A_652 = arith.mulf %get3A_651, %get3A_629 : vector<16xf32>
      %swap3A_653 = arith.constant 7 : i32
      %swap3A_654 = arith.index_cast %swap3A_653 : i32 to index
      %swap3A_655 = arith.constant 32 : index
      %swap3A_656 = tpu.vector_load %arg9[%swap3A_654, %swap3A_655] {strides = array<i32>} : memref<16x64xf32, #tpu.memory_space<vmem>>, vector<16xf32>,
      tpu.vector_store %arg9[%swap3A_654, %swap3A_655], %mul3A_652 {strides = array<i32>} : memref<16x64xf32, #tpu.memory_space<vmem>>, vector<16xf32>,
      %get3A_657 = arith.constant 7 : i32
      %get3A_658 = arith.index_cast %get3A_657 : i32 to index
      %get3A_659 = arith.constant 48 : index
      %get3A_660 = tpu.vector_load %arg9[%get3A_658, %get3A_659] {strides = array<i32>} : memref<16x64xf32, #tpu.memory_space<vmem>>, vector<16xf32>,
      %mul3A_661 = arith.mulf %get3A_660, %get3A_629 : vector<16xf32>
      %swap3A_662 = arith.constant 7 : i32
      %swap3A_663 = arith.index_cast %swap3A_662 : i32 to index
      %swap3A_664 = arith.constant 48 : index
      %swap3A_665 = tpu.vector_load %arg9[%swap3A_663, %swap3A_664] {strides = array<i32>} : memref<16x64xf32, #tpu.memory_space<vmem>>, vector<16xf32>,
      tpu.vector_store %arg9[%swap3A_663, %swap3A_664], %mul3A_661 {strides = array<i32>} : memref<16x64xf32, #tpu.memory_space<vmem>>, vector<16xf32>,
      %mul3A_666 = arith.constant 256 : i32
      %mul3A_667 = arith.muli %scan3A_326, %mul3A_666 : i32
      %add3A_668 = arith.constant 128 : i32
      %add3A_669 = arith.addi %mul3A_667, %add3A_668 : i32
      %get3A_670 = arith.index_cast %add3A_669 : i32 to index
      %get3A_671 = tpu.vector_load %arg8[%get3A_670] {strides = array<i32>} : memref<2048xf32, #tpu.memory_space<vmem>>, vector<16xf32>,
      %get3A_672 = arith.constant 8 : i32
      %get3A_673 = arith.index_cast %get3A_672 : i32 to index
      %get3A_674 = arith.constant 0 : index
      %get3A_675 = tpu.vector_load %arg9[%get3A_673, %get3A_674] {strides = array<i32>} : memref<16x64xf32, #tpu.memory_space<vmem>>, vector<16xf32>,
      %mul3A_676 = arith.mulf %get3A_675, %get3A_671 : vector<16xf32>
      %swap3A_677 = arith.constant 8 : i32
      %swap3A_678 = arith.index_cast %swap3A_677 : i32 to index
      %swap3A_679 = arith.constant 0 : index
      %swap3A_680 = tpu.vector_load %arg9[%swap3A_678, %swap3A_679] {strides = array<i32>} : memref<16x64xf32, #tpu.memory_space<vmem>>, vector<16xf32>,
      tpu.vector_store %arg9[%swap3A_678, %swap3A_679], %mul3A_676 {strides = array<i32>} : memref<16x64xf32, #tpu.memory_space<vmem>>, vector<16xf32>,
      %get3A_681 = arith.constant 8 : i32
      %get3A_682 = arith.index_cast %get3A_681 : i32 to index
      %get3A_683 = arith.constant 16 : index
      %get3A_684 = tpu.vector_load %arg9[%get3A_682, %get3A_683] {strides = array<i32>} : memref<16x64xf32, #tpu.memory_space<vmem>>, vector<16xf32>,
      %mul3A_685 = arith.mulf %get3A_684, %get3A_671 : vector<16xf32>
      %swap3A_686 = arith.constant 8 : i32
      %swap3A_687 = arith.index_cast %swap3A_686 : i32 to index
      %swap3A_688 = arith.constant 16 : index
      %swap3A_689 = tpu.vector_load %arg9[%swap3A_687, %swap3A_688] {strides = array<i32>} : memref<16x64xf32, #tpu.memory_space<vmem>>, vector<16xf32>,
      tpu.vector_store %arg9[%swap3A_687, %swap3A_688], %mul3A_685 {strides = array<i32>} : memref<16x64xf32, #tpu.memory_space<vmem>>, vector<16xf32>,
      %get3A_690 = arith.constant 8 : i32
      %get3A_691 = arith.index_cast %get3A_690 : i32 to index
      %get3A_692 = arith.constant 32 : index
      %get3A_693 = tpu.vector_load %arg9[%get3A_691, %get3A_692] {strides = array<i32>} : memref<16x64xf32, #tpu.memory_space<vmem>>, vector<16xf32>,
      %mul3A_694 = arith.mulf %get3A_693, %get3A_671 : vector<16xf32>
      %swap3A_695 = arith.constant 8 : i32
      %swap3A_696 = arith.index_cast %swap3A_695 : i32 to index
      %swap3A_697 = arith.constant 32 : index
      %swap3A_698 = tpu.vector_load %arg9[%swap3A_696, %swap3A_697] {strides = array<i32>} : memref<16x64xf32, #tpu.memory_space<vmem>>, vector<16xf32>,
      tpu.vector_store %arg9[%swap3A_696, %swap3A_697], %mul3A_694 {strides = array<i32>} : memref<16x64xf32, #tpu.memory_space<vmem>>, vector<16xf32>,
      %get3A_699 = arith.constant 8 : i32
      %get3A_700 = arith.index_cast %get3A_699 : i32 to index
      %get3A_701 = arith.constant 48 : index
      %get3A_702 = tpu.vector_load %arg9[%get3A_700, %get3A_701] {strides = array<i32>} : memref<16x64xf32, #tpu.memory_space<vmem>>, vector<16xf32>,
      %mul3A_703 = arith.mulf %get3A_702, %get3A_671 : vector<16xf32>
      %swap3A_704 = arith.constant 8 : i32
      %swap3A_705 = arith.index_cast %swap3A_704 : i32 to index
      %swap3A_706 = arith.constant 48 : index
      %swap3A_707 = tpu.vector_load %arg9[%swap3A_705, %swap3A_706] {strides = array<i32>} : memref<16x64xf32, #tpu.memory_space<vmem>>, vector<16xf32>,
      tpu.vector_store %arg9[%swap3A_705, %swap3A_706], %mul3A_703 {strides = array<i32>} : memref<16x64xf32, #tpu.memory_space<vmem>>, vector<16xf32>,
      %mul3A_708 = arith.constant 256 : i32
      %mul3A_709 = arith.muli %scan3A_326, %mul3A_708 : i32
      %add3A_710 = arith.constant 144 : i32
      %add3A_711 = arith.addi %mul3A_709, %add3A_710 : i32
      %get3A_712 = arith.index_cast %add3A_711 : i32 to index
      %get3A_713 = tpu.vector_load %arg8[%get3A_712] {strides = array<i32>} : memref<2048xf32, #tpu.memory_space<vmem>>, vector<16xf32>,
      %get3A_714 = arith.constant 9 : i32
      %get3A_715 = arith.index_cast %get3A_714 : i32 to index
      %get3A_716 = arith.constant 0 : index
      %get3A_717 = tpu.vector_load %arg9[%get3A_715, %get3A_716] {strides = array<i32>} : memref<16x64xf32, #tpu.memory_space<vmem>>, vector<16xf32>,
      %mul3A_718 = arith.mulf %get3A_717, %get3A_713 : vector<16xf32>
      %swap3A_719 = arith.constant 9 : i32
      %swap3A_720 = arith.index_cast %swap3A_719 : i32 to index
      %swap3A_721 = arith.constant 0 : index
      %swap3A_722 = tpu.vector_load %arg9[%swap3A_720, %swap3A_721] {strides = array<i32>} : memref<16x64xf32, #tpu.memory_space<vmem>>, vector<16xf32>,
      tpu.vector_store %arg9[%swap3A_720, %swap3A_721], %mul3A_718 {strides = array<i32>} : memref<16x64xf32, #tpu.memory_space<vmem>>, vector<16xf32>,
      %get3A_723 = arith.constant 9 : i32
      %get3A_724 = arith.index_cast %get3A_723 : i32 to index
      %get3A_725 = arith.constant 16 : index
      %get3A_726 = tpu.vector_load %arg9[%get3A_724, %get3A_725] {strides = array<i32>} : memref<16x64xf32, #tpu.memory_space<vmem>>, vector<16xf32>,
      %mul3A_727 = arith.mulf %get3A_726, %get3A_713 : vector<16xf32>
      %swap3A_728 = arith.constant 9 : i32
      %swap3A_729 = arith.index_cast %swap3A_728 : i32 to index
      %swap3A_730 = arith.constant 16 : index
      %swap3A_731 = tpu.vector_load %arg9[%swap3A_729, %swap3A_730] {strides = array<i32>} : memref<16x64xf32, #tpu.memory_space<vmem>>, vector<16xf32>,
      tpu.vector_store %arg9[%swap3A_729, %swap3A_730], %mul3A_727 {strides = array<i32>} : memref<16x64xf32, #tpu.memory_space<vmem>>, vector<16xf32>,
      %get3A_732 = arith.constant 9 : i32
      %get3A_733 = arith.index_cast %get3A_732 : i32 to index
      %get3A_734 = arith.constant 32 : index
      %get3A_735 = tpu.vector_load %arg9[%get3A_733, %get3A_734] {strides = array<i32>} : memref<16x64xf32, #tpu.memory_space<vmem>>, vector<16xf32>,
      %mul3A_736 = arith.mulf %get3A_735, %get3A_713 : vector<16xf32>
      %swap3A_737 = arith.constant 9 : i32
      %swap3A_738 = arith.index_cast %swap3A_737 : i32 to index
      %swap3A_739 = arith.constant 32 : index
      %swap3A_740 = tpu.vector_load %arg9[%swap3A_738, %swap3A_739] {strides = array<i32>} : memref<16x64xf32, #tpu.memory_space<vmem>>, vector<16xf32>,
      tpu.vector_store %arg9[%swap3A_738, %swap3A_739], %mul3A_736 {strides = array<i32>} : memref<16x64xf32, #tpu.memory_space<vmem>>, vector<16xf32>,
      %get3A_741 = arith.constant 9 : i32
      %get3A_742 = arith.index_cast %get3A_741 : i32 to index
      %get3A_743 = arith.constant 48 : index
      %get3A_744 = tpu.vector_load %arg9[%get3A_742, %get3A_743] {strides = array<i32>} : memref<16x64xf32, #tpu.memory_space<vmem>>, vector<16xf32>,
      %mul3A_745 = arith.mulf %get3A_744, %get3A_713 : vector<16xf32>
      %swap3A_746 = arith.constant 9 : i32
      %swap3A_747 = arith.index_cast %swap3A_746 : i32 to index
      %swap3A_748 = arith.constant 48 : index
      %swap3A_749 = tpu.vector_load %arg9[%swap3A_747, %swap3A_748] {strides = array<i32>} : memref<16x64xf32, #tpu.memory_space<vmem>>, vector<16xf32>,
      tpu.vector_store %arg9[%swap3A_747, %swap3A_748], %mul3A_745 {strides = array<i32>} : memref<16x64xf32, #tpu.memory_space<vmem>>, vector<16xf32>,
      %mul3A_750 = arith.constant 256 : i32
      %mul3A_751 = arith.muli %scan3A_326, %mul3A_750 : i32
      %add3A_752 = arith.constant 160 : i32
      %add3A_753 = arith.addi %mul3A_751, %add3A_752 : i32
      %get3A_754 = arith.index_cast %add3A_753 : i32 to index
      %get3A_755 = tpu.vector_load %arg8[%get3A_754] {strides = array<i32>} : memref<2048xf32, #tpu.memory_space<vmem>>, vector<16xf32>,
      %get3A_756 = arith.constant 10 : i32
      %get3A_757 = arith.index_cast %get3A_756 : i32 to index
      %get3A_758 = arith.constant 0 : index
      %get3A_759 = tpu.vector_load %arg9[%get3A_757, %get3A_758] {strides = array<i32>} : memref<16x64xf32, #tpu.memory_space<vmem>>, vector<16xf32>,
      %mul3A_760 = arith.mulf %get3A_759, %get3A_755 : vector<16xf32>
      %swap3A_761 = arith.constant 10 : i32
      %swap3A_762 = arith.index_cast %swap3A_761 : i32 to index
      %swap3A_763 = arith.constant 0 : index
      %swap3A_764 = tpu.vector_load %arg9[%swap3A_762, %swap3A_763] {strides = array<i32>} : memref<16x64xf32, #tpu.memory_space<vmem>>, vector<16xf32>,
      tpu.vector_store %arg9[%swap3A_762, %swap3A_763], %mul3A_760 {strides = array<i32>} : memref<16x64xf32, #tpu.memory_space<vmem>>, vector<16xf32>,
      %get3A_765 = arith.constant 10 : i32
      %get3A_766 = arith.index_cast %get3A_765 : i32 to index
      %get3A_767 = arith.constant 16 : index
      %get3A_768 = tpu.vector_load %arg9[%get3A_766, %get3A_767] {strides = array<i32>} : memref<16x64xf32, #tpu.memory_space<vmem>>, vector<16xf32>,
      %mul3A_769 = arith.mulf %get3A_768, %get3A_755 : vector<16xf32>
      %swap3A_770 = arith.constant 10 : i32
      %swap3A_771 = arith.index_cast %swap3A_770 : i32 to index
      %swap3A_772 = arith.constant 16 : index
      %swap3A_773 = tpu.vector_load %arg9[%swap3A_771, %swap3A_772] {strides = array<i32>} : memref<16x64xf32, #tpu.memory_space<vmem>>, vector<16xf32>,
      tpu.vector_store %arg9[%swap3A_771, %swap3A_772], %mul3A_769 {strides = array<i32>} : memref<16x64xf32, #tpu.memory_space<vmem>>, vector<16xf32>,
      %get3A_774 = arith.constant 10 : i32
      %get3A_775 = arith.index_cast %get3A_774 : i32 to index
      %get3A_776 = arith.constant 32 : index
      %get3A_777 = tpu.vector_load %arg9[%get3A_775, %get3A_776] {strides = array<i32>} : memref<16x64xf32, #tpu.memory_space<vmem>>, vector<16xf32>,
      %mul3A_778 = arith.mulf %get3A_777, %get3A_755 : vector<16xf32>
      %swap3A_779 = arith.constant 10 : i32
      %swap3A_780 = arith.index_cast %swap3A_779 : i32 to index
      %swap3A_781 = arith.constant 32 : index
      %swap3A_782 = tpu.vector_load %arg9[%swap3A_780, %swap3A_781] {strides = array<i32>} : memref<16x64xf32, #tpu.memory_space<vmem>>, vector<16xf32>,
      tpu.vector_store %arg9[%swap3A_780, %swap3A_781], %mul3A_778 {strides = array<i32>} : memref<16x64xf32, #tpu.memory_space<vmem>>, vector<16xf32>,
      %get3A_783 = arith.constant 10 : i32
      %get3A_784 = arith.index_cast %get3A_783 : i32 to index
      %get3A_785 = arith.constant 48 : index
      %get3A_786 = tpu.vector_load %arg9[%get3A_784, %get3A_785] {strides = array<i32>} : memref<16x64xf32, #tpu.memory_space<vmem>>, vector<16xf32>,
      %mul3A_787 = arith.mulf %get3A_786, %get3A_755 : vector<16xf32>
      %swap3A_788 = arith.constant 10 : i32
      %swap3A_789 = arith.index_cast %swap3A_788 : i32 to index
      %swap3A_790 = arith.constant 48 : index
      %swap3A_791 = tpu.vector_load %arg9[%swap3A_789, %swap3A_790] {strides = array<i32>} : memref<16x64xf32, #tpu.memory_space<vmem>>, vector<16xf32>,
      tpu.vector_store %arg9[%swap3A_789, %swap3A_790], %mul3A_787 {strides = array<i32>} : memref<16x64xf32, #tpu.memory_space<vmem>>, vector<16xf32>,
      %mul3A_792 = arith.constant 256 : i32
      %mul3A_793 = arith.muli %scan3A_326, %mul3A_792 : i32
      %add3A_794 = arith.constant 176 : i32
      %add3A_795 = arith.addi %mul3A_793, %add3A_794 : i32
      %get3A_796 = arith.index_cast %add3A_795 : i32 to index
      %get3A_797 = tpu.vector_load %arg8[%get3A_796] {strides = array<i32>} : memref<2048xf32, #tpu.memory_space<vmem>>, vector<16xf32>,
      %get3A_798 = arith.constant 11 : i32
      %get3A_799 = arith.index_cast %get3A_798 : i32 to index
      %get3A_800 = arith.constant 0 : index
      %get3A_801 = tpu.vector_load %arg9[%get3A_799, %get3A_800] {strides = array<i32>} : memref<16x64xf32, #tpu.memory_space<vmem>>, vector<16xf32>,
      %mul3A_802 = arith.mulf %get3A_801, %get3A_797 : vector<16xf32>
      %swap3A_803 = arith.constant 11 : i32
      %swap3A_804 = arith.index_cast %swap3A_803 : i32 to index
      %swap3A_805 = arith.constant 0 : index
      %swap3A_806 = tpu.vector_load %arg9[%swap3A_804, %swap3A_805] {strides = array<i32>} : memref<16x64xf32, #tpu.memory_space<vmem>>, vector<16xf32>,
      tpu.vector_store %arg9[%swap3A_804, %swap3A_805], %mul3A_802 {strides = array<i32>} : memref<16x64xf32, #tpu.memory_space<vmem>>, vector<16xf32>,
      %get3A_807 = arith.constant 11 : i32
      %get3A_808 = arith.index_cast %get3A_807 : i32 to index
      %get3A_809 = arith.constant 16 : index
      %get3A_810 = tpu.vector_load %arg9[%get3A_808, %get3A_809] {strides = array<i32>} : memref<16x64xf32, #tpu.memory_space<vmem>>, vector<16xf32>,
      %mul3A_811 = arith.mulf %get3A_810, %get3A_797 : vector<16xf32>
      %swap3A_812 = arith.constant 11 : i32
      %swap3A_813 = arith.index_cast %swap3A_812 : i32 to index
      %swap3A_814 = arith.constant 16 : index
      %swap3A_815 = tpu.vector_load %arg9[%swap3A_813, %swap3A_814] {strides = array<i32>} : memref<16x64xf32, #tpu.memory_space<vmem>>, vector<16xf32>,
      tpu.vector_store %arg9[%swap3A_813, %swap3A_814], %mul3A_811 {strides = array<i32>} : memref<16x64xf32, #tpu.memory_space<vmem>>, vector<16xf32>,
      %get3A_816 = arith.constant 11 : i32
      %get3A_817 = arith.index_cast %get3A_816 : i32 to index
      %get3A_818 = arith.constant 32 : index
      %get3A_819 = tpu.vector_load %arg9[%get3A_817, %get3A_818] {strides = array<i32>} : memref<16x64xf32, #tpu.memory_space<vmem>>, vector<16xf32>,
      %mul3A_820 = arith.mulf %get3A_819, %get3A_797 : vector<16xf32>
      %swap3A_821 = arith.constant 11 : i32
      %swap3A_822 = arith.index_cast %swap3A_821 : i32 to index
      %swap3A_823 = arith.constant 32 : index
      %swap3A_824 = tpu.vector_load %arg9[%swap3A_822, %swap3A_823] {strides = array<i32>} : memref<16x64xf32, #tpu.memory_space<vmem>>, vector<16xf32>,
      tpu.vector_store %arg9[%swap3A_822, %swap3A_823], %mul3A_820 {strides = array<i32>} : memref<16x64xf32, #tpu.memory_space<vmem>>, vector<16xf32>,
      %get3A_825 = arith.constant 11 : i32
      %get3A_826 = arith.index_cast %get3A_825 : i32 to index
      %get3A_827 = arith.constant 48 : index
      %get3A_828 = tpu.vector_load %arg9[%get3A_826, %get3A_827] {strides = array<i32>} : memref<16x64xf32, #tpu.memory_space<vmem>>, vector<16xf32>,
      %mul3A_829 = arith.mulf %get3A_828, %get3A_797 : vector<16xf32>
      %swap3A_830 = arith.constant 11 : i32
      %swap3A_831 = arith.index_cast %swap3A_830 : i32 to index
      %swap3A_832 = arith.constant 48 : index
      %swap3A_833 = tpu.vector_load %arg9[%swap3A_831, %swap3A_832] {strides = array<i32>} : memref<16x64xf32, #tpu.memory_space<vmem>>, vector<16xf32>,
      tpu.vector_store %arg9[%swap3A_831, %swap3A_832], %mul3A_829 {strides = array<i32>} : memref<16x64xf32, #tpu.memory_space<vmem>>, vector<16xf32>,
      %mul3A_834 = arith.constant 256 : i32
      %mul3A_835 = arith.muli %scan3A_326, %mul3A_834 : i32
      %add3A_836 = arith.constant 192 : i32
      %add3A_837 = arith.addi %mul3A_835, %add3A_836 : i32
      %get3A_838 = arith.index_cast %add3A_837 : i32 to index
      %get3A_839 = tpu.vector_load %arg8[%get3A_838] {strides = array<i32>} : memref<2048xf32, #tpu.memory_space<vmem>>, vector<16xf32>,
      %get3A_840 = arith.constant 12 : i32
      %get3A_841 = arith.index_cast %get3A_840 : i32 to index
      %get3A_842 = arith.constant 0 : index
      %get3A_843 = tpu.vector_load %arg9[%get3A_841, %get3A_842] {strides = array<i32>} : memref<16x64xf32, #tpu.memory_space<vmem>>, vector<16xf32>,
      %mul3A_844 = arith.mulf %get3A_843, %get3A_839 : vector<16xf32>
      %swap3A_845 = arith.constant 12 : i32
      %swap3A_846 = arith.index_cast %swap3A_845 : i32 to index
      %swap3A_847 = arith.constant 0 : index
      %swap3A_848 = tpu.vector_load %arg9[%swap3A_846, %swap3A_847] {strides = array<i32>} : memref<16x64xf32, #tpu.memory_space<vmem>>, vector<16xf32>,
      tpu.vector_store %arg9[%swap3A_846, %swap3A_847], %mul3A_844 {strides = array<i32>} : memref<16x64xf32, #tpu.memory_space<vmem>>, vector<16xf32>,
      %get3A_849 = arith.constant 12 : i32
      %get3A_850 = arith.index_cast %get3A_849 : i32 to index
      %get3A_851 = arith.constant 16 : index
      %get3A_852 = tpu.vector_load %arg9[%get3A_850, %get3A_851] {strides = array<i32>} : memref<16x64xf32, #tpu.memory_space<vmem>>, vector<16xf32>,
      %mul3A_853 = arith.mulf %get3A_852, %get3A_839 : vector<16xf32>
      %swap3A_854 = arith.constant 12 : i32
      %swap3A_855 = arith.index_cast %swap3A_854 : i32 to index
      %swap3A_856 = arith.constant 16 : index
      %swap3A_857 = tpu.vector_load %arg9[%swap3A_855, %swap3A_856] {strides = array<i32>} : memref<16x64xf32, #tpu.memory_space<vmem>>, vector<16xf32>,
      tpu.vector_store %arg9[%swap3A_855, %swap3A_856], %mul3A_853 {strides = array<i32>} : memref<16x64xf32, #tpu.memory_space<vmem>>, vector<16xf32>,
      %get3A_858 = arith.constant 12 : i32
      %get3A_859 = arith.index_cast %get3A_858 : i32 to index
      %get3A_860 = arith.constant 32 : index
      %get3A_861 = tpu.vector_load %arg9[%get3A_859, %get3A_860] {strides = array<i32>} : memref<16x64xf32, #tpu.memory_space<vmem>>, vector<16xf32>,
      %mul3A_862 = arith.mulf %get3A_861, %get3A_839 : vector<16xf32>
      %swap3A_863 = arith.constant 12 : i32
      %swap3A_864 = arith.index_cast %swap3A_863 : i32 to index
      %swap3A_865 = arith.constant 32 : index
      %swap3A_866 = tpu.vector_load %arg9[%swap3A_864, %swap3A_865] {strides = array<i32>} : memref<16x64xf32, #tpu.memory_space<vmem>>, vector<16xf32>,
      tpu.vector_store %arg9[%swap3A_864, %swap3A_865], %mul3A_862 {strides = array<i32>} : memref<16x64xf32, #tpu.memory_space<vmem>>, vector<16xf32>,
      %get3A_867 = arith.constant 12 : i32
      %get3A_868 = arith.index_cast %get3A_867 : i32 to index
      %get3A_869 = arith.constant 48 : index
      %get3A_870 = tpu.vector_load %arg9[%get3A_868, %get3A_869] {strides = array<i32>} : memref<16x64xf32, #tpu.memory_space<vmem>>, vector<16xf32>,
      %mul3A_871 = arith.mulf %get3A_870, %get3A_839 : vector<16xf32>
      %swap3A_872 = arith.constant 12 : i32
      %swap3A_873 = arith.index_cast %swap3A_872 : i32 to index
      %swap3A_874 = arith.constant 48 : index
      %swap3A_875 = tpu.vector_load %arg9[%swap3A_873, %swap3A_874] {strides = array<i32>} : memref<16x64xf32, #tpu.memory_space<vmem>>, vector<16xf32>,
      tpu.vector_store %arg9[%swap3A_873, %swap3A_874], %mul3A_871 {strides = array<i32>} : memref<16x64xf32, #tpu.memory_space<vmem>>, vector<16xf32>,
      %mul3A_876 = arith.constant 256 : i32
      %mul3A_877 = arith.muli %scan3A_326, %mul3A_876 : i32
      %add3A_878 = arith.constant 208 : i32
      %add3A_879 = arith.addi %mul3A_877, %add3A_878 : i32
      %get3A_880 = arith.index_cast %add3A_879 : i32 to index
      %get3A_881 = tpu.vector_load %arg8[%get3A_880] {strides = array<i32>} : memref<2048xf32, #tpu.memory_space<vmem>>, vector<16xf32>,
      %get3A_882 = arith.constant 13 : i32
      %get3A_883 = arith.index_cast %get3A_882 : i32 to index
      %get3A_884 = arith.constant 0 : index
      %get3A_885 = tpu.vector_load %arg9[%get3A_883, %get3A_884] {strides = array<i32>} : memref<16x64xf32, #tpu.memory_space<vmem>>, vector<16xf32>,
      %mul3A_886 = arith.mulf %get3A_885, %get3A_881 : vector<16xf32>
      %swap3A_887 = arith.constant 13 : i32
      %swap3A_888 = arith.index_cast %swap3A_887 : i32 to index
      %swap3A_889 = arith.constant 0 : index
      %swap3A_890 = tpu.vector_load %arg9[%swap3A_888, %swap3A_889] {strides = array<i32>} : memref<16x64xf32, #tpu.memory_space<vmem>>, vector<16xf32>,
      tpu.vector_store %arg9[%swap3A_888, %swap3A_889], %mul3A_886 {strides = array<i32>} : memref<16x64xf32, #tpu.memory_space<vmem>>, vector<16xf32>,
      %get3A_891 = arith.constant 13 : i32
      %get3A_892 = arith.index_cast %get3A_891 : i32 to index
      %get3A_893 = arith.constant 16 : index
      %get3A_894 = tpu.vector_load %arg9[%get3A_892, %get3A_893] {strides = array<i32>} : memref<16x64xf32, #tpu.memory_space<vmem>>, vector<16xf32>,
      %mul3A_895 = arith.mulf %get3A_894, %get3A_881 : vector<16xf32>
      %swap3A_896 = arith.constant 13 : i32
      %swap3A_897 = arith.index_cast %swap3A_896 : i32 to index
      %swap3A_898 = arith.constant 16 : index
      %swap3A_899 = tpu.vector_load %arg9[%swap3A_897, %swap3A_898] {strides = array<i32>} : memref<16x64xf32, #tpu.memory_space<vmem>>, vector<16xf32>,
      tpu.vector_store %arg9[%swap3A_897, %swap3A_898], %mul3A_895 {strides = array<i32>} : memref<16x64xf32, #tpu.memory_space<vmem>>, vector<16xf32>,
      %get3A_900 = arith.constant 13 : i32
      %get3A_901 = arith.index_cast %get3A_900 : i32 to index
      %get3A_902 = arith.constant 32 : index
      %get3A_903 = tpu.vector_load %arg9[%get3A_901, %get3A_902] {strides = array<i32>} : memref<16x64xf32, #tpu.memory_space<vmem>>, vector<16xf32>,
      %mul3A_904 = arith.mulf %get3A_903, %get3A_881 : vector<16xf32>
      %swap3A_905 = arith.constant 13 : i32
      %swap3A_906 = arith.index_cast %swap3A_905 : i32 to index
      %swap3A_907 = arith.constant 32 : index
      %swap3A_908 = tpu.vector_load %arg9[%swap3A_906, %swap3A_907] {strides = array<i32>} : memref<16x64xf32, #tpu.memory_space<vmem>>, vector<16xf32>,
      tpu.vector_store %arg9[%swap3A_906, %swap3A_907], %mul3A_904 {strides = array<i32>} : memref<16x64xf32, #tpu.memory_space<vmem>>, vector<16xf32>,
      %get3A_909 = arith.constant 13 : i32
      %get3A_910 = arith.index_cast %get3A_909 : i32 to index
      %get3A_911 = arith.constant 48 : index
      %get3A_912 = tpu.vector_load %arg9[%get3A_910, %get3A_911] {strides = array<i32>} : memref<16x64xf32, #tpu.memory_space<vmem>>, vector<16xf32>,
      %mul3A_913 = arith.mulf %get3A_912, %get3A_881 : vector<16xf32>
      %swap3A_914 = arith.constant 13 : i32
      %swap3A_915 = arith.index_cast %swap3A_914 : i32 to index
      %swap3A_916 = arith.constant 48 : index
      %swap3A_917 = tpu.vector_load %arg9[%swap3A_915, %swap3A_916] {strides = array<i32>} : memref<16x64xf32, #tpu.memory_space<vmem>>, vector<16xf32>,
      tpu.vector_store %arg9[%swap3A_915, %swap3A_916], %mul3A_913 {strides = array<i32>} : memref<16x64xf32, #tpu.memory_space<vmem>>, vector<16xf32>,
      %mul3A_918 = arith.constant 256 : i32
      %mul3A_919 = arith.muli %scan3A_326, %mul3A_918 : i32
      %add3A_920 = arith.constant 224 : i32
      %add3A_921 = arith.addi %mul3A_919, %add3A_920 : i32
      %get3A_922 = arith.index_cast %add3A_921 : i32 to index
      %get3A_923 = tpu.vector_load %arg8[%get3A_922] {strides = array<i32>} : memref<2048xf32, #tpu.memory_space<vmem>>, vector<16xf32>,
      %get3A_924 = arith.constant 14 : i32
      %get3A_925 = arith.index_cast %get3A_924 : i32 to index
      %get3A_926 = arith.constant 0 : index
      %get3A_927 = tpu.vector_load %arg9[%get3A_925, %get3A_926] {strides = array<i32>} : memref<16x64xf32, #tpu.memory_space<vmem>>, vector<16xf32>,
      %mul3A_928 = arith.mulf %get3A_927, %get3A_923 : vector<16xf32>
      %swap3A_929 = arith.constant 14 : i32
      %swap3A_930 = arith.index_cast %swap3A_929 : i32 to index
      %swap3A_931 = arith.constant 0 : index
      %swap3A_932 = tpu.vector_load %arg9[%swap3A_930, %swap3A_931] {strides = array<i32>} : memref<16x64xf32, #tpu.memory_space<vmem>>, vector<16xf32>,
      tpu.vector_store %arg9[%swap3A_930, %swap3A_931], %mul3A_928 {strides = array<i32>} : memref<16x64xf32, #tpu.memory_space<vmem>>, vector<16xf32>,
      %get3A_933 = arith.constant 14 : i32
      %get3A_934 = arith.index_cast %get3A_933 : i32 to index
      %get3A_935 = arith.constant 16 : index
      %get3A_936 = tpu.vector_load %arg9[%get3A_934, %get3A_935] {strides = array<i32>} : memref<16x64xf32, #tpu.memory_space<vmem>>, vector<16xf32>,
      %mul3A_937 = arith.mulf %get3A_936, %get3A_923 : vector<16xf32>
      %swap3A_938 = arith.constant 14 : i32
      %swap3A_939 = arith.index_cast %swap3A_938 : i32 to index
      %swap3A_940 = arith.constant 16 : index
      %swap3A_941 = tpu.vector_load %arg9[%swap3A_939, %swap3A_940] {strides = array<i32>} : memref<16x64xf32, #tpu.memory_space<vmem>>, vector<16xf32>,
      tpu.vector_store %arg9[%swap3A_939, %swap3A_940], %mul3A_937 {strides = array<i32>} : memref<16x64xf32, #tpu.memory_space<vmem>>, vector<16xf32>,
      %get3A_942 = arith.constant 14 : i32
      %get3A_943 = arith.index_cast %get3A_942 : i32 to index
      %get3A_944 = arith.constant 32 : index
      %get3A_945 = tpu.vector_load %arg9[%get3A_943, %get3A_944] {strides = array<i32>} : memref<16x64xf32, #tpu.memory_space<vmem>>, vector<16xf32>,
      %mul3A_946 = arith.mulf %get3A_945, %get3A_923 : vector<16xf32>
      %swap3A_947 = arith.constant 14 : i32
      %swap3A_948 = arith.index_cast %swap3A_947 : i32 to index
      %swap3A_949 = arith.constant 32 : index
      %swap3A_950 = tpu.vector_load %arg9[%swap3A_948, %swap3A_949] {strides = array<i32>} : memref<16x64xf32, #tpu.memory_space<vmem>>, vector<16xf32>,
      tpu.vector_store %arg9[%swap3A_948, %swap3A_949], %mul3A_946 {strides = array<i32>} : memref<16x64xf32, #tpu.memory_space<vmem>>, vector<16xf32>,
      %get3A_951 = arith.constant 14 : i32
      %get3A_952 = arith.index_cast %get3A_951 : i32 to index
      %get3A_953 = arith.constant 48 : index
      %get3A_954 = tpu.vector_load %arg9[%get3A_952, %get3A_953] {strides = array<i32>} : memref<16x64xf32, #tpu.memory_space<vmem>>, vector<16xf32>,
      %mul3A_955 = arith.mulf %get3A_954, %get3A_923 : vector<16xf32>
      %swap3A_956 = arith.constant 14 : i32
      %swap3A_957 = arith.index_cast %swap3A_956 : i32 to index
      %swap3A_958 = arith.constant 48 : index
      %swap3A_959 = tpu.vector_load %arg9[%swap3A_957, %swap3A_958] {strides = array<i32>} : memref<16x64xf32, #tpu.memory_space<vmem>>, vector<16xf32>,
      tpu.vector_store %arg9[%swap3A_957, %swap3A_958], %mul3A_955 {strides = array<i32>} : memref<16x64xf32, #tpu.memory_space<vmem>>, vector<16xf32>,
      %mul3A_960 = arith.constant 256 : i32
      %mul3A_961 = arith.muli %scan3A_326, %mul3A_960 : i32
      %add3A_962 = arith.constant 240 : i32
      %add3A_963 = arith.addi %mul3A_961, %add3A_962 : i32
      %get3A_964 = arith.index_cast %add3A_963 : i32 to index
      %get3A_965 = tpu.vector_load %arg8[%get3A_964] {strides = array<i32>} : memref<2048xf32, #tpu.memory_space<vmem>>, vector<16xf32>,
      %get3A_966 = arith.constant 15 : i32
      %get3A_967 = arith.index_cast %get3A_966 : i32 to index
      %get3A_968 = arith.constant 0 : index
      %get3A_969 = tpu.vector_load %arg9[%get3A_967, %get3A_968] {strides = array<i32>} : memref<16x64xf32, #tpu.memory_space<vmem>>, vector<16xf32>,
      %mul3A_970 = arith.mulf %get3A_969, %get3A_965 : vector<16xf32>
      %swap3A_971 = arith.constant 15 : i32
      %swap3A_972 = arith.index_cast %swap3A_971 : i32 to index
      %swap3A_973 = arith.constant 0 : index
      %swap3A_974 = tpu.vector_load %arg9[%swap3A_972, %swap3A_973] {strides = array<i32>} : memref<16x64xf32, #tpu.memory_space<vmem>>, vector<16xf32>,
      tpu.vector_store %arg9[%swap3A_972, %swap3A_973], %mul3A_970 {strides = array<i32>} : memref<16x64xf32, #tpu.memory_space<vmem>>, vector<16xf32>,
      %get3A_975 = arith.constant 15 : i32
      %get3A_976 = arith.index_cast %get3A_975 : i32 to index
      %get3A_977 = arith.constant 16 : index
      %get3A_978 = tpu.vector_load %arg9[%get3A_976, %get3A_977] {strides = array<i32>} : memref<16x64xf32, #tpu.memory_space<vmem>>, vector<16xf32>,
      %mul3A_979 = arith.mulf %get3A_978, %get3A_965 : vector<16xf32>
      %swap3A_980 = arith.constant 15 : i32
      %swap3A_981 = arith.index_cast %swap3A_980 : i32 to index
      %swap3A_982 = arith.constant 16 : index
      %swap3A_983 = tpu.vector_load %arg9[%swap3A_981, %swap3A_982] {strides = array<i32>} : memref<16x64xf32, #tpu.memory_space<vmem>>, vector<16xf32>,
      tpu.vector_store %arg9[%swap3A_981, %swap3A_982], %mul3A_979 {strides = array<i32>} : memref<16x64xf32, #tpu.memory_space<vmem>>, vector<16xf32>,
      %get3A_984 = arith.constant 15 : i32
      %get3A_985 = arith.index_cast %get3A_984 : i32 to index
      %get3A_986 = arith.constant 32 : index
      %get3A_987 = tpu.vector_load %arg9[%get3A_985, %get3A_986] {strides = array<i32>} : memref<16x64xf32, #tpu.memory_space<vmem>>, vector<16xf32>,
      %mul3A_988 = arith.mulf %get3A_987, %get3A_965 : vector<16xf32>
      %swap3A_989 = arith.constant 15 : i32
      %swap3A_990 = arith.index_cast %swap3A_989 : i32 to index
      %swap3A_991 = arith.constant 32 : index
      %swap3A_992 = tpu.vector_load %arg9[%swap3A_990, %swap3A_991] {strides = array<i32>} : memref<16x64xf32, #tpu.memory_space<vmem>>, vector<16xf32>,
      tpu.vector_store %arg9[%swap3A_990, %swap3A_991], %mul3A_988 {strides = array<i32>} : memref<16x64xf32, #tpu.memory_space<vmem>>, vector<16xf32>,
      %get3A_993 = arith.constant 15 : i32
      %get3A_994 = arith.index_cast %get3A_993 : i32 to index
      %get3A_995 = arith.constant 48 : index
      %get3A_996 = tpu.vector_load %arg9[%get3A_994, %get3A_995] {strides = array<i32>} : memref<16x64xf32, #tpu.memory_space<vmem>>, vector<16xf32>,
      %mul3A_997 = arith.mulf %get3A_996, %get3A_965 : vector<16xf32>
      %swap3A_998 = arith.constant 15 : i32
      %swap3A_999 = arith.index_cast %swap3A_998 : i32 to index
      %swap3A_1000 = arith.constant 48 : index
      %swap3A_1001 = tpu.vector_load %arg9[%swap3A_999, %swap3A_1000] {strides = array<i32>} : memref<16x64xf32, #tpu.memory_space<vmem>>, vector<16xf32>,
      tpu.vector_store %arg9[%swap3A_999, %swap3A_1000], %mul3A_997 {strides = array<i32>} : memref<16x64xf32, #tpu.memory_space<vmem>>, vector<16xf32>,
      %mul3A_1002 = arith.constant 16 : i32
      %mul3A_1003 = arith.muli %scan3A_326, %mul3A_1002 : i32
      %add3A_1004 = arith.addi %mul3A_4, %mul3A_1003 : i32
      "tpu.region"() ({
        %run_scoped3A = tpu.sem_alloc : memref<!tpu.dma_semaphore, #tpu.memory_space<semaphore_mem>>
        %dma_start3A_1006 = arith.constant 0 : i32
        %dma_start3A_1007 = tpu.memref_slice %arg5[%add3A_1004, %dma_start3A_1006] : memref<4096x64xf32, #tpu.memory_space<hbm>> -> memref<16x64xf32, #tpu.memory_space<hbm>>
        %dma_start3A_1008 = arith.constant 0 : i32
        %dma_start3A_1009 = tpu.memref_slice %arg5[%add3A_1004, %dma_start3A_1008] : memref<4096x64xf32, #tpu.memory_space<hbm>> -> memref<16x64xf32, #tpu.memory_space<hbm>>
        tpu.enqueue_dma source(%arg9 : memref<16x64xf32, #tpu.memory_space<vmem>>) target(%dma_start3A_1009 : memref<16x64xf32, #tpu.memory_space<hbm>>) target_semaphore(%run_scoped3A : memref<!tpu.dma_semaphore, #tpu.memory_space<semaphore_mem>>)
        %dma_wait3A_1010 = arith.constant 0 : i32
        %dma_wait3A_1011 = tpu.memref_slice %arg5[%add3A_1004, %dma_wait3A_1010] : memref<4096x64xf32, #tpu.memory_space<hbm>> -> memref<16x64xf32, #tpu.memory_space<hbm>>
        %dma_wait3A_1012 = arith.constant 0 : i32
        %dma_wait3A_1013 = tpu.memref_slice %arg5[%add3A_1004, %dma_wait3A_1012] : memref<4096x64xf32, #tpu.memory_space<hbm>> -> memref<16x64xf32, #tpu.memory_space<hbm>>
        tpu.wait_dma2 semaphore(%run_scoped3A : memref<!tpu.dma_semaphore, #tpu.memory_space<semaphore_mem>>) src(%arg9 : memref<16x64xf32, #tpu.memory_space<vmem>>) dst(%dma_wait3A_1013 : memref<16x64xf32, #tpu.memory_space<hbm>>)
        tpu.yield
      }) : () -> ()
      %scan3A_1005 = arith.constant 0 : i32
      scf.yield %scan3A_1005 : i32
    }
    %scan3A_325 = arith.constant 8 : i32
    return
  }
}

</mosaic_0001>

<sc_bundles>
// kernel: _sc_pool.3.cloned.1.call-start
scs
__scs_entry_jumppad:
0x0: {  	(pc) =	sbr.rel $0x88, $3  }
0x1: {  	(tag) =	ssettag $0x0;
	lr =	simm.s32 $0x1  }
0x2: {  	[smem:$0x3F9E] =	sst lr;
	_ =	strace $0xD0000000  }
0x3: {  	_ = 	snop  }
0x4: {  	_ = 	snop  }
0x5: {  	_ = 	snop  }
0x6: {  	_ = 	snop  }
0x7: {  	_ = 	snop  }
__scs_overlays_trampoline_lowered:
0x8: {  	[smem:$0x3FAD] =	sst s0  }
0x9: {  	[smem:$0x3FAE] =	sst s1  }
0xa: {  	[smem:$0x3FAF] =	sst s2  }
0xb: {  	[smem:$0x3FB0] =	sst s3  }
0xc: {  	[smem:$0x3FB1] =	sst s4  }
0xd: {  	[smem:$0x3FB2] =	sst s5  }
0xe: {  	[smem:$0x3FB3] =	sst s6  }
0xf: {  	[smem:$0x3FB4] =	sst s7  }
0x10: {  	[smem:$0x3FB5] =	sst s8  }
0x11: {  	[smem:$0x3FB6] =	sst s9;
	s0 =	simm.s32 @!p0 $0x0  }
0x12: {  	s1 =	sld [smem:$0x3F9C];
	s0 =	simm.s32 @p0 $0x1  }
0x13: {  	[smem:$0x3FB7] =	sst s0;
	s0 =	simm.s32 @!p1 $0x0  }
0x14: {  	s2 =	sld [smem:$0x3F9B];
	s0 =	simm.s32 @p1 $0x1  }
0x15: {  	[smem:$0x3FB8] =	sst s0;
	s0 =	simm.s32 @!p2 $0x0  }
0x16: {  	s3 =	sld [smem:$0x3FDB];
	s0 =	simm.s32 @p2 $0x1  }
0x17: {  	s4 =	simm.s32 $0x1BF5;
	[smem:$0x3FBA] =	sst s0  }
0x18: {  	s0 =	sld [smem:$0x3F9D];
	_ =	swait.ge [sflag:s4], $0x0  }
0x19: {  	s7 =	sld [smem:$0x3F9E]  }
0x1a: {  	s8 =	sadd.s32 $0xFFFFE003, lr  }
0x1b: {  	s9 =	sadd.s32 $0xFFFFFEF7, lr;
	s5 =	simm.s32 $0xFFFFFFFF;
	p2 =	slt.u32 s8, $0xFFFFF086  }
0x1c: {  	p1 =	slt.u32 s9, $0xF7A;
	s5 =	simm.s32 @!p2 $0x0  }
0x1d: {  	s5 =	simm.s32 @p1 $0x1;
	p0 =	seq.s32 s7, s2  }
0x1e: {  	s7 =	smul.u32 @!p0 $0xF7A, s2;
	p2 =	seq.s32 @!p0 s5, $0x0  }
0x1f: {  	s9 =	smul.u32 $0xF7A, s1;
	s8 =	simm.s32 @!p0 $0x1BF5;
	p2 =	por !p2, p0  }
0x20: {  	[sflag:s8] =	ssyncset.s32 @!p0 $0xFFFFF086;
	s6 =	sadd.s32 @!p0 s3, s7;
	s7 =	simm.s32 @!p0 $0x108  }
0x21: {  	s3 =	sadd.s32 s3, s9;
	s6 =	sadd.s32 @!p0 $0x88, s6;
	s7 =	simm.s32 @p2 $0x1082  }
0x22: {  	[simem:s7], [sflag:s8] =	dma.local @!p0 [hbm:s6], $0xF7A  }
0x23: {  	s9 =	sor.u32 $0xD0000000, s2;
	s6 =	simm.s32 $0x108;
	_ =	swait.ge @!p0 [sflag:s8], $0x0  }
0x24: {  	s3 =	sadd.s32 $0x88, s3;
	s6 =	simm.s32 @!p1 $0x1082;
	[sflag:s4] =	ssyncset.s32 $0xFFFFF086  }
0x25: {  	[simem:s6], [sflag:s4] =	dma.local [hbm:s3], $0xF7A  }
0x26: {  	[smem:$0x3F9E] =	sst s1;
	(tag) =	ssettag s2;
	_ =	strace s9  }
0x27: {  	s1 =	sld [smem:$0x3FAE]  }
0x28: {  	s2 =	sld [smem:$0x3FAF]  }
0x29: {  	s4 =	sld [smem:$0x3FB1]  }
0x2a: {  	p0 =	seq.s32 s5, $0x0;
	s5 =	sld [smem:$0x3FB2]  }
0x2b: {  	s6 =	sld [smem:$0x3FB3]  }
0x2c: {  	s7 =	sld [smem:$0x3FB4]  }
0x2d: {  	s3 =	simm.s32 $0x108;
	s8 =	sld [smem:$0x3FB5]  }
0x2e: {  	s3 =	simm.s32 @!p0 $0x1082;
	s9 =	sld [smem:$0x3FB6]  }
0x2f: {  	lr =	sadd.s32 s0, s3;
	s0 =	sld [smem:$0x3FAD]  }
0x30: {  	s3 =	sld [smem:$0x3FB0]  }
0x31: {  	[smem:$0x3FB9] =	sst s10  }
0x32: {  	s10 =	sld [smem:$0x3FB7];
	_ =	sdelay $0x3  }
0x33: {  	p0 =	seq.s32 s10, $0x1;
	s10 =	sld [smem:$0x3FB9];
	_ =	sdelay $0x3  }
0x34: {  	[smem:$0x3FB9] =	sst s10  }
0x35: {  	s10 =	sld [smem:$0x3FB8];
	_ =	sdelay $0x3  }
0x36: {  	p1 =	seq.s32 s10, $0x1;
	s10 =	sld [smem:$0x3FB9];
	_ =	sdelay $0x3  }
0x37: {  	[smem:$0x3FB9] =	sst s10  }
0x38: {  	s10 =	sld [smem:$0x3FBA]  }
0x39: {  	_ = 	snop;
	(pc) =	sbr.ind lr, $3  }
0x3a: {  	_ = 	snop  }
0x3b: {  	_ = 	snop  }
0x3c: {  	p2 =	seq.s32 s10, $0x1;
	s10 =	sld [smem:$0x3FB9]  }
0x3d: {  	_ =	shalt  }
0x3e: {  	_ =	shalt  }
0x3f: {  	_ =	shalt  }
0x40: {  	_ =	shalt  }
0x41: {  	_ =	shalt  }
0x42: {  	_ =	shalt  }
0x43: {  	_ =	shalt  }
0x44: {  	_ =	shalt  }
0x45: {  	_ =	shalt  }
0x46: {  	_ =	shalt  }
0x47: {  	_ =	shalt  }
0x48: {  	_ =	shalt  }
0x49: {  	_ =	shalt  }
0x4a: {  	_ =	shalt  }
0x4b: {  	_ =	shalt  }
0x4c: {  	_ =	shalt  }
0x4d: {  	_ =	shalt  }
0x4e: {  	_ =	shalt  }
0x4f: {  	_ =	shalt  }
0x50: {  	_ =	shalt  }
0x51: {  	_ =	shalt  }
0x52: {  	_ =	shalt  }
0x53: {  	_ =	shalt  }
0x54: {  	_ =	shalt  }
0x55: {  	_ =	shalt  }
0x56: {  	_ =	shalt  }
0x57: {  	_ =	shalt  }
0x58: {  	_ =	shalt  }
0x59: {  	_ =	shalt  }
0x5a: {  	_ =	shalt  }
0x5b: {  	_ =	shalt  }
0x5c: {  	_ =	shalt  }
0x5d: {  	_ =	shalt  }
0x5e: {  	_ =	shalt  }
0x5f: {  	_ =	shalt  }
0x60: {  	_ =	shalt  }
0x61: {  	_ =	shalt  }
0x62: {  	_ =	shalt  }
0x63: {  	_ =	shalt  }
0x64: {  	_ =	shalt  }
0x65: {  	_ =	shalt  }
0x66: {  	_ =	shalt  }
0x67: {  	_ =	shalt  }
0x68: {  	_ =	shalt  }
0x69: {  	_ =	shalt  }
0x6a: {  	_ =	shalt  }
0x6b: {  	_ =	shalt  }
0x6c: {  	_ =	shalt  }
0x6d: {  	_ =	shalt  }
0x6e: {  	_ =	shalt  }
0x6f: {  	_ =	shalt  }
0x70: {  	_ =	shalt  }
0x71: {  	_ =	shalt  }
0x72: {  	_ =	shalt  }
0x73: {  	_ =	shalt  }
0x74: {  	_ =	shalt  }
0x75: {  	_ =	shalt  }
0x76: {  	_ =	shalt  }
0x77: {  	_ =	shalt  }
0x78: {  	_ =	shalt  }
0x79: {  	_ =	shalt  }
0x7a: {  	_ =	shalt  }
0x7b: {  	_ =	shalt  }
0x7c: {  	_ =	shalt  }
0x7d: {  	_ =	shalt  }
0x7e: {  	_ =	shalt  }
0x7f: {  	_ =	shalt  }
0x80: {  	_ =	shalt  }
0x81: {  	_ =	shalt  }
0x82: {  	_ =	shalt  }
0x83: {  	_ =	shalt  }
0x84: {  	_ =	shalt  }
0x85: {  	_ =	shalt  }
0x86: {  	_ =	shalt  }
0x87: {  	_ =	shalt  }
.Lfunc_end0:
.L_simem_size_0:
called_computation_lowered:
.L_overlay_start_0:
0x88: {  	s2 =	sld [smem:$0x3FD9]  }
0x89: {  	s3 =	sld [smem:$0x3FFE];
	_ =	sdelay $0x1  }
0x8a: {  	s1 =	srdreg.scid  }
0x8b: {  	s0 =	sand.u32 $0x1, s1  }
0x8c: {  	s17 =	sshll.u32 s0, $0xA;
	s2 =	sadd.s32 s3, s2  }
0x8d: {  	s2 =	sadd.s32 s2, s17  }
0x8e: {  	[smem:$0x3FC5] =	sst s2  }
0x8f: {  	_ = 	snop  }
0x90: {  	s2 =	sld [smem:$0x3FC9]  }
0x91: {  	s18 =	sld [smem:$0x3FC8]  }
0x92: {  	s4 =	sld [smem:$0x3FD0];
	(tm) =	ssettm $0x1  }
0x93: {  	s5 =	sld [smem:$0x3FFB];
	_ =	sdelay $0x3  }
0x94: {  	_ =	strace s5  }
0x95: {  	s5 =	sld [smem:$0x3FFC];
	_ =	sdelay $0x3  }
0x96: {  	_ =	strace s5  }
0x97: {  	s5 =	sld [smem:$0x3FFD];
	_ =	sdelay $0x3  }
0x98: {  	_ =	strace s5  }
0x99: {  	_ =	strace $0x8FFFFFFF  }
0x9a: {  	s19 =	sld [smem:$0x3FDB];
	_ =	sdelay $0x1  }
0x9b: {  	s6 =	simm.s32 $_scs_section_size  }
0x9c: {  	s7 =	simm.s32 $_size__tile_overlayer_lowered;
	s8 =	simm.s32 $_tile_overlayer_lowered  }
0x9d: {  	s22 =	simm.s32 $0x1BFF;
	s21 =	sshll.u32 s8, $0x1;
	s5 =	sadd.s32 s6, s19  }
0x9e: {  	s9 =	simm.s32 $0x0;
	s20 =	sshll.u32 s7, $0x1;
	s7 =	sadd.s32 s21, s5  }
0x9f: {  	[timem:s9], [sflag:s22] =	dma.local [hbm:s7], s20  }
0xa0: {  	_ =	swait.ge [sflag:s22], s20  }
0xa1: {  	s6 =	ssub.s32 $0x0, s20;
	[sflag:s22] =	ssyncset.done $0x0  }
0xa2: {  	[sflag:s22] =	ssyncadd.s32 s6;
	_ =	sdelay $0x1  }
0xa3: {  	s23 =	simm.s32 $0x1B8B  }
0xa4: {  	_ =	swait.ge [sflag:s23], $0x1  }
0xa5: {  	[sflag:s23] =	ssyncset.done $0x0  }
0xa6: {  	s25 =	simm.s32 $0x1B8E;
	s24 =	sld [smem:$0x3FFE];
	[sflag:s23] =	ssyncadd.s32 $0xFFFFFFFF  }
0xa7: {  	s26 =	simm.s32 $execute0_lowered;
	[smem:$0x3FD2] =	sst s25  }
0xa8: {  	s7 =	sshll.u32 s26, $0x1;
	_ =	strace $0x80000046;
	[dreg:$0x1] =	wrdreg $0xFFFFFFFF  }
0xa9: {  	s28 =	simm.s32 $_size_execute0_lowered;
	s5 =	sadd.s32 s5, s7;
	[dreg:$0x0] =	wrdreg $0x0  }
0xaa: {  	s7 =	sshll.u32 s28, $0x1;
	[dreg:$0x2] =	wrdreg s5  }
0xab: {  	[dreg:$0x3] =	wrdreg s7  }
0xac: {  	[dreg:$0x4] =	wrdreg $0xC0  }
0xad: {  	_ =	task [dreg:s9], $0x5FFFF  }
0xae: {  	[dreg:$0x1] =	wrdreg $0xFFFFFFFF  }
0xaf: {  	[dreg:$0x0] =	wrdreg $0x60  }
0xb0: {  	[dreg:$0x2] =	wrdreg s2  }
0xb1: {  	[dreg:$0x3] =	wrdreg s18  }
0xb2: {  	[dreg:$0x4] =	wrdreg s24  }
0xb3: {  	[dreg:$0x5] =	wrdreg s4  }
0xb4: {  	[dreg:$0x6] =	wrdreg $0xD4100  }
0xb5: {  	[dreg:$0x7] =	wrdreg $0x9  }
0xb6: {  	_ =	task.clear_ibuf [dreg:s9], $0x8FFFF;
	_ =	strace $0x90000046  }
0xb7: {  	s29 =	simm.s32 $0x9;
	_ =	strace $0x80000048  }
0xb8: {  	_ =	swait.ge [sflag:s29], $0x1  }
0xb9: {  	[sflag:s29] =	ssyncadd.s32 $0xFFFFFFFF  }
0xba: {  	_ =	strace $0x90000048  }
0xbb: {  	_ =	sfence  }
0xbc: {  	s30 =	sld [smem:$0x0];
	_ =	sdelay $0x2  }
0xbd: {  	s31 =	sshll.u32 s1, $0xD;
	s1 =	sshrl.u32 s1, $0x2  }
0xbe: {  	s3 =	sand.u32 $0x4000, s31;
	s1 =	sadd.s32 s1, s30  }
0xbf: {  	s0 =	sor.u32 s3, s0;
	s1 =	sshll.u32 s1, $0x11  }
0xc0: {  	s0 =	sor.u32 s1, s0  }
0xc1: {  	s0 =	sadd.s32 $0x8F2B, s0  }
0xc2: {  	[sflag:s0] =	ssyncadd.remote.s32 $0x1  }
0xc3: {  	_ =	sfence.sel $0xFFFF  }
0xc4: {  	[dreg:$0x0] =	wrdreg $0xFFFFFFFF;
	(pc) =	sbr.abs _section_cstart, $3  }
0xc5: {  	[dreg:$0x1] =	wrdreg $0xFFFFFFFF  }
0xc6: {  	_ =	task.clear_ibuf [dreg:s9], $0x2FFFF;
	_ =	strace $0x9FFFFFFF  }
0xc7: {  	(tm) =	ssettm $0x7FFFFFFF  }
tec
execute0_lowered:
.L_overlay_start_1:
0x0: {  	(tag) =	ssettag $0x1  }
0x1: {  	s0 =	rddreg [dreg:$0x0]  }
0x2: {  	s2 =	rddreg [dreg:$0x1]  }
0x3: {  	s4 =	rddreg [dreg:$0x2]  }
0x4: {  	s5 =	rddreg [dreg:$0x3]  }
0x5: {  	s1 =	rddreg [dreg:$0x4]  }
0x6: {  	s3 =	srdreg.scid;
	s10 =	stileid.u32;
	s17 =	simm.s32 $0x1F450  }
0x7: {  	s18 =	simm.s32 $0x1F4D0;
	s20 =	simm.s32 $0x1F550;
	s21 =	simm.s32 $0x1F5D0  }
0x8: {  	s22 =	simm.s32 $0x1F650;
	s23 =	simm.s32 $0x1F6D0;
	s24 =	simm.s32 $0x1F750  }
0x9: {  	s29 =	simm.s32 $0x15450;
	s6 =	sand.u32 $0x1, s3;
	s3 =	simm.s32 $0x0  }
0xa: {  	s31 =	simm.s32 $0x17450;
	s28 =	simm.s32 $0x3;
	[smem:$0x7FF] =	sst s3  }
0xb: {  	s30 =	simm.s32 $0xA;
	_ =	strace $0x80000047;
	[dreg:$0x6] =	wrdreg s17  }
0xc: {  	s4 =	sadd.s32 $0xF42800, s4;
	s12 =	sor.u32 $0x800, s10;
	[dreg:$0x7] =	wrdreg s18  }
0xd: {  	s25 =	sshll.u32 s10, $0xD;
	s19 =	sshll.u32 s10, $0xA;
	[dreg:$0x8] =	wrdreg s20  }
0xe: {  	s7 =	sshll.u32 s6, $0x4;
	s8 =	ssub.s32 $0x2, s6;
	[dreg:$0x9] =	wrdreg s21  }
0xf: {  	s7 =	sor.u32 s10, s7;
	s9 =	sshrl.u32 s8, $0x1;
	[dreg:$0xa] =	wrdreg s22  }
0x10: {  	[dreg:$0xb] =	wrdreg s23;
	s7 =	smul.u32 $0xC80, s7;
	s8 =	ssub.s32 s8, s9  }
0x11: {  	s16 =	sshll.u32 s6, $0xE;
	[dreg:$0xc] =	wrdreg s24;
	s26 =	smax.u32 s8, $0x1  }
0x12: {  	s6 =	simm.s32 $0xB;
	s0 =	sadd.s32 s0, s7;
	[dreg:$0x11] =	wrdreg s26  }
0x13: {  	v1 =	vmov s12;
	s12 =	simm.s32 $0x7;
	s2 =	sadd.s32 s2, s7;
	[dreg:$0xe] =	wrdreg s0  }
0x14: {  	s17 =	simm.s32 $0x11;
	[dreg:$0xf] =	wrdreg s2;
	s0 =	sadd.s32 s25, s1  }
0x15: {  	s20 =	simm.s32 $0x80;
	s25 =	simm.s32 $0x1F7D0;
	[dreg:$0x10] =	wrdreg s0  }
0x16: {  	s24 =	simm.s32 $0xF450;
	s7 =	sadd.s32 $0x400, s0;
	[dreg:$0xd] =	wrdreg s25  }
0x17: {  	s18 =	simm.s32 $0x13450;
	s8 =	sadd.s32 $0x800, s0;
	[dreg:$0x12] =	wrdreg s7  }
0x18: {  	s23 =	simm.s32 $0x2;
	s11 =	sadd.s32 $0xC00, s0;
	[dreg:$0x13] =	wrdreg s8  }
0x19: {  	s9 =	sshll.u32 s10, $0x7;
	s13 =	sadd.s32 $0x1000, s0;
	[dreg:$0x14] =	wrdreg s11  }
0x1a: {  	s10 =	simm.s32 $0x6;
	s14 =	sadd.s32 $0x1400, s0;
	[dreg:$0x15] =	wrdreg s13  }
0x1b: {  	v0 =	vmov s9;
	s9 =	simm.s32 $0xC;
	s15 =	sadd.s32 $0x1800, s0;
	[dreg:$0x16] =	wrdreg s14  }
0x1c: {  	s26 =	simm.s32 $0x11450;
	s0 =	sadd.s32 $0x1C00, s0;
	[dreg:$0x17] =	wrdreg s15  }
0x1d: {  	s2 =	simm.s32 $0x1;
	s25 =	simm.s32 $0x9;
	[dreg:$0x18] =	wrdreg s0  }
0x1e: {  	s0 =	sadd.s32 s16, s5;
	s5 =	simm.s32 $0x4;
	s8 =	simm.s32 $0x5  }
0x1f: {  	v2 =	vimm.f32 $0.0e+00;
	v3 =	vlaneseq.u32;
	s11 =	simm.s32 $0xD;
	s13 =	simm.s32 $0xE;
	s14 =	simm.s32 $0x8  }
0x20: {  	vm0 =	vmmov $0xff;
	v5 =	vimm.s32 $0x0;
	v4 =	vmul.u32 $0xFFFFFFFF, v3;
	s16 =	sadd.s32 s19, s0;
	s19 =	simm.s32 $0xD010;
	s0 =	simm.s32 $0x0  }
.LBB2_1:
0x21: {  	[dreg:$0x19] =	wrdreg s0  }
0x22: {  	s7 =	rddreg [dreg:$0xe]  }
0x23: {  	[tilespmem:s3], [sflag:$0x11] =	stream.linear.gather [hbm4b:s7+s3], $0x6400, $0x38;
	[tilespmem:$0x1F850] =	vst v63  }
0x24: {  	_ =	swait.ge [sflag:s17], $0x6400  }
0x25: {  	[sflag:s17] =	ssyncset.done $0x0  }
0x26: {  	s15 =	simm.s32 $0x6400;
	s22 =	rddreg [dreg:$0xf];
	[sflag:s17] =	ssyncadd.s32 $0xFFFF9C00  }
0x27: {  	[tilespmem:s15], [sflag:$0x11] =	stream.linear.gather [hbm4b:s22+s3], $0x6400, $0x38;
	[tilespmem:$0x1F850] =	vst v63  }
0x28: {  	_ =	swait.ge [sflag:s17], $0x6400  }
0x29: {  	[sflag:s17] =	ssyncset.done $0x0  }
0x2a: {  	[sflag:s17] =	ssyncadd.s32 $0xFFFF9C00  }
0x2b: {  	[tilespmem:$0xD010] =	vst v2  }
0x2c: {  	[tilespmem:$0xD020] =	vst v2  }
0x2d: {  	[tilespmem:$0xD030] =	vst v2  }
0x2e: {  	[tilespmem:$0xD040] =	vst v2  }
0x2f: {  	[tilespmem:$0xD050] =	vst v2  }
0x30: {  	[tilespmem:$0xD060] =	vst v2  }
0x31: {  	[tilespmem:$0xD070] =	vst v2  }
0x32: {  	[tilespmem:$0xD080] =	vst v2  }
0x33: {  	[tilespmem:$0xD090] =	vst v2  }
0x34: {  	[tilespmem:$0xD0A0] =	vst v2  }
0x35: {  	[tilespmem:$0xD0B0] =	vst v2  }
0x36: {  	[tilespmem:$0xD0C0] =	vst v2  }
0x37: {  	[tilespmem:$0xD0D0] =	vst v2  }
0x38: {  	[tilespmem:$0xD0E0] =	vst v2  }
0x39: {  	[tilespmem:$0xD0F0] =	vst v2  }
0x3a: {  	[tilespmem:$0xD100] =	vst v2  }
0x3b: {  	[tilespmem:$0xD110] =	vst v2  }
0x3c: {  	[tilespmem:$0xD120] =	vst v2  }
0x3d: {  	[tilespmem:$0xD130] =	vst v2  }
0x3e: {  	[tilespmem:$0xD140] =	vst v2  }
0x3f: {  	[tilespmem:$0xD150] =	vst v2  }
0x40: {  	[tilespmem:$0xD160] =	vst v2  }
0x41: {  	[tilespmem:$0xD170] =	vst v2  }
0x42: {  	[tilespmem:$0xD180] =	vst v2  }
0x43: {  	[tilespmem:$0xD190] =	vst v2  }
0x44: {  	[tilespmem:$0xD1A0] =	vst v2  }
0x45: {  	[tilespmem:$0xD1B0] =	vst v2  }
0x46: {  	[tilespmem:$0xD1C0] =	vst v2  }
0x47: {  	[tilespmem:$0xD1D0] =	vst v2  }
0x48: {  	[tilespmem:$0xD1E0] =	vst v2  }
0x49: {  	[tilespmem:$0xD1F0] =	vst v2  }
0x4a: {  	[tilespmem:$0xD200] =	vst v2  }
0x4b: {  	[tilespmem:$0xD210] =	vst v2  }
0x4c: {  	[tilespmem:$0xD220] =	vst v2  }
0x4d: {  	[tilespmem:$0xD230] =	vst v2  }
0x4e: {  	[tilespmem:$0xD240] =	vst v2  }
0x4f: {  	[tilespmem:$0xD250] =	vst v2  }
0x50: {  	[tilespmem:$0xD260] =	vst v2  }
0x51: {  	[tilespmem:$0xD270] =	vst v2  }
0x52: {  	[tilespmem:$0xD280] =	vst v2  }
0x53: {  	[tilespmem:$0xD290] =	vst v2  }
0x54: {  	[tilespmem:$0xD2A0] =	vst v2  }
0x55: {  	[tilespmem:$0xD2B0] =	vst v2  }
0x56: {  	[tilespmem:$0xD2C0] =	vst v2  }
0x57: {  	[tilespmem:$0xD2D0] =	vst v2  }
0x58: {  	[tilespmem:$0xD2E0] =	vst v2  }
0x59: {  	[tilespmem:$0xD2F0] =	vst v2  }
0x5a: {  	[tilespmem:$0xD300] =	vst v2  }
0x5b: {  	[tilespmem:$0xD310] =	vst v2  }
0x5c: {  	[tilespmem:$0xD320] =	vst v2  }
0x5d: {  	[tilespmem:$0xD330] =	vst v2  }
0x5e: {  	[tilespmem:$0xD340] =	vst v2  }
0x5f: {  	[tilespmem:$0xD350] =	vst v2  }
0x60: {  	[tilespmem:$0xD360] =	vst v2  }
0x61: {  	[tilespmem:$0xD370] =	vst v2  }
0x62: {  	[tilespmem:$0xD380] =	vst v2  }
0x63: {  	[tilespmem:$0xD390] =	vst v2  }
0x64: {  	[tilespmem:$0xD3A0] =	vst v2  }
0x65: {  	[tilespmem:$0xD3B0] =	vst v2  }
0x66: {  	[tilespmem:$0xD3C0] =	vst v2  }
0x67: {  	[tilespmem:$0xD3D0] =	vst v2  }
0x68: {  	[tilespmem:$0xD3E0] =	vst v2  }
0x69: {  	[tilespmem:$0xD3F0] =	vst v2  }
0x6a: {  	s0 =	rddreg [dreg:$0x10];
	[tilespmem:$0xD400] =	vst v2  }
0x6b: {  	[spmem:s0] =	stream.linear.scatter [tilespmem:s19], [sflag:$0x11], $0x400, $0x38;
	[tilespmem:$0x1F850] =	vst v63  }
0x6c: {  	_ =	swait.ge [sflag:s17], $0x400  }
0x6d: {  	[sflag:s17] =	ssyncset.done $0x0  }
0x6e: {  	s15 =	rddreg [dreg:$0x12];
	[sflag:s17] =	ssyncadd.s32 $0xFFFFFC00  }
0x6f: {  	[spmem:s15] =	stream.linear.scatter [tilespmem:s19], [sflag:$0x11], $0x400, $0x38;
	[tilespmem:$0x1F850] =	vst v63  }
0x70: {  	_ =	swait.ge [sflag:s17], $0x400  }
0x71: {  	[sflag:s17] =	ssyncset.done $0x0  }
0x72: {  	s21 =	rddreg [dreg:$0x13];
	[sflag:s17] =	ssyncadd.s32 $0xFFFFFC00  }
0x73: {  	[spmem:s21] =	stream.linear.scatter [tilespmem:s19], [sflag:$0x11], $0x400, $0x38;
	[tilespmem:$0x1F850] =	vst v63  }
0x74: {  	_ =	swait.ge [sflag:s17], $0x400  }
0x75: {  	[sflag:s17] =	ssyncset.done $0x0  }
0x76: {  	s22 =	rddreg [dreg:$0x14];
	[sflag:s17] =	ssyncadd.s32 $0xFFFFFC00  }
0x77: {  	[spmem:s22] =	stream.linear.scatter [tilespmem:s19], [sflag:$0x11], $0x400, $0x38;
	[tilespmem:$0x1F850] =	vst v63  }
0x78: {  	_ =	swait.ge [sflag:s17], $0x400  }
0x79: {  	[sflag:s17] =	ssyncset.done $0x0  }
0x7a: {  	s0 =	rddreg [dreg:$0x15];
	[sflag:s17] =	ssyncadd.s32 $0xFFFFFC00  }
0x7b: {  	[spmem:s0] =	stream.linear.scatter [tilespmem:s19], [sflag:$0x11], $0x400, $0x38;
	[tilespmem:$0x1F850] =	vst v63  }
0x7c: {  	_ =	swait.ge [sflag:s17], $0x400  }
0x7d: {  	[sflag:s17] =	ssyncset.done $0x0  }
0x7e: {  	s15 =	rddreg [dreg:$0x16];
	[sflag:s17] =	ssyncadd.s32 $0xFFFFFC00  }
0x7f: {  	[spmem:s15] =	stream.linear.scatter [tilespmem:s19], [sflag:$0x11], $0x400, $0x38;
	[tilespmem:$0x1F850] =	vst v63  }
0x80: {  	_ =	swait.ge [sflag:s17], $0x400  }
0x81: {  	[sflag:s17] =	ssyncset.done $0x0  }
0x82: {  	s21 =	rddreg [dreg:$0x17];
	[sflag:s17] =	ssyncadd.s32 $0xFFFFFC00  }
0x83: {  	[spmem:s21] =	stream.linear.scatter [tilespmem:s19], [sflag:$0x11], $0x400, $0x38;
	[tilespmem:$0x1F850] =	vst v63  }
0x84: {  	_ =	swait.ge [sflag:s17], $0x400  }
0x85: {  	[sflag:s17] =	ssyncset.done $0x0  }
0x86: {  	s22 =	rddreg [dreg:$0x18];
	[sflag:s17] =	ssyncadd.s32 $0xFFFFFC00  }
0x87: {  	[spmem:s22] =	stream.linear.scatter [tilespmem:s19], [sflag:$0x11], $0x400, $0x38;
	[tilespmem:$0x1F850] =	vst v63  }
0x88: {  	_ =	swait.ge [sflag:s17], $0x400  }
0x89: {  	[sflag:s17] =	ssyncset.done $0x0  }
0x8a: {  	s15 =	simm.s32 $0x6460;
	[sflag:s17] =	ssyncadd.s32 $0xFFFFFC00  }
0x8b: {  	v6 =	vld [tilespmem:s15+$0x50]  }
0x8c: {  	v7 =	vld [tilespmem:s15+$0xFFFFFFA0]  }
0x8d: {  	s7 =	simm.s32 $0x0;
	s21 =	simm.s32 $0x40;
	v8 =	vld [tilespmem:s15+$0xFFFFFFB0]  }
.LBB2_2:
0x8e: {  	p0 =	sne.s32 s21, $0x1FC0;
	v9 =	vld [tilespmem:s15+$0xFFFFFFC0]  }
0x8f: {  	v10 =	vld [tilespmem:s15+$0xFFFFFFD0]  }
0x90: {  	v11 =	vld [tilespmem:s15+$0xFFFFFFE0]  }
0x91: {  	v12 =	vld [tilespmem:s15+$0xFFFFFFF0]  }
0x92: {  	vm1 =	vgt.s32 v7, $0x0;
	vm2 =	vgt.s32 v8, $0x0;
	v7 =	vld [tilespmem:s15+$0x0]  }
0x93: {  	v8 =	vmpcnt.ones.xlane vm1;
	v13 =	vmpcnt.ones.xlane vm2;
	vm1 =	vgt.s32 v9, $0x0;
	v9 =	vld [tilespmem:s15+$0x10]  }
0x94: {  	v14 =	vmpcnt.ones.xlane vm1;
	vm2 =	vgt.s32 v10, $0x0;
	v10 =	vld [tilespmem:s15+$0x20];
	vm1 =	vgt.s32 v6, $0x0  }
0x95: {  	v6 =	vadd.s32 v8, v13;
	v8 =	vmpcnt.ones.xlane vm2;
	vm2 =	vgt.s32 v11, $0x0;
	v11 =	vld [tilespmem:s15+$0x30]  }
0x96: {  	v6 =	vadd.s32 v14, v6;
	v13 =	vmpcnt.ones.xlane vm2;
	vm2 =	vgt.s32 v12, $0x0;
	v12 =	vld [tilespmem:s15+$0x40]  }
0x97: {  	v6 =	vadd.s32 v8, v6;
	v8 =	vmpcnt.ones.xlane vm2;
	vm2 =	vgt.s32 v7, $0x0;
	v7 =	vld [tilespmem:s15+$0x60]  }
0x98: {  	v6 =	vadd.s32 v13, v6;
	v13 =	vmpcnt.ones.xlane vm2;
	vm2 =	vgt.s32 v9, $0x0  }
0x99: {  	v6 =	vadd.s32 v8, v6;
	v8 =	vmpcnt.ones.xlane vm2;
	vm2 =	vgt.s32 v10, $0x0  }
0x9a: {  	v6 =	vadd.s32 v13, v6;
	v9 =	vmpcnt.ones.xlane vm2;
	vm2 =	vgt.s32 v11, $0x0  }
0x9b: {  	v6 =	vadd.s32 v8, v6;
	v8 =	vmpcnt.ones.xlane vm2;
	vm2 =	vgt.s32 v12, $0x0  }
0x9c: {  	v6 =	vadd.s32 v9, v6;
	v9 =	vmpcnt.ones.xlane vm2;
	vm2 =	vgt.s32 v7, $0x0  }
0x9d: {  	v7 =	vmpcnt.ones.xlane vm1;
	v6 =	vadd.s32 v8, v6;
	vm1 =	vmand vm2, vm0  }
0x9e: {  	v6 =	vadd.s32 v9, v6;
	v8 =	vmpcnt.ones.xlane vm1  }
0x9f: {  	v6 =	vadd.s32 v7, v6  }
0xa0: {  	v6 =	vadd.s32 v8, v6  }
0xa1: {  	v6 =	vcvt.s32.f32 v6;
	_ =	sdelay $0x1  }
0xa2: {  	v6 =	vmax.f32 v6, $1.000000000e+00  }
0xa3: {  	(erf) = vrcp.f32 v6;
	_ =	sdelay $0x8  }
.Ltmp0:
0xa4: {  	s22 =	sshra.s32 s7, $0x2;
	s7 =	smov.u32 s21;
	v6 =	vpop (erf);
	(pc) =	sbr.rel @p0 .LBB2_2-.Ltmp0, $4  }
0xa5: {  	s15 =	sadd.s32 $0xC8, s15;
	[tilespmem:s22+$0xC810] =	vst v6  }
0xa6: {  	v6 =	vld [tilespmem:s15+$0x50]  }
0xa7: {  	v7 =	vld [tilespmem:s15+$0xFFFFFFA0]  }
0xa8: {  	s21 =	sadd.s32 $0x40, s21;
	v8 =	vld [tilespmem:s15+$0xFFFFFFB0]  }
0xa9: {  	v9 =	vld [tilespmem:s15+$0xFFFFFFC0]  }
0xaa: {  	v10 =	vld [tilespmem:s15+$0xFFFFFFD0]  }
0xab: {  	v11 =	vld [tilespmem:s15+$0xFFFFFFE0]  }
0xac: {  	v12 =	vld [tilespmem:s15+$0xFFFFFFF0]  }
0xad: {  	vm1 =	vgt.s32 v7, $0x0;
	v7 =	vld [tilespmem:s15+$0x0];
	vm2 =	vgt.s32 v8, $0x0  }
0xae: {  	v51 =	vld [tilespmem:s15+$0x10];
	v50 =	vmpcnt.ones.xlane vm1;
	v13 =	vmpcnt.ones.xlane vm2;
	vm1 =	vgt.s32 v9, $0x0  }
0xaf: {  	v52 =	vld [tilespmem:s15+$0x20];
	vm2 =	vgt.s32 v6, $0x0;
	v14 =	vmpcnt.ones.xlane vm1;
	vm1 =	vgt.s32 v10, $0x0  }
0xb0: {  	v54 =	vld [tilespmem:s15+$0x30];
	v6 =	vadd.s32 v50, v13;
	v53 =	vmpcnt.ones.xlane vm1;
	vm1 =	vgt.s32 v11, $0x0  }
0xb1: {  	v56 =	vld [tilespmem:s15+$0x40];
	v6 =	vadd.s32 v14, v6;
	v55 =	vmpcnt.ones.xlane vm1;
	vm1 =	vgt.s32 v12, $0x0  }
0xb2: {  	v6 =	vadd.s32 v53, v6;
	v57 =	vmpcnt.ones.xlane vm1;
	vm1 =	vgt.s32 v7, $0x0;
	v7 =	vld [tilespmem:s15+$0x60]  }
0xb3: {  	v6 =	vadd.s32 v55, v6;
	v58 =	vmpcnt.ones.xlane vm1;
	vm1 =	vgt.s32 v51, $0x0  }
0xb4: {  	v6 =	vadd.s32 v57, v6;
	v59 =	vmpcnt.ones.xlane vm1;
	vm1 =	vgt.s32 v52, $0x0  }
0xb5: {  	v6 =	vadd.s32 v58, v6;
	v60 =	vmpcnt.ones.xlane vm1;
	vm1 =	vgt.s32 v54, $0x0  }
0xb6: {  	v6 =	vadd.s32 v59, v6;
	v61 =	vmpcnt.ones.xlane vm1;
	vm1 =	vgt.s32 v56, $0x0  }
0xb7: {  	v6 =	vadd.s32 v60, v6;
	v62 =	vmpcnt.ones.xlane vm1;
	vm1 =	vgt.s32 v7, $0x0  }
0xb8: {  	v7 =	vmpcnt.ones.xlane vm2;
	v6 =	vadd.s32 v61, v6;
	vm1 =	vmand vm1, vm0  }
0xb9: {  	v6 =	vadd.s32 v62, v6;
	v63 =	vmpcnt.ones.xlane vm1  }
0xba: {  	v6 =	vadd.s32 v7, v6  }
0xbb: {  	v6 =	vadd.s32 v63, v6  }
0xbc: {  	v6 =	vcvt.s32.f32 v6;
	_ =	sdelay $0x1  }
0xbd: {  	v6 =	vmax.f32 v6, $1.000000000e+00  }
0xbe: {  	(erf) = vrcp.f32 v6;
	_ =	sdelay $0x8  }
0xbf: {  	s7 =	sshra.s32 s7, $0x2;
	v6 =	vpop (erf)  }
0xc0: {  	[tilespmem:s7+$0xC810] =	vst v6;
	s7 =	simm.s32 $0x0  }
0xc1: {  	[tilespmem:s24], [sflag:$0x1] =	stream.indirect.gather [hbm4b:s4+s20], $0x40, s7, s20, $0xb8;
	[tilespmem:$0x1F850] =	vst v63  }
0xc2: {  	_ = 	snop  }
0xc3: {  	[tilespmem:s26], [sflag:$0x2] =	stream.indirect.gather [hbm4b:s4+s20], $0x40, s20, s20, $0xb8;
	[tilespmem:$0x1F850] =	vst v63  }
0xc4: {  	s0 =	simm.s32 $0x100  }
0xc5: {  	[tilespmem:s18], [sflag:$0x3] =	stream.indirect.gather [hbm4b:s4+s20], $0x40, s0, s20, $0xb8;
	[tilespmem:$0x1F850] =	vst v63  }
0xc6: {  	s24 =	simm.s32 $0x180  }
0xc7: {  	[tilespmem:s29], [sflag:$0x4] =	stream.indirect.gather [hbm4b:s4+s20], $0x40, s24, s20, $0xb8;
	[tilespmem:$0x1F850] =	vst v63  }
0xc8: {  	s15 =	simm.s32 $0x0;
	s26 =	simm.s32 $0x200;
	s18 =	simm.s32 $0x19450  }
0xc9: {  	[tilespmem:s31], [sflag:$0x5] =	stream.indirect.gather [hbm4b:s4+s20], $0x40, s26, s20, $0xb8;
	[tilespmem:$0x1F850] =	vst v63  }
0xca: {  	s0 =	simm.s32 $0x1D450;
	s29 =	simm.s32 $0x280;
	s31 =	simm.s32 $0x1B450  }
0xcb: {  	[tilespmem:s18], [sflag:$0x6] =	stream.indirect.gather [hbm4b:s4+s20], $0x40, s29, s20, $0xb8;
	[tilespmem:$0x1F850] =	vst v63  }
.LBB2_4:
0xcc: {  	p0 =	seq.s32 s7, $0x0  }
0xcd: {  	s22 =	simm.s32 @!p0 $0xF  }
0xce: {  	v6 =	vor.u32 s7, v3;
	_ =	swait.ge @!p0 [sflag:s22], $0x2000  }
0xcf: {  	s21 =	sshra.s32 s15, $0x2;
	v6 =	vmulhi.u32 $0x51EB851F, v6;
	[sflag:s22] =	ssyncset.done @!p0 $0x0  }
0xd0: {  	s24 =	sadd.s32 $0x300, s21;
	[sflag:s22] =	ssyncadd.s32 @!p0 $0xFFFFE000  }
0xd1: {  	v6 =	vshrl.u32 v6, $0x6;
	[tilespmem:s31], [sflag:$0x7] =	stream.indirect.gather [hbm4b:s4+s20], $0x40, s24, s20, $0xb8;
	[tilespmem:$0x1F850] =	vst v63  }
0xd2: {  	v8 =	vmov s7;
	v9 =	vmul.u32 $0xFFFFFF38, v6;
	v7 =	vld [tilespmem:s21+$0x6400]  }
0xd3: {  	v10 =	vsub.s32 v4, v8  }
0xd4: {  	vm1 =	veq.s32 v8, v3;
	vm2 =	vne.s32 v9, v10  }
0xd5: {  	vm1 =	vmand vm1, vm2  }
0xd6: {  	v6 =	vadd.s32 v0, v6;
	v63 =	vsel vm1, $0xFFFFFFFF, v5  }
0xd7: {  	v6 =	vadd.s32 v63, v6;
	vm1 =	vgt.s32 v7, $0x0  }
0xd8: {  	v6 =	vsel vm1, v6, v1  }
0xd9: {  	[tilespmem:$0x1F450] =	vst v6  }
0xda: {  	s26 =	sadd.s32 $0x10, s7;
	v6 =	vld [tilespmem:s21+$0x6410]  }
0xdb: {  	v7 =	vor.u32 s26, v3  }
0xdc: {  	v7 =	vmulhi.u32 $0x51EB851F, v7;
	_ =	sdelay $0x1  }
0xdd: {  	v7 =	vshrl.u32 v7, $0x6  }
0xde: {  	v7 =	vadd.s32 v0, v7;
	vm1 =	vgt.s32 v6, $0x0  }
0xdf: {  	v6 =	vsel vm1, v7, v1  }
0xe0: {  	[tilespmem:$0x1F460] =	vst v6  }
0xe1: {  	s29 =	sadd.s32 $0x20, s7;
	v6 =	vld [tilespmem:s21+$0x6420]  }
0xe2: {  	v7 =	vor.u32 s29, v3  }
0xe3: {  	v7 =	vmulhi.u32 $0x51EB851F, v7;
	_ =	sdelay $0x1  }
0xe4: {  	v7 =	vshrl.u32 v7, $0x6  }
0xe5: {  	v7 =	vadd.s32 v0, v7;
	vm1 =	vgt.s32 v6, $0x0  }
0xe6: {  	v6 =	vsel vm1, v7, v1  }
0xe7: {  	[tilespmem:$0x1F470] =	vst v6  }
0xe8: {  	s24 =	sadd.s32 $0x30, s7;
	v6 =	vld [tilespmem:s21+$0x6430]  }
0xe9: {  	v7 =	vor.u32 s24, v3  }
0xea: {  	v7 =	vmulhi.u32 $0x51EB851F, v7;
	_ =	sdelay $0x1  }
0xeb: {  	v7 =	vshrl.u32 v7, $0x6  }
0xec: {  	v7 =	vadd.s32 v0, v7;
	vm1 =	vgt.s32 v6, $0x0  }
0xed: {  	v6 =	vsel vm1, v7, v1  }
0xee: {  	[tilespmem:$0x1F480] =	vst v6  }
0xef: {  	s26 =	sadd.s32 $0x40, s7;
	v6 =	vld [tilespmem:s21+$0x6440]  }
0xf0: {  	v7 =	vor.u32 s26, v3  }
0xf1: {  	v7 =	vmulhi.u32 $0x51EB851F, v7;
	_ =	sdelay $0x1  }
0xf2: {  	v7 =	vshrl.u32 v7, $0x6  }
0xf3: {  	v7 =	vadd.s32 v0, v7;
	vm1 =	vgt.s32 v6, $0x0  }
0xf4: {  	v6 =	vsel vm1, v7, v1  }
0xf5: {  	[tilespmem:$0x1F490] =	vst v6  }
0xf6: {  	s29 =	sadd.s32 $0x50, s7;
	v6 =	vld [tilespmem:s21+$0x6450]  }
0xf7: {  	v7 =	vor.u32 s29, v3  }
0xf8: {  	v7 =	vmulhi.u32 $0x51EB851F, v7;
	_ =	sdelay $0x1  }
0xf9: {  	v7 =	vshrl.u32 v7, $0x6  }
0xfa: {  	v7 =	vadd.s32 v0, v7;
	vm1 =	vgt.s32 v6, $0x0  }
0xfb: {  	v6 =	vsel vm1, v7, v1  }
0xfc: {  	[tilespmem:$0x1F4A0] =	vst v6  }
0xfd: {  	s24 =	sadd.s32 $0x60, s7;
	v6 =	vld [tilespmem:s21+$0x6460]  }
0xfe: {  	v7 =	vor.u32 s24, v3  }
0xff: {  	v7 =	vmulhi.u32 $0x51EB851F, v7;
	_ =	sdelay $0x1  }
0x100: {  	v7 =	vshrl.u32 v7, $0x6  }
0x101: {  	v7 =	vadd.s32 v0, v7;
	vm1 =	vgt.s32 v6, $0x0  }
0x102: {  	v6 =	vsel vm1, v7, v1  }
0x103: {  	[tilespmem:$0x1F4B0] =	vst v6  }
0x104: {  	s26 =	sadd.s32 $0x70, s7;
	v6 =	vld [tilespmem:s21+$0x6470]  }
0x105: {  	v7 =	vor.u32 s26, v3  }
0x106: {  	v7 =	vmulhi.u32 $0x51EB851F, v7;
	_ =	sdelay $0x1  }
0x107: {  	v7 =	vshrl.u32 v7, $0x6  }
0x108: {  	v7 =	vadd.s32 v0, v7;
	vm1 =	vgt.s32 v6, $0x0  }
0x109: {  	v6 =	vsel vm1, v7, v1  }
0x10a: {  	[tilespmem:$0x1F4C0] =	vst v6  }
0x10b: {  	_ =	swait.ge [sflag:s2], $0x2000  }
0x10c: {  	s22 =	simm.s32 @!p0 $0x10;
	[sflag:s2] =	ssyncset.done $0x0  }
0x10d: {  	s24 =	simm.s32 $0xF450;
	s29 =	rddreg [dreg:$0x6];
	[sflag:s2] =	ssyncadd.s32 $0xFFFFE000  }
0x10e: {  	[spmem:s1] =	stream.indirect.scatter.add.f32 [tilespmem:s24], [sflag:$0x9], $0x40, s29, s20, $0xb8;
	[tilespmem:$0x1F850] =	vst v63  }
0x10f: {  	_ =	swait.ge @!p0 [sflag:s22], $0x2000  }
0x110: {  	[sflag:s22] =	ssyncset.done @!p0 $0x0  }
0x111: {  	s24 =	sadd.s32 $0x380, s21;
	[sflag:s22] =	ssyncadd.s32 @!p0 $0xFFFFE000  }
0x112: {  	[tilespmem:s0], [sflag:$0x8] =	stream.indirect.gather [hbm4b:s4+s20], $0x40, s24, s20, $0xb8;
	[tilespmem:$0x1F850] =	vst v63  }
0x113: {  	s26 =	sadd.s32 $0x80, s7;
	v6 =	vld [tilespmem:s21+$0x6480]  }
0x114: {  	v7 =	vor.u32 s26, v3  }
0x115: {  	v7 =	vmulhi.u32 $0x51EB851F, v7;
	_ =	sdelay $0x1  }
0x116: {  	v7 =	vshrl.u32 v7, $0x6  }
0x117: {  	v7 =	vadd.s32 v0, v7;
	vm1 =	vgt.s32 v6, $0x0  }
0x118: {  	v6 =	vsel vm1, v7, v1  }
0x119: {  	[tilespmem:$0x1F4D0] =	vst v6  }
0x11a: {  	s29 =	sadd.s32 $0x90, s7;
	v6 =	vld [tilespmem:s21+$0x6490]  }
0x11b: {  	v7 =	vor.u32 s29, v3  }
0x11c: {  	v7 =	vmulhi.u32 $0x51EB851F, v7;
	_ =	sdelay $0x1  }
0x11d: {  	v7 =	vshrl.u32 v7, $0x6  }
0x11e: {  	v7 =	vadd.s32 v0, v7;
	vm1 =	vgt.s32 v6, $0x0  }
0x11f: {  	v6 =	vsel vm1, v7, v1  }
0x120: {  	[tilespmem:$0x1F4E0] =	vst v6  }
0x121: {  	s24 =	sadd.s32 $0xA0, s7;
	v6 =	vld [tilespmem:s21+$0x64A0]  }
0x122: {  	v7 =	vor.u32 s24, v3  }
0x123: {  	v7 =	vmulhi.u32 $0x51EB851F, v7;
	_ =	sdelay $0x1  }
0x124: {  	v7 =	vshrl.u32 v7, $0x6  }
0x125: {  	v7 =	vadd.s32 v0, v7;
	vm1 =	vgt.s32 v6, $0x0  }
0x126: {  	v6 =	vsel vm1, v7, v1  }
0x127: {  	[tilespmem:$0x1F4F0] =	vst v6  }
0x128: {  	s26 =	sadd.s32 $0xB0, s7;
	v6 =	vld [tilespmem:s21+$0x64B0]  }
0x129: {  	v7 =	vor.u32 s26, v3  }
0x12a: {  	v7 =	vmulhi.u32 $0x51EB851F, v7;
	_ =	sdelay $0x1  }
0x12b: {  	v7 =	vshrl.u32 v7, $0x6  }
0x12c: {  	v7 =	vadd.s32 v0, v7;
	vm1 =	vgt.s32 v6, $0x0  }
0x12d: {  	v6 =	vsel vm1, v7, v1  }
0x12e: {  	[tilespmem:$0x1F500] =	vst v6  }
0x12f: {  	s29 =	sadd.s32 $0xC0, s7;
	v6 =	vld [tilespmem:s21+$0x64C0]  }
0x130: {  	v7 =	vor.u32 s29, v3  }
0x131: {  	v7 =	vmulhi.u32 $0x51EB851F, v7;
	_ =	sdelay $0x1  }
0x132: {  	v7 =	vshrl.u32 v7, $0x6  }
0x133: {  	v7 =	vadd.s32 v0, v7;
	vm1 =	vgt.s32 v6, $0x0  }
0x134: {  	v6 =	vsel vm1, v7, v1  }
0x135: {  	[tilespmem:$0x1F510] =	vst v6  }
0x136: {  	s24 =	sadd.s32 $0xD0, s7;
	v6 =	vld [tilespmem:s21+$0x64D0]  }
0x137: {  	v7 =	vor.u32 s24, v3  }
0x138: {  	v7 =	vmulhi.u32 $0x51EB851F, v7;
	_ =	sdelay $0x1  }
0x139: {  	v7 =	vshrl.u32 v7, $0x6  }
0x13a: {  	v7 =	vadd.s32 v0, v7;
	vm1 =	vgt.s32 v6, $0x0  }
0x13b: {  	v6 =	vsel vm1, v7, v1  }
0x13c: {  	[tilespmem:$0x1F520] =	vst v6  }
0x13d: {  	s26 =	sadd.s32 $0xE0, s7;
	v6 =	vld [tilespmem:s21+$0x64E0]  }
0x13e: {  	v7 =	vor.u32 s26, v3  }
0x13f: {  	v7 =	vmulhi.u32 $0x51EB851F, v7;
	_ =	sdelay $0x1  }
0x140: {  	v7 =	vshrl.u32 v7, $0x6  }
0x141: {  	v7 =	vadd.s32 v0, v7;
	vm1 =	vgt.s32 v6, $0x0  }
0x142: {  	v6 =	vsel vm1, v7, v1  }
0x143: {  	[tilespmem:$0x1F530] =	vst v6  }
0x144: {  	s29 =	sadd.s32 $0xF0, s7;
	v6 =	vld [tilespmem:s21+$0x64F0]  }
0x145: {  	v7 =	vor.u32 s29, v3  }
0x146: {  	v7 =	vmulhi.u32 $0x51EB851F, v7;
	_ =	sdelay $0x1  }
0x147: {  	v7 =	vshrl.u32 v7, $0x6  }
0x148: {  	v7 =	vadd.s32 v0, v7;
	vm1 =	vgt.s32 v6, $0x0  }
0x149: {  	v6 =	vsel vm1, v7, v1  }
0x14a: {  	[tilespmem:$0x1F540] =	vst v6  }
0x14b: {  	_ =	swait.ge [sflag:s23], $0x2000  }
0x14c: {  	[sflag:s23] =	ssyncset.done $0x0  }
0x14d: {  	s26 =	simm.s32 $0x11450;
	s24 =	rddreg [dreg:$0x7];
	[sflag:s23] =	ssyncadd.s32 $0xFFFFE000  }
0x14e: {  	[spmem:s1] =	stream.indirect.scatter.add.f32 [tilespmem:s26], [sflag:$0xA], $0x40, s24, s20, $0xb8;
	[tilespmem:$0x1F850] =	vst v63  }
0x14f: {  	p0 =	seq.s32 s7, $0x6000;
	_ =	swait.ge [sflag:s25], $0x2000  }
0x150: {  	s22 =	sshra.s32 @!p0 s15, $0x2;
	s29 =	simm.s32 @!p0 $0xF450;
	[sflag:s25] =	ssyncset.done $0x0  }
0x151: {  	s26 =	sadd.s32 @!p0 $0x400, s22;
	s24 =	simm.s32 @!p0 $0x80;
	[sflag:s25] =	ssyncadd.s32 $0xFFFFE000  }
0x152: {  	[tilespmem:s29], [sflag:$0x1] =	stream.indirect.gather @!p0 [hbm4b:s4+s24], $0x40, s26, s24, $0xb8;
	[tilespmem:$0x1F850] =	vst v63  }
0x153: {  	s29 =	sadd.s32 $0x100, s7;
	v6 =	vld [tilespmem:s21+$0x6500]  }
0x154: {  	v7 =	vor.u32 s29, v3  }
0x155: {  	v7 =	vmulhi.u32 $0x51EB851F, v7;
	_ =	sdelay $0x1  }
0x156: {  	v7 =	vshrl.u32 v7, $0x6  }
0x157: {  	v7 =	vadd.s32 v0, v7;
	vm1 =	vgt.s32 v6, $0x0  }
0x158: {  	v6 =	vsel vm1, v7, v1  }
0x159: {  	[tilespmem:$0x1F550] =	vst v6  }
0x15a: {  	s29 =	sadd.s32 $0x110, s7;
	v6 =	vld [tilespmem:s21+$0x6510]  }
0x15b: {  	v7 =	vor.u32 s29, v3  }
0x15c: {  	v7 =	vmulhi.u32 $0x51EB851F, v7;
	_ =	sdelay $0x1  }
0x15d: {  	v7 =	vshrl.u32 v7, $0x6  }
0x15e: {  	v7 =	vadd.s32 v0, v7;
	vm1 =	vgt.s32 v6, $0x0  }
0x15f: {  	v6 =	vsel vm1, v7, v1  }
0x160: {  	[tilespmem:$0x1F560] =	vst v6  }
0x161: {  	s29 =	sadd.s32 $0x120, s7;
	v6 =	vld [tilespmem:s21+$0x6520]  }
0x162: {  	v7 =	vor.u32 s29, v3  }
0x163: {  	v7 =	vmulhi.u32 $0x51EB851F, v7;
	_ =	sdelay $0x1  }
0x164: {  	v7 =	vshrl.u32 v7, $0x6  }
0x165: {  	v7 =	vadd.s32 v0, v7;
	vm1 =	vgt.s32 v6, $0x0  }
0x166: {  	v6 =	vsel vm1, v7, v1  }
0x167: {  	[tilespmem:$0x1F570] =	vst v6  }
0x168: {  	s29 =	sadd.s32 $0x130, s7;
	v6 =	vld [tilespmem:s21+$0x6530]  }
0x169: {  	v7 =	vor.u32 s29, v3  }
0x16a: {  	v7 =	vmulhi.u32 $0x51EB851F, v7;
	_ =	sdelay $0x1  }
0x16b: {  	v7 =	vshrl.u32 v7, $0x6  }
0x16c: {  	v7 =	vadd.s32 v0, v7;
	vm1 =	vgt.s32 v6, $0x0  }
0x16d: {  	v6 =	vsel vm1, v7, v1  }
0x16e: {  	[tilespmem:$0x1F580] =	vst v6  }
0x16f: {  	s29 =	sadd.s32 $0x140, s7;
	v6 =	vld [tilespmem:s21+$0x6540]  }
0x170: {  	v7 =	vor.u32 s29, v3  }
0x171: {  	v7 =	vmulhi.u32 $0x51EB851F, v7;
	_ =	sdelay $0x1  }
0x172: {  	v7 =	vshrl.u32 v7, $0x6  }
0x173: {  	v7 =	vadd.s32 v0, v7;
	vm1 =	vgt.s32 v6, $0x0  }
0x174: {  	v6 =	vsel vm1, v7, v1  }
0x175: {  	[tilespmem:$0x1F590] =	vst v6  }
0x176: {  	s29 =	sadd.s32 $0x150, s7;
	v6 =	vld [tilespmem:s21+$0x6550]  }
0x177: {  	v7 =	vor.u32 s29, v3  }
0x178: {  	v7 =	vmulhi.u32 $0x51EB851F, v7;
	_ =	sdelay $0x1  }
0x179: {  	v7 =	vshrl.u32 v7, $0x6  }
0x17a: {  	v7 =	vadd.s32 v0, v7;
	vm1 =	vgt.s32 v6, $0x0  }
0x17b: {  	v6 =	vsel vm1, v7, v1  }
0x17c: {  	[tilespmem:$0x1F5A0] =	vst v6  }
0x17d: {  	s29 =	sadd.s32 $0x160, s7;
	v6 =	vld [tilespmem:s21+$0x6560]  }
0x17e: {  	v7 =	vor.u32 s29, v3  }
0x17f: {  	v7 =	vmulhi.u32 $0x51EB851F, v7;
	_ =	sdelay $0x1  }
0x180: {  	v7 =	vshrl.u32 v7, $0x6  }
0x181: {  	v7 =	vadd.s32 v0, v7;
	vm1 =	vgt.s32 v6, $0x0  }
0x182: {  	v6 =	vsel vm1, v7, v1  }
0x183: {  	[tilespmem:$0x1F5B0] =	vst v6  }
0x184: {  	s29 =	sadd.s32 $0x170, s7;
	v6 =	vld [tilespmem:s21+$0x6570]  }
0x185: {  	v7 =	vor.u32 s29, v3  }
0x186: {  	v7 =	vmulhi.u32 $0x51EB851F, v7;
	_ =	sdelay $0x1  }
0x187: {  	v7 =	vshrl.u32 v7, $0x6  }
0x188: {  	v7 =	vadd.s32 v0, v7;
	vm1 =	vgt.s32 v6, $0x0  }
0x189: {  	v6 =	vsel vm1, v7, v1  }
0x18a: {  	[tilespmem:$0x1F5C0] =	vst v6  }
0x18b: {  	_ =	swait.ge [sflag:s28], $0x2000  }
0x18c: {  	[sflag:s28] =	ssyncset.done $0x0  }
0x18d: {  	s29 =	simm.s32 $0x13450;
	s26 =	rddreg [dreg:$0x8];
	[sflag:s28] =	ssyncadd.s32 $0xFFFFE000  }
0x18e: {  	[spmem:s1] =	stream.indirect.scatter.add.f32 [tilespmem:s29], [sflag:$0xB], $0x40, s26, s20, $0xb8;
	[tilespmem:$0x1F850] =	vst v63  }
0x18f: {  	_ =	swait.ge [sflag:s30], $0x2000  }
0x190: {  	[sflag:s30] =	ssyncset.done $0x0  }
0x191: {  	s26 =	sadd.s32 @!p0 $0x480, s22;
	s29 =	simm.s32 @!p0 $0x11450;
	[sflag:s30] =	ssyncadd.s32 $0xFFFFE000  }
0x192: {  	[tilespmem:s29], [sflag:$0x2] =	stream.indirect.gather @!p0 [hbm4b:s4+s24], $0x40, s26, s24, $0xb8;
	[tilespmem:$0x1F850] =	vst v63  }
0x193: {  	s29 =	sadd.s32 $0x180, s7;
	v6 =	vld [tilespmem:s21+$0x6580]  }
0x194: {  	v7 =	vor.u32 s29, v3  }
0x195: {  	v7 =	vmulhi.u32 $0x51EB851F, v7;
	_ =	sdelay $0x1  }
0x196: {  	v7 =	vshrl.u32 v7, $0x6  }
0x197: {  	v7 =	vadd.s32 v0, v7;
	vm1 =	vgt.s32 v6, $0x0  }
0x198: {  	v6 =	vsel vm1, v7, v1  }
0x199: {  	[tilespmem:$0x1F5D0] =	vst v6  }
0x19a: {  	s29 =	sadd.s32 $0x190, s7;
	v6 =	vld [tilespmem:s21+$0x6590]  }
0x19b: {  	v7 =	vor.u32 s29, v3  }
0x19c: {  	v7 =	vmulhi.u32 $0x51EB851F, v7;
	_ =	sdelay $0x1  }
0x19d: {  	v7 =	vshrl.u32 v7, $0x6  }
0x19e: {  	v7 =	vadd.s32 v0, v7;
	vm1 =	vgt.s32 v6, $0x0  }
0x19f: {  	v6 =	vsel vm1, v7, v1  }
0x1a0: {  	[tilespmem:$0x1F5E0] =	vst v6  }
0x1a1: {  	s29 =	sadd.s32 $0x1A0, s7;
	v6 =	vld [tilespmem:s21+$0x65A0]  }
0x1a2: {  	v7 =	vor.u32 s29, v3  }
0x1a3: {  	v7 =	vmulhi.u32 $0x51EB851F, v7;
	_ =	sdelay $0x1  }
0x1a4: {  	v7 =	vshrl.u32 v7, $0x6  }
0x1a5: {  	v7 =	vadd.s32 v0, v7;
	vm1 =	vgt.s32 v6, $0x0  }
0x1a6: {  	v6 =	vsel vm1, v7, v1  }
0x1a7: {  	[tilespmem:$0x1F5F0] =	vst v6  }
0x1a8: {  	s29 =	sadd.s32 $0x1B0, s7;
	v6 =	vld [tilespmem:s21+$0x65B0]  }
0x1a9: {  	v7 =	vor.u32 s29, v3  }
0x1aa: {  	v7 =	vmulhi.u32 $0x51EB851F, v7;
	_ =	sdelay $0x1  }
0x1ab: {  	v7 =	vshrl.u32 v7, $0x6  }
0x1ac: {  	v7 =	vadd.s32 v0, v7;
	vm1 =	vgt.s32 v6, $0x0  }
0x1ad: {  	v6 =	vsel vm1, v7, v1  }
0x1ae: {  	[tilespmem:$0x1F600] =	vst v6  }
0x1af: {  	s29 =	sadd.s32 $0x1C0, s7;
	v6 =	vld [tilespmem:s21+$0x65C0]  }
0x1b0: {  	v7 =	vor.u32 s29, v3  }
0x1b1: {  	v7 =	vmulhi.u32 $0x51EB851F, v7;
	_ =	sdelay $0x1  }
0x1b2: {  	v7 =	vshrl.u32 v7, $0x6  }
0x1b3: {  	v7 =	vadd.s32 v0, v7;
	vm1 =	vgt.s32 v6, $0x0  }
0x1b4: {  	v6 =	vsel vm1, v7, v1  }
0x1b5: {  	[tilespmem:$0x1F610] =	vst v6  }
0x1b6: {  	s29 =	sadd.s32 $0x1D0, s7;
	v6 =	vld [tilespmem:s21+$0x65D0]  }
0x1b7: {  	v7 =	vor.u32 s29, v3  }
0x1b8: {  	v7 =	vmulhi.u32 $0x51EB851F, v7;
	_ =	sdelay $0x1  }
0x1b9: {  	v7 =	vshrl.u32 v7, $0x6  }
0x1ba: {  	v7 =	vadd.s32 v0, v7;
	vm1 =	vgt.s32 v6, $0x0  }
0x1bb: {  	v6 =	vsel vm1, v7, v1  }
0x1bc: {  	[tilespmem:$0x1F620] =	vst v6  }
0x1bd: {  	s29 =	sadd.s32 $0x1E0, s7;
	v6 =	vld [tilespmem:s21+$0x65E0]  }
0x1be: {  	v7 =	vor.u32 s29, v3  }
0x1bf: {  	v7 =	vmulhi.u32 $0x51EB851F, v7;
	_ =	sdelay $0x1  }
0x1c0: {  	v7 =	vshrl.u32 v7, $0x6  }
0x1c1: {  	v7 =	vadd.s32 v0, v7;
	vm1 =	vgt.s32 v6, $0x0  }
0x1c2: {  	v6 =	vsel vm1, v7, v1  }
0x1c3: {  	[tilespmem:$0x1F630] =	vst v6  }
0x1c4: {  	s29 =	sadd.s32 $0x1F0, s7;
	v6 =	vld [tilespmem:s21+$0x65F0]  }
0x1c5: {  	v7 =	vor.u32 s29, v3  }
0x1c6: {  	v7 =	vmulhi.u32 $0x51EB851F, v7;
	_ =	sdelay $0x1  }
0x1c7: {  	v7 =	vshrl.u32 v7, $0x6  }
0x1c8: {  	v7 =	vadd.s32 v0, v7;
	vm1 =	vgt.s32 v6, $0x0  }
0x1c9: {  	v6 =	vsel vm1, v7, v1  }
0x1ca: {  	[tilespmem:$0x1F640] =	vst v6  }
0x1cb: {  	_ =	swait.ge [sflag:s5], $0x2000  }
0x1cc: {  	[sflag:s5] =	ssyncset.done $0x0  }
0x1cd: {  	s29 =	simm.s32 $0x15450;
	s26 =	rddreg [dreg:$0x9];
	[sflag:s5] =	ssyncadd.s32 $0xFFFFE000  }
0x1ce: {  	[spmem:s1] =	stream.indirect.scatter.add.f32 [tilespmem:s29], [sflag:$0xC], $0x40, s26, s20, $0xb8;
	[tilespmem:$0x1F850] =	vst v63  }
0x1cf: {  	_ =	swait.ge [sflag:s6], $0x2000  }
0x1d0: {  	[sflag:s6] =	ssyncset.done $0x0  }
0x1d1: {  	s26 =	sadd.s32 @!p0 $0x500, s22;
	s29 =	simm.s32 @!p0 $0x13450;
	[sflag:s6] =	ssyncadd.s32 $0xFFFFE000  }
0x1d2: {  	[tilespmem:s29], [sflag:$0x3] =	stream.indirect.gather @!p0 [hbm4b:s4+s24], $0x40, s26, s24, $0xb8;
	[tilespmem:$0x1F850] =	vst v63  }
0x1d3: {  	s29 =	sadd.s32 $0x200, s7;
	v6 =	vld [tilespmem:s21+$0x6600]  }
0x1d4: {  	v7 =	vor.u32 s29, v3  }
0x1d5: {  	v7 =	vmulhi.u32 $0x51EB851F, v7;
	_ =	sdelay $0x1  }
0x1d6: {  	v7 =	vshrl.u32 v7, $0x6  }
0x1d7: {  	v7 =	vadd.s32 v0, v7;
	vm1 =	vgt.s32 v6, $0x0  }
0x1d8: {  	v6 =	vsel vm1, v7, v1  }
0x1d9: {  	[tilespmem:$0x1F650] =	vst v6  }
0x1da: {  	s29 =	sadd.s32 $0x210, s7;
	v6 =	vld [tilespmem:s21+$0x6610]  }
0x1db: {  	v7 =	vor.u32 s29, v3  }
0x1dc: {  	v7 =	vmulhi.u32 $0x51EB851F, v7;
	_ =	sdelay $0x1  }
0x1dd: {  	v7 =	vshrl.u32 v7, $0x6  }
0x1de: {  	v7 =	vadd.s32 v0, v7;
	vm1 =	vgt.s32 v6, $0x0  }
0x1df: {  	v6 =	vsel vm1, v7, v1  }
0x1e0: {  	[tilespmem:$0x1F660] =	vst v6  }
0x1e1: {  	s29 =	sadd.s32 $0x220, s7;
	v6 =	vld [tilespmem:s21+$0x6620]  }
0x1e2: {  	v7 =	vor.u32 s29, v3  }
0x1e3: {  	v7 =	vmulhi.u32 $0x51EB851F, v7;
	_ =	sdelay $0x1  }
0x1e4: {  	v7 =	vshrl.u32 v7, $0x6  }
0x1e5: {  	v7 =	vadd.s32 v0, v7;
	vm1 =	vgt.s32 v6, $0x0  }
0x1e6: {  	v6 =	vsel vm1, v7, v1  }
0x1e7: {  	[tilespmem:$0x1F670] =	vst v6  }
0x1e8: {  	s29 =	sadd.s32 $0x230, s7;
	v6 =	vld [tilespmem:s21+$0x6630]  }
0x1e9: {  	v7 =	vor.u32 s29, v3  }
0x1ea: {  	v7 =	vmulhi.u32 $0x51EB851F, v7;
	_ =	sdelay $0x1  }
0x1eb: {  	v7 =	vshrl.u32 v7, $0x6  }
0x1ec: {  	v7 =	vadd.s32 v0, v7;
	vm1 =	vgt.s32 v6, $0x0  }
0x1ed: {  	v6 =	vsel vm1, v7, v1  }
0x1ee: {  	[tilespmem:$0x1F680] =	vst v6  }
0x1ef: {  	s29 =	sadd.s32 $0x240, s7;
	v6 =	vld [tilespmem:s21+$0x6640]  }
0x1f0: {  	v7 =	vor.u32 s29, v3  }
0x1f1: {  	v7 =	vmulhi.u32 $0x51EB851F, v7;
	_ =	sdelay $0x1  }
0x1f2: {  	v7 =	vshrl.u32 v7, $0x6  }
0x1f3: {  	v7 =	vadd.s32 v0, v7;
	vm1 =	vgt.s32 v6, $0x0  }
0x1f4: {  	v6 =	vsel vm1, v7, v1  }
0x1f5: {  	[tilespmem:$0x1F690] =	vst v6  }
0x1f6: {  	s29 =	sadd.s32 $0x250, s7;
	v6 =	vld [tilespmem:s21+$0x6650]  }
0x1f7: {  	v7 =	vor.u32 s29, v3  }
0x1f8: {  	v7 =	vmulhi.u32 $0x51EB851F, v7;
	_ =	sdelay $0x1  }
0x1f9: {  	v7 =	vshrl.u32 v7, $0x6  }
0x1fa: {  	v7 =	vadd.s32 v0, v7;
	vm1 =	vgt.s32 v6, $0x0  }
0x1fb: {  	v6 =	vsel vm1, v7, v1  }
0x1fc: {  	[tilespmem:$0x1F6A0] =	vst v6  }
0x1fd: {  	s29 =	sadd.s32 $0x260, s7;
	v6 =	vld [tilespmem:s21+$0x6660]  }
0x1fe: {  	v7 =	vor.u32 s29, v3  }
0x1ff: {  	v7 =	vmulhi.u32 $0x51EB851F, v7;
	_ =	sdelay $0x1  }
0x200: {  	v7 =	vshrl.u32 v7, $0x6  }
0x201: {  	v7 =	vadd.s32 v0, v7;
	vm1 =	vgt.s32 v6, $0x0  }
0x202: {  	v6 =	vsel vm1, v7, v1  }
0x203: {  	[tilespmem:$0x1F6B0] =	vst v6  }
0x204: {  	s29 =	sadd.s32 $0x270, s7;
	v6 =	vld [tilespmem:s21+$0x6670]  }
0x205: {  	v7 =	vor.u32 s29, v3  }
0x206: {  	v7 =	vmulhi.u32 $0x51EB851F, v7;
	_ =	sdelay $0x1  }
0x207: {  	v7 =	vshrl.u32 v7, $0x6  }
0x208: {  	v7 =	vadd.s32 v0, v7;
	vm1 =	vgt.s32 v6, $0x0  }
0x209: {  	v6 =	vsel vm1, v7, v1  }
0x20a: {  	[tilespmem:$0x1F6C0] =	vst v6  }
0x20b: {  	_ =	swait.ge [sflag:s8], $0x2000  }
0x20c: {  	[sflag:s8] =	ssyncset.done $0x0  }
0x20d: {  	s29 =	simm.s32 $0x17450;
	s26 =	rddreg [dreg:$0xa];
	[sflag:s8] =	ssyncadd.s32 $0xFFFFE000  }
0x20e: {  	[spmem:s1] =	stream.indirect.scatter.add.f32 [tilespmem:s29], [sflag:$0xD], $0x40, s26, s20, $0xb8;
	[tilespmem:$0x1F850] =	vst v63  }
0x20f: {  	_ =	swait.ge [sflag:s9], $0x2000  }
0x210: {  	[sflag:s9] =	ssyncset.done $0x0  }
0x211: {  	s26 =	sadd.s32 @!p0 $0x580, s22;
	s29 =	simm.s32 @!p0 $0x15450;
	[sflag:s9] =	ssyncadd.s32 $0xFFFFE000  }
0x212: {  	[tilespmem:s29], [sflag:$0x4] =	stream.indirect.gather @!p0 [hbm4b:s4+s24], $0x40, s26, s24, $0xb8;
	[tilespmem:$0x1F850] =	vst v63  }
0x213: {  	s29 =	sadd.s32 $0x280, s7;
	v6 =	vld [tilespmem:s21+$0x6680]  }
0x214: {  	v7 =	vor.u32 s29, v3  }
0x215: {  	v7 =	vmulhi.u32 $0x51EB851F, v7;
	_ =	sdelay $0x1  }
0x216: {  	v7 =	vshrl.u32 v7, $0x6  }
0x217: {  	v7 =	vadd.s32 v0, v7;
	vm1 =	vgt.s32 v6, $0x0  }
0x218: {  	v6 =	vsel vm1, v7, v1  }
0x219: {  	[tilespmem:$0x1F6D0] =	vst v6  }
0x21a: {  	s29 =	sadd.s32 $0x290, s7;
	v6 =	vld [tilespmem:s21+$0x6690]  }
0x21b: {  	v7 =	vor.u32 s29, v3  }
0x21c: {  	v7 =	vmulhi.u32 $0x51EB851F, v7;
	_ =	sdelay $0x1  }
0x21d: {  	v7 =	vshrl.u32 v7, $0x6  }
0x21e: {  	v7 =	vadd.s32 v0, v7;
	vm1 =	vgt.s32 v6, $0x0  }
0x21f: {  	v6 =	vsel vm1, v7, v1  }
0x220: {  	[tilespmem:$0x1F6E0] =	vst v6  }
0x221: {  	s29 =	sadd.s32 $0x2A0, s7;
	v6 =	vld [tilespmem:s21+$0x66A0]  }
0x222: {  	v7 =	vor.u32 s29, v3  }
0x223: {  	v7 =	vmulhi.u32 $0x51EB851F, v7;
	_ =	sdelay $0x1  }
0x224: {  	v7 =	vshrl.u32 v7, $0x6  }
0x225: {  	v7 =	vadd.s32 v0, v7;
	vm1 =	vgt.s32 v6, $0x0  }
0x226: {  	v6 =	vsel vm1, v7, v1  }
0x227: {  	[tilespmem:$0x1F6F0] =	vst v6  }
0x228: {  	s29 =	sadd.s32 $0x2B0, s7;
	v6 =	vld [tilespmem:s21+$0x66B0]  }
0x229: {  	v7 =	vor.u32 s29, v3  }
0x22a: {  	v7 =	vmulhi.u32 $0x51EB851F, v7;
	_ =	sdelay $0x1  }
0x22b: {  	v7 =	vshrl.u32 v7, $0x6  }
0x22c: {  	v7 =	vadd.s32 v0, v7;
	vm1 =	vgt.s32 v6, $0x0  }
0x22d: {  	v6 =	vsel vm1, v7, v1  }
0x22e: {  	[tilespmem:$0x1F700] =	vst v6  }
0x22f: {  	s29 =	sadd.s32 $0x2C0, s7;
	v6 =	vld [tilespmem:s21+$0x66C0]  }
0x230: {  	v7 =	vor.u32 s29, v3  }
0x231: {  	v7 =	vmulhi.u32 $0x51EB851F, v7;
	_ =	sdelay $0x1  }
0x232: {  	v7 =	vshrl.u32 v7, $0x6  }
0x233: {  	v7 =	vadd.s32 v0, v7;
	vm1 =	vgt.s32 v6, $0x0  }
0x234: {  	v6 =	vsel vm1, v7, v1  }
0x235: {  	[tilespmem:$0x1F710] =	vst v6  }
0x236: {  	s29 =	sadd.s32 $0x2D0, s7;
	v6 =	vld [tilespmem:s21+$0x66D0]  }
0x237: {  	v7 =	vor.u32 s29, v3  }
0x238: {  	v7 =	vmulhi.u32 $0x51EB851F, v7;
	_ =	sdelay $0x1  }
0x239: {  	v7 =	vshrl.u32 v7, $0x6  }
0x23a: {  	v7 =	vadd.s32 v0, v7;
	vm1 =	vgt.s32 v6, $0x0  }
0x23b: {  	v6 =	vsel vm1, v7, v1  }
0x23c: {  	[tilespmem:$0x1F720] =	vst v6  }
0x23d: {  	s29 =	sadd.s32 $0x2E0, s7;
	v6 =	vld [tilespmem:s21+$0x66E0]  }
0x23e: {  	v7 =	vor.u32 s29, v3  }
0x23f: {  	v7 =	vmulhi.u32 $0x51EB851F, v7;
	_ =	sdelay $0x1  }
0x240: {  	v7 =	vshrl.u32 v7, $0x6  }
0x241: {  	v7 =	vadd.s32 v0, v7;
	vm1 =	vgt.s32 v6, $0x0  }
0x242: {  	v6 =	vsel vm1, v7, v1  }
0x243: {  	[tilespmem:$0x1F730] =	vst v6  }
0x244: {  	s29 =	sadd.s32 $0x2F0, s7;
	v6 =	vld [tilespmem:s21+$0x66F0]  }
0x245: {  	v7 =	vor.u32 s29, v3  }
0x246: {  	v7 =	vmulhi.u32 $0x51EB851F, v7;
	_ =	sdelay $0x1  }
0x247: {  	v7 =	vshrl.u32 v7, $0x6  }
0x248: {  	v7 =	vadd.s32 v0, v7;
	vm1 =	vgt.s32 v6, $0x0  }
0x249: {  	v6 =	vsel vm1, v7, v1  }
0x24a: {  	[tilespmem:$0x1F740] =	vst v6  }
0x24b: {  	_ =	swait.ge [sflag:s10], $0x2000  }
0x24c: {  	[sflag:s10] =	ssyncset.done $0x0  }
0x24d: {  	s29 =	rddreg [dreg:$0xb];
	[sflag:s10] =	ssyncadd.s32 $0xFFFFE000  }
0x24e: {  	[spmem:s1] =	stream.indirect.scatter.add.f32 [tilespmem:s18], [sflag:$0xE], $0x40, s29, s20, $0xb8;
	[tilespmem:$0x1F850] =	vst v63  }
0x24f: {  	_ =	swait.ge [sflag:s11], $0x2000  }
0x250: {  	[sflag:s11] =	ssyncset.done $0x0  }
0x251: {  	s26 =	sadd.s32 @!p0 $0x600, s22;
	s29 =	simm.s32 @!p0 $0x17450;
	[sflag:s11] =	ssyncadd.s32 $0xFFFFE000  }
0x252: {  	[tilespmem:s29], [sflag:$0x5] =	stream.indirect.gather @!p0 [hbm4b:s4+s24], $0x40, s26, s24, $0xb8;
	[tilespmem:$0x1F850] =	vst v63  }
0x253: {  	s29 =	sadd.s32 $0x300, s7;
	v6 =	vld [tilespmem:s21+$0x6700]  }
0x254: {  	v7 =	vor.u32 s29, v3  }
0x255: {  	v7 =	vmulhi.u32 $0x51EB851F, v7;
	_ =	sdelay $0x1  }
0x256: {  	v7 =	vshrl.u32 v7, $0x6  }
0x257: {  	v7 =	vadd.s32 v0, v7;
	vm1 =	vgt.s32 v6, $0x0  }
0x258: {  	v6 =	vsel vm1, v7, v1  }
0x259: {  	[tilespmem:$0x1F750] =	vst v6  }
0x25a: {  	s29 =	sadd.s32 $0x310, s7;
	v6 =	vld [tilespmem:s21+$0x6710]  }
0x25b: {  	v7 =	vor.u32 s29, v3  }
0x25c: {  	v7 =	vmulhi.u32 $0x51EB851F, v7;
	_ =	sdelay $0x1  }
0x25d: {  	v7 =	vshrl.u32 v7, $0x6  }
0x25e: {  	v7 =	vadd.s32 v0, v7;
	vm1 =	vgt.s32 v6, $0x0  }
0x25f: {  	v6 =	vsel vm1, v7, v1  }
0x260: {  	[tilespmem:$0x1F760] =	vst v6  }
0x261: {  	s29 =	sadd.s32 $0x320, s7;
	v6 =	vld [tilespmem:s21+$0x6720]  }
0x262: {  	v7 =	vor.u32 s29, v3  }
0x263: {  	v7 =	vmulhi.u32 $0x51EB851F, v7;
	_ =	sdelay $0x1  }
0x264: {  	v7 =	vshrl.u32 v7, $0x6  }
0x265: {  	v7 =	vadd.s32 v0, v7;
	vm1 =	vgt.s32 v6, $0x0  }
0x266: {  	v6 =	vsel vm1, v7, v1  }
0x267: {  	[tilespmem:$0x1F770] =	vst v6  }
0x268: {  	s29 =	sadd.s32 $0x330, s7;
	v6 =	vld [tilespmem:s21+$0x6730]  }
0x269: {  	v7 =	vor.u32 s29, v3  }
0x26a: {  	v7 =	vmulhi.u32 $0x51EB851F, v7;
	_ =	sdelay $0x1  }
0x26b: {  	v7 =	vshrl.u32 v7, $0x6  }
0x26c: {  	v7 =	vadd.s32 v0, v7;
	vm1 =	vgt.s32 v6, $0x0  }
0x26d: {  	v6 =	vsel vm1, v7, v1  }
0x26e: {  	[tilespmem:$0x1F780] =	vst v6  }
0x26f: {  	s29 =	sadd.s32 $0x340, s7;
	v6 =	vld [tilespmem:s21+$0x6740]  }
0x270: {  	v7 =	vor.u32 s29, v3  }
0x271: {  	v7 =	vmulhi.u32 $0x51EB851F, v7;
	_ =	sdelay $0x1  }
0x272: {  	v7 =	vshrl.u32 v7, $0x6  }
0x273: {  	v7 =	vadd.s32 v0, v7;
	vm1 =	vgt.s32 v6, $0x0  }
0x274: {  	v6 =	vsel vm1, v7, v1  }
0x275: {  	[tilespmem:$0x1F790] =	vst v6  }
0x276: {  	s29 =	sadd.s32 $0x350, s7;
	v6 =	vld [tilespmem:s21+$0x6750]  }
0x277: {  	v7 =	vor.u32 s29, v3  }
0x278: {  	v7 =	vmulhi.u32 $0x51EB851F, v7;
	_ =	sdelay $0x1  }
0x279: {  	v7 =	vshrl.u32 v7, $0x6  }
0x27a: {  	v7 =	vadd.s32 v0, v7;
	vm1 =	vgt.s32 v6, $0x0  }
0x27b: {  	v6 =	vsel vm1, v7, v1  }
0x27c: {  	[tilespmem:$0x1F7A0] =	vst v6  }
0x27d: {  	s29 =	sadd.s32 $0x360, s7;
	v6 =	vld [tilespmem:s21+$0x6760]  }
0x27e: {  	v7 =	vor.u32 s29, v3  }
0x27f: {  	v7 =	vmulhi.u32 $0x51EB851F, v7;
	_ =	sdelay $0x1  }
0x280: {  	v7 =	vshrl.u32 v7, $0x6  }
0x281: {  	v7 =	vadd.s32 v0, v7;
	vm1 =	vgt.s32 v6, $0x0  }
0x282: {  	v6 =	vsel vm1, v7, v1  }
0x283: {  	[tilespmem:$0x1F7B0] =	vst v6  }
0x284: {  	s29 =	sadd.s32 $0x370, s7;
	v6 =	vld [tilespmem:s21+$0x6770]  }
0x285: {  	v7 =	vor.u32 s29, v3  }
0x286: {  	v7 =	vmulhi.u32 $0x51EB851F, v7;
	_ =	sdelay $0x1  }
0x287: {  	v7 =	vshrl.u32 v7, $0x6  }
0x288: {  	v7 =	vadd.s32 v0, v7;
	vm1 =	vgt.s32 v6, $0x0  }
0x289: {  	v6 =	vsel vm1, v7, v1  }
0x28a: {  	[tilespmem:$0x1F7C0] =	vst v6  }
0x28b: {  	_ =	swait.ge [sflag:s12], $0x2000  }
0x28c: {  	[sflag:s12] =	ssyncset.done $0x0  }
0x28d: {  	s29 =	rddreg [dreg:$0xc];
	[sflag:s12] =	ssyncadd.s32 $0xFFFFE000  }
0x28e: {  	[spmem:s1] =	stream.indirect.scatter.add.f32 [tilespmem:s31], [sflag:$0xF], $0x40, s29, s20, $0xb8;
	[tilespmem:$0x1F850] =	vst v63  }
0x28f: {  	_ =	swait.ge [sflag:s13], $0x2000  }
0x290: {  	[sflag:s13] =	ssyncset.done $0x0  }
0x291: {  	s22 =	sadd.s32 @!p0 $0x680, s22;
	s26 =	simm.s32 @!p0 $0x19450;
	[sflag:s13] =	ssyncadd.s32 $0xFFFFE000  }
0x292: {  	[tilespmem:s26], [sflag:$0x6] =	stream.indirect.gather @!p0 [hbm4b:s4+s24], $0x40, s22, s24, $0xb8;
	[tilespmem:$0x1F850] =	vst v63  }
0x293: {  	s24 =	sadd.s32 $0x380, s7;
	v6 =	vld [tilespmem:s21+$0x6780]  }
0x294: {  	v7 =	vor.u32 s24, v3  }
0x295: {  	v7 =	vmulhi.u32 $0x51EB851F, v7;
	_ =	sdelay $0x1  }
0x296: {  	v7 =	vshrl.u32 v7, $0x6  }
0x297: {  	v7 =	vadd.s32 v0, v7;
	vm1 =	vgt.s32 v6, $0x0  }
0x298: {  	v6 =	vsel vm1, v7, v1  }
0x299: {  	[tilespmem:$0x1F7D0] =	vst v6  }
0x29a: {  	s26 =	sadd.s32 $0x390, s7;
	v6 =	vld [tilespmem:s21+$0x6790]  }
0x29b: {  	v7 =	vor.u32 s26, v3  }
0x29c: {  	v7 =	vmulhi.u32 $0x51EB851F, v7;
	_ =	sdelay $0x1  }
0x29d: {  	v7 =	vshrl.u32 v7, $0x6  }
0x29e: {  	v7 =	vadd.s32 v0, v7;
	vm1 =	vgt.s32 v6, $0x0  }
0x29f: {  	v6 =	vsel vm1, v7, v1  }
0x2a0: {  	[tilespmem:$0x1F7E0] =	vst v6  }
0x2a1: {  	s29 =	sadd.s32 $0x3A0, s7;
	v6 =	vld [tilespmem:s21+$0x67A0]  }
0x2a2: {  	v7 =	vor.u32 s29, v3  }
0x2a3: {  	v7 =	vmulhi.u32 $0x51EB851F, v7;
	_ =	sdelay $0x1  }
0x2a4: {  	v7 =	vshrl.u32 v7, $0x6  }
0x2a5: {  	v7 =	vadd.s32 v0, v7;
	vm1 =	vgt.s32 v6, $0x0  }
0x2a6: {  	v6 =	vsel vm1, v7, v1  }
0x2a7: {  	[tilespmem:$0x1F7F0] =	vst v6  }
0x2a8: {  	s24 =	sadd.s32 $0x3B0, s7;
	v6 =	vld [tilespmem:s21+$0x67B0]  }
0x2a9: {  	v7 =	vor.u32 s24, v3  }
0x2aa: {  	v7 =	vmulhi.u32 $0x51EB851F, v7;
	_ =	sdelay $0x1  }
0x2ab: {  	v7 =	vshrl.u32 v7, $0x6  }
0x2ac: {  	v7 =	vadd.s32 v0, v7;
	vm1 =	vgt.s32 v6, $0x0  }
0x2ad: {  	v6 =	vsel vm1, v7, v1  }
0x2ae: {  	[tilespmem:$0x1F800] =	vst v6  }
0x2af: {  	s26 =	sadd.s32 $0x3C0, s7;
	v6 =	vld [tilespmem:s21+$0x67C0]  }
0x2b0: {  	v7 =	vor.u32 s26, v3  }
0x2b1: {  	v7 =	vmulhi.u32 $0x51EB851F, v7;
	_ =	sdelay $0x1  }
0x2b2: {  	v7 =	vshrl.u32 v7, $0x6  }
0x2b3: {  	v7 =	vadd.s32 v0, v7;
	vm1 =	vgt.s32 v6, $0x0  }
0x2b4: {  	v6 =	vsel vm1, v7, v1  }
0x2b5: {  	[tilespmem:$0x1F810] =	vst v6  }
0x2b6: {  	s29 =	sadd.s32 $0x3D0, s7;
	v6 =	vld [tilespmem:s21+$0x67D0]  }
0x2b7: {  	v7 =	vor.u32 s29, v3  }
0x2b8: {  	v7 =	vmulhi.u32 $0x51EB851F, v7;
	_ =	sdelay $0x1  }
0x2b9: {  	v7 =	vshrl.u32 v7, $0x6  }
0x2ba: {  	v7 =	vadd.s32 v0, v7;
	vm1 =	vgt.s32 v6, $0x0  }
0x2bb: {  	v6 =	vsel vm1, v7, v1  }
0x2bc: {  	[tilespmem:$0x1F820] =	vst v6  }
0x2bd: {  	s24 =	sadd.s32 $0x3E0, s7;
	v6 =	vld [tilespmem:s21+$0x67E0]  }
0x2be: {  	v7 =	vor.u32 s24, v3  }
0x2bf: {  	v7 =	vmulhi.u32 $0x51EB851F, v7;
	_ =	sdelay $0x1  }
0x2c0: {  	v7 =	vshrl.u32 v7, $0x6  }
0x2c1: {  	v7 =	vadd.s32 v0, v7;
	vm1 =	vgt.s32 v6, $0x0  }
0x2c2: {  	v6 =	vsel vm1, v7, v1  }
0x2c3: {  	[tilespmem:$0x1F830] =	vst v6  }
0x2c4: {  	s26 =	sadd.s32 $0x3F0, s7;
	v6 =	vld [tilespmem:s21+$0x67F0]  }
0x2c5: {  	v7 =	vor.u32 s26, v3  }
0x2c6: {  	v7 =	vmulhi.u32 $0x51EB851F, v7;
	_ =	sdelay $0x1  }
0x2c7: {  	v7 =	vshrl.u32 v7, $0x6  }
0x2c8: {  	s7 =	sadd.s32 $0x400, s7;
	v7 =	vadd.s32 v0, v7;
	vm1 =	vgt.s32 v6, $0x0  }
0x2c9: {  	p0 =	sne.s32 s7, $0x6400;
	v6 =	vsel vm1, v7, v1  }
.Ltmp1:
0x2ca: {  	[tilespmem:$0x1F840] =	vst v6;
	(pc) =	sbr.rel @p0 .LBB2_4-.Ltmp1, $4  }
0x2cb: {  	_ =	swait.ge [sflag:s14], $0x2000  }
0x2cc: {  	[sflag:s14] =	ssyncset.done $0x0  }
0x2cd: {  	s15 =	sadd.s32 $0x1000, s15;
	s29 =	rddreg [dreg:$0xd];
	[sflag:s14] =	ssyncadd.s32 $0xFFFFE000  }
0x2ce: {  	[spmem:s1] =	stream.indirect.scatter.add.f32 [tilespmem:s0], [sflag:$0x10], $0x40, s29, s20, $0xb8;
	[tilespmem:$0x1F850] =	vst v63  }
0x2cf: {  	s0 =	simm.s32 $0xF  }
0x2d0: {  	_ =	swait.ge [sflag:s0], $0x2000  }
0x2d1: {  	[sflag:s0] =	ssyncset.done $0x0  }
0x2d2: {  	s31 =	simm.s32 $0x10;
	[sflag:s0] =	ssyncadd.s32 $0xFFFFE000  }
0x2d3: {  	_ =	swait.ge [sflag:s31], $0x2000  }
0x2d4: {  	[sflag:s31] =	ssyncset.done $0x0  }
0x2d5: {  	s24 =	rddreg [dreg:$0x10];
	[sflag:s31] =	ssyncadd.s32 $0xFFFFE000  }
0x2d6: {  	[tilespmem:s19], [sflag:$0x11] =	stream.linear.gather [spmem:s24], $0x400, $0x38;
	[tilespmem:$0x1F850] =	vst v63  }
0x2d7: {  	_ =	swait.ge [sflag:s17], $0x400  }
0x2d8: {  	[sflag:s17] =	ssyncset.done $0x0  }
0x2d9: {  	[sflag:s17] =	ssyncadd.s32 $0xFFFFFC00  }
0x2da: {  	s7 =	simm.s32 $0xC890;
	v6 =	vld [tilespmem:$0xD020]  }
0x2db: {  	v7 =	vld [tilespmem:s7+$0xFFFFFF80]  }
0x2dc: {  	v8 =	vld [tilespmem:$0xD040]  }
0x2dd: {  	v9 =	vld [tilespmem:$0xD010]  }
0x2de: {  	v10 =	vld [tilespmem:$0xD030];
	_ =	sdelay $0x1  }
0x2df: {  	v6 =	vmul.f32 v6, v7  }
0x2e0: {  	v8 =	vmul.f32 v8, v7  }
0x2e1: {  	v9 =	vmul.f32 v9, v7;
	[tilespmem:$0xD020] =	vst v6  }
0x2e2: {  	v6 =	vmul.f32 v10, v7;
	[tilespmem:$0xD040] =	vst v8  }
0x2e3: {  	[tilespmem:$0xD010] =	vst v9  }
0x2e4: {  	v7 =	vld [tilespmem:$0xD050];
	[tilespmem:$0xD030] =	vst v6  }
0x2e5: {  	v6 =	vld [tilespmem:s7+$0xFFFFFF90]  }
0x2e6: {  	v8 =	vld [tilespmem:$0xD060]  }
0x2e7: {  	v9 =	vld [tilespmem:$0xD070]  }
0x2e8: {  	v10 =	vld [tilespmem:$0xD080];
	_ =	sdelay $0x1  }
0x2e9: {  	v7 =	vmul.f32 v7, v6  }
0x2ea: {  	v8 =	vmul.f32 v8, v6  }
0x2eb: {  	v9 =	vmul.f32 v9, v6;
	[tilespmem:$0xD050] =	vst v7  }
0x2ec: {  	v6 =	vmul.f32 v10, v6;
	[tilespmem:$0xD060] =	vst v8  }
0x2ed: {  	[tilespmem:$0xD070] =	vst v9  }
0x2ee: {  	[tilespmem:$0xD080] =	vst v6;
	v6 =	vld [tilespmem:$0xD090]  }
0x2ef: {  	v7 =	vld [tilespmem:s7+$0xFFFFFFA0]  }
0x2f0: {  	v8 =	vld [tilespmem:$0xD0B0]  }
0x2f1: {  	v9 =	vld [tilespmem:$0xD0A0]  }
0x2f2: {  	v10 =	vld [tilespmem:$0xD0C0];
	_ =	sdelay $0x1  }
0x2f3: {  	v6 =	vmul.f32 v6, v7  }
0x2f4: {  	v8 =	vmul.f32 v8, v7  }
0x2f5: {  	v9 =	vmul.f32 v9, v7;
	[tilespmem:$0xD090] =	vst v6  }
0x2f6: {  	v6 =	vmul.f32 v10, v7;
	[tilespmem:$0xD0B0] =	vst v8  }
0x2f7: {  	[tilespmem:$0xD0A0] =	vst v9  }
0x2f8: {  	[tilespmem:$0xD0C0] =	vst v6;
	v6 =	vld [tilespmem:$0xD0D0]  }
0x2f9: {  	v7 =	vld [tilespmem:s7+$0xFFFFFFB0]  }
0x2fa: {  	v8 =	vld [tilespmem:$0xD0F0]  }
0x2fb: {  	v9 =	vld [tilespmem:$0xD0E0]  }
0x2fc: {  	v10 =	vld [tilespmem:$0xD100];
	_ =	sdelay $0x1  }
0x2fd: {  	v6 =	vmul.f32 v6, v7  }
0x2fe: {  	v8 =	vmul.f32 v8, v7  }
0x2ff: {  	v9 =	vmul.f32 v9, v7;
	[tilespmem:$0xD0D0] =	vst v6  }
0x300: {  	v6 =	vmul.f32 v10, v7;
	[tilespmem:$0xD0F0] =	vst v8  }
0x301: {  	[tilespmem:$0xD0E0] =	vst v9  }
0x302: {  	[tilespmem:$0xD100] =	vst v6;
	v6 =	vld [tilespmem:$0xD110]  }
0x303: {  	v7 =	vld [tilespmem:s7+$0xFFFFFFC0]  }
0x304: {  	v8 =	vld [tilespmem:$0xD140]  }
0x305: {  	v9 =	vld [tilespmem:$0xD120]  }
0x306: {  	v10 =	vld [tilespmem:$0xD130];
	_ =	sdelay $0x1  }
0x307: {  	v6 =	vmul.f32 v6, v7  }
0x308: {  	v8 =	vmul.f32 v8, v7  }
0x309: {  	v9 =	vmul.f32 v9, v7;
	[tilespmem:$0xD110] =	vst v6  }
0x30a: {  	v6 =	vmul.f32 v10, v7;
	[tilespmem:$0xD140] =	vst v8  }
0x30b: {  	[tilespmem:$0xD120] =	vst v9  }
0x30c: {  	[tilespmem:$0xD130] =	vst v6;
	v6 =	vld [tilespmem:$0xD150]  }
0x30d: {  	v7 =	vld [tilespmem:s7+$0xFFFFFFD0]  }
0x30e: {  	v8 =	vld [tilespmem:$0xD160]  }
0x30f: {  	v9 =	vld [tilespmem:$0xD180]  }
0x310: {  	v10 =	vld [tilespmem:$0xD170];
	_ =	sdelay $0x1  }
0x311: {  	v6 =	vmul.f32 v6, v7  }
0x312: {  	v8 =	vmul.f32 v8, v7  }
0x313: {  	v9 =	vmul.f32 v9, v7;
	[tilespmem:$0xD150] =	vst v6  }
0x314: {  	v6 =	vmul.f32 v10, v7;
	[tilespmem:$0xD160] =	vst v8  }
0x315: {  	[tilespmem:$0xD180] =	vst v9  }
0x316: {  	[tilespmem:$0xD170] =	vst v6;
	v6 =	vld [tilespmem:$0xD190]  }
0x317: {  	v7 =	vld [tilespmem:s7+$0xFFFFFFE0]  }
0x318: {  	v8 =	vld [tilespmem:$0xD1C0]  }
0x319: {  	v9 =	vld [tilespmem:$0xD1A0]  }
0x31a: {  	v10 =	vld [tilespmem:$0xD1B0];
	_ =	sdelay $0x1  }
0x31b: {  	v6 =	vmul.f32 v6, v7  }
0x31c: {  	v8 =	vmul.f32 v8, v7  }
0x31d: {  	v9 =	vmul.f32 v9, v7;
	[tilespmem:$0xD190] =	vst v6  }
0x31e: {  	v6 =	vmul.f32 v10, v7;
	[tilespmem:$0xD1C0] =	vst v8  }
0x31f: {  	[tilespmem:$0xD1A0] =	vst v9  }
0x320: {  	[tilespmem:$0xD1B0] =	vst v6;
	v6 =	vld [tilespmem:$0xD1D0]  }
0x321: {  	v7 =	vld [tilespmem:s7+$0xFFFFFFF0]  }
0x322: {  	v8 =	vld [tilespmem:$0xD1E0]  }
0x323: {  	v9 =	vld [tilespmem:$0xD200]  }
0x324: {  	v10 =	vld [tilespmem:$0xD1F0];
	_ =	sdelay $0x1  }
0x325: {  	v6 =	vmul.f32 v6, v7  }
0x326: {  	v8 =	vmul.f32 v8, v7  }
0x327: {  	v9 =	vmul.f32 v9, v7;
	[tilespmem:$0xD1D0] =	vst v6  }
0x328: {  	v6 =	vmul.f32 v10, v7;
	[tilespmem:$0xD1E0] =	vst v8  }
0x329: {  	[tilespmem:$0xD200] =	vst v9  }
0x32a: {  	[tilespmem:$0xD1F0] =	vst v6;
	v6 =	vld [tilespmem:$0xD210]  }
0x32b: {  	v7 =	vld [tilespmem:s7+$0x0]  }
0x32c: {  	v8 =	vld [tilespmem:$0xD220]  }
0x32d: {  	v9 =	vld [tilespmem:$0xD240]  }
0x32e: {  	v10 =	vld [tilespmem:$0xD230];
	_ =	sdelay $0x1  }
0x32f: {  	v6 =	vmul.f32 v6, v7  }
0x330: {  	v8 =	vmul.f32 v8, v7  }
0x331: {  	v9 =	vmul.f32 v9, v7;
	[tilespmem:$0xD210] =	vst v6  }
0x332: {  	v6 =	vmul.f32 v10, v7;
	[tilespmem:$0xD220] =	vst v8  }
0x333: {  	[tilespmem:$0xD240] =	vst v9  }
0x334: {  	[tilespmem:$0xD230] =	vst v6;
	v6 =	vld [tilespmem:$0xD250]  }
0x335: {  	v7 =	vld [tilespmem:s7+$0x10]  }
0x336: {  	v8 =	vld [tilespmem:$0xD260]  }
0x337: {  	v9 =	vld [tilespmem:$0xD280]  }
0x338: {  	v10 =	vld [tilespmem:$0xD270];
	_ =	sdelay $0x1  }
0x339: {  	v6 =	vmul.f32 v6, v7  }
0x33a: {  	v8 =	vmul.f32 v8, v7  }
0x33b: {  	v9 =	vmul.f32 v9, v7;
	[tilespmem:$0xD250] =	vst v6  }
0x33c: {  	v6 =	vmul.f32 v10, v7;
	[tilespmem:$0xD260] =	vst v8  }
0x33d: {  	[tilespmem:$0xD280] =	vst v9  }
0x33e: {  	[tilespmem:$0xD270] =	vst v6;
	v6 =	vld [tilespmem:$0xD290]  }
0x33f: {  	v7 =	vld [tilespmem:s7+$0x20]  }
0x340: {  	v8 =	vld [tilespmem:$0xD2B0]  }
0x341: {  	v9 =	vld [tilespmem:$0xD2A0]  }
0x342: {  	v10 =	vld [tilespmem:$0xD2C0];
	_ =	sdelay $0x1  }
0x343: {  	v6 =	vmul.f32 v6, v7  }
0x344: {  	v8 =	vmul.f32 v8, v7  }
0x345: {  	v9 =	vmul.f32 v9, v7;
	[tilespmem:$0xD290] =	vst v6  }
0x346: {  	v11 =	vld [tilespmem:$0xD2F0];
	v6 =	vmul.f32 v10, v7;
	[tilespmem:$0xD2B0] =	vst v8  }
0x347: {  	[tilespmem:$0xD2A0] =	vst v9;
	v7 =	vld [tilespmem:$0xD2E0]  }
0x348: {  	[tilespmem:$0xD2C0] =	vst v6;
	v6 =	vld [tilespmem:$0xD2D0]  }
0x349: {  	v10 =	vld [tilespmem:s7+$0x30]  }
0x34a: {  	v8 =	vld [tilespmem:$0xD300];
	_ =	sdelay $0x3  }
0x34b: {  	v9 =	vmul.f32 v6, v10;
	v7 =	vmul.f32 v7, v10  }
0x34c: {  	s15 =	simm.s32 $0x0;
	s22 =	simm.s32 $0x80;
	s21 =	simm.s32 $0xC890;
	v6 =	vmul.f32 v11, v10;
	v8 =	vmul.f32 v8, v10  }
.LBB2_6:
0x34d: {  	p0 =	sne.s32 s22, $0x380;
	[tilespmem:$0xD2D0] =	vst v9;
	s24 =	sadd.s32 $0x400, s24;
	s7 =	sadd.s32 $0x100, s7  }
0x34e: {  	s26 =	smov.u32 s22;
	s22 =	sadd.s32 $0x80, s22;
	[tilespmem:$0xD2E0] =	vst v7;
	v7 =	vld [tilespmem:$0xD340]  }
0x34f: {  	[tilespmem:$0xD300] =	vst v8;
	v8 =	vld [tilespmem:$0xD320]  }
0x350: {  	[tilespmem:$0xD2F0] =	vst v6;
	v6 =	vld [tilespmem:$0xD310]  }
0x351: {  	v9 =	vld [tilespmem:s21+$0x40]  }
0x352: {  	v10 =	vld [tilespmem:$0xD330];
	_ =	sdelay $0x3  }
0x353: {  	v6 =	vmul.f32 v6, v9;
	v8 =	vmul.f32 v8, v9  }
0x354: {  	v7 =	vmul.f32 v7, v9;
	v10 =	vmul.f32 v10, v9  }
0x355: {  	[tilespmem:$0xD310] =	vst v6  }
0x356: {  	[tilespmem:$0xD330] =	vst v10  }
0x357: {  	[tilespmem:$0xD340] =	vst v7  }
0x358: {  	v6 =	vld [tilespmem:$0xD380]  }
0x359: {  	v7 =	vld [tilespmem:$0xD360]  }
0x35a: {  	[tilespmem:$0xD320] =	vst v8;
	v8 =	vld [tilespmem:$0xD350]  }
0x35b: {  	v9 =	vld [tilespmem:s21+$0x50]  }
0x35c: {  	v10 =	vld [tilespmem:$0xD370];
	_ =	sdelay $0x3  }
0x35d: {  	v8 =	vmul.f32 v8, v9;
	v7 =	vmul.f32 v7, v9  }
0x35e: {  	v6 =	vmul.f32 v6, v9;
	v10 =	vmul.f32 v10, v9  }
0x35f: {  	[tilespmem:$0xD350] =	vst v8  }
0x360: {  	[tilespmem:$0xD380] =	vst v6;
	v6 =	vld [tilespmem:$0xD3C0]  }
0x361: {  	[tilespmem:$0xD370] =	vst v10;
	v8 =	vld [tilespmem:$0xD3A0]  }
0x362: {  	[tilespmem:$0xD360] =	vst v7;
	v7 =	vld [tilespmem:$0xD390]  }
0x363: {  	v9 =	vld [tilespmem:s21+$0x60]  }
0x364: {  	v10 =	vld [tilespmem:$0xD3B0];
	_ =	sdelay $0x3  }
0x365: {  	v7 =	vmul.f32 v7, v9;
	v8 =	vmul.f32 v8, v9  }
0x366: {  	v6 =	vmul.f32 v6, v9;
	v10 =	vmul.f32 v10, v9  }
0x367: {  	[tilespmem:$0xD390] =	vst v7  }
0x368: {  	[tilespmem:$0xD3A0] =	vst v8;
	v7 =	vld [tilespmem:$0xD400]  }
0x369: {  	[tilespmem:$0xD3C0] =	vst v6;
	v6 =	vld [tilespmem:$0xD3E0]  }
0x36a: {  	[tilespmem:$0xD3B0] =	vst v10;
	v8 =	vld [tilespmem:$0xD3D0]  }
0x36b: {  	v9 =	vld [tilespmem:s21+$0x70];
	s21 =	smov.u32 s7  }
0x36c: {  	v10 =	vld [tilespmem:$0xD3F0];
	_ =	sdelay $0x3  }
0x36d: {  	v8 =	vmul.f32 v8, v9;
	v6 =	vmul.f32 v6, v9  }
0x36e: {  	v7 =	vmul.f32 v7, v9;
	v10 =	vmul.f32 v10, v9  }
0x36f: {  	[tilespmem:$0xD3D0] =	vst v8  }
0x370: {  	[tilespmem:$0xD3E0] =	vst v6  }
0x371: {  	s29 =	sadd.s32 s15, s16;
	s15 =	smov.u32 s26;
	[tilespmem:$0xD400] =	vst v7  }
0x372: {  	[tilespmem:$0xD3F0] =	vst v10  }
0x373: {  	[hbm4b:s29+s3] =	stream.linear.scatter [tilespmem:s19], [sflag:$0x11], $0x400, $0x38;
	[tilespmem:$0x1F850] =	vst v63  }
0x374: {  	_ =	swait.ge [sflag:s17], $0x400  }
0x375: {  	[sflag:s17] =	ssyncset.done $0x0  }
0x376: {  	[sflag:s17] =	ssyncadd.s32 $0xFFFFFC00  }
0x377: {  	[tilespmem:s19], [sflag:$0x11] =	stream.linear.gather [spmem:s24], $0x400, $0x38;
	[tilespmem:$0x1F850] =	vst v63  }
0x378: {  	_ =	swait.ge [sflag:s17], $0x400  }
0x379: {  	[sflag:s17] =	ssyncset.done $0x0  }
0x37a: {  	[sflag:s17] =	ssyncadd.s32 $0xFFFFFC00  }
0x37b: {  	v6 =	vld [tilespmem:$0xD040]  }
0x37c: {  	v7 =	vld [tilespmem:$0xD030]  }
0x37d: {  	v8 =	vld [tilespmem:$0xD020]  }
0x37e: {  	v9 =	vld [tilespmem:s7+$0xFFFFFF80]  }
0x37f: {  	v10 =	vld [tilespmem:$0xD010]  }
0x380: {  	v11 =	vld [tilespmem:$0xD050]  }
0x381: {  	v12 =	vld [tilespmem:$0xD060]  }
0x382: {  	v13 =	vld [tilespmem:$0xD070]  }
0x383: {  	v8 =	vmul.f32 v8, v9;
	v14 =	vld [tilespmem:$0xD080]  }
0x384: {  	v7 =	vmul.f32 v7, v9;
	v6 =	vmul.f32 v6, v9  }
0x385: {  	v9 =	vmul.f32 v10, v9;
	[tilespmem:$0xD020] =	vst v8  }
0x386: {  	[tilespmem:$0xD040] =	vst v6  }
0x387: {  	[tilespmem:$0xD010] =	vst v9  }
0x388: {  	[tilespmem:$0xD030] =	vst v7  }
0x389: {  	v6 =	vld [tilespmem:s7+$0xFFFFFF90];
	_ =	sdelay $0x4  }
0x38a: {  	v7 =	vmul.f32 v11, v6;
	v8 =	vmul.f32 v12, v6  }
0x38b: {  	v9 =	vmul.f32 v13, v6;
	v6 =	vmul.f32 v14, v6  }
0x38c: {  	[tilespmem:$0xD050] =	vst v7  }
0x38d: {  	[tilespmem:$0xD060] =	vst v8;
	v7 =	vld [tilespmem:$0xD0C0]  }
0x38e: {  	[tilespmem:$0xD070] =	vst v9;
	v8 =	vld [tilespmem:$0xD0A0]  }
0x38f: {  	[tilespmem:$0xD080] =	vst v6;
	v6 =	vld [tilespmem:$0xD090]  }
0x390: {  	v9 =	vld [tilespmem:s7+$0xFFFFFFA0]  }
0x391: {  	v10 =	vld [tilespmem:$0xD0B0];
	_ =	sdelay $0x3  }
0x392: {  	v6 =	vmul.f32 v6, v9;
	v8 =	vmul.f32 v8, v9  }
0x393: {  	v7 =	vmul.f32 v7, v9;
	v10 =	vmul.f32 v10, v9  }
0x394: {  	[tilespmem:$0xD090] =	vst v6  }
0x395: {  	[tilespmem:$0xD0B0] =	vst v10;
	v6 =	vld [tilespmem:$0xD100]  }
0x396: {  	[tilespmem:$0xD0A0] =	vst v8;
	v8 =	vld [tilespmem:$0xD0E0]  }
0x397: {  	[tilespmem:$0xD0C0] =	vst v7;
	v7 =	vld [tilespmem:$0xD0D0]  }
0x398: {  	v9 =	vld [tilespmem:s7+$0xFFFFFFB0]  }
0x399: {  	v10 =	vld [tilespmem:$0xD0F0];
	_ =	sdelay $0x3  }
0x39a: {  	v7 =	vmul.f32 v7, v9;
	v8 =	vmul.f32 v8, v9  }
0x39b: {  	v6 =	vmul.f32 v6, v9;
	v10 =	vmul.f32 v10, v9  }
0x39c: {  	[tilespmem:$0xD0D0] =	vst v7  }
0x39d: {  	[tilespmem:$0xD0F0] =	vst v10;
	v7 =	vld [tilespmem:$0xD140]  }
0x39e: {  	[tilespmem:$0xD0E0] =	vst v8;
	v8 =	vld [tilespmem:$0xD120]  }
0x39f: {  	[tilespmem:$0xD100] =	vst v6;
	v6 =	vld [tilespmem:$0xD110]  }
0x3a0: {  	v9 =	vld [tilespmem:s7+$0xFFFFFFC0]  }
0x3a1: {  	v10 =	vld [tilespmem:$0xD130];
	_ =	sdelay $0x3  }
0x3a2: {  	v6 =	vmul.f32 v6, v9;
	v8 =	vmul.f32 v8, v9  }
0x3a3: {  	v7 =	vmul.f32 v7, v9;
	v10 =	vmul.f32 v10, v9  }
0x3a4: {  	[tilespmem:$0xD110] =	vst v6  }
0x3a5: {  	[tilespmem:$0xD140] =	vst v7;
	v6 =	vld [tilespmem:$0xD180]  }
0x3a6: {  	[tilespmem:$0xD120] =	vst v8;
	v7 =	vld [tilespmem:$0xD160]  }
0x3a7: {  	[tilespmem:$0xD130] =	vst v10;
	v8 =	vld [tilespmem:$0xD150]  }
0x3a8: {  	v9 =	vld [tilespmem:s7+$0xFFFFFFD0]  }
0x3a9: {  	v10 =	vld [tilespmem:$0xD170];
	_ =	sdelay $0x3  }
0x3aa: {  	v8 =	vmul.f32 v8, v9;
	v7 =	vmul.f32 v7, v9  }
0x3ab: {  	v6 =	vmul.f32 v6, v9;
	v10 =	vmul.f32 v10, v9  }
0x3ac: {  	[tilespmem:$0xD150] =	vst v8  }
0x3ad: {  	[tilespmem:$0xD160] =	vst v7;
	v7 =	vld [tilespmem:$0xD1C0]  }
0x3ae: {  	[tilespmem:$0xD180] =	vst v6;
	v6 =	vld [tilespmem:$0xD1A0]  }
0x3af: {  	[tilespmem:$0xD170] =	vst v10;
	v8 =	vld [tilespmem:$0xD190]  }
0x3b0: {  	v9 =	vld [tilespmem:s7+$0xFFFFFFE0]  }
0x3b1: {  	v10 =	vld [tilespmem:$0xD1B0];
	_ =	sdelay $0x3  }
0x3b2: {  	v8 =	vmul.f32 v8, v9;
	v6 =	vmul.f32 v6, v9  }
0x3b3: {  	v7 =	vmul.f32 v7, v9;
	v10 =	vmul.f32 v10, v9  }
0x3b4: {  	[tilespmem:$0xD190] =	vst v8  }
0x3b5: {  	[tilespmem:$0xD1C0] =	vst v7;
	v7 =	vld [tilespmem:$0xD200]  }
0x3b6: {  	[tilespmem:$0xD1A0] =	vst v6;
	v6 =	vld [tilespmem:$0xD1E0]  }
0x3b7: {  	[tilespmem:$0xD1B0] =	vst v10;
	v8 =	vld [tilespmem:$0xD1D0]  }
0x3b8: {  	v9 =	vld [tilespmem:s7+$0xFFFFFFF0]  }
0x3b9: {  	v10 =	vld [tilespmem:$0xD1F0];
	_ =	sdelay $0x3  }
0x3ba: {  	v8 =	vmul.f32 v8, v9;
	v6 =	vmul.f32 v6, v9  }
0x3bb: {  	v7 =	vmul.f32 v7, v9;
	v10 =	vmul.f32 v10, v9  }
0x3bc: {  	[tilespmem:$0xD1D0] =	vst v8  }
0x3bd: {  	[tilespmem:$0xD1E0] =	vst v6;
	v6 =	vld [tilespmem:$0xD240]  }
0x3be: {  	[tilespmem:$0xD200] =	vst v7;
	v7 =	vld [tilespmem:$0xD220]  }
0x3bf: {  	[tilespmem:$0xD1F0] =	vst v10;
	v8 =	vld [tilespmem:$0xD210]  }
0x3c0: {  	v9 =	vld [tilespmem:s7+$0x0]  }
0x3c1: {  	v10 =	vld [tilespmem:$0xD230];
	_ =	sdelay $0x3  }
0x3c2: {  	v8 =	vmul.f32 v8, v9;
	v7 =	vmul.f32 v7, v9  }
0x3c3: {  	v6 =	vmul.f32 v6, v9;
	v10 =	vmul.f32 v10, v9  }
0x3c4: {  	[tilespmem:$0xD210] =	vst v8  }
0x3c5: {  	[tilespmem:$0xD220] =	vst v7;
	v7 =	vld [tilespmem:$0xD280]  }
0x3c6: {  	[tilespmem:$0xD240] =	vst v6;
	v6 =	vld [tilespmem:$0xD260]  }
0x3c7: {  	[tilespmem:$0xD230] =	vst v10;
	v8 =	vld [tilespmem:$0xD250]  }
0x3c8: {  	v9 =	vld [tilespmem:s7+$0x10]  }
0x3c9: {  	v10 =	vld [tilespmem:$0xD270];
	_ =	sdelay $0x3  }
0x3ca: {  	v8 =	vmul.f32 v8, v9;
	v6 =	vmul.f32 v6, v9  }
0x3cb: {  	v7 =	vmul.f32 v7, v9;
	v10 =	vmul.f32 v10, v9  }
0x3cc: {  	[tilespmem:$0xD250] =	vst v8  }
0x3cd: {  	[tilespmem:$0xD260] =	vst v6;
	v6 =	vld [tilespmem:$0xD2C0]  }
0x3ce: {  	[tilespmem:$0xD280] =	vst v7;
	v7 =	vld [tilespmem:$0xD2A0]  }
0x3cf: {  	[tilespmem:$0xD270] =	vst v10;
	v8 =	vld [tilespmem:$0xD290]  }
0x3d0: {  	v9 =	vld [tilespmem:s7+$0x20]  }
0x3d1: {  	v10 =	vld [tilespmem:$0xD2B0];
	_ =	sdelay $0x3  }
0x3d2: {  	v8 =	vmul.f32 v8, v9;
	v7 =	vmul.f32 v7, v9  }
0x3d3: {  	v6 =	vmul.f32 v6, v9;
	v10 =	vmul.f32 v10, v9  }
0x3d4: {  	[tilespmem:$0xD290] =	vst v8  }
0x3d5: {  	[tilespmem:$0xD2B0] =	vst v10;
	v8 =	vld [tilespmem:$0xD300]  }
0x3d6: {  	[tilespmem:$0xD2A0] =	vst v7;
	v7 =	vld [tilespmem:$0xD2E0]  }
0x3d7: {  	[tilespmem:$0xD2C0] =	vst v6;
	v6 =	vld [tilespmem:$0xD2D0]  }
0x3d8: {  	v10 =	vld [tilespmem:s7+$0x30]  }
0x3d9: {  	v11 =	vld [tilespmem:$0xD2F0]  }
.Ltmp2:
0x3da: {  	(pc) =	sbr.rel @p0 .LBB2_6-.Ltmp2, $3  }
0x3db: {  	_ =	sdelay $0x1  }
0x3dc: {  	v9 =	vmul.f32 v6, v10;
	v7 =	vmul.f32 v7, v10  }
0x3dd: {  	v8 =	vmul.f32 v8, v10;
	v6 =	vmul.f32 v11, v10  }
0x3de: {  	[tilespmem:$0xD2D0] =	vst v9  }
0x3df: {  	[tilespmem:$0xD2E0] =	vst v7  }
0x3e0: {  	[tilespmem:$0xD300] =	vst v8  }
0x3e1: {  	[tilespmem:$0xD2F0] =	vst v6;
	v6 =	vld [tilespmem:$0xD310]  }
0x3e2: {  	v7 =	vld [tilespmem:s21+$0x40]  }
0x3e3: {  	v53 =	vld [tilespmem:$0xD330]  }
0x3e4: {  	v54 =	vld [tilespmem:$0xD340]  }
0x3e5: {  	v10 =	vld [tilespmem:$0xD320];
	_ =	sdelay $0x1  }
0x3e6: {  	v6 =	vmul.f32 v6, v7  }
0x3e7: {  	v8 =	vmul.f32 v53, v7  }
0x3e8: {  	v9 =	vmul.f32 v54, v7;
	[tilespmem:$0xD310] =	vst v6  }
0x3e9: {  	v6 =	vmul.f32 v10, v7;
	[tilespmem:$0xD330] =	vst v8  }
0x3ea: {  	[tilespmem:$0xD340] =	vst v9  }
0x3eb: {  	[tilespmem:$0xD320] =	vst v6;
	v6 =	vld [tilespmem:$0xD350]  }
0x3ec: {  	v7 =	vld [tilespmem:s21+$0x50]  }
0x3ed: {  	v55 =	vld [tilespmem:$0xD380]  }
0x3ee: {  	v56 =	vld [tilespmem:$0xD370]  }
0x3ef: {  	v57 =	vld [tilespmem:$0xD360];
	_ =	sdelay $0x1  }
0x3f0: {  	v6 =	vmul.f32 v6, v7  }
0x3f1: {  	v8 =	vmul.f32 v55, v7  }
0x3f2: {  	v9 =	vmul.f32 v56, v7;
	[tilespmem:$0xD350] =	vst v6  }
0x3f3: {  	v6 =	vmul.f32 v57, v7;
	[tilespmem:$0xD380] =	vst v8  }
0x3f4: {  	[tilespmem:$0xD370] =	vst v9  }
0x3f5: {  	[tilespmem:$0xD360] =	vst v6;
	v6 =	vld [tilespmem:$0xD390]  }
0x3f6: {  	v7 =	vld [tilespmem:s21+$0x60]  }
0x3f7: {  	v58 =	vld [tilespmem:$0xD3A0]  }
0x3f8: {  	v59 =	vld [tilespmem:$0xD3C0]  }
0x3f9: {  	v60 =	vld [tilespmem:$0xD3B0];
	_ =	sdelay $0x1  }
0x3fa: {  	v6 =	vmul.f32 v6, v7  }
0x3fb: {  	v8 =	vmul.f32 v58, v7  }
0x3fc: {  	v9 =	vmul.f32 v59, v7;
	[tilespmem:$0xD390] =	vst v6  }
0x3fd: {  	v6 =	vmul.f32 v60, v7;
	[tilespmem:$0xD3A0] =	vst v8  }
0x3fe: {  	[tilespmem:$0xD3C0] =	vst v9  }
0x3ff: {  	[tilespmem:$0xD3B0] =	vst v6;
	v6 =	vld [tilespmem:$0xD3D0]  }
0x400: {  	v7 =	vld [tilespmem:s21+$0x70]  }
0x401: {  	v61 =	vld [tilespmem:$0xD3E0]  }
0x402: {  	v62 =	vld [tilespmem:$0xD400]  }
0x403: {  	v63 =	vld [tilespmem:$0xD3F0];
	_ =	sdelay $0x1  }
0x404: {  	v6 =	vmul.f32 v6, v7  }
0x405: {  	v8 =	vmul.f32 v61, v7  }
0x406: {  	v9 =	vmul.f32 v62, v7;
	[tilespmem:$0xD3D0] =	vst v6  }
0x407: {  	v6 =	vmul.f32 v63, v7;
	[tilespmem:$0xD3E0] =	vst v8  }
0x408: {  	[tilespmem:$0xD400] =	vst v9  }
0x409: {  	s7 =	sadd.s32 s15, s16;
	[tilespmem:$0xD3F0] =	vst v6  }
0x40a: {  	[hbm4b:s7+s3] =	stream.linear.scatter [tilespmem:s19], [sflag:$0x11], $0x400, $0x38;
	[tilespmem:$0x1F850] =	vst v63  }
0x40b: {  	_ =	swait.ge [sflag:s17], $0x400  }
0x40c: {  	s0 =	rddreg [dreg:$0x19]  }
0x40d: {  	s26 =	rddreg [dreg:$0x11];
	s0 =	sadd.s32 $0x1, s0  }
0x40e: {  	p0 =	sne.s32 s0, s26  }
.Ltmp3:
0x40f: {  	_ = 	snop;
	(pc) =	sbr.rel @p0 .LBB2_1-.Ltmp3, $4  }
0x410: {  	_ = 	snop  }
0x411: {  	s24 =	simm.s32 $0xF450  }
0x412: {  	s18 =	simm.s32 $0x13450;
	s29 =	simm.s32 $0x15450;
	[sflag:s17] =	ssyncset.done $0x0  }
0x413: {  	s31 =	simm.s32 $0x17450;
	[sflag:s17] =	ssyncadd.s32 $0xFFFFFC00;
	s26 =	simm.s32 $0x11450  }
0x414: {  	_ =	sfence.sel $0x180000  }
0x415: {  	[bflag:$0x0] =	sbarrier.arrive $0xFFFF  }
0x416: {  	_ =	strace $0x90000047  }
0x417: {  	s0 =	stileid.u32;
	[bflag:$0x2] =	sbarrier.arrive $0xFFFF  }
0x418: {  	p0 =	sne.s32 s0, $0x0;
	s0 =	rddreg [dreg:$0x5]  }
0x419: {  	s0 =	sadd.s32 @!p0 $0x100000, s0  }
0x41a: {  	[sflag:s0] =	ssyncadd.tile.s32 @!p0 $0x1;
	_ =	shalt  }
.Lfunc_end2:
_tile_overlayer_lowered:
.L_overlay_start_2:
0x41b: {  	(tag) =	ssettag $0x2  }
0x41c: {  	s0 =	rddreg [dreg:$0x0];
	s2 =	stileid.u32  }
0x41d: {  	s1 =	rddreg [dreg:$0x1];
	p0 =	sne.s32 s2, $0x0  }
0x41e: {  	s3 =	rddreg [dreg:$0x2];
	[bflag:$0x3] =	sbarrier.arrive $0xFFFF;
	s2 =	simm.s32 @!p0 $0x1C11  }
0x41f: {  	[timem:s3], [sflag:s2] =	dma.local @!p0 [hbm:s0], s1  }
0x420: {  	s0 =	simm.s32 @!p0 $0x11  }
0x421: {  	_ =	swait.ge @!p0 [sflag:s0], s1  }
0x422: {  	s1 =	ssub.s32 @!p0 $0x0, s1;
	[sflag:s0] =	ssyncset.done @!p0 $0x0  }
0x423: {  	[sflag:s0] =	ssyncadd.s32 @!p0 s1  }
0x424: {  	[bflag:$0x3] =	sbarrier.arrive $0xFFFF  }
0x425: {  	_ =	shalt  }

</sc_bundles>
